<compile_context>
chip_gen: v7x
topology: tpu7x:2x2x1
jax: 0.10.2.dev20260603
libtpu: 0.0.44.dev20260713+nightly
codegen_flags: <defaults>
</compile_context>

<pallas_src>
import jax
import jax.numpy as jnp
from jax import lax
from jax.experimental import pallas as pl
from jax.experimental.pallas import tpu as pltpu
from jax.experimental.pallas import tpu_sc as plsc

N, H, E, K, I = 2048, 1024, 16, 2, 512
NSLOT = N * K
P0 = NSLOT + 256
NTOT = P0 + N
BLK = 256
PADN = NTOT + BLK
HW = H // 2
NEG = -1e30
INTMAX = 2147483647



def _gate_body(x_ref, gw_ref, pos_ref, w_ref, offs_ref):
    logits = lax.dot_general(x_ref[...], gw_ref[...], (((1,), (1,)), ((), ())),
                             preferred_element_type=jnp.float32)
    iota = lax.broadcasted_iota(jnp.int32, (N, 128), 1)
    l = jnp.where(iota < E, logits, NEG)
    m = jnp.max(l, axis=1, keepdims=True)
    z = jnp.sum(jnp.exp(l - m), axis=1, keepdims=True)
    a1 = jnp.min(jnp.where(l == m, iota, INTMAX), axis=1, keepdims=True)
    l2 = jnp.where(iota == a1, NEG, l)
    m2 = jnp.max(l2, axis=1, keepdims=True)
    a2 = jnp.min(jnp.where(l2 == m2, iota, INTMAX), axis=1, keepdims=True)
    s1 = 1.0 / z
    s2 = jnp.exp(m2 - m) / z
    denom = s1 + s2 + 1e-20
    w_ref[...] = jnp.concatenate([s1 / denom, s2 / denom], axis=1)

    ecol = lax.broadcasted_iota(jnp.int32, (N, E), 1)
    oh1 = (a1 == ecol).astype(jnp.float32)
    oh2 = (a2 == ecol).astype(jnp.float32)
    tri_r = lax.broadcasted_iota(jnp.int32, (N, N), 0)
    tri_c = lax.broadcasted_iota(jnp.int32, (N, N), 1)
    stl = (tri_c < tri_r).astype(jnp.float32)
    pre1 = lax.dot_general(stl, oh1, (((1,), (0,)), ((), ())),
                           preferred_element_type=jnp.float32)
    pre2 = lax.dot_general(stl, oh2, (((1,), (0,)), ((), ())),
                           preferred_element_type=jnp.float32)
    tot1 = jnp.sum(oh1, axis=0, keepdims=True)
    tot2 = jnp.sum(oh2, axis=0, keepdims=True)
    counts = tot1 + tot2
    c16 = jnp.float32(16.0) * jnp.ceil(counts / 16.0)
    e_r = lax.broadcasted_iota(jnp.int32, (E, E), 0)
    e_c = lax.broadcasted_iota(jnp.int32, (E, E), 1)
    stl16 = (e_r < e_c).astype(jnp.float32)
    excl = lax.dot_general(c16, stl16, (((1,), (0,)), ((), ())),
                           preferred_element_type=jnp.float32)
    rank1 = jnp.sum(oh1 * pre1, axis=1, keepdims=True)
    rank2 = jnp.sum(oh2 * pre2, axis=1, keepdims=True)
    base1 = jnp.sum(oh1 * excl, axis=1, keepdims=True)
    base2 = jnp.sum(oh2 * (excl + tot1), axis=1, keepdims=True)
    pos1 = (base1 + rank1).astype(jnp.int32)
    pos2 = (base2 + rank2).astype(jnp.int32)
    pos_ref[...] = jnp.concatenate([pos1, pos2], axis=1)
    offs_ref[...] = jnp.broadcast_to(excl, (8, E)).astype(jnp.int32)


def _gate(x, gwp):
    return pl.pallas_call(
        _gate_body,
        in_specs=[pl.BlockSpec((N, H), lambda: (0, 0)),
                  pl.BlockSpec((128, H), lambda: (0, 0))],
        out_specs=[pl.BlockSpec((N, 2), lambda: (0, 0)),
                   pl.BlockSpec((N, 2), lambda: (0, 0)),
                   pl.BlockSpec((8, E), lambda: (0, 0))],
        out_shape=[jax.ShapeDtypeStruct((N, 2), jnp.int32),
                   jax.ShapeDtypeStruct((N, 2), jnp.float32),
                   jax.ShapeDtypeStruct((8, E), jnp.int32)],
    )(x, gwp)



_MESH_CACHE = []


def _sc_mesh():
    if not _MESH_CACHE:
        _MESH_CACHE.append(
            plsc.VectorSubcoreMesh(core_axis_name="c", subcore_axis_name="s"))
    return _MESH_CACHE[0]


def _dist_body(pos, ws, x, xs, wsrt, pos_loc, ws_loc, xloc, ones_loc, sem):
    cid = lax.axis_index("c")
    sid = lax.axis_index("s")
    w = cid * 16 + sid
    sbase = w * 128
    tok0 = lax.rem(w, 16) * 128

    pltpu.sync_copy(ws.at[pl.ds(sbase, 128)], ws_loc)
    for j in range(8):
        ones_loc[pl.ds(j * 16, 16)] = jnp.full((16,), 1.0, jnp.float32)

    cps = [None, None]
    for q in range(4):
        b = q % 2
        th = tok0 + q * 32
        if cps[b] is not None:
            for cp in cps[b]:
                cp.wait()
        pltpu.sync_copy(pos.at[pl.ds(sbase + q * 32, 32)], pos_loc.at[b])
        pltpu.sync_copy(x.at[pl.ds(th, 32)], xloc.at[b])
        cp_x = pltpu.make_async_copy(xloc.at[b], xs.at[pos_loc.at[b]],
                                     sem.at[b])
        cp_x.start()
        cp_w = pltpu.make_async_copy(ws_loc.at[pl.ds(q * 32, 32)],
                                     wsrt.at[pos_loc.at[b]], sem.at[b])
        cp_w.start()

        @pl.when(w >= 16)
        def _():
            pltpu.sync_copy(xloc.at[b], xs.at[pl.ds(P0 + th, 32)])
            pltpu.sync_copy(ones_loc.at[pl.ds(0, 32)],
                            wsrt.at[pl.ds(P0 + th, 32)])

        cps[b] = [cp_x, cp_w]
    for cp in cps[0] + cps[1]:
        cp.wait()


def _distribute(pos_cm, ws_cm, x):
    f = pl.kernel(
        _dist_body,
        mesh=_sc_mesh(),
        out_type=[
            jax.ShapeDtypeStruct((PADN, H), jnp.float32),
            jax.ShapeDtypeStruct((PADN,), jnp.float32),
        ],
        scratch_types=[
            pltpu.VMEM((2, 32), jnp.int32),
            pltpu.VMEM((128,), jnp.float32),
            pltpu.VMEM((2, 32, H), jnp.float32),
            pltpu.VMEM((128,), jnp.float32),
            pltpu.SemaphoreType.DMA((2,)),
        ],
    )
    return f(pos_cm, ws_cm, x)



def _mlp_bf16(xb, gw, uw, dw):
    g = lax.dot_general(xb, gw, (((1,), (1,)), ((), ())),
                        preferred_element_type=jnp.float32)
    u = lax.dot_general(xb, uw, (((1,), (1,)), ((), ())),
                        preferred_element_type=jnp.float32)
    act = 0.5 * g * (1.0 + lax.erf(g * 0.7071067811865476))
    h = (act * u).astype(jnp.bfloat16)
    return lax.dot_general(h, dw, (((1,), (1,)), ((), ())),
                           preferred_element_type=jnp.float32)


def _experts_body(offs_ref, xs_ref, w_ref, eg_ref, eu_ref, ed_ref, ys_ref,
                  xbuf, ybuf, in_sem, out_sem):
    s = pl.program_id(0)
    startr = pl.multiple_of(offs_ref[s], 16)
    endr = offs_ref[s + 1]
    nblk = (endr - startr + BLK - 1) // BLK

    def row0(b):
        return pl.multiple_of(startr + b * BLK, 16)

    def in_copy(b, slot):
        return pltpu.make_async_copy(
            xs_ref.at[pl.ds(row0(b), BLK)], xbuf.at[slot], in_sem.at[slot])

    def out_copy(b, slot):
        return pltpu.make_async_copy(
            ybuf.at[slot], ys_ref.at[pl.ds(row0(b), BLK)], out_sem.at[slot])

    @pl.when(nblk > 0)
    def _():
        in_copy(0, 0).start()

    def body(b, _):
        slot = lax.rem(b, 2)
        in_copy(b, slot).wait()

        @pl.when(b + 1 < nblk)
        def _():
            in_copy(b + 1, 1 - slot).start()

        y = _mlp_bf16(xbuf[slot].astype(jnp.bfloat16),
                      eg_ref[0], eu_ref[0], ed_ref[0])
        y = y * w_ref[pl.ds(row0(b), BLK), :]

        @pl.when(b >= 2)
        def _():
            out_copy(b - 2, slot).wait()

        ybuf[slot] = y
        out_copy(b, slot).start()
        return 0

    lax.fori_loop(0, nblk, body, 0)

    @pl.when(nblk >= 1)
    def _():
        out_copy(nblk - 1, lax.rem(nblk - 1, 2)).wait()

    @pl.when(nblk >= 2)
    def _():
        out_copy(nblk - 2, lax.rem(nblk - 2, 2)).wait()


def _experts(offs_ext, xs_bf, wsrt2, eg_all, eu_all, ed_all):
    return pl.pallas_call(
        _experts_body,
        grid=(E + 1,),
        in_specs=[
            pl.BlockSpec(memory_space=pltpu.SMEM),
            pl.BlockSpec(memory_space=pl.ANY),
            pl.BlockSpec((PADN, 1), lambda s: (0, 0)),
            pl.BlockSpec((1, I, H), lambda s: (s, 0, 0)),
            pl.BlockSpec((1, I, H), lambda s: (s, 0, 0)),
            pl.BlockSpec((1, H, I), lambda s: (s, 0, 0)),
        ],
        out_specs=pl.BlockSpec(memory_space=pl.ANY),
        out_shape=jax.ShapeDtypeStruct((PADN, H), jnp.float32),
        scratch_shapes=[
            pltpu.VMEM((2, BLK, H), jnp.float32),
            pltpu.VMEM((2, BLK, H), jnp.float32),
            pltpu.SemaphoreType.DMA((2,)),
            pltpu.SemaphoreType.DMA((2,)),
        ],
        compiler_params=pltpu.CompilerParams(
            dimension_semantics=("arbitrary",),
        ),
    )(offs_ext, xs_bf, wsrt2, eg_all, eu_all, ed_all)



_CCH = 16


def _combine_body(ys, inv, out, iv_e, iv_o, sbuf, ge, go, sem, sem2, sem3):
    cid = lax.axis_index("c")
    sid = lax.axis_index("s")
    base = cid * (N // 2) + sid * (N // 32)
    pltpu.sync_copy(inv.at[pl.ds(base, 64)], iv_e)
    pltpu.sync_copy(inv.at[pl.ds(N + base, 64)], iv_o)

    def chunk(cc, _):
        tb = base + cc * _CCH
        ive = iv_e[pl.ds(cc * _CCH, _CCH)]
        ivo = iv_o[pl.ds(cc * _CCH, _CCH)]
        cs = pltpu.make_async_copy(ys.at[pl.ds(P0 + tb, _CCH)], sbuf, sem)
        ce = pltpu.make_async_copy(ys.at[ive], ge, sem2)
        co = pltpu.make_async_copy(ys.at[ivo], go, sem3)
        cs.start()
        ce.start()
        co.start()
        cs.wait()
        ce.wait()
        co.wait()

        def addrow(r, _):
            for c in range(H // 16):
                sl = pl.ds(c * 16, 16)
                sbuf[r, sl] = sbuf[r, sl] + ge[r, sl] + go[r, sl]
            return 0

        lax.fori_loop(0, _CCH, addrow, 0)
        pltpu.sync_copy(sbuf, out.at[pl.ds(tb, _CCH)])
        return 0

    lax.fori_loop(0, 4, chunk, 0)


def _combine(ys, inv):
    f = pl.kernel(
        _combine_body,
        mesh=_sc_mesh(),
        out_type=jax.ShapeDtypeStruct((N, H), jnp.float32),
        scratch_types=[
            pltpu.VMEM((64,), jnp.int32),
            pltpu.VMEM((64,), jnp.int32),
            pltpu.VMEM((_CCH, H), jnp.float32),
            pltpu.VMEM((_CCH, H), jnp.float32),
            pltpu.VMEM((_CCH, H), jnp.float32),
            pltpu.SemaphoreType.DMA,
            pltpu.SemaphoreType.DMA,
            pltpu.SemaphoreType.DMA,
        ],
    )
    return f(ys, inv)



def _moe(x, gwp, eg_all, eu_all, ed_all):
    pos2, w2, offs8 = _gate(x, gwp)
    pos_cm = pos2.T.reshape(-1)
    ws_cm = w2.T.reshape(-1)
    xs, wsrt = _distribute(pos_cm, ws_cm, x)
    offs_ext = jnp.concatenate(
        [offs8[0], jnp.array([P0, NTOT], jnp.int32)]).astype(jnp.int32)
    wsrt2 = wsrt.reshape(PADN, 1)
    ys = _experts(offs_ext, xs, wsrt2, eg_all, eu_all, ed_all)
    return _combine(ys, pos_cm)


def kernel(hidden_states, gate_weight, expert_gate_w, expert_up_w,
           expert_down_w, shared_gate_w, shared_up_w, shared_down_w):
    b, s, h = hidden_states.shape
    x = hidden_states.reshape(-1, h).astype(jnp.float32)
    gwp = jnp.zeros((128, h), jnp.float32).at[:E].set(gate_weight)
    eg_all = jnp.concatenate(
        [expert_gate_w, shared_gate_w[None]], axis=0).astype(jnp.bfloat16)
    eu_all = jnp.concatenate(
        [expert_up_w, shared_up_w[None]], axis=0).astype(jnp.bfloat16)
    ed_all = jnp.concatenate(
        [expert_down_w, shared_down_w[None]], axis=0).astype(jnp.bfloat16)
    out = _moe(x, gwp, eg_all, eu_all, ed_all)
    return out.reshape(b, s, h)

# --- scband reference (transcript-rebuilt; emitter-appended) ---
"""Pipeline reference for scband-deepseek-v2-mo-e-70875550319379 (READ-ONLY COPY).

The authoritative reference and input builder live on the scoring server;
editing this copy changes nothing except your own understanding.
"""

import jax, jax.numpy as jnp
import numpy as np

B, S, H = 1, 2048, 1024
E, K, I = 16, 2, 512
SH_I = 512  # n_shared_experts * moe_intermediate_size


def _mlp(x, gw, uw, dw):
    # DeepseekV2MLP: down_proj(act(gate_proj(x)) * up_proj(x)), act = exact gelu
    return (jax.nn.gelu(x @ gw.T, approximate=False) * (x @ uw.T)) @ dw.T


def setup_inputs(seed: int = 0) -> dict:
    key = jax.random.key(seed)
    ks = jax.random.split(key, 8)
    s_h = 1.0 / np.sqrt(H)
    s_i = 1.0 / np.sqrt(I)
    return {
        "hidden_states": jax.random.normal(ks[0], (B, S, H), dtype=jnp.float32),
        "gate_weight": jax.random.normal(ks[1], (E, H), dtype=jnp.float32) * s_h,
        "expert_gate_w": jax.random.normal(ks[2], (E, I, H), dtype=jnp.float32) * s_h,
        "expert_up_w": jax.random.normal(ks[3], (E, I, H), dtype=jnp.float32) * s_h,
        "expert_down_w": jax.random.normal(ks[4], (E, H, I), dtype=jnp.float32) * s_i,
        "shared_gate_w": jax.random.normal(ks[5], (SH_I, H), dtype=jnp.float32) * s_h,
        "shared_up_w": jax.random.normal(ks[6], (SH_I, H), dtype=jnp.float32) * s_h,
        "shared_down_w": jax.random.normal(ks[7], (H, SH_I), dtype=jnp.float32) * s_i,
    }


def reference(hidden_states, gate_weight, expert_gate_w, expert_up_w, expert_down_w,
              shared_gate_w, shared_up_w, shared_down_w):
    b, s, h = hidden_states.shape
    x = hidden_states.reshape(-1, h).astype(jnp.float32)
    # MoEGate (eval mode: no aux loss), scoring_func='softmax', topk_method='gready'
    logits = x @ gate_weight.T
    scores = jax.nn.softmax(logits, axis=-1)
    topk_w, topk_idx = jax.lax.top_k(scores, K)
    # top_k > 1 and norm_topk_prob -> normalize
    topk_w = topk_w / (topk_w.sum(axis=-1, keepdims=True) + 1e-20)
    flat_idx = topk_idx.reshape(-1)
    flat_w = topk_w.reshape(-1)
    # dispatch: each (token, k) slot routed to its expert
    x_rep = jnp.repeat(x, K, axis=0)
    y = jnp.zeros_like(x_rep)
    n_experts = expert_gate_w.shape[0]
    for e in range(n_experts):
        mask = (flat_idx == e)[:, None]
        ye = _mlp(x_rep, expert_gate_w[e], expert_up_w[e], expert_down_w[e])
        y = jnp.where(mask, ye, y)
    y = (y * flat_w[:, None]).reshape(b * s, K, h).sum(axis=1)
    # shared experts applied to identity
    shared = _mlp(x, shared_gate_w, shared_up_w, shared_down_w)
    out = (y + shared).reshape(b, s, h)
    return out

if __name__ == "__main__":
    import jax
    _d = setup_inputs()
    print(jax.jit(kernel)(*tuple(_d.values())))

</pallas_src>

<mosaic_0001>
#map = affine_map<(d0, d1) -> (0)>
#map1 = affine_map<(d0, d1) -> (0, 0)>
module attributes {stable_mosaic.version = 14 : i64} {
  func.func @_dist_body(%arg0: i32, %arg1: i32, %arg2: memref<4096xi32, #tpu.memory_space<hbm>>, %arg3: memref<4096xf32, #tpu.memory_space<hbm>>, %arg4: memref<2048x1024xf32, #tpu.memory_space<hbm>>, %arg5: memref<6656x1024xf32, #tpu.memory_space<hbm>>, %arg6: memref<6656xf32, #tpu.memory_space<hbm>>, %arg7: memref<2x32xi32, #tpu.memory_space<vmem>>, %arg8: memref<128xf32, #tpu.memory_space<vmem>>, %arg9: memref<2x32x1024xf32, #tpu.memory_space<vmem>>, %arg10: memref<128xf32, #tpu.memory_space<vmem>>, %arg11: memref<2x!tpu.dma_semaphore, #tpu.memory_space<semaphore_mem>>) attributes {dimension_semantics = [#tpu.dimension_semantics<core_parallel>, #tpu.dimension_semantics<subcore_parallel>], iteration_bounds = array<i64: 2, 16>, scalar_prefetch = 0 : i64, scratch_operands = 5 : i64, tpu.core_type = #tpu.core_type<sc_vector_subcore>, window_params = [{transform_indices = #map}, {transform_indices = #map}, {transform_indices = #map1}, {transform_indices = #map1}, {transform_indices = #map}]} {
    %mul3A = arith.constant 16 : i32
    %mul3A_0 = arith.muli %arg0, %mul3A : i32
    %add3A = arith.addi %mul3A_0, %arg1 : i32
    %mul3A_1 = arith.constant 128 : i32
    %mul3A_2 = arith.muli %add3A, %mul3A_1 : i32
    %rem3A = arith.constant 16 : i32
    %rem3A_3 = arith.remsi %add3A, %rem3A : i32
    %mul3A_4 = arith.constant 128 : i32
    %mul3A_5 = arith.muli %rem3A_3, %mul3A_4 : i32
    "tpu.region"() ({
      %run_scoped3A_298 = tpu.sem_alloc : memref<!tpu.dma_semaphore, #tpu.memory_space<semaphore_mem>>
      %dma_start3A_299 = tpu.memref_slice %arg3[%mul3A_2] : memref<4096xf32, #tpu.memory_space<hbm>> -> memref<128xf32, #tpu.memory_space<hbm>>
      %dma_start3A_300 = tpu.memref_slice %arg3[%mul3A_2] : memref<4096xf32, #tpu.memory_space<hbm>> -> memref<128xf32, #tpu.memory_space<hbm>>
      tpu.enqueue_dma source(%dma_start3A_300 : memref<128xf32, #tpu.memory_space<hbm>>) target(%arg8 : memref<128xf32, #tpu.memory_space<vmem>>) target_semaphore(%run_scoped3A_298 : memref<!tpu.dma_semaphore, #tpu.memory_space<semaphore_mem>>)
      %dma_wait3A_301 = tpu.memref_slice %arg3[%mul3A_2] : memref<4096xf32, #tpu.memory_space<hbm>> -> memref<128xf32, #tpu.memory_space<hbm>>
      %dma_wait3A_302 = tpu.memref_slice %arg3[%mul3A_2] : memref<4096xf32, #tpu.memory_space<hbm>> -> memref<128xf32, #tpu.memory_space<hbm>>
      tpu.wait_dma2 semaphore(%run_scoped3A_298 : memref<!tpu.dma_semaphore, #tpu.memory_space<semaphore_mem>>) src(%dma_wait3A_302 : memref<128xf32, #tpu.memory_space<hbm>>) dst(%arg8 : memref<128xf32, #tpu.memory_space<vmem>>)
      tpu.yield
    }) : () -> ()
    %broadcast_in_dim3A = arith.constant 1.000000e+00 : f32
    %broadcast_in_dim3A_6 = vector.broadcast %broadcast_in_dim3A : f32 to vector<16xf32>
    %swap3A = arith.constant 0 : index
    %swap3A_7 = tpu.vector_load %arg10[%swap3A] {strides = array<i32>} : memref<128xf32, #tpu.memory_space<vmem>>, vector<16xf32>,
    %swap3A_8 = vector.shape_cast %swap3A_7 : vector<16xf32> to vector<16xf32>
    %swap3A_9 = vector.shape_cast %broadcast_in_dim3A_6 : vector<16xf32> to vector<16xf32>
    tpu.vector_store %arg10[%swap3A], %swap3A_9 {strides = array<i32>} : memref<128xf32, #tpu.memory_space<vmem>>, vector<16xf32>,
    %broadcast_in_dim3A_10 = arith.constant 1.000000e+00 : f32
    %broadcast_in_dim3A_11 = vector.broadcast %broadcast_in_dim3A_10 : f32 to vector<16xf32>
    %swap3A_12 = arith.constant 16 : index
    %swap3A_13 = tpu.vector_load %arg10[%swap3A_12] {strides = array<i32>} : memref<128xf32, #tpu.memory_space<vmem>>, vector<16xf32>,
    %swap3A_14 = vector.shape_cast %swap3A_13 : vector<16xf32> to vector<16xf32>
    %swap3A_15 = vector.shape_cast %broadcast_in_dim3A_11 : vector<16xf32> to vector<16xf32>
    tpu.vector_store %arg10[%swap3A_12], %swap3A_15 {strides = array<i32>} : memref<128xf32, #tpu.memory_space<vmem>>, vector<16xf32>,
    %broadcast_in_dim3A_16 = arith.constant 1.000000e+00 : f32
    %broadcast_in_dim3A_17 = vector.broadcast %broadcast_in_dim3A_16 : f32 to vector<16xf32>
    %swap3A_18 = arith.constant 32 : index
    %swap3A_19 = tpu.vector_load %arg10[%swap3A_18] {strides = array<i32>} : memref<128xf32, #tpu.memory_space<vmem>>, vector<16xf32>,
    %swap3A_20 = vector.shape_cast %swap3A_19 : vector<16xf32> to vector<16xf32>
    %swap3A_21 = vector.shape_cast %broadcast_in_dim3A_17 : vector<16xf32> to vector<16xf32>
    tpu.vector_store %arg10[%swap3A_18], %swap3A_21 {strides = array<i32>} : memref<128xf32, #tpu.memory_space<vmem>>, vector<16xf32>,
    %broadcast_in_dim3A_22 = arith.constant 1.000000e+00 : f32
    %broadcast_in_dim3A_23 = vector.broadcast %broadcast_in_dim3A_22 : f32 to vector<16xf32>
    %swap3A_24 = arith.constant 48 : index
    %swap3A_25 = tpu.vector_load %arg10[%swap3A_24] {strides = array<i32>} : memref<128xf32, #tpu.memory_space<vmem>>, vector<16xf32>,
    %swap3A_26 = vector.shape_cast %swap3A_25 : vector<16xf32> to vector<16xf32>
    %swap3A_27 = vector.shape_cast %broadcast_in_dim3A_23 : vector<16xf32> to vector<16xf32>
    tpu.vector_store %arg10[%swap3A_24], %swap3A_27 {strides = array<i32>} : memref<128xf32, #tpu.memory_space<vmem>>, vector<16xf32>,
    %broadcast_in_dim3A_28 = arith.constant 1.000000e+00 : f32
    %broadcast_in_dim3A_29 = vector.broadcast %broadcast_in_dim3A_28 : f32 to vector<16xf32>
    %swap3A_30 = arith.constant 64 : index
    %swap3A_31 = tpu.vector_load %arg10[%swap3A_30] {strides = array<i32>} : memref<128xf32, #tpu.memory_space<vmem>>, vector<16xf32>,
    %swap3A_32 = vector.shape_cast %swap3A_31 : vector<16xf32> to vector<16xf32>
    %swap3A_33 = vector.shape_cast %broadcast_in_dim3A_29 : vector<16xf32> to vector<16xf32>
    tpu.vector_store %arg10[%swap3A_30], %swap3A_33 {strides = array<i32>} : memref<128xf32, #tpu.memory_space<vmem>>, vector<16xf32>,
    %broadcast_in_dim3A_34 = arith.constant 1.000000e+00 : f32
    %broadcast_in_dim3A_35 = vector.broadcast %broadcast_in_dim3A_34 : f32 to vector<16xf32>
    %swap3A_36 = arith.constant 80 : index
    %swap3A_37 = tpu.vector_load %arg10[%swap3A_36] {strides = array<i32>} : memref<128xf32, #tpu.memory_space<vmem>>, vector<16xf32>,
    %swap3A_38 = vector.shape_cast %swap3A_37 : vector<16xf32> to vector<16xf32>
    %swap3A_39 = vector.shape_cast %broadcast_in_dim3A_35 : vector<16xf32> to vector<16xf32>
    tpu.vector_store %arg10[%swap3A_36], %swap3A_39 {strides = array<i32>} : memref<128xf32, #tpu.memory_space<vmem>>, vector<16xf32>,
    %broadcast_in_dim3A_40 = arith.constant 1.000000e+00 : f32
    %broadcast_in_dim3A_41 = vector.broadcast %broadcast_in_dim3A_40 : f32 to vector<16xf32>
    %swap3A_42 = arith.constant 96 : index
    %swap3A_43 = tpu.vector_load %arg10[%swap3A_42] {strides = array<i32>} : memref<128xf32, #tpu.memory_space<vmem>>, vector<16xf32>,
    %swap3A_44 = vector.shape_cast %swap3A_43 : vector<16xf32> to vector<16xf32>
    %swap3A_45 = vector.shape_cast %broadcast_in_dim3A_41 : vector<16xf32> to vector<16xf32>
    tpu.vector_store %arg10[%swap3A_42], %swap3A_45 {strides = array<i32>} : memref<128xf32, #tpu.memory_space<vmem>>, vector<16xf32>,
    %broadcast_in_dim3A_46 = arith.constant 1.000000e+00 : f32
    %broadcast_in_dim3A_47 = vector.broadcast %broadcast_in_dim3A_46 : f32 to vector<16xf32>
    %swap3A_48 = arith.constant 112 : index
    %swap3A_49 = tpu.vector_load %arg10[%swap3A_48] {strides = array<i32>} : memref<128xf32, #tpu.memory_space<vmem>>, vector<16xf32>,
    %swap3A_50 = vector.shape_cast %swap3A_49 : vector<16xf32> to vector<16xf32>
    %swap3A_51 = vector.shape_cast %broadcast_in_dim3A_47 : vector<16xf32> to vector<16xf32>
    tpu.vector_store %arg10[%swap3A_48], %swap3A_51 {strides = array<i32>} : memref<128xf32, #tpu.memory_space<vmem>>, vector<16xf32>,
    %add3A_52 = arith.constant 0 : i32
    %add3A_53 = arith.addi %mul3A_5, %add3A_52 : i32
    %add3A_54 = arith.constant 0 : i32
    %add3A_55 = arith.addi %mul3A_2, %add3A_54 : i32
    %run_scoped3A = arith.constant 0 : i32
    "tpu.region"() ({
      %run_scoped3A_298 = tpu.sem_alloc : memref<!tpu.dma_semaphore, #tpu.memory_space<semaphore_mem>>
      %dma_start3A_299 = arith.constant 0 : i32
      %dma_start3A_300 = tpu.memref_slice %arg7[%run_scoped3A, %dma_start3A_299] : memref<2x32xi32, #tpu.memory_space<vmem>> -> memref<1x32xi32, #tpu.memory_space<vmem>>
      %dma_start3A_301 = tpu.memref_squeeze %dma_start3A_300 : memref<1x32xi32, #tpu.memory_space<vmem>> -> memref<32xi32, #tpu.memory_space<vmem>>
      %dma_start3A_302 = tpu.memref_slice %arg2[%add3A_55] : memref<4096xi32, #tpu.memory_space<hbm>> -> memref<32xi32, #tpu.memory_space<hbm>>
      %dma_start3A_303 = arith.constant 0 : i32
      %dma_start3A_304 = tpu.memref_slice %arg7[%run_scoped3A, %dma_start3A_303] : memref<2x32xi32, #tpu.memory_space<vmem>> -> memref<1x32xi32, #tpu.memory_space<vmem>>
      %dma_start3A_305 = tpu.memref_squeeze %dma_start3A_304 : memref<1x32xi32, #tpu.memory_space<vmem>> -> memref<32xi32, #tpu.memory_space<vmem>>
      %dma_start3A_306 = tpu.memref_slice %arg2[%add3A_55] : memref<4096xi32, #tpu.memory_space<hbm>> -> memref<32xi32, #tpu.memory_space<hbm>>
      tpu.enqueue_dma source(%dma_start3A_306 : memref<32xi32, #tpu.memory_space<hbm>>) target(%dma_start3A_305 : memref<32xi32, #tpu.memory_space<vmem>>) target_semaphore(%run_scoped3A_298 : memref<!tpu.dma_semaphore, #tpu.memory_space<semaphore_mem>>)
      %dma_wait3A_307 = arith.constant 0 : i32
      %dma_wait3A_308 = tpu.memref_slice %arg7[%run_scoped3A, %dma_wait3A_307] : memref<2x32xi32, #tpu.memory_space<vmem>> -> memref<1x32xi32, #tpu.memory_space<vmem>>
      %dma_wait3A_309 = tpu.memref_squeeze %dma_wait3A_308 : memref<1x32xi32, #tpu.memory_space<vmem>> -> memref<32xi32, #tpu.memory_space<vmem>>
      %dma_wait3A_310 = tpu.memref_slice %arg2[%add3A_55] : memref<4096xi32, #tpu.memory_space<hbm>> -> memref<32xi32, #tpu.memory_space<hbm>>
      %dma_wait3A_311 = arith.constant 0 : i32
      %dma_wait3A_312 = tpu.memref_slice %arg7[%run_scoped3A, %dma_wait3A_311] : memref<2x32xi32, #tpu.memory_space<vmem>> -> memref<1x32xi32, #tpu.memory_space<vmem>>
      %dma_wait3A_313 = tpu.memref_squeeze %dma_wait3A_312 : memref<1x32xi32, #tpu.memory_space<vmem>> -> memref<32xi32, #tpu.memory_space<vmem>>
      %dma_wait3A_314 = tpu.memref_slice %arg2[%add3A_55] : memref<4096xi32, #tpu.memory_space<hbm>> -> memref<32xi32, #tpu.memory_space<hbm>>
      tpu.wait_dma2 semaphore(%run_scoped3A_298 : memref<!tpu.dma_semaphore, #tpu.memory_space<semaphore_mem>>) src(%dma_wait3A_314 : memref<32xi32, #tpu.memory_space<hbm>>) dst(%dma_wait3A_313 : memref<32xi32, #tpu.memory_space<vmem>>)
      tpu.yield
    }) : () -> ()
    %run_scoped3A_56 = arith.constant 0 : i32
    "tpu.region"() ({
      %run_scoped3A_298 = tpu.sem_alloc : memref<!tpu.dma_semaphore, #tpu.memory_space<semaphore_mem>>
      %dma_start3A_299 = arith.constant 0 : i32
      %dma_start3A_300 = arith.constant 0 : i32
      %dma_start3A_301 = tpu.memref_slice %arg9[%run_scoped3A_56, %dma_start3A_299, %dma_start3A_300] : memref<2x32x1024xf32, #tpu.memory_space<vmem>> -> memref<1x32x1024xf32, #tpu.memory_space<vmem>>
      %dma_start3A_302 = tpu.memref_squeeze %dma_start3A_301 : memref<1x32x1024xf32, #tpu.memory_space<vmem>> -> memref<32x1024xf32, #tpu.memory_space<vmem>>
      %dma_start3A_303 = arith.constant 0 : i32
      %dma_start3A_304 = tpu.memref_slice %arg4[%add3A_53, %dma_start3A_303] : memref<2048x1024xf32, #tpu.memory_space<hbm>> -> memref<32x1024xf32, #tpu.memory_space<hbm>>
      %dma_start3A_305 = arith.constant 0 : i32
      %dma_start3A_306 = arith.constant 0 : i32
      %dma_start3A_307 = tpu.memref_slice %arg9[%run_scoped3A_56, %dma_start3A_305, %dma_start3A_306] : memref<2x32x1024xf32, #tpu.memory_space<vmem>> -> memref<1x32x1024xf32, #tpu.memory_space<vmem>>
      %dma_start3A_308 = tpu.memref_squeeze %dma_start3A_307 : memref<1x32x1024xf32, #tpu.memory_space<vmem>> -> memref<32x1024xf32, #tpu.memory_space<vmem>>
      %dma_start3A_309 = arith.constant 0 : i32
      %dma_start3A_310 = tpu.memref_slice %arg4[%add3A_53, %dma_start3A_309] : memref<2048x1024xf32, #tpu.memory_space<hbm>> -> memref<32x1024xf32, #tpu.memory_space<hbm>>
      tpu.enqueue_dma source(%dma_start3A_310 : memref<32x1024xf32, #tpu.memory_space<hbm>>) target(%dma_start3A_308 : memref<32x1024xf32, #tpu.memory_space<vmem>>) target_semaphore(%run_scoped3A_298 : memref<!tpu.dma_semaphore, #tpu.memory_space<semaphore_mem>>)
      %dma_wait3A_311 = arith.constant 0 : i32
      %dma_wait3A_312 = arith.constant 0 : i32
      %dma_wait3A_313 = tpu.memref_slice %arg9[%run_scoped3A_56, %dma_wait3A_311, %dma_wait3A_312] : memref<2x32x1024xf32, #tpu.memory_space<vmem>> -> memref<1x32x1024xf32, #tpu.memory_space<vmem>>
      %dma_wait3A_314 = tpu.memref_squeeze %dma_wait3A_313 : memref<1x32x1024xf32, #tpu.memory_space<vmem>> -> memref<32x1024xf32, #tpu.memory_space<vmem>>
      %dma_wait3A_315 = arith.constant 0 : i32
      %dma_wait3A_316 = tpu.memref_slice %arg4[%add3A_53, %dma_wait3A_315] : memref<2048x1024xf32, #tpu.memory_space<hbm>> -> memref<32x1024xf32, #tpu.memory_space<hbm>>
      %dma_wait3A_317 = arith.constant 0 : i32
      %dma_wait3A_318 = arith.constant 0 : i32
      %dma_wait3A_319 = tpu.memref_slice %arg9[%run_scoped3A_56, %dma_wait3A_317, %dma_wait3A_318] : memref<2x32x1024xf32, #tpu.memory_space<vmem>> -> memref<1x32x1024xf32, #tpu.memory_space<vmem>>
      %dma_wait3A_320 = tpu.memref_squeeze %dma_wait3A_319 : memref<1x32x1024xf32, #tpu.memory_space<vmem>> -> memref<32x1024xf32, #tpu.memory_space<vmem>>
      %dma_wait3A_321 = arith.constant 0 : i32
      %dma_wait3A_322 = tpu.memref_slice %arg4[%add3A_53, %dma_wait3A_321] : memref<2048x1024xf32, #tpu.memory_space<hbm>> -> memref<32x1024xf32, #tpu.memory_space<hbm>>
      tpu.wait_dma2 semaphore(%run_scoped3A_298 : memref<!tpu.dma_semaphore, #tpu.memory_space<semaphore_mem>>) src(%dma_wait3A_322 : memref<32x1024xf32, #tpu.memory_space<hbm>>) dst(%dma_wait3A_320 : memref<32x1024xf32, #tpu.memory_space<vmem>>)
      tpu.yield
    }) : () -> ()
    %dma_start3A = arith.constant 0 : i32
    %dma_start3A_57 = arith.constant 0 : i32
    %dma_start3A_58 = arith.constant 0 : i32
    %dma_start3A_59 = arith.constant 0 : i32
    %dma_start3A_60 = arith.constant 0 : i32
    %dma_start3A_61 = tpu.memref_slice %arg9[%dma_start3A, %dma_start3A_59, %dma_start3A_60] : memref<2x32x1024xf32, #tpu.memory_space<vmem>> -> memref<1x32x1024xf32, #tpu.memory_space<vmem>>
    %dma_start3A_62 = tpu.memref_squeeze %dma_start3A_61 : memref<1x32x1024xf32, #tpu.memory_space<vmem>> -> memref<32x1024xf32, #tpu.memory_space<vmem>>
    %dma_start3A_63 = arith.constant 0 : i32
    %dma_start3A_64 = tpu.memref_slice %arg7[%dma_start3A_57, %dma_start3A_63] : memref<2x32xi32, #tpu.memory_space<vmem>> -> memref<1x32xi32, #tpu.memory_space<vmem>>
    %dma_start3A_65 = tpu.memref_squeeze %dma_start3A_64 : memref<1x32xi32, #tpu.memory_space<vmem>> -> memref<32xi32, #tpu.memory_space<vmem>>
    %dma_start3A_66 = arith.constant 0 : i32
    %dma_start3A_67 = arith.constant 0 : i32
    %dma_start3A_68 = tpu.memref_slice %arg5[%dma_start3A_66, %dma_start3A_67] : memref<6656x1024xf32, #tpu.memory_space<hbm>> -> memref<6656x1024xf32, #tpu.memory_space<hbm>>
    %dma_start3A_69 = tpu.memref_slice %arg11[%dma_start3A_58] : memref<2x!tpu.dma_semaphore, #tpu.memory_space<semaphore_mem>> -> memref<1x!tpu.dma_semaphore, #tpu.memory_space<semaphore_mem>>
    %dma_start3A_70 = tpu.memref_squeeze %dma_start3A_69 : memref<1x!tpu.dma_semaphore, #tpu.memory_space<semaphore_mem>> -> memref<!tpu.dma_semaphore, #tpu.memory_space<semaphore_mem>>
    tpu.enqueue_indirect_dma source(%dma_start3A_62 : memref<32x1024xf32, #tpu.memory_space<vmem>>) target(%dma_start3A_68 : memref<6656x1024xf32, #tpu.memory_space<hbm>>) offsets(%dma_start3A_65 : memref<32xi32, #tpu.memory_space<vmem>>) semaphore(%dma_start3A_70 : memref<!tpu.dma_semaphore, #tpu.memory_space<semaphore_mem>>)
    %dma_start3A_71 = arith.constant 0 : i32
    %dma_start3A_72 = arith.constant 0 : i32
    %dma_start3A_73 = arith.constant 0 : i32
    %dma_start3A_74 = tpu.memref_slice %arg8[%dma_start3A_73] : memref<128xf32, #tpu.memory_space<vmem>> -> memref<32xf32, #tpu.memory_space<vmem>>
    %dma_start3A_75 = arith.constant 0 : i32
    %dma_start3A_76 = tpu.memref_slice %arg7[%dma_start3A_71, %dma_start3A_75] : memref<2x32xi32, #tpu.memory_space<vmem>> -> memref<1x32xi32, #tpu.memory_space<vmem>>
    %dma_start3A_77 = tpu.memref_squeeze %dma_start3A_76 : memref<1x32xi32, #tpu.memory_space<vmem>> -> memref<32xi32, #tpu.memory_space<vmem>>
    %dma_start3A_78 = arith.constant 0 : i32
    %dma_start3A_79 = tpu.memref_slice %arg6[%dma_start3A_78] : memref<6656xf32, #tpu.memory_space<hbm>> -> memref<6656xf32, #tpu.memory_space<hbm>>
    %dma_start3A_80 = tpu.memref_slice %arg11[%dma_start3A_72] : memref<2x!tpu.dma_semaphore, #tpu.memory_space<semaphore_mem>> -> memref<1x!tpu.dma_semaphore, #tpu.memory_space<semaphore_mem>>
    %dma_start3A_81 = tpu.memref_squeeze %dma_start3A_80 : memref<1x!tpu.dma_semaphore, #tpu.memory_space<semaphore_mem>> -> memref<!tpu.dma_semaphore, #tpu.memory_space<semaphore_mem>>
    tpu.enqueue_indirect_dma source(%dma_start3A_74 : memref<32xf32, #tpu.memory_space<vmem>>) target(%dma_start3A_79 : memref<6656xf32, #tpu.memory_space<hbm>>) offsets(%dma_start3A_77 : memref<32xi32, #tpu.memory_space<vmem>>) semaphore(%dma_start3A_81 : memref<!tpu.dma_semaphore, #tpu.memory_space<semaphore_mem>>)
    %ge3A = arith.constant 16 : i32
    %ge3A_82 = arith.cmpi sge, %add3A, %ge3A : i32
    %convert_element_type3A = arith.extui %ge3A_82 : i1 to i32
    %cond3A = arith.constant 0 : i32
    %cond3A_83 = arith.cmpi ne, %convert_element_type3A, %cond3A : i32
    scf.if %cond3A_83 {
      %add3A_298 = arith.constant 4352 : i32
      %add3A_299 = arith.addi %add3A_298, %add3A_53 : i32
      %run_scoped3A_300 = arith.constant 0 : i32
      "tpu.region"() ({
        %run_scoped3A_303 = tpu.sem_alloc : memref<!tpu.dma_semaphore, #tpu.memory_space<semaphore_mem>>
        %dma_start3A_304 = arith.constant 0 : i32
        %dma_start3A_305 = arith.constant 0 : i32
        %dma_start3A_306 = tpu.memref_slice %arg9[%run_scoped3A_300, %dma_start3A_304, %dma_start3A_305] : memref<2x32x1024xf32, #tpu.memory_space<vmem>> -> memref<1x32x1024xf32, #tpu.memory_space<vmem>>
        %dma_start3A_307 = tpu.memref_squeeze %dma_start3A_306 : memref<1x32x1024xf32, #tpu.memory_space<vmem>> -> memref<32x1024xf32, #tpu.memory_space<vmem>>
        %dma_start3A_308 = arith.constant 0 : i32
        %dma_start3A_309 = tpu.memref_slice %arg5[%add3A_299, %dma_start3A_308] : memref<6656x1024xf32, #tpu.memory_space<hbm>> -> memref<32x1024xf32, #tpu.memory_space<hbm>>
        %dma_start3A_310 = arith.constant 0 : i32
        %dma_start3A_311 = tpu.memref_slice %arg5[%add3A_299, %dma_start3A_310] : memref<6656x1024xf32, #tpu.memory_space<hbm>> -> memref<32x1024xf32, #tpu.memory_space<hbm>>
        %dma_start3A_312 = arith.constant 0 : i32
        %dma_start3A_313 = arith.constant 0 : i32
        %dma_start3A_314 = tpu.memref_slice %arg9[%run_scoped3A_300, %dma_start3A_312, %dma_start3A_313] : memref<2x32x1024xf32, #tpu.memory_space<vmem>> -> memref<1x32x1024xf32, #tpu.memory_space<vmem>>
        %dma_start3A_315 = tpu.memref_squeeze %dma_start3A_314 : memref<1x32x1024xf32, #tpu.memory_space<vmem>> -> memref<32x1024xf32, #tpu.memory_space<vmem>>
        tpu.enqueue_dma source(%dma_start3A_315 : memref<32x1024xf32, #tpu.memory_space<vmem>>) target(%dma_start3A_311 : memref<32x1024xf32, #tpu.memory_space<hbm>>) target_semaphore(%run_scoped3A_303 : memref<!tpu.dma_semaphore, #tpu.memory_space<semaphore_mem>>)
        %dma_wait3A_316 = arith.constant 0 : i32
        %dma_wait3A_317 = arith.constant 0 : i32
        %dma_wait3A_318 = tpu.memref_slice %arg9[%run_scoped3A_300, %dma_wait3A_316, %dma_wait3A_317] : memref<2x32x1024xf32, #tpu.memory_space<vmem>> -> memref<1x32x1024xf32, #tpu.memory_space<vmem>>
        %dma_wait3A_319 = tpu.memref_squeeze %dma_wait3A_318 : memref<1x32x1024xf32, #tpu.memory_space<vmem>> -> memref<32x1024xf32, #tpu.memory_space<vmem>>
        %dma_wait3A_320 = arith.constant 0 : i32
        %dma_wait3A_321 = tpu.memref_slice %arg5[%add3A_299, %dma_wait3A_320] : memref<6656x1024xf32, #tpu.memory_space<hbm>> -> memref<32x1024xf32, #tpu.memory_space<hbm>>
        %dma_wait3A_322 = arith.constant 0 : i32
        %dma_wait3A_323 = tpu.memref_slice %arg5[%add3A_299, %dma_wait3A_322] : memref<6656x1024xf32, #tpu.memory_space<hbm>> -> memref<32x1024xf32, #tpu.memory_space<hbm>>
        %dma_wait3A_324 = arith.constant 0 : i32
        %dma_wait3A_325 = arith.constant 0 : i32
        %dma_wait3A_326 = tpu.memref_slice %arg9[%run_scoped3A_300, %dma_wait3A_324, %dma_wait3A_325] : memref<2x32x1024xf32, #tpu.memory_space<vmem>> -> memref<1x32x1024xf32, #tpu.memory_space<vmem>>
        %dma_wait3A_327 = tpu.memref_squeeze %dma_wait3A_326 : memref<1x32x1024xf32, #tpu.memory_space<vmem>> -> memref<32x1024xf32, #tpu.memory_space<vmem>>
        tpu.wait_dma2 semaphore(%run_scoped3A_303 : memref<!tpu.dma_semaphore, #tpu.memory_space<semaphore_mem>>) src(%dma_wait3A_327 : memref<32x1024xf32, #tpu.memory_space<vmem>>) dst(%dma_wait3A_323 : memref<32x1024xf32, #tpu.memory_space<hbm>>)
        tpu.yield
      }) : () -> ()
      %add3A_301 = arith.constant 4352 : i32
      %add3A_302 = arith.addi %add3A_301, %add3A_53 : i32
      "tpu.region"() ({
        %run_scoped3A_303 = tpu.sem_alloc : memref<!tpu.dma_semaphore, #tpu.memory_space<semaphore_mem>>
        %dma_start3A_304 = arith.constant 0 : i32
        %dma_start3A_305 = tpu.memref_slice %arg10[%dma_start3A_304] : memref<128xf32, #tpu.memory_space<vmem>> -> memref<32xf32, #tpu.memory_space<vmem>>
        %dma_start3A_306 = tpu.memref_slice %arg6[%add3A_302] : memref<6656xf32, #tpu.memory_space<hbm>> -> memref<32xf32, #tpu.memory_space<hbm>>
        %dma_start3A_307 = tpu.memref_slice %arg6[%add3A_302] : memref<6656xf32, #tpu.memory_space<hbm>> -> memref<32xf32, #tpu.memory_space<hbm>>
        %dma_start3A_308 = arith.constant 0 : i32
        %dma_start3A_309 = tpu.memref_slice %arg10[%dma_start3A_308] : memref<128xf32, #tpu.memory_space<vmem>> -> memref<32xf32, #tpu.memory_space<vmem>>
        tpu.enqueue_dma source(%dma_start3A_309 : memref<32xf32, #tpu.memory_space<vmem>>) target(%dma_start3A_307 : memref<32xf32, #tpu.memory_space<hbm>>) target_semaphore(%run_scoped3A_303 : memref<!tpu.dma_semaphore, #tpu.memory_space<semaphore_mem>>)
        %dma_wait3A_310 = arith.constant 0 : i32
        %dma_wait3A_311 = tpu.memref_slice %arg10[%dma_wait3A_310] : memref<128xf32, #tpu.memory_space<vmem>> -> memref<32xf32, #tpu.memory_space<vmem>>
        %dma_wait3A_312 = tpu.memref_slice %arg6[%add3A_302] : memref<6656xf32, #tpu.memory_space<hbm>> -> memref<32xf32, #tpu.memory_space<hbm>>
        %dma_wait3A_313 = tpu.memref_slice %arg6[%add3A_302] : memref<6656xf32, #tpu.memory_space<hbm>> -> memref<32xf32, #tpu.memory_space<hbm>>
        %dma_wait3A_314 = arith.constant 0 : i32
        %dma_wait3A_315 = tpu.memref_slice %arg10[%dma_wait3A_314] : memref<128xf32, #tpu.memory_space<vmem>> -> memref<32xf32, #tpu.memory_space<vmem>>
        tpu.wait_dma2 semaphore(%run_scoped3A_303 : memref<!tpu.dma_semaphore, #tpu.memory_space<semaphore_mem>>) src(%dma_wait3A_315 : memref<32xf32, #tpu.memory_space<vmem>>) dst(%dma_wait3A_313 : memref<32xf32, #tpu.memory_space<hbm>>)
        tpu.yield
      }) : () -> ()
    } else {
    }
    %add3A_84 = arith.constant 32 : i32
    %add3A_85 = arith.addi %mul3A_5, %add3A_84 : i32
    %add3A_86 = arith.constant 32 : i32
    %add3A_87 = arith.addi %mul3A_2, %add3A_86 : i32
    %run_scoped3A_88 = arith.constant 1 : i32
    "tpu.region"() ({
      %run_scoped3A_298 = tpu.sem_alloc : memref<!tpu.dma_semaphore, #tpu.memory_space<semaphore_mem>>
      %dma_start3A_299 = arith.constant 0 : i32
      %dma_start3A_300 = tpu.memref_slice %arg7[%run_scoped3A_88, %dma_start3A_299] : memref<2x32xi32, #tpu.memory_space<vmem>> -> memref<1x32xi32, #tpu.memory_space<vmem>>
      %dma_start3A_301 = tpu.memref_squeeze %dma_start3A_300 : memref<1x32xi32, #tpu.memory_space<vmem>> -> memref<32xi32, #tpu.memory_space<vmem>>
      %dma_start3A_302 = tpu.memref_slice %arg2[%add3A_87] : memref<4096xi32, #tpu.memory_space<hbm>> -> memref<32xi32, #tpu.memory_space<hbm>>
      %dma_start3A_303 = arith.constant 0 : i32
      %dma_start3A_304 = tpu.memref_slice %arg7[%run_scoped3A_88, %dma_start3A_303] : memref<2x32xi32, #tpu.memory_space<vmem>> -> memref<1x32xi32, #tpu.memory_space<vmem>>
      %dma_start3A_305 = tpu.memref_squeeze %dma_start3A_304 : memref<1x32xi32, #tpu.memory_space<vmem>> -> memref<32xi32, #tpu.memory_space<vmem>>
      %dma_start3A_306 = tpu.memref_slice %arg2[%add3A_87] : memref<4096xi32, #tpu.memory_space<hbm>> -> memref<32xi32, #tpu.memory_space<hbm>>
      tpu.enqueue_dma source(%dma_start3A_306 : memref<32xi32, #tpu.memory_space<hbm>>) target(%dma_start3A_305 : memref<32xi32, #tpu.memory_space<vmem>>) target_semaphore(%run_scoped3A_298 : memref<!tpu.dma_semaphore, #tpu.memory_space<semaphore_mem>>)
      %dma_wait3A_307 = arith.constant 0 : i32
      %dma_wait3A_308 = tpu.memref_slice %arg7[%run_scoped3A_88, %dma_wait3A_307] : memref<2x32xi32, #tpu.memory_space<vmem>> -> memref<1x32xi32, #tpu.memory_space<vmem>>
      %dma_wait3A_309 = tpu.memref_squeeze %dma_wait3A_308 : memref<1x32xi32, #tpu.memory_space<vmem>> -> memref<32xi32, #tpu.memory_space<vmem>>
      %dma_wait3A_310 = tpu.memref_slice %arg2[%add3A_87] : memref<4096xi32, #tpu.memory_space<hbm>> -> memref<32xi32, #tpu.memory_space<hbm>>
      %dma_wait3A_311 = arith.constant 0 : i32
      %dma_wait3A_312 = tpu.memref_slice %arg7[%run_scoped3A_88, %dma_wait3A_311] : memref<2x32xi32, #tpu.memory_space<vmem>> -> memref<1x32xi32, #tpu.memory_space<vmem>>
      %dma_wait3A_313 = tpu.memref_squeeze %dma_wait3A_312 : memref<1x32xi32, #tpu.memory_space<vmem>> -> memref<32xi32, #tpu.memory_space<vmem>>
      %dma_wait3A_314 = tpu.memref_slice %arg2[%add3A_87] : memref<4096xi32, #tpu.memory_space<hbm>> -> memref<32xi32, #tpu.memory_space<hbm>>
      tpu.wait_dma2 semaphore(%run_scoped3A_298 : memref<!tpu.dma_semaphore, #tpu.memory_space<semaphore_mem>>) src(%dma_wait3A_314 : memref<32xi32, #tpu.memory_space<hbm>>) dst(%dma_wait3A_313 : memref<32xi32, #tpu.memory_space<vmem>>)
      tpu.yield
    }) : () -> ()
    %run_scoped3A_89 = arith.constant 1 : i32
    "tpu.region"() ({
      %run_scoped3A_298 = tpu.sem_alloc : memref<!tpu.dma_semaphore, #tpu.memory_space<semaphore_mem>>
      %dma_start3A_299 = arith.constant 0 : i32
      %dma_start3A_300 = arith.constant 0 : i32
      %dma_start3A_301 = tpu.memref_slice %arg9[%run_scoped3A_89, %dma_start3A_299, %dma_start3A_300] : memref<2x32x1024xf32, #tpu.memory_space<vmem>> -> memref<1x32x1024xf32, #tpu.memory_space<vmem>>
      %dma_start3A_302 = tpu.memref_squeeze %dma_start3A_301 : memref<1x32x1024xf32, #tpu.memory_space<vmem>> -> memref<32x1024xf32, #tpu.memory_space<vmem>>
      %dma_start3A_303 = arith.constant 0 : i32
      %dma_start3A_304 = tpu.memref_slice %arg4[%add3A_85, %dma_start3A_303] : memref<2048x1024xf32, #tpu.memory_space<hbm>> -> memref<32x1024xf32, #tpu.memory_space<hbm>>
      %dma_start3A_305 = arith.constant 0 : i32
      %dma_start3A_306 = arith.constant 0 : i32
      %dma_start3A_307 = tpu.memref_slice %arg9[%run_scoped3A_89, %dma_start3A_305, %dma_start3A_306] : memref<2x32x1024xf32, #tpu.memory_space<vmem>> -> memref<1x32x1024xf32, #tpu.memory_space<vmem>>
      %dma_start3A_308 = tpu.memref_squeeze %dma_start3A_307 : memref<1x32x1024xf32, #tpu.memory_space<vmem>> -> memref<32x1024xf32, #tpu.memory_space<vmem>>
      %dma_start3A_309 = arith.constant 0 : i32
      %dma_start3A_310 = tpu.memref_slice %arg4[%add3A_85, %dma_start3A_309] : memref<2048x1024xf32, #tpu.memory_space<hbm>> -> memref<32x1024xf32, #tpu.memory_space<hbm>>
      tpu.enqueue_dma source(%dma_start3A_310 : memref<32x1024xf32, #tpu.memory_space<hbm>>) target(%dma_start3A_308 : memref<32x1024xf32, #tpu.memory_space<vmem>>) target_semaphore(%run_scoped3A_298 : memref<!tpu.dma_semaphore, #tpu.memory_space<semaphore_mem>>)
      %dma_wait3A_311 = arith.constant 0 : i32
      %dma_wait3A_312 = arith.constant 0 : i32
      %dma_wait3A_313 = tpu.memref_slice %arg9[%run_scoped3A_89, %dma_wait3A_311, %dma_wait3A_312] : memref<2x32x1024xf32, #tpu.memory_space<vmem>> -> memref<1x32x1024xf32, #tpu.memory_space<vmem>>
      %dma_wait3A_314 = tpu.memref_squeeze %dma_wait3A_313 : memref<1x32x1024xf32, #tpu.memory_space<vmem>> -> memref<32x1024xf32, #tpu.memory_space<vmem>>
      %dma_wait3A_315 = arith.constant 0 : i32
      %dma_wait3A_316 = tpu.memref_slice %arg4[%add3A_85, %dma_wait3A_315] : memref<2048x1024xf32, #tpu.memory_space<hbm>> -> memref<32x1024xf32, #tpu.memory_space<hbm>>
      %dma_wait3A_317 = arith.constant 0 : i32
      %dma_wait3A_318 = arith.constant 0 : i32
      %dma_wait3A_319 = tpu.memref_slice %arg9[%run_scoped3A_89, %dma_wait3A_317, %dma_wait3A_318] : memref<2x32x1024xf32, #tpu.memory_space<vmem>> -> memref<1x32x1024xf32, #tpu.memory_space<vmem>>
      %dma_wait3A_320 = tpu.memref_squeeze %dma_wait3A_319 : memref<1x32x1024xf32, #tpu.memory_space<vmem>> -> memref<32x1024xf32, #tpu.memory_space<vmem>>
      %dma_wait3A_321 = arith.constant 0 : i32
      %dma_wait3A_322 = tpu.memref_slice %arg4[%add3A_85, %dma_wait3A_321] : memref<2048x1024xf32, #tpu.memory_space<hbm>> -> memref<32x1024xf32, #tpu.memory_space<hbm>>
      tpu.wait_dma2 semaphore(%run_scoped3A_298 : memref<!tpu.dma_semaphore, #tpu.memory_space<semaphore_mem>>) src(%dma_wait3A_322 : memref<32x1024xf32, #tpu.memory_space<hbm>>) dst(%dma_wait3A_320 : memref<32x1024xf32, #tpu.memory_space<vmem>>)
      tpu.yield
    }) : () -> ()
    %dma_start3A_90 = arith.constant 1 : i32
    %dma_start3A_91 = arith.constant 1 : i32
    %dma_start3A_92 = arith.constant 1 : i32
    %dma_start3A_93 = arith.constant 0 : i32
    %dma_start3A_94 = arith.constant 0 : i32
    %dma_start3A_95 = tpu.memref_slice %arg9[%dma_start3A_90, %dma_start3A_93, %dma_start3A_94] : memref<2x32x1024xf32, #tpu.memory_space<vmem>> -> memref<1x32x1024xf32, #tpu.memory_space<vmem>>
    %dma_start3A_96 = tpu.memref_squeeze %dma_start3A_95 : memref<1x32x1024xf32, #tpu.memory_space<vmem>> -> memref<32x1024xf32, #tpu.memory_space<vmem>>
    %dma_start3A_97 = arith.constant 0 : i32
    %dma_start3A_98 = tpu.memref_slice %arg7[%dma_start3A_91, %dma_start3A_97] : memref<2x32xi32, #tpu.memory_space<vmem>> -> memref<1x32xi32, #tpu.memory_space<vmem>>
    %dma_start3A_99 = tpu.memref_squeeze %dma_start3A_98 : memref<1x32xi32, #tpu.memory_space<vmem>> -> memref<32xi32, #tpu.memory_space<vmem>>
    %dma_start3A_100 = arith.constant 0 : i32
    %dma_start3A_101 = arith.constant 0 : i32
    %dma_start3A_102 = tpu.memref_slice %arg5[%dma_start3A_100, %dma_start3A_101] : memref<6656x1024xf32, #tpu.memory_space<hbm>> -> memref<6656x1024xf32, #tpu.memory_space<hbm>>
    %dma_start3A_103 = tpu.memref_slice %arg11[%dma_start3A_92] : memref<2x!tpu.dma_semaphore, #tpu.memory_space<semaphore_mem>> -> memref<1x!tpu.dma_semaphore, #tpu.memory_space<semaphore_mem>>
    %dma_start3A_104 = tpu.memref_squeeze %dma_start3A_103 : memref<1x!tpu.dma_semaphore, #tpu.memory_space<semaphore_mem>> -> memref<!tpu.dma_semaphore, #tpu.memory_space<semaphore_mem>>
    tpu.enqueue_indirect_dma source(%dma_start3A_96 : memref<32x1024xf32, #tpu.memory_space<vmem>>) target(%dma_start3A_102 : memref<6656x1024xf32, #tpu.memory_space<hbm>>) offsets(%dma_start3A_99 : memref<32xi32, #tpu.memory_space<vmem>>) semaphore(%dma_start3A_104 : memref<!tpu.dma_semaphore, #tpu.memory_space<semaphore_mem>>)
    %dma_start3A_105 = arith.constant 1 : i32
    %dma_start3A_106 = arith.constant 1 : i32
    %dma_start3A_107 = arith.constant 32 : i32
    %dma_start3A_108 = tpu.memref_slice %arg8[%dma_start3A_107] : memref<128xf32, #tpu.memory_space<vmem>> -> memref<32xf32, #tpu.memory_space<vmem>>
    %dma_start3A_109 = arith.constant 0 : i32
    %dma_start3A_110 = tpu.memref_slice %arg7[%dma_start3A_105, %dma_start3A_109] : memref<2x32xi32, #tpu.memory_space<vmem>> -> memref<1x32xi32, #tpu.memory_space<vmem>>
    %dma_start3A_111 = tpu.memref_squeeze %dma_start3A_110 : memref<1x32xi32, #tpu.memory_space<vmem>> -> memref<32xi32, #tpu.memory_space<vmem>>
    %dma_start3A_112 = arith.constant 0 : i32
    %dma_start3A_113 = tpu.memref_slice %arg6[%dma_start3A_112] : memref<6656xf32, #tpu.memory_space<hbm>> -> memref<6656xf32, #tpu.memory_space<hbm>>
    %dma_start3A_114 = tpu.memref_slice %arg11[%dma_start3A_106] : memref<2x!tpu.dma_semaphore, #tpu.memory_space<semaphore_mem>> -> memref<1x!tpu.dma_semaphore, #tpu.memory_space<semaphore_mem>>
    %dma_start3A_115 = tpu.memref_squeeze %dma_start3A_114 : memref<1x!tpu.dma_semaphore, #tpu.memory_space<semaphore_mem>> -> memref<!tpu.dma_semaphore, #tpu.memory_space<semaphore_mem>>
    tpu.enqueue_indirect_dma source(%dma_start3A_108 : memref<32xf32, #tpu.memory_space<vmem>>) target(%dma_start3A_113 : memref<6656xf32, #tpu.memory_space<hbm>>) offsets(%dma_start3A_111 : memref<32xi32, #tpu.memory_space<vmem>>) semaphore(%dma_start3A_115 : memref<!tpu.dma_semaphore, #tpu.memory_space<semaphore_mem>>)
    %ge3A_116 = arith.constant 16 : i32
    %ge3A_117 = arith.cmpi sge, %add3A, %ge3A_116 : i32
    %convert_element_type3A_118 = arith.extui %ge3A_117 : i1 to i32
    %cond3A_119 = arith.constant 0 : i32
    %cond3A_120 = arith.cmpi ne, %convert_element_type3A_118, %cond3A_119 : i32
    scf.if %cond3A_120 {
      %add3A_298 = arith.constant 4352 : i32
      %add3A_299 = arith.addi %add3A_298, %add3A_85 : i32
      %run_scoped3A_300 = arith.constant 1 : i32
      "tpu.region"() ({
        %run_scoped3A_303 = tpu.sem_alloc : memref<!tpu.dma_semaphore, #tpu.memory_space<semaphore_mem>>
        %dma_start3A_304 = arith.constant 0 : i32
        %dma_start3A_305 = arith.constant 0 : i32
        %dma_start3A_306 = tpu.memref_slice %arg9[%run_scoped3A_300, %dma_start3A_304, %dma_start3A_305] : memref<2x32x1024xf32, #tpu.memory_space<vmem>> -> memref<1x32x1024xf32, #tpu.memory_space<vmem>>
        %dma_start3A_307 = tpu.memref_squeeze %dma_start3A_306 : memref<1x32x1024xf32, #tpu.memory_space<vmem>> -> memref<32x1024xf32, #tpu.memory_space<vmem>>
        %dma_start3A_308 = arith.constant 0 : i32
        %dma_start3A_309 = tpu.memref_slice %arg5[%add3A_299, %dma_start3A_308] : memref<6656x1024xf32, #tpu.memory_space<hbm>> -> memref<32x1024xf32, #tpu.memory_space<hbm>>
        %dma_start3A_310 = arith.constant 0 : i32
        %dma_start3A_311 = tpu.memref_slice %arg5[%add3A_299, %dma_start3A_310] : memref<6656x1024xf32, #tpu.memory_space<hbm>> -> memref<32x1024xf32, #tpu.memory_space<hbm>>
        %dma_start3A_312 = arith.constant 0 : i32
        %dma_start3A_313 = arith.constant 0 : i32
        %dma_start3A_314 = tpu.memref_slice %arg9[%run_scoped3A_300, %dma_start3A_312, %dma_start3A_313] : memref<2x32x1024xf32, #tpu.memory_space<vmem>> -> memref<1x32x1024xf32, #tpu.memory_space<vmem>>
        %dma_start3A_315 = tpu.memref_squeeze %dma_start3A_314 : memref<1x32x1024xf32, #tpu.memory_space<vmem>> -> memref<32x1024xf32, #tpu.memory_space<vmem>>
        tpu.enqueue_dma source(%dma_start3A_315 : memref<32x1024xf32, #tpu.memory_space<vmem>>) target(%dma_start3A_311 : memref<32x1024xf32, #tpu.memory_space<hbm>>) target_semaphore(%run_scoped3A_303 : memref<!tpu.dma_semaphore, #tpu.memory_space<semaphore_mem>>)
        %dma_wait3A_316 = arith.constant 0 : i32
        %dma_wait3A_317 = arith.constant 0 : i32
        %dma_wait3A_318 = tpu.memref_slice %arg9[%run_scoped3A_300, %dma_wait3A_316, %dma_wait3A_317] : memref<2x32x1024xf32, #tpu.memory_space<vmem>> -> memref<1x32x1024xf32, #tpu.memory_space<vmem>>
        %dma_wait3A_319 = tpu.memref_squeeze %dma_wait3A_318 : memref<1x32x1024xf32, #tpu.memory_space<vmem>> -> memref<32x1024xf32, #tpu.memory_space<vmem>>
        %dma_wait3A_320 = arith.constant 0 : i32
        %dma_wait3A_321 = tpu.memref_slice %arg5[%add3A_299, %dma_wait3A_320] : memref<6656x1024xf32, #tpu.memory_space<hbm>> -> memref<32x1024xf32, #tpu.memory_space<hbm>>
        %dma_wait3A_322 = arith.constant 0 : i32
        %dma_wait3A_323 = tpu.memref_slice %arg5[%add3A_299, %dma_wait3A_322] : memref<6656x1024xf32, #tpu.memory_space<hbm>> -> memref<32x1024xf32, #tpu.memory_space<hbm>>
        %dma_wait3A_324 = arith.constant 0 : i32
        %dma_wait3A_325 = arith.constant 0 : i32
        %dma_wait3A_326 = tpu.memref_slice %arg9[%run_scoped3A_300, %dma_wait3A_324, %dma_wait3A_325] : memref<2x32x1024xf32, #tpu.memory_space<vmem>> -> memref<1x32x1024xf32, #tpu.memory_space<vmem>>
        %dma_wait3A_327 = tpu.memref_squeeze %dma_wait3A_326 : memref<1x32x1024xf32, #tpu.memory_space<vmem>> -> memref<32x1024xf32, #tpu.memory_space<vmem>>
        tpu.wait_dma2 semaphore(%run_scoped3A_303 : memref<!tpu.dma_semaphore, #tpu.memory_space<semaphore_mem>>) src(%dma_wait3A_327 : memref<32x1024xf32, #tpu.memory_space<vmem>>) dst(%dma_wait3A_323 : memref<32x1024xf32, #tpu.memory_space<hbm>>)
        tpu.yield
      }) : () -> ()
      %add3A_301 = arith.constant 4352 : i32
      %add3A_302 = arith.addi %add3A_301, %add3A_85 : i32
      "tpu.region"() ({
        %run_scoped3A_303 = tpu.sem_alloc : memref<!tpu.dma_semaphore, #tpu.memory_space<semaphore_mem>>
        %dma_start3A_304 = arith.constant 0 : i32
        %dma_start3A_305 = tpu.memref_slice %arg10[%dma_start3A_304] : memref<128xf32, #tpu.memory_space<vmem>> -> memref<32xf32, #tpu.memory_space<vmem>>
        %dma_start3A_306 = tpu.memref_slice %arg6[%add3A_302] : memref<6656xf32, #tpu.memory_space<hbm>> -> memref<32xf32, #tpu.memory_space<hbm>>
        %dma_start3A_307 = tpu.memref_slice %arg6[%add3A_302] : memref<6656xf32, #tpu.memory_space<hbm>> -> memref<32xf32, #tpu.memory_space<hbm>>
        %dma_start3A_308 = arith.constant 0 : i32
        %dma_start3A_309 = tpu.memref_slice %arg10[%dma_start3A_308] : memref<128xf32, #tpu.memory_space<vmem>> -> memref<32xf32, #tpu.memory_space<vmem>>
        tpu.enqueue_dma source(%dma_start3A_309 : memref<32xf32, #tpu.memory_space<vmem>>) target(%dma_start3A_307 : memref<32xf32, #tpu.memory_space<hbm>>) target_semaphore(%run_scoped3A_303 : memref<!tpu.dma_semaphore, #tpu.memory_space<semaphore_mem>>)
        %dma_wait3A_310 = arith.constant 0 : i32
        %dma_wait3A_311 = tpu.memref_slice %arg10[%dma_wait3A_310] : memref<128xf32, #tpu.memory_space<vmem>> -> memref<32xf32, #tpu.memory_space<vmem>>
        %dma_wait3A_312 = tpu.memref_slice %arg6[%add3A_302] : memref<6656xf32, #tpu.memory_space<hbm>> -> memref<32xf32, #tpu.memory_space<hbm>>
        %dma_wait3A_313 = tpu.memref_slice %arg6[%add3A_302] : memref<6656xf32, #tpu.memory_space<hbm>> -> memref<32xf32, #tpu.memory_space<hbm>>
        %dma_wait3A_314 = arith.constant 0 : i32
        %dma_wait3A_315 = tpu.memref_slice %arg10[%dma_wait3A_314] : memref<128xf32, #tpu.memory_space<vmem>> -> memref<32xf32, #tpu.memory_space<vmem>>
        tpu.wait_dma2 semaphore(%run_scoped3A_303 : memref<!tpu.dma_semaphore, #tpu.memory_space<semaphore_mem>>) src(%dma_wait3A_315 : memref<32xf32, #tpu.memory_space<vmem>>) dst(%dma_wait3A_313 : memref<32xf32, #tpu.memory_space<hbm>>)
        tpu.yield
      }) : () -> ()
    } else {
    }
    %add3A_121 = arith.constant 64 : i32
    %add3A_122 = arith.addi %mul3A_5, %add3A_121 : i32
    %dma_wait3A = arith.constant 0 : i32
    %dma_wait3A_123 = arith.constant 0 : i32
    %dma_wait3A_124 = arith.constant 0 : i32
    %dma_wait3A_125 = arith.constant 0 : i32
    %dma_wait3A_126 = arith.constant 0 : i32
    %dma_wait3A_127 = tpu.memref_slice %arg9[%dma_wait3A, %dma_wait3A_125, %dma_wait3A_126] : memref<2x32x1024xf32, #tpu.memory_space<vmem>> -> memref<1x32x1024xf32, #tpu.memory_space<vmem>>
    %dma_wait3A_128 = tpu.memref_squeeze %dma_wait3A_127 : memref<1x32x1024xf32, #tpu.memory_space<vmem>> -> memref<32x1024xf32, #tpu.memory_space<vmem>>
    %dma_wait3A_129 = arith.constant 0 : i32
    %dma_wait3A_130 = tpu.memref_slice %arg7[%dma_wait3A_123, %dma_wait3A_129] : memref<2x32xi32, #tpu.memory_space<vmem>> -> memref<1x32xi32, #tpu.memory_space<vmem>>
    %dma_wait3A_131 = tpu.memref_squeeze %dma_wait3A_130 : memref<1x32xi32, #tpu.memory_space<vmem>> -> memref<32xi32, #tpu.memory_space<vmem>>
    %dma_wait3A_132 = arith.constant 0 : i32
    %dma_wait3A_133 = arith.constant 0 : i32
    %dma_wait3A_134 = tpu.memref_slice %arg5[%dma_wait3A_132, %dma_wait3A_133] : memref<6656x1024xf32, #tpu.memory_space<hbm>> -> memref<6656x1024xf32, #tpu.memory_space<hbm>>
    %dma_wait3A_135 = tpu.memref_slice %arg11[%dma_wait3A_124] : memref<2x!tpu.dma_semaphore, #tpu.memory_space<semaphore_mem>> -> memref<1x!tpu.dma_semaphore, #tpu.memory_space<semaphore_mem>>
    %dma_wait3A_136 = tpu.memref_squeeze %dma_wait3A_135 : memref<1x!tpu.dma_semaphore, #tpu.memory_space<semaphore_mem>> -> memref<!tpu.dma_semaphore, #tpu.memory_space<semaphore_mem>>
    tpu.wait_indirect_dma semaphore(%dma_wait3A_136 : memref<!tpu.dma_semaphore, #tpu.memory_space<semaphore_mem>>) src(%dma_wait3A_128 : memref<32x1024xf32, #tpu.memory_space<vmem>>) dst(%dma_wait3A_134 : memref<6656x1024xf32, #tpu.memory_space<hbm>>)
    %dma_wait3A_137 = arith.constant 0 : i32
    %dma_wait3A_138 = arith.constant 0 : i32
    %dma_wait3A_139 = arith.constant 0 : i32
    %dma_wait3A_140 = tpu.memref_slice %arg8[%dma_wait3A_139] : memref<128xf32, #tpu.memory_space<vmem>> -> memref<32xf32, #tpu.memory_space<vmem>>
    %dma_wait3A_141 = arith.constant 0 : i32
    %dma_wait3A_142 = tpu.memref_slice %arg7[%dma_wait3A_137, %dma_wait3A_141] : memref<2x32xi32, #tpu.memory_space<vmem>> -> memref<1x32xi32, #tpu.memory_space<vmem>>
    %dma_wait3A_143 = tpu.memref_squeeze %dma_wait3A_142 : memref<1x32xi32, #tpu.memory_space<vmem>> -> memref<32xi32, #tpu.memory_space<vmem>>
    %dma_wait3A_144 = arith.constant 0 : i32
    %dma_wait3A_145 = tpu.memref_slice %arg6[%dma_wait3A_144] : memref<6656xf32, #tpu.memory_space<hbm>> -> memref<6656xf32, #tpu.memory_space<hbm>>
    %dma_wait3A_146 = tpu.memref_slice %arg11[%dma_wait3A_138] : memref<2x!tpu.dma_semaphore, #tpu.memory_space<semaphore_mem>> -> memref<1x!tpu.dma_semaphore, #tpu.memory_space<semaphore_mem>>
    %dma_wait3A_147 = tpu.memref_squeeze %dma_wait3A_146 : memref<1x!tpu.dma_semaphore, #tpu.memory_space<semaphore_mem>> -> memref<!tpu.dma_semaphore, #tpu.memory_space<semaphore_mem>>
    tpu.wait_indirect_dma semaphore(%dma_wait3A_147 : memref<!tpu.dma_semaphore, #tpu.memory_space<semaphore_mem>>) src(%dma_wait3A_140 : memref<32xf32, #tpu.memory_space<vmem>>) dst(%dma_wait3A_145 : memref<6656xf32, #tpu.memory_space<hbm>>)
    %add3A_148 = arith.constant 64 : i32
    %add3A_149 = arith.addi %mul3A_2, %add3A_148 : i32
    %run_scoped3A_150 = arith.constant 0 : i32
    "tpu.region"() ({
      %run_scoped3A_298 = tpu.sem_alloc : memref<!tpu.dma_semaphore, #tpu.memory_space<semaphore_mem>>
      %dma_start3A_299 = arith.constant 0 : i32
      %dma_start3A_300 = tpu.memref_slice %arg7[%run_scoped3A_150, %dma_start3A_299] : memref<2x32xi32, #tpu.memory_space<vmem>> -> memref<1x32xi32, #tpu.memory_space<vmem>>
      %dma_start3A_301 = tpu.memref_squeeze %dma_start3A_300 : memref<1x32xi32, #tpu.memory_space<vmem>> -> memref<32xi32, #tpu.memory_space<vmem>>
      %dma_start3A_302 = tpu.memref_slice %arg2[%add3A_149] : memref<4096xi32, #tpu.memory_space<hbm>> -> memref<32xi32, #tpu.memory_space<hbm>>
      %dma_start3A_303 = arith.constant 0 : i32
      %dma_start3A_304 = tpu.memref_slice %arg7[%run_scoped3A_150, %dma_start3A_303] : memref<2x32xi32, #tpu.memory_space<vmem>> -> memref<1x32xi32, #tpu.memory_space<vmem>>
      %dma_start3A_305 = tpu.memref_squeeze %dma_start3A_304 : memref<1x32xi32, #tpu.memory_space<vmem>> -> memref<32xi32, #tpu.memory_space<vmem>>
      %dma_start3A_306 = tpu.memref_slice %arg2[%add3A_149] : memref<4096xi32, #tpu.memory_space<hbm>> -> memref<32xi32, #tpu.memory_space<hbm>>
      tpu.enqueue_dma source(%dma_start3A_306 : memref<32xi32, #tpu.memory_space<hbm>>) target(%dma_start3A_305 : memref<32xi32, #tpu.memory_space<vmem>>) target_semaphore(%run_scoped3A_298 : memref<!tpu.dma_semaphore, #tpu.memory_space<semaphore_mem>>)
      %dma_wait3A_307 = arith.constant 0 : i32
      %dma_wait3A_308 = tpu.memref_slice %arg7[%run_scoped3A_150, %dma_wait3A_307] : memref<2x32xi32, #tpu.memory_space<vmem>> -> memref<1x32xi32, #tpu.memory_space<vmem>>
      %dma_wait3A_309 = tpu.memref_squeeze %dma_wait3A_308 : memref<1x32xi32, #tpu.memory_space<vmem>> -> memref<32xi32, #tpu.memory_space<vmem>>
      %dma_wait3A_310 = tpu.memref_slice %arg2[%add3A_149] : memref<4096xi32, #tpu.memory_space<hbm>> -> memref<32xi32, #tpu.memory_space<hbm>>
      %dma_wait3A_311 = arith.constant 0 : i32
      %dma_wait3A_312 = tpu.memref_slice %arg7[%run_scoped3A_150, %dma_wait3A_311] : memref<2x32xi32, #tpu.memory_space<vmem>> -> memref<1x32xi32, #tpu.memory_space<vmem>>
      %dma_wait3A_313 = tpu.memref_squeeze %dma_wait3A_312 : memref<1x32xi32, #tpu.memory_space<vmem>> -> memref<32xi32, #tpu.memory_space<vmem>>
      %dma_wait3A_314 = tpu.memref_slice %arg2[%add3A_149] : memref<4096xi32, #tpu.memory_space<hbm>> -> memref<32xi32, #tpu.memory_space<hbm>>
      tpu.wait_dma2 semaphore(%run_scoped3A_298 : memref<!tpu.dma_semaphore, #tpu.memory_space<semaphore_mem>>) src(%dma_wait3A_314 : memref<32xi32, #tpu.memory_space<hbm>>) dst(%dma_wait3A_313 : memref<32xi32, #tpu.memory_space<vmem>>)
      tpu.yield
    }) : () -> ()
    %run_scoped3A_151 = arith.constant 0 : i32
    "tpu.region"() ({
      %run_scoped3A_298 = tpu.sem_alloc : memref<!tpu.dma_semaphore, #tpu.memory_space<semaphore_mem>>
      %dma_start3A_299 = arith.constant 0 : i32
      %dma_start3A_300 = arith.constant 0 : i32
      %dma_start3A_301 = tpu.memref_slice %arg9[%run_scoped3A_151, %dma_start3A_299, %dma_start3A_300] : memref<2x32x1024xf32, #tpu.memory_space<vmem>> -> memref<1x32x1024xf32, #tpu.memory_space<vmem>>
      %dma_start3A_302 = tpu.memref_squeeze %dma_start3A_301 : memref<1x32x1024xf32, #tpu.memory_space<vmem>> -> memref<32x1024xf32, #tpu.memory_space<vmem>>
      %dma_start3A_303 = arith.constant 0 : i32
      %dma_start3A_304 = tpu.memref_slice %arg4[%add3A_122, %dma_start3A_303] : memref<2048x1024xf32, #tpu.memory_space<hbm>> -> memref<32x1024xf32, #tpu.memory_space<hbm>>
      %dma_start3A_305 = arith.constant 0 : i32
      %dma_start3A_306 = arith.constant 0 : i32
      %dma_start3A_307 = tpu.memref_slice %arg9[%run_scoped3A_151, %dma_start3A_305, %dma_start3A_306] : memref<2x32x1024xf32, #tpu.memory_space<vmem>> -> memref<1x32x1024xf32, #tpu.memory_space<vmem>>
      %dma_start3A_308 = tpu.memref_squeeze %dma_start3A_307 : memref<1x32x1024xf32, #tpu.memory_space<vmem>> -> memref<32x1024xf32, #tpu.memory_space<vmem>>
      %dma_start3A_309 = arith.constant 0 : i32
      %dma_start3A_310 = tpu.memref_slice %arg4[%add3A_122, %dma_start3A_309] : memref<2048x1024xf32, #tpu.memory_space<hbm>> -> memref<32x1024xf32, #tpu.memory_space<hbm>>
      tpu.enqueue_dma source(%dma_start3A_310 : memref<32x1024xf32, #tpu.memory_space<hbm>>) target(%dma_start3A_308 : memref<32x1024xf32, #tpu.memory_space<vmem>>) target_semaphore(%run_scoped3A_298 : memref<!tpu.dma_semaphore, #tpu.memory_space<semaphore_mem>>)
      %dma_wait3A_311 = arith.constant 0 : i32
      %dma_wait3A_312 = arith.constant 0 : i32
      %dma_wait3A_313 = tpu.memref_slice %arg9[%run_scoped3A_151, %dma_wait3A_311, %dma_wait3A_312] : memref<2x32x1024xf32, #tpu.memory_space<vmem>> -> memref<1x32x1024xf32, #tpu.memory_space<vmem>>
      %dma_wait3A_314 = tpu.memref_squeeze %dma_wait3A_313 : memref<1x32x1024xf32, #tpu.memory_space<vmem>> -> memref<32x1024xf32, #tpu.memory_space<vmem>>
      %dma_wait3A_315 = arith.constant 0 : i32
      %dma_wait3A_316 = tpu.memref_slice %arg4[%add3A_122, %dma_wait3A_315] : memref<2048x1024xf32, #tpu.memory_space<hbm>> -> memref<32x1024xf32, #tpu.memory_space<hbm>>
      %dma_wait3A_317 = arith.constant 0 : i32
      %dma_wait3A_318 = arith.constant 0 : i32
      %dma_wait3A_319 = tpu.memref_slice %arg9[%run_scoped3A_151, %dma_wait3A_317, %dma_wait3A_318] : memref<2x32x1024xf32, #tpu.memory_space<vmem>> -> memref<1x32x1024xf32, #tpu.memory_space<vmem>>
      %dma_wait3A_320 = tpu.memref_squeeze %dma_wait3A_319 : memref<1x32x1024xf32, #tpu.memory_space<vmem>> -> memref<32x1024xf32, #tpu.memory_space<vmem>>
      %dma_wait3A_321 = arith.constant 0 : i32
      %dma_wait3A_322 = tpu.memref_slice %arg4[%add3A_122, %dma_wait3A_321] : memref<2048x1024xf32, #tpu.memory_space<hbm>> -> memref<32x1024xf32, #tpu.memory_space<hbm>>
      tpu.wait_dma2 semaphore(%run_scoped3A_298 : memref<!tpu.dma_semaphore, #tpu.memory_space<semaphore_mem>>) src(%dma_wait3A_322 : memref<32x1024xf32, #tpu.memory_space<hbm>>) dst(%dma_wait3A_320 : memref<32x1024xf32, #tpu.memory_space<vmem>>)
      tpu.yield
    }) : () -> ()
    %dma_start3A_152 = arith.constant 0 : i32
    %dma_start3A_153 = arith.constant 0 : i32
    %dma_start3A_154 = arith.constant 0 : i32
    %dma_start3A_155 = arith.constant 0 : i32
    %dma_start3A_156 = arith.constant 0 : i32
    %dma_start3A_157 = tpu.memref_slice %arg9[%dma_start3A_152, %dma_start3A_155, %dma_start3A_156] : memref<2x32x1024xf32, #tpu.memory_space<vmem>> -> memref<1x32x1024xf32, #tpu.memory_space<vmem>>
    %dma_start3A_158 = tpu.memref_squeeze %dma_start3A_157 : memref<1x32x1024xf32, #tpu.memory_space<vmem>> -> memref<32x1024xf32, #tpu.memory_space<vmem>>
    %dma_start3A_159 = arith.constant 0 : i32
    %dma_start3A_160 = tpu.memref_slice %arg7[%dma_start3A_153, %dma_start3A_159] : memref<2x32xi32, #tpu.memory_space<vmem>> -> memref<1x32xi32, #tpu.memory_space<vmem>>
    %dma_start3A_161 = tpu.memref_squeeze %dma_start3A_160 : memref<1x32xi32, #tpu.memory_space<vmem>> -> memref<32xi32, #tpu.memory_space<vmem>>
    %dma_start3A_162 = arith.constant 0 : i32
    %dma_start3A_163 = arith.constant 0 : i32
    %dma_start3A_164 = tpu.memref_slice %arg5[%dma_start3A_162, %dma_start3A_163] : memref<6656x1024xf32, #tpu.memory_space<hbm>> -> memref<6656x1024xf32, #tpu.memory_space<hbm>>
    %dma_start3A_165 = tpu.memref_slice %arg11[%dma_start3A_154] : memref<2x!tpu.dma_semaphore, #tpu.memory_space<semaphore_mem>> -> memref<1x!tpu.dma_semaphore, #tpu.memory_space<semaphore_mem>>
    %dma_start3A_166 = tpu.memref_squeeze %dma_start3A_165 : memref<1x!tpu.dma_semaphore, #tpu.memory_space<semaphore_mem>> -> memref<!tpu.dma_semaphore, #tpu.memory_space<semaphore_mem>>
    tpu.enqueue_indirect_dma source(%dma_start3A_158 : memref<32x1024xf32, #tpu.memory_space<vmem>>) target(%dma_start3A_164 : memref<6656x1024xf32, #tpu.memory_space<hbm>>) offsets(%dma_start3A_161 : memref<32xi32, #tpu.memory_space<vmem>>) semaphore(%dma_start3A_166 : memref<!tpu.dma_semaphore, #tpu.memory_space<semaphore_mem>>)
    %dma_start3A_167 = arith.constant 0 : i32
    %dma_start3A_168 = arith.constant 0 : i32
    %dma_start3A_169 = arith.constant 64 : i32
    %dma_start3A_170 = tpu.memref_slice %arg8[%dma_start3A_169] : memref<128xf32, #tpu.memory_space<vmem>> -> memref<32xf32, #tpu.memory_space<vmem>>
    %dma_start3A_171 = arith.constant 0 : i32
    %dma_start3A_172 = tpu.memref_slice %arg7[%dma_start3A_167, %dma_start3A_171] : memref<2x32xi32, #tpu.memory_space<vmem>> -> memref<1x32xi32, #tpu.memory_space<vmem>>
    %dma_start3A_173 = tpu.memref_squeeze %dma_start3A_172 : memref<1x32xi32, #tpu.memory_space<vmem>> -> memref<32xi32, #tpu.memory_space<vmem>>
    %dma_start3A_174 = arith.constant 0 : i32
    %dma_start3A_175 = tpu.memref_slice %arg6[%dma_start3A_174] : memref<6656xf32, #tpu.memory_space<hbm>> -> memref<6656xf32, #tpu.memory_space<hbm>>
    %dma_start3A_176 = tpu.memref_slice %arg11[%dma_start3A_168] : memref<2x!tpu.dma_semaphore, #tpu.memory_space<semaphore_mem>> -> memref<1x!tpu.dma_semaphore, #tpu.memory_space<semaphore_mem>>
    %dma_start3A_177 = tpu.memref_squeeze %dma_start3A_176 : memref<1x!tpu.dma_semaphore, #tpu.memory_space<semaphore_mem>> -> memref<!tpu.dma_semaphore, #tpu.memory_space<semaphore_mem>>
    tpu.enqueue_indirect_dma source(%dma_start3A_170 : memref<32xf32, #tpu.memory_space<vmem>>) target(%dma_start3A_175 : memref<6656xf32, #tpu.memory_space<hbm>>) offsets(%dma_start3A_173 : memref<32xi32, #tpu.memory_space<vmem>>) semaphore(%dma_start3A_177 : memref<!tpu.dma_semaphore, #tpu.memory_space<semaphore_mem>>)
    %ge3A_178 = arith.constant 16 : i32
    %ge3A_179 = arith.cmpi sge, %add3A, %ge3A_178 : i32
    %convert_element_type3A_180 = arith.extui %ge3A_179 : i1 to i32
    %cond3A_181 = arith.constant 0 : i32
    %cond3A_182 = arith.cmpi ne, %convert_element_type3A_180, %cond3A_181 : i32
    scf.if %cond3A_182 {
      %add3A_298 = arith.constant 4352 : i32
      %add3A_299 = arith.addi %add3A_298, %add3A_122 : i32
      %run_scoped3A_300 = arith.constant 0 : i32
      "tpu.region"() ({
        %run_scoped3A_303 = tpu.sem_alloc : memref<!tpu.dma_semaphore, #tpu.memory_space<semaphore_mem>>
        %dma_start3A_304 = arith.constant 0 : i32
        %dma_start3A_305 = arith.constant 0 : i32
        %dma_start3A_306 = tpu.memref_slice %arg9[%run_scoped3A_300, %dma_start3A_304, %dma_start3A_305] : memref<2x32x1024xf32, #tpu.memory_space<vmem>> -> memref<1x32x1024xf32, #tpu.memory_space<vmem>>
        %dma_start3A_307 = tpu.memref_squeeze %dma_start3A_306 : memref<1x32x1024xf32, #tpu.memory_space<vmem>> -> memref<32x1024xf32, #tpu.memory_space<vmem>>
        %dma_start3A_308 = arith.constant 0 : i32
        %dma_start3A_309 = tpu.memref_slice %arg5[%add3A_299, %dma_start3A_308] : memref<6656x1024xf32, #tpu.memory_space<hbm>> -> memref<32x1024xf32, #tpu.memory_space<hbm>>
        %dma_start3A_310 = arith.constant 0 : i32
        %dma_start3A_311 = tpu.memref_slice %arg5[%add3A_299, %dma_start3A_310] : memref<6656x1024xf32, #tpu.memory_space<hbm>> -> memref<32x1024xf32, #tpu.memory_space<hbm>>
        %dma_start3A_312 = arith.constant 0 : i32
        %dma_start3A_313 = arith.constant 0 : i32
        %dma_start3A_314 = tpu.memref_slice %arg9[%run_scoped3A_300, %dma_start3A_312, %dma_start3A_313] : memref<2x32x1024xf32, #tpu.memory_space<vmem>> -> memref<1x32x1024xf32, #tpu.memory_space<vmem>>
        %dma_start3A_315 = tpu.memref_squeeze %dma_start3A_314 : memref<1x32x1024xf32, #tpu.memory_space<vmem>> -> memref<32x1024xf32, #tpu.memory_space<vmem>>
        tpu.enqueue_dma source(%dma_start3A_315 : memref<32x1024xf32, #tpu.memory_space<vmem>>) target(%dma_start3A_311 : memref<32x1024xf32, #tpu.memory_space<hbm>>) target_semaphore(%run_scoped3A_303 : memref<!tpu.dma_semaphore, #tpu.memory_space<semaphore_mem>>)
        %dma_wait3A_316 = arith.constant 0 : i32
        %dma_wait3A_317 = arith.constant 0 : i32
        %dma_wait3A_318 = tpu.memref_slice %arg9[%run_scoped3A_300, %dma_wait3A_316, %dma_wait3A_317] : memref<2x32x1024xf32, #tpu.memory_space<vmem>> -> memref<1x32x1024xf32, #tpu.memory_space<vmem>>
        %dma_wait3A_319 = tpu.memref_squeeze %dma_wait3A_318 : memref<1x32x1024xf32, #tpu.memory_space<vmem>> -> memref<32x1024xf32, #tpu.memory_space<vmem>>
        %dma_wait3A_320 = arith.constant 0 : i32
        %dma_wait3A_321 = tpu.memref_slice %arg5[%add3A_299, %dma_wait3A_320] : memref<6656x1024xf32, #tpu.memory_space<hbm>> -> memref<32x1024xf32, #tpu.memory_space<hbm>>
        %dma_wait3A_322 = arith.constant 0 : i32
        %dma_wait3A_323 = tpu.memref_slice %arg5[%add3A_299, %dma_wait3A_322] : memref<6656x1024xf32, #tpu.memory_space<hbm>> -> memref<32x1024xf32, #tpu.memory_space<hbm>>
        %dma_wait3A_324 = arith.constant 0 : i32
        %dma_wait3A_325 = arith.constant 0 : i32
        %dma_wait3A_326 = tpu.memref_slice %arg9[%run_scoped3A_300, %dma_wait3A_324, %dma_wait3A_325] : memref<2x32x1024xf32, #tpu.memory_space<vmem>> -> memref<1x32x1024xf32, #tpu.memory_space<vmem>>
        %dma_wait3A_327 = tpu.memref_squeeze %dma_wait3A_326 : memref<1x32x1024xf32, #tpu.memory_space<vmem>> -> memref<32x1024xf32, #tpu.memory_space<vmem>>
        tpu.wait_dma2 semaphore(%run_scoped3A_303 : memref<!tpu.dma_semaphore, #tpu.memory_space<semaphore_mem>>) src(%dma_wait3A_327 : memref<32x1024xf32, #tpu.memory_space<vmem>>) dst(%dma_wait3A_323 : memref<32x1024xf32, #tpu.memory_space<hbm>>)
        tpu.yield
      }) : () -> ()
      %add3A_301 = arith.constant 4352 : i32
      %add3A_302 = arith.addi %add3A_301, %add3A_122 : i32
      "tpu.region"() ({
        %run_scoped3A_303 = tpu.sem_alloc : memref<!tpu.dma_semaphore, #tpu.memory_space<semaphore_mem>>
        %dma_start3A_304 = arith.constant 0 : i32
        %dma_start3A_305 = tpu.memref_slice %arg10[%dma_start3A_304] : memref<128xf32, #tpu.memory_space<vmem>> -> memref<32xf32, #tpu.memory_space<vmem>>
        %dma_start3A_306 = tpu.memref_slice %arg6[%add3A_302] : memref<6656xf32, #tpu.memory_space<hbm>> -> memref<32xf32, #tpu.memory_space<hbm>>
        %dma_start3A_307 = tpu.memref_slice %arg6[%add3A_302] : memref<6656xf32, #tpu.memory_space<hbm>> -> memref<32xf32, #tpu.memory_space<hbm>>
        %dma_start3A_308 = arith.constant 0 : i32
        %dma_start3A_309 = tpu.memref_slice %arg10[%dma_start3A_308] : memref<128xf32, #tpu.memory_space<vmem>> -> memref<32xf32, #tpu.memory_space<vmem>>
        tpu.enqueue_dma source(%dma_start3A_309 : memref<32xf32, #tpu.memory_space<vmem>>) target(%dma_start3A_307 : memref<32xf32, #tpu.memory_space<hbm>>) target_semaphore(%run_scoped3A_303 : memref<!tpu.dma_semaphore, #tpu.memory_space<semaphore_mem>>)
        %dma_wait3A_310 = arith.constant 0 : i32
        %dma_wait3A_311 = tpu.memref_slice %arg10[%dma_wait3A_310] : memref<128xf32, #tpu.memory_space<vmem>> -> memref<32xf32, #tpu.memory_space<vmem>>
        %dma_wait3A_312 = tpu.memref_slice %arg6[%add3A_302] : memref<6656xf32, #tpu.memory_space<hbm>> -> memref<32xf32, #tpu.memory_space<hbm>>
        %dma_wait3A_313 = tpu.memref_slice %arg6[%add3A_302] : memref<6656xf32, #tpu.memory_space<hbm>> -> memref<32xf32, #tpu.memory_space<hbm>>
        %dma_wait3A_314 = arith.constant 0 : i32
        %dma_wait3A_315 = tpu.memref_slice %arg10[%dma_wait3A_314] : memref<128xf32, #tpu.memory_space<vmem>> -> memref<32xf32, #tpu.memory_space<vmem>>
        tpu.wait_dma2 semaphore(%run_scoped3A_303 : memref<!tpu.dma_semaphore, #tpu.memory_space<semaphore_mem>>) src(%dma_wait3A_315 : memref<32xf32, #tpu.memory_space<vmem>>) dst(%dma_wait3A_313 : memref<32xf32, #tpu.memory_space<hbm>>)
        tpu.yield
      }) : () -> ()
    } else {
    }
    %add3A_183 = arith.constant 96 : i32
    %add3A_184 = arith.addi %mul3A_5, %add3A_183 : i32
    %dma_wait3A_185 = arith.constant 1 : i32
    %dma_wait3A_186 = arith.constant 1 : i32
    %dma_wait3A_187 = arith.constant 1 : i32
    %dma_wait3A_188 = arith.constant 0 : i32
    %dma_wait3A_189 = arith.constant 0 : i32
    %dma_wait3A_190 = tpu.memref_slice %arg9[%dma_wait3A_185, %dma_wait3A_188, %dma_wait3A_189] : memref<2x32x1024xf32, #tpu.memory_space<vmem>> -> memref<1x32x1024xf32, #tpu.memory_space<vmem>>
    %dma_wait3A_191 = tpu.memref_squeeze %dma_wait3A_190 : memref<1x32x1024xf32, #tpu.memory_space<vmem>> -> memref<32x1024xf32, #tpu.memory_space<vmem>>
    %dma_wait3A_192 = arith.constant 0 : i32
    %dma_wait3A_193 = tpu.memref_slice %arg7[%dma_wait3A_186, %dma_wait3A_192] : memref<2x32xi32, #tpu.memory_space<vmem>> -> memref<1x32xi32, #tpu.memory_space<vmem>>
    %dma_wait3A_194 = tpu.memref_squeeze %dma_wait3A_193 : memref<1x32xi32, #tpu.memory_space<vmem>> -> memref<32xi32, #tpu.memory_space<vmem>>
    %dma_wait3A_195 = arith.constant 0 : i32
    %dma_wait3A_196 = arith.constant 0 : i32
    %dma_wait3A_197 = tpu.memref_slice %arg5[%dma_wait3A_195, %dma_wait3A_196] : memref<6656x1024xf32, #tpu.memory_space<hbm>> -> memref<6656x1024xf32, #tpu.memory_space<hbm>>
    %dma_wait3A_198 = tpu.memref_slice %arg11[%dma_wait3A_187] : memref<2x!tpu.dma_semaphore, #tpu.memory_space<semaphore_mem>> -> memref<1x!tpu.dma_semaphore, #tpu.memory_space<semaphore_mem>>
    %dma_wait3A_199 = tpu.memref_squeeze %dma_wait3A_198 : memref<1x!tpu.dma_semaphore, #tpu.memory_space<semaphore_mem>> -> memref<!tpu.dma_semaphore, #tpu.memory_space<semaphore_mem>>
    tpu.wait_indirect_dma semaphore(%dma_wait3A_199 : memref<!tpu.dma_semaphore, #tpu.memory_space<semaphore_mem>>) src(%dma_wait3A_191 : memref<32x1024xf32, #tpu.memory_space<vmem>>) dst(%dma_wait3A_197 : memref<6656x1024xf32, #tpu.memory_space<hbm>>)
    %dma_wait3A_200 = arith.constant 1 : i32
    %dma_wait3A_201 = arith.constant 1 : i32
    %dma_wait3A_202 = arith.constant 32 : i32
    %dma_wait3A_203 = tpu.memref_slice %arg8[%dma_wait3A_202] : memref<128xf32, #tpu.memory_space<vmem>> -> memref<32xf32, #tpu.memory_space<vmem>>
    %dma_wait3A_204 = arith.constant 0 : i32
    %dma_wait3A_205 = tpu.memref_slice %arg7[%dma_wait3A_200, %dma_wait3A_204] : memref<2x32xi32, #tpu.memory_space<vmem>> -> memref<1x32xi32, #tpu.memory_space<vmem>>
    %dma_wait3A_206 = tpu.memref_squeeze %dma_wait3A_205 : memref<1x32xi32, #tpu.memory_space<vmem>> -> memref<32xi32, #tpu.memory_space<vmem>>
    %dma_wait3A_207 = arith.constant 0 : i32
    %dma_wait3A_208 = tpu.memref_slice %arg6[%dma_wait3A_207] : memref<6656xf32, #tpu.memory_space<hbm>> -> memref<6656xf32, #tpu.memory_space<hbm>>
    %dma_wait3A_209 = tpu.memref_slice %arg11[%dma_wait3A_201] : memref<2x!tpu.dma_semaphore, #tpu.memory_space<semaphore_mem>> -> memref<1x!tpu.dma_semaphore, #tpu.memory_space<semaphore_mem>>
    %dma_wait3A_210 = tpu.memref_squeeze %dma_wait3A_209 : memref<1x!tpu.dma_semaphore, #tpu.memory_space<semaphore_mem>> -> memref<!tpu.dma_semaphore, #tpu.memory_space<semaphore_mem>>
    tpu.wait_indirect_dma semaphore(%dma_wait3A_210 : memref<!tpu.dma_semaphore, #tpu.memory_space<semaphore_mem>>) src(%dma_wait3A_203 : memref<32xf32, #tpu.memory_space<vmem>>) dst(%dma_wait3A_208 : memref<6656xf32, #tpu.memory_space<hbm>>)
    %add3A_211 = arith.constant 96 : i32
    %add3A_212 = arith.addi %mul3A_2, %add3A_211 : i32
    %run_scoped3A_213 = arith.constant 1 : i32
    "tpu.region"() ({
      %run_scoped3A_298 = tpu.sem_alloc : memref<!tpu.dma_semaphore, #tpu.memory_space<semaphore_mem>>
      %dma_start3A_299 = arith.constant 0 : i32
      %dma_start3A_300 = tpu.memref_slice %arg7[%run_scoped3A_213, %dma_start3A_299] : memref<2x32xi32, #tpu.memory_space<vmem>> -> memref<1x32xi32, #tpu.memory_space<vmem>>
      %dma_start3A_301 = tpu.memref_squeeze %dma_start3A_300 : memref<1x32xi32, #tpu.memory_space<vmem>> -> memref<32xi32, #tpu.memory_space<vmem>>
      %dma_start3A_302 = tpu.memref_slice %arg2[%add3A_212] : memref<4096xi32, #tpu.memory_space<hbm>> -> memref<32xi32, #tpu.memory_space<hbm>>
      %dma_start3A_303 = arith.constant 0 : i32
      %dma_start3A_304 = tpu.memref_slice %arg7[%run_scoped3A_213, %dma_start3A_303] : memref<2x32xi32, #tpu.memory_space<vmem>> -> memref<1x32xi32, #tpu.memory_space<vmem>>
      %dma_start3A_305 = tpu.memref_squeeze %dma_start3A_304 : memref<1x32xi32, #tpu.memory_space<vmem>> -> memref<32xi32, #tpu.memory_space<vmem>>
      %dma_start3A_306 = tpu.memref_slice %arg2[%add3A_212] : memref<4096xi32, #tpu.memory_space<hbm>> -> memref<32xi32, #tpu.memory_space<hbm>>
      tpu.enqueue_dma source(%dma_start3A_306 : memref<32xi32, #tpu.memory_space<hbm>>) target(%dma_start3A_305 : memref<32xi32, #tpu.memory_space<vmem>>) target_semaphore(%run_scoped3A_298 : memref<!tpu.dma_semaphore, #tpu.memory_space<semaphore_mem>>)
      %dma_wait3A_307 = arith.constant 0 : i32
      %dma_wait3A_308 = tpu.memref_slice %arg7[%run_scoped3A_213, %dma_wait3A_307] : memref<2x32xi32, #tpu.memory_space<vmem>> -> memref<1x32xi32, #tpu.memory_space<vmem>>
      %dma_wait3A_309 = tpu.memref_squeeze %dma_wait3A_308 : memref<1x32xi32, #tpu.memory_space<vmem>> -> memref<32xi32, #tpu.memory_space<vmem>>
      %dma_wait3A_310 = tpu.memref_slice %arg2[%add3A_212] : memref<4096xi32, #tpu.memory_space<hbm>> -> memref<32xi32, #tpu.memory_space<hbm>>
      %dma_wait3A_311 = arith.constant 0 : i32
      %dma_wait3A_312 = tpu.memref_slice %arg7[%run_scoped3A_213, %dma_wait3A_311] : memref<2x32xi32, #tpu.memory_space<vmem>> -> memref<1x32xi32, #tpu.memory_space<vmem>>
      %dma_wait3A_313 = tpu.memref_squeeze %dma_wait3A_312 : memref<1x32xi32, #tpu.memory_space<vmem>> -> memref<32xi32, #tpu.memory_space<vmem>>
      %dma_wait3A_314 = tpu.memref_slice %arg2[%add3A_212] : memref<4096xi32, #tpu.memory_space<hbm>> -> memref<32xi32, #tpu.memory_space<hbm>>
      tpu.wait_dma2 semaphore(%run_scoped3A_298 : memref<!tpu.dma_semaphore, #tpu.memory_space<semaphore_mem>>) src(%dma_wait3A_314 : memref<32xi32, #tpu.memory_space<hbm>>) dst(%dma_wait3A_313 : memref<32xi32, #tpu.memory_space<vmem>>)
      tpu.yield
    }) : () -> ()
    %run_scoped3A_214 = arith.constant 1 : i32
    "tpu.region"() ({
      %run_scoped3A_298 = tpu.sem_alloc : memref<!tpu.dma_semaphore, #tpu.memory_space<semaphore_mem>>
      %dma_start3A_299 = arith.constant 0 : i32
      %dma_start3A_300 = arith.constant 0 : i32
      %dma_start3A_301 = tpu.memref_slice %arg9[%run_scoped3A_214, %dma_start3A_299, %dma_start3A_300] : memref<2x32x1024xf32, #tpu.memory_space<vmem>> -> memref<1x32x1024xf32, #tpu.memory_space<vmem>>
      %dma_start3A_302 = tpu.memref_squeeze %dma_start3A_301 : memref<1x32x1024xf32, #tpu.memory_space<vmem>> -> memref<32x1024xf32, #tpu.memory_space<vmem>>
      %dma_start3A_303 = arith.constant 0 : i32
      %dma_start3A_304 = tpu.memref_slice %arg4[%add3A_184, %dma_start3A_303] : memref<2048x1024xf32, #tpu.memory_space<hbm>> -> memref<32x1024xf32, #tpu.memory_space<hbm>>
      %dma_start3A_305 = arith.constant 0 : i32
      %dma_start3A_306 = arith.constant 0 : i32
      %dma_start3A_307 = tpu.memref_slice %arg9[%run_scoped3A_214, %dma_start3A_305, %dma_start3A_306] : memref<2x32x1024xf32, #tpu.memory_space<vmem>> -> memref<1x32x1024xf32, #tpu.memory_space<vmem>>
      %dma_start3A_308 = tpu.memref_squeeze %dma_start3A_307 : memref<1x32x1024xf32, #tpu.memory_space<vmem>> -> memref<32x1024xf32, #tpu.memory_space<vmem>>
      %dma_start3A_309 = arith.constant 0 : i32
      %dma_start3A_310 = tpu.memref_slice %arg4[%add3A_184, %dma_start3A_309] : memref<2048x1024xf32, #tpu.memory_space<hbm>> -> memref<32x1024xf32, #tpu.memory_space<hbm>>
      tpu.enqueue_dma source(%dma_start3A_310 : memref<32x1024xf32, #tpu.memory_space<hbm>>) target(%dma_start3A_308 : memref<32x1024xf32, #tpu.memory_space<vmem>>) target_semaphore(%run_scoped3A_298 : memref<!tpu.dma_semaphore, #tpu.memory_space<semaphore_mem>>)
      %dma_wait3A_311 = arith.constant 0 : i32
      %dma_wait3A_312 = arith.constant 0 : i32
      %dma_wait3A_313 = tpu.memref_slice %arg9[%run_scoped3A_214, %dma_wait3A_311, %dma_wait3A_312] : memref<2x32x1024xf32, #tpu.memory_space<vmem>> -> memref<1x32x1024xf32, #tpu.memory_space<vmem>>
      %dma_wait3A_314 = tpu.memref_squeeze %dma_wait3A_313 : memref<1x32x1024xf32, #tpu.memory_space<vmem>> -> memref<32x1024xf32, #tpu.memory_space<vmem>>
      %dma_wait3A_315 = arith.constant 0 : i32
      %dma_wait3A_316 = tpu.memref_slice %arg4[%add3A_184, %dma_wait3A_315] : memref<2048x1024xf32, #tpu.memory_space<hbm>> -> memref<32x1024xf32, #tpu.memory_space<hbm>>
      %dma_wait3A_317 = arith.constant 0 : i32
      %dma_wait3A_318 = arith.constant 0 : i32
      %dma_wait3A_319 = tpu.memref_slice %arg9[%run_scoped3A_214, %dma_wait3A_317, %dma_wait3A_318] : memref<2x32x1024xf32, #tpu.memory_space<vmem>> -> memref<1x32x1024xf32, #tpu.memory_space<vmem>>
      %dma_wait3A_320 = tpu.memref_squeeze %dma_wait3A_319 : memref<1x32x1024xf32, #tpu.memory_space<vmem>> -> memref<32x1024xf32, #tpu.memory_space<vmem>>
      %dma_wait3A_321 = arith.constant 0 : i32
      %dma_wait3A_322 = tpu.memref_slice %arg4[%add3A_184, %dma_wait3A_321] : memref<2048x1024xf32, #tpu.memory_space<hbm>> -> memref<32x1024xf32, #tpu.memory_space<hbm>>
      tpu.wait_dma2 semaphore(%run_scoped3A_298 : memref<!tpu.dma_semaphore, #tpu.memory_space<semaphore_mem>>) src(%dma_wait3A_322 : memref<32x1024xf32, #tpu.memory_space<hbm>>) dst(%dma_wait3A_320 : memref<32x1024xf32, #tpu.memory_space<vmem>>)
      tpu.yield
    }) : () -> ()
    %dma_start3A_215 = arith.constant 1 : i32
    %dma_start3A_216 = arith.constant 1 : i32
    %dma_start3A_217 = arith.constant 1 : i32
    %dma_start3A_218 = arith.constant 0 : i32
    %dma_start3A_219 = arith.constant 0 : i32
    %dma_start3A_220 = tpu.memref_slice %arg9[%dma_start3A_215, %dma_start3A_218, %dma_start3A_219] : memref<2x32x1024xf32, #tpu.memory_space<vmem>> -> memref<1x32x1024xf32, #tpu.memory_space<vmem>>
    %dma_start3A_221 = tpu.memref_squeeze %dma_start3A_220 : memref<1x32x1024xf32, #tpu.memory_space<vmem>> -> memref<32x1024xf32, #tpu.memory_space<vmem>>
    %dma_start3A_222 = arith.constant 0 : i32
    %dma_start3A_223 = tpu.memref_slice %arg7[%dma_start3A_216, %dma_start3A_222] : memref<2x32xi32, #tpu.memory_space<vmem>> -> memref<1x32xi32, #tpu.memory_space<vmem>>
    %dma_start3A_224 = tpu.memref_squeeze %dma_start3A_223 : memref<1x32xi32, #tpu.memory_space<vmem>> -> memref<32xi32, #tpu.memory_space<vmem>>
    %dma_start3A_225 = arith.constant 0 : i32
    %dma_start3A_226 = arith.constant 0 : i32
    %dma_start3A_227 = tpu.memref_slice %arg5[%dma_start3A_225, %dma_start3A_226] : memref<6656x1024xf32, #tpu.memory_space<hbm>> -> memref<6656x1024xf32, #tpu.memory_space<hbm>>
    %dma_start3A_228 = tpu.memref_slice %arg11[%dma_start3A_217] : memref<2x!tpu.dma_semaphore, #tpu.memory_space<semaphore_mem>> -> memref<1x!tpu.dma_semaphore, #tpu.memory_space<semaphore_mem>>
    %dma_start3A_229 = tpu.memref_squeeze %dma_start3A_228 : memref<1x!tpu.dma_semaphore, #tpu.memory_space<semaphore_mem>> -> memref<!tpu.dma_semaphore, #tpu.memory_space<semaphore_mem>>
    tpu.enqueue_indirect_dma source(%dma_start3A_221 : memref<32x1024xf32, #tpu.memory_space<vmem>>) target(%dma_start3A_227 : memref<6656x1024xf32, #tpu.memory_space<hbm>>) offsets(%dma_start3A_224 : memref<32xi32, #tpu.memory_space<vmem>>) semaphore(%dma_start3A_229 : memref<!tpu.dma_semaphore, #tpu.memory_space<semaphore_mem>>)
    %dma_start3A_230 = arith.constant 1 : i32
    %dma_start3A_231 = arith.constant 1 : i32
    %dma_start3A_232 = arith.constant 96 : i32
    %dma_start3A_233 = tpu.memref_slice %arg8[%dma_start3A_232] : memref<128xf32, #tpu.memory_space<vmem>> -> memref<32xf32, #tpu.memory_space<vmem>>
    %dma_start3A_234 = arith.constant 0 : i32
    %dma_start3A_235 = tpu.memref_slice %arg7[%dma_start3A_230, %dma_start3A_234] : memref<2x32xi32, #tpu.memory_space<vmem>> -> memref<1x32xi32, #tpu.memory_space<vmem>>
    %dma_start3A_236 = tpu.memref_squeeze %dma_start3A_235 : memref<1x32xi32, #tpu.memory_space<vmem>> -> memref<32xi32, #tpu.memory_space<vmem>>
    %dma_start3A_237 = arith.constant 0 : i32
    %dma_start3A_238 = tpu.memref_slice %arg6[%dma_start3A_237] : memref<6656xf32, #tpu.memory_space<hbm>> -> memref<6656xf32, #tpu.memory_space<hbm>>
    %dma_start3A_239 = tpu.memref_slice %arg11[%dma_start3A_231] : memref<2x!tpu.dma_semaphore, #tpu.memory_space<semaphore_mem>> -> memref<1x!tpu.dma_semaphore, #tpu.memory_space<semaphore_mem>>
    %dma_start3A_240 = tpu.memref_squeeze %dma_start3A_239 : memref<1x!tpu.dma_semaphore, #tpu.memory_space<semaphore_mem>> -> memref<!tpu.dma_semaphore, #tpu.memory_space<semaphore_mem>>
    tpu.enqueue_indirect_dma source(%dma_start3A_233 : memref<32xf32, #tpu.memory_space<vmem>>) target(%dma_start3A_238 : memref<6656xf32, #tpu.memory_space<hbm>>) offsets(%dma_start3A_236 : memref<32xi32, #tpu.memory_space<vmem>>) semaphore(%dma_start3A_240 : memref<!tpu.dma_semaphore, #tpu.memory_space<semaphore_mem>>)
    %ge3A_241 = arith.constant 16 : i32
    %ge3A_242 = arith.cmpi sge, %add3A, %ge3A_241 : i32
    %convert_element_type3A_243 = arith.extui %ge3A_242 : i1 to i32
    %cond3A_244 = arith.constant 0 : i32
    %cond3A_245 = arith.cmpi ne, %convert_element_type3A_243, %cond3A_244 : i32
    scf.if %cond3A_245 {
      %add3A_298 = arith.constant 4352 : i32
      %add3A_299 = arith.addi %add3A_298, %add3A_184 : i32
      %run_scoped3A_300 = arith.constant 1 : i32
      "tpu.region"() ({
        %run_scoped3A_303 = tpu.sem_alloc : memref<!tpu.dma_semaphore, #tpu.memory_space<semaphore_mem>>
        %dma_start3A_304 = arith.constant 0 : i32
        %dma_start3A_305 = arith.constant 0 : i32
        %dma_start3A_306 = tpu.memref_slice %arg9[%run_scoped3A_300, %dma_start3A_304, %dma_start3A_305] : memref<2x32x1024xf32, #tpu.memory_space<vmem>> -> memref<1x32x1024xf32, #tpu.memory_space<vmem>>
        %dma_start3A_307 = tpu.memref_squeeze %dma_start3A_306 : memref<1x32x1024xf32, #tpu.memory_space<vmem>> -> memref<32x1024xf32, #tpu.memory_space<vmem>>
        %dma_start3A_308 = arith.constant 0 : i32
        %dma_start3A_309 = tpu.memref_slice %arg5[%add3A_299, %dma_start3A_308] : memref<6656x1024xf32, #tpu.memory_space<hbm>> -> memref<32x1024xf32, #tpu.memory_space<hbm>>
        %dma_start3A_310 = arith.constant 0 : i32
        %dma_start3A_311 = tpu.memref_slice %arg5[%add3A_299, %dma_start3A_310] : memref<6656x1024xf32, #tpu.memory_space<hbm>> -> memref<32x1024xf32, #tpu.memory_space<hbm>>
        %dma_start3A_312 = arith.constant 0 : i32
        %dma_start3A_313 = arith.constant 0 : i32
        %dma_start3A_314 = tpu.memref_slice %arg9[%run_scoped3A_300, %dma_start3A_312, %dma_start3A_313] : memref<2x32x1024xf32, #tpu.memory_space<vmem>> -> memref<1x32x1024xf32, #tpu.memory_space<vmem>>
        %dma_start3A_315 = tpu.memref_squeeze %dma_start3A_314 : memref<1x32x1024xf32, #tpu.memory_space<vmem>> -> memref<32x1024xf32, #tpu.memory_space<vmem>>
        tpu.enqueue_dma source(%dma_start3A_315 : memref<32x1024xf32, #tpu.memory_space<vmem>>) target(%dma_start3A_311 : memref<32x1024xf32, #tpu.memory_space<hbm>>) target_semaphore(%run_scoped3A_303 : memref<!tpu.dma_semaphore, #tpu.memory_space<semaphore_mem>>)
        %dma_wait3A_316 = arith.constant 0 : i32
        %dma_wait3A_317 = arith.constant 0 : i32
        %dma_wait3A_318 = tpu.memref_slice %arg9[%run_scoped3A_300, %dma_wait3A_316, %dma_wait3A_317] : memref<2x32x1024xf32, #tpu.memory_space<vmem>> -> memref<1x32x1024xf32, #tpu.memory_space<vmem>>
        %dma_wait3A_319 = tpu.memref_squeeze %dma_wait3A_318 : memref<1x32x1024xf32, #tpu.memory_space<vmem>> -> memref<32x1024xf32, #tpu.memory_space<vmem>>
        %dma_wait3A_320 = arith.constant 0 : i32
        %dma_wait3A_321 = tpu.memref_slice %arg5[%add3A_299, %dma_wait3A_320] : memref<6656x1024xf32, #tpu.memory_space<hbm>> -> memref<32x1024xf32, #tpu.memory_space<hbm>>
        %dma_wait3A_322 = arith.constant 0 : i32
        %dma_wait3A_323 = tpu.memref_slice %arg5[%add3A_299, %dma_wait3A_322] : memref<6656x1024xf32, #tpu.memory_space<hbm>> -> memref<32x1024xf32, #tpu.memory_space<hbm>>
        %dma_wait3A_324 = arith.constant 0 : i32
        %dma_wait3A_325 = arith.constant 0 : i32
        %dma_wait3A_326 = tpu.memref_slice %arg9[%run_scoped3A_300, %dma_wait3A_324, %dma_wait3A_325] : memref<2x32x1024xf32, #tpu.memory_space<vmem>> -> memref<1x32x1024xf32, #tpu.memory_space<vmem>>
        %dma_wait3A_327 = tpu.memref_squeeze %dma_wait3A_326 : memref<1x32x1024xf32, #tpu.memory_space<vmem>> -> memref<32x1024xf32, #tpu.memory_space<vmem>>
        tpu.wait_dma2 semaphore(%run_scoped3A_303 : memref<!tpu.dma_semaphore, #tpu.memory_space<semaphore_mem>>) src(%dma_wait3A_327 : memref<32x1024xf32, #tpu.memory_space<vmem>>) dst(%dma_wait3A_323 : memref<32x1024xf32, #tpu.memory_space<hbm>>)
        tpu.yield
      }) : () -> ()
      %add3A_301 = arith.constant 4352 : i32
      %add3A_302 = arith.addi %add3A_301, %add3A_184 : i32
      "tpu.region"() ({
        %run_scoped3A_303 = tpu.sem_alloc : memref<!tpu.dma_semaphore, #tpu.memory_space<semaphore_mem>>
        %dma_start3A_304 = arith.constant 0 : i32
        %dma_start3A_305 = tpu.memref_slice %arg10[%dma_start3A_304] : memref<128xf32, #tpu.memory_space<vmem>> -> memref<32xf32, #tpu.memory_space<vmem>>
        %dma_start3A_306 = tpu.memref_slice %arg6[%add3A_302] : memref<6656xf32, #tpu.memory_space<hbm>> -> memref<32xf32, #tpu.memory_space<hbm>>
        %dma_start3A_307 = tpu.memref_slice %arg6[%add3A_302] : memref<6656xf32, #tpu.memory_space<hbm>> -> memref<32xf32, #tpu.memory_space<hbm>>
        %dma_start3A_308 = arith.constant 0 : i32
        %dma_start3A_309 = tpu.memref_slice %arg10[%dma_start3A_308] : memref<128xf32, #tpu.memory_space<vmem>> -> memref<32xf32, #tpu.memory_space<vmem>>
        tpu.enqueue_dma source(%dma_start3A_309 : memref<32xf32, #tpu.memory_space<vmem>>) target(%dma_start3A_307 : memref<32xf32, #tpu.memory_space<hbm>>) target_semaphore(%run_scoped3A_303 : memref<!tpu.dma_semaphore, #tpu.memory_space<semaphore_mem>>)
        %dma_wait3A_310 = arith.constant 0 : i32
        %dma_wait3A_311 = tpu.memref_slice %arg10[%dma_wait3A_310] : memref<128xf32, #tpu.memory_space<vmem>> -> memref<32xf32, #tpu.memory_space<vmem>>
        %dma_wait3A_312 = tpu.memref_slice %arg6[%add3A_302] : memref<6656xf32, #tpu.memory_space<hbm>> -> memref<32xf32, #tpu.memory_space<hbm>>
        %dma_wait3A_313 = tpu.memref_slice %arg6[%add3A_302] : memref<6656xf32, #tpu.memory_space<hbm>> -> memref<32xf32, #tpu.memory_space<hbm>>
        %dma_wait3A_314 = arith.constant 0 : i32
        %dma_wait3A_315 = tpu.memref_slice %arg10[%dma_wait3A_314] : memref<128xf32, #tpu.memory_space<vmem>> -> memref<32xf32, #tpu.memory_space<vmem>>
        tpu.wait_dma2 semaphore(%run_scoped3A_303 : memref<!tpu.dma_semaphore, #tpu.memory_space<semaphore_mem>>) src(%dma_wait3A_315 : memref<32xf32, #tpu.memory_space<vmem>>) dst(%dma_wait3A_313 : memref<32xf32, #tpu.memory_space<hbm>>)
        tpu.yield
      }) : () -> ()
    } else {
    }
    %dma_wait3A_246 = arith.constant 0 : i32
    %dma_wait3A_247 = arith.constant 0 : i32
    %dma_wait3A_248 = arith.constant 0 : i32
    %dma_wait3A_249 = arith.constant 0 : i32
    %dma_wait3A_250 = arith.constant 0 : i32
    %dma_wait3A_251 = tpu.memref_slice %arg9[%dma_wait3A_246, %dma_wait3A_249, %dma_wait3A_250] : memref<2x32x1024xf32, #tpu.memory_space<vmem>> -> memref<1x32x1024xf32, #tpu.memory_space<vmem>>
    %dma_wait3A_252 = tpu.memref_squeeze %dma_wait3A_251 : memref<1x32x1024xf32, #tpu.memory_space<vmem>> -> memref<32x1024xf32, #tpu.memory_space<vmem>>
    %dma_wait3A_253 = arith.constant 0 : i32
    %dma_wait3A_254 = tpu.memref_slice %arg7[%dma_wait3A_247, %dma_wait3A_253] : memref<2x32xi32, #tpu.memory_space<vmem>> -> memref<1x32xi32, #tpu.memory_space<vmem>>
    %dma_wait3A_255 = tpu.memref_squeeze %dma_wait3A_254 : memref<1x32xi32, #tpu.memory_space<vmem>> -> memref<32xi32, #tpu.memory_space<vmem>>
    %dma_wait3A_256 = arith.constant 0 : i32
    %dma_wait3A_257 = arith.constant 0 : i32
    %dma_wait3A_258 = tpu.memref_slice %arg5[%dma_wait3A_256, %dma_wait3A_257] : memref<6656x1024xf32, #tpu.memory_space<hbm>> -> memref<6656x1024xf32, #tpu.memory_space<hbm>>
    %dma_wait3A_259 = tpu.memref_slice %arg11[%dma_wait3A_248] : memref<2x!tpu.dma_semaphore, #tpu.memory_space<semaphore_mem>> -> memref<1x!tpu.dma_semaphore, #tpu.memory_space<semaphore_mem>>
    %dma_wait3A_260 = tpu.memref_squeeze %dma_wait3A_259 : memref<1x!tpu.dma_semaphore, #tpu.memory_space<semaphore_mem>> -> memref<!tpu.dma_semaphore, #tpu.memory_space<semaphore_mem>>
    tpu.wait_indirect_dma semaphore(%dma_wait3A_260 : memref<!tpu.dma_semaphore, #tpu.memory_space<semaphore_mem>>) src(%dma_wait3A_252 : memref<32x1024xf32, #tpu.memory_space<vmem>>) dst(%dma_wait3A_258 : memref<6656x1024xf32, #tpu.memory_space<hbm>>)
    %dma_wait3A_261 = arith.constant 0 : i32
    %dma_wait3A_262 = arith.constant 0 : i32
    %dma_wait3A_263 = arith.constant 64 : i32
    %dma_wait3A_264 = tpu.memref_slice %arg8[%dma_wait3A_263] : memref<128xf32, #tpu.memory_space<vmem>> -> memref<32xf32, #tpu.memory_space<vmem>>
    %dma_wait3A_265 = arith.constant 0 : i32
    %dma_wait3A_266 = tpu.memref_slice %arg7[%dma_wait3A_261, %dma_wait3A_265] : memref<2x32xi32, #tpu.memory_space<vmem>> -> memref<1x32xi32, #tpu.memory_space<vmem>>
    %dma_wait3A_267 = tpu.memref_squeeze %dma_wait3A_266 : memref<1x32xi32, #tpu.memory_space<vmem>> -> memref<32xi32, #tpu.memory_space<vmem>>
    %dma_wait3A_268 = arith.constant 0 : i32
    %dma_wait3A_269 = tpu.memref_slice %arg6[%dma_wait3A_268] : memref<6656xf32, #tpu.memory_space<hbm>> -> memref<6656xf32, #tpu.memory_space<hbm>>
    %dma_wait3A_270 = tpu.memref_slice %arg11[%dma_wait3A_262] : memref<2x!tpu.dma_semaphore, #tpu.memory_space<semaphore_mem>> -> memref<1x!tpu.dma_semaphore, #tpu.memory_space<semaphore_mem>>
    %dma_wait3A_271 = tpu.memref_squeeze %dma_wait3A_270 : memref<1x!tpu.dma_semaphore, #tpu.memory_space<semaphore_mem>> -> memref<!tpu.dma_semaphore, #tpu.memory_space<semaphore_mem>>
    tpu.wait_indirect_dma semaphore(%dma_wait3A_271 : memref<!tpu.dma_semaphore, #tpu.memory_space<semaphore_mem>>) src(%dma_wait3A_264 : memref<32xf32, #tpu.memory_space<vmem>>) dst(%dma_wait3A_269 : memref<6656xf32, #tpu.memory_space<hbm>>)
    %dma_wait3A_272 = arith.constant 1 : i32
    %dma_wait3A_273 = arith.constant 1 : i32
    %dma_wait3A_274 = arith.constant 1 : i32
    %dma_wait3A_275 = arith.constant 0 : i32
    %dma_wait3A_276 = arith.constant 0 : i32
    %dma_wait3A_277 = tpu.memref_slice %arg9[%dma_wait3A_272, %dma_wait3A_275, %dma_wait3A_276] : memref<2x32x1024xf32, #tpu.memory_space<vmem>> -> memref<1x32x1024xf32, #tpu.memory_space<vmem>>
    %dma_wait3A_278 = tpu.memref_squeeze %dma_wait3A_277 : memref<1x32x1024xf32, #tpu.memory_space<vmem>> -> memref<32x1024xf32, #tpu.memory_space<vmem>>
    %dma_wait3A_279 = arith.constant 0 : i32
    %dma_wait3A_280 = tpu.memref_slice %arg7[%dma_wait3A_273, %dma_wait3A_279] : memref<2x32xi32, #tpu.memory_space<vmem>> -> memref<1x32xi32, #tpu.memory_space<vmem>>
    %dma_wait3A_281 = tpu.memref_squeeze %dma_wait3A_280 : memref<1x32xi32, #tpu.memory_space<vmem>> -> memref<32xi32, #tpu.memory_space<vmem>>
    %dma_wait3A_282 = arith.constant 0 : i32
    %dma_wait3A_283 = arith.constant 0 : i32
    %dma_wait3A_284 = tpu.memref_slice %arg5[%dma_wait3A_282, %dma_wait3A_283] : memref<6656x1024xf32, #tpu.memory_space<hbm>> -> memref<6656x1024xf32, #tpu.memory_space<hbm>>
    %dma_wait3A_285 = tpu.memref_slice %arg11[%dma_wait3A_274] : memref<2x!tpu.dma_semaphore, #tpu.memory_space<semaphore_mem>> -> memref<1x!tpu.dma_semaphore, #tpu.memory_space<semaphore_mem>>
    %dma_wait3A_286 = tpu.memref_squeeze %dma_wait3A_285 : memref<1x!tpu.dma_semaphore, #tpu.memory_space<semaphore_mem>> -> memref<!tpu.dma_semaphore, #tpu.memory_space<semaphore_mem>>
    tpu.wait_indirect_dma semaphore(%dma_wait3A_286 : memref<!tpu.dma_semaphore, #tpu.memory_space<semaphore_mem>>) src(%dma_wait3A_278 : memref<32x1024xf32, #tpu.memory_space<vmem>>) dst(%dma_wait3A_284 : memref<6656x1024xf32, #tpu.memory_space<hbm>>)
    %dma_wait3A_287 = arith.constant 1 : i32
    %dma_wait3A_288 = arith.constant 1 : i32
    %dma_wait3A_289 = arith.constant 96 : i32
    %dma_wait3A_290 = tpu.memref_slice %arg8[%dma_wait3A_289] : memref<128xf32, #tpu.memory_space<vmem>> -> memref<32xf32, #tpu.memory_space<vmem>>
    %dma_wait3A_291 = arith.constant 0 : i32
    %dma_wait3A_292 = tpu.memref_slice %arg7[%dma_wait3A_287, %dma_wait3A_291] : memref<2x32xi32, #tpu.memory_space<vmem>> -> memref<1x32xi32, #tpu.memory_space<vmem>>
    %dma_wait3A_293 = tpu.memref_squeeze %dma_wait3A_292 : memref<1x32xi32, #tpu.memory_space<vmem>> -> memref<32xi32, #tpu.memory_space<vmem>>
    %dma_wait3A_294 = arith.constant 0 : i32
    %dma_wait3A_295 = tpu.memref_slice %arg6[%dma_wait3A_294] : memref<6656xf32, #tpu.memory_space<hbm>> -> memref<6656xf32, #tpu.memory_space<hbm>>
    %dma_wait3A_296 = tpu.memref_slice %arg11[%dma_wait3A_288] : memref<2x!tpu.dma_semaphore, #tpu.memory_space<semaphore_mem>> -> memref<1x!tpu.dma_semaphore, #tpu.memory_space<semaphore_mem>>
    %dma_wait3A_297 = tpu.memref_squeeze %dma_wait3A_296 : memref<1x!tpu.dma_semaphore, #tpu.memory_space<semaphore_mem>> -> memref<!tpu.dma_semaphore, #tpu.memory_space<semaphore_mem>>
    tpu.wait_indirect_dma semaphore(%dma_wait3A_297 : memref<!tpu.dma_semaphore, #tpu.memory_space<semaphore_mem>>) src(%dma_wait3A_290 : memref<32xf32, #tpu.memory_space<vmem>>) dst(%dma_wait3A_295 : memref<6656xf32, #tpu.memory_space<hbm>>)
    return
  }
}

#map = affine_map<(d0, d1) -> (0, 0)>
#map1 = affine_map<(d0, d1) -> (0)>
module attributes {stable_mosaic.version = 14 : i64} {
  func.func @_combine_body(%arg0: i32, %arg1: i32, %arg2: memref<6656x1024xf32, #tpu.memory_space<hbm>>, %arg3: memref<4096xi32, #tpu.memory_space<hbm>>, %arg4: memref<2048x1024xf32, #tpu.memory_space<hbm>>, %arg5: memref<64xi32, #tpu.memory_space<vmem>>, %arg6: memref<64xi32, #tpu.memory_space<vmem>>, %arg7: memref<16x1024xf32, #tpu.memory_space<vmem>>, %arg8: memref<16x1024xf32, #tpu.memory_space<vmem>>, %arg9: memref<16x1024xf32, #tpu.memory_space<vmem>>, %arg10: memref<!tpu.dma_semaphore, #tpu.memory_space<semaphore_mem>>, %arg11: memref<!tpu.dma_semaphore, #tpu.memory_space<semaphore_mem>>, %arg12: memref<!tpu.dma_semaphore, #tpu.memory_space<semaphore_mem>>) attributes {dimension_semantics = [#tpu.dimension_semantics<core_parallel>, #tpu.dimension_semantics<subcore_parallel>], iteration_bounds = array<i64: 2, 16>, scalar_prefetch = 0 : i64, scratch_operands = 8 : i64, tpu.core_type = #tpu.core_type<sc_vector_subcore>, window_params = [{transform_indices = #map}, {transform_indices = #map1}, {transform_indices = #map}]} {
    %mul3A = arith.constant 1024 : i32
    %mul3A_0 = arith.muli %arg0, %mul3A : i32
    %mul3A_1 = arith.constant 64 : i32
    %mul3A_2 = arith.muli %arg1, %mul3A_1 : i32
    %add3A = arith.addi %mul3A_0, %mul3A_2 : i32
    "tpu.region"() ({
      %run_scoped3A = tpu.sem_alloc : memref<!tpu.dma_semaphore, #tpu.memory_space<semaphore_mem>>
      %dma_start3A = tpu.memref_slice %arg3[%add3A] : memref<4096xi32, #tpu.memory_space<hbm>> -> memref<64xi32, #tpu.memory_space<hbm>>
      %dma_start3A_11 = tpu.memref_slice %arg3[%add3A] : memref<4096xi32, #tpu.memory_space<hbm>> -> memref<64xi32, #tpu.memory_space<hbm>>
      tpu.enqueue_dma source(%dma_start3A_11 : memref<64xi32, #tpu.memory_space<hbm>>) target(%arg5 : memref<64xi32, #tpu.memory_space<vmem>>) target_semaphore(%run_scoped3A : memref<!tpu.dma_semaphore, #tpu.memory_space<semaphore_mem>>)
      %dma_wait3A = tpu.memref_slice %arg3[%add3A] : memref<4096xi32, #tpu.memory_space<hbm>> -> memref<64xi32, #tpu.memory_space<hbm>>
      %dma_wait3A_12 = tpu.memref_slice %arg3[%add3A] : memref<4096xi32, #tpu.memory_space<hbm>> -> memref<64xi32, #tpu.memory_space<hbm>>
      tpu.wait_dma2 semaphore(%run_scoped3A : memref<!tpu.dma_semaphore, #tpu.memory_space<semaphore_mem>>) src(%dma_wait3A_12 : memref<64xi32, #tpu.memory_space<hbm>>) dst(%arg5 : memref<64xi32, #tpu.memory_space<vmem>>)
      tpu.yield
    }) : () -> ()
    %add3A_3 = arith.constant 2048 : i32
    %add3A_4 = arith.addi %add3A_3, %add3A : i32
    "tpu.region"() ({
      %run_scoped3A = tpu.sem_alloc : memref<!tpu.dma_semaphore, #tpu.memory_space<semaphore_mem>>
      %dma_start3A = tpu.memref_slice %arg3[%add3A_4] : memref<4096xi32, #tpu.memory_space<hbm>> -> memref<64xi32, #tpu.memory_space<hbm>>
      %dma_start3A_11 = tpu.memref_slice %arg3[%add3A_4] : memref<4096xi32, #tpu.memory_space<hbm>> -> memref<64xi32, #tpu.memory_space<hbm>>
      tpu.enqueue_dma source(%dma_start3A_11 : memref<64xi32, #tpu.memory_space<hbm>>) target(%arg6 : memref<64xi32, #tpu.memory_space<vmem>>) target_semaphore(%run_scoped3A : memref<!tpu.dma_semaphore, #tpu.memory_space<semaphore_mem>>)
      %dma_wait3A = tpu.memref_slice %arg3[%add3A_4] : memref<4096xi32, #tpu.memory_space<hbm>> -> memref<64xi32, #tpu.memory_space<hbm>>
      %dma_wait3A_12 = tpu.memref_slice %arg3[%add3A_4] : memref<4096xi32, #tpu.memory_space<hbm>> -> memref<64xi32, #tpu.memory_space<hbm>>
      tpu.wait_dma2 semaphore(%run_scoped3A : memref<!tpu.dma_semaphore, #tpu.memory_space<semaphore_mem>>) src(%dma_wait3A_12 : memref<64xi32, #tpu.memory_space<hbm>>) dst(%arg6 : memref<64xi32, #tpu.memory_space<vmem>>)
      tpu.yield
    }) : () -> ()
    %scan3A = arith.constant 0 : i32
    %scan3A_5 = arith.constant 0 : i32
    %scan3A_6 = arith.constant 4 : i32
    %scan3A_7 = arith.addi %scan3A_5, %scan3A_6 : i32
    %scan3A_8 = arith.constant 1 : i32
    %scan3A_9 = scf.for %scan3A_11 = %scan3A_5 to %scan3A_7 step %scan3A_8 iter_args(%scan3A_12 = %scan3A) -> (i32)  : i32 {
      %mul3A_13 = arith.constant 16 : i32
      %mul3A_14 = arith.muli %scan3A_11, %mul3A_13 : i32
      %add3A_15 = arith.addi %add3A, %mul3A_14 : i32
      %mul3A_16 = arith.constant 16 : i32
      %mul3A_17 = arith.muli %scan3A_11, %mul3A_16 : i32
      %get3A = arith.index_cast %mul3A_17 : i32 to index
      %get3A_18 = tpu.vector_load %arg5[%get3A] {strides = array<i32>} : memref<64xi32, #tpu.memory_space<vmem>>, vector<16xi32>,
      %get3A_19 = vector.shape_cast %get3A_18 : vector<16xi32> to vector<16xi32>
      %mul3A_20 = arith.constant 16 : i32
      %mul3A_21 = arith.muli %scan3A_11, %mul3A_20 : i32
      %get3A_22 = arith.index_cast %mul3A_21 : i32 to index
      %get3A_23 = tpu.vector_load %arg6[%get3A_22] {strides = array<i32>} : memref<64xi32, #tpu.memory_space<vmem>>, vector<16xi32>,
      %get3A_24 = vector.shape_cast %get3A_23 : vector<16xi32> to vector<16xi32>
      %add3A_25 = arith.constant 4352 : i32
      %add3A_26 = arith.addi %add3A_25, %add3A_15 : i32
      %dma_start3A = arith.constant 0 : i32
      %dma_start3A_27 = tpu.memref_slice %arg2[%add3A_26, %dma_start3A] : memref<6656x1024xf32, #tpu.memory_space<hbm>> -> memref<16x1024xf32, #tpu.memory_space<hbm>>
      %dma_start3A_28 = arith.constant 0 : i32
      %dma_start3A_29 = tpu.memref_slice %arg2[%add3A_26, %dma_start3A_28] : memref<6656x1024xf32, #tpu.memory_space<hbm>> -> memref<16x1024xf32, #tpu.memory_space<hbm>>
      tpu.enqueue_dma source(%dma_start3A_29 : memref<16x1024xf32, #tpu.memory_space<hbm>>) target(%arg7 : memref<16x1024xf32, #tpu.memory_space<vmem>>) target_semaphore(%arg10 : memref<!tpu.dma_semaphore, #tpu.memory_space<semaphore_mem>>)
      %dma_start3A_30 = arith.constant 0 : i32
      %dma_start3A_31 = arith.constant 0 : i32
      %dma_start3A_32 = tpu.memref_slice %arg2[%dma_start3A_30, %dma_start3A_31] : memref<6656x1024xf32, #tpu.memory_space<hbm>> -> memref<6656x1024xf32, #tpu.memory_space<hbm>>
      tpu.enqueue_indirect_dma source(%dma_start3A_32 : memref<6656x1024xf32, #tpu.memory_space<hbm>>) target(%arg8 : memref<16x1024xf32, #tpu.memory_space<vmem>>) offsets(%get3A_19 : vector<16xi32>) semaphore(%arg11 : memref<!tpu.dma_semaphore, #tpu.memory_space<semaphore_mem>>)
      %dma_start3A_33 = arith.constant 0 : i32
      %dma_start3A_34 = arith.constant 0 : i32
      %dma_start3A_35 = tpu.memref_slice %arg2[%dma_start3A_33, %dma_start3A_34] : memref<6656x1024xf32, #tpu.memory_space<hbm>> -> memref<6656x1024xf32, #tpu.memory_space<hbm>>
      tpu.enqueue_indirect_dma source(%dma_start3A_35 : memref<6656x1024xf32, #tpu.memory_space<hbm>>) target(%arg9 : memref<16x1024xf32, #tpu.memory_space<vmem>>) offsets(%get3A_24 : vector<16xi32>) semaphore(%arg12 : memref<!tpu.dma_semaphore, #tpu.memory_space<semaphore_mem>>)
      %dma_wait3A = arith.constant 0 : i32
      %dma_wait3A_36 = tpu.memref_slice %arg2[%add3A_26, %dma_wait3A] : memref<6656x1024xf32, #tpu.memory_space<hbm>> -> memref<16x1024xf32, #tpu.memory_space<hbm>>
      %dma_wait3A_37 = arith.constant 0 : i32
      %dma_wait3A_38 = tpu.memref_slice %arg2[%add3A_26, %dma_wait3A_37] : memref<6656x1024xf32, #tpu.memory_space<hbm>> -> memref<16x1024xf32, #tpu.memory_space<hbm>>
      tpu.wait_dma2 semaphore(%arg10 : memref<!tpu.dma_semaphore, #tpu.memory_space<semaphore_mem>>) src(%dma_wait3A_38 : memref<16x1024xf32, #tpu.memory_space<hbm>>) dst(%arg7 : memref<16x1024xf32, #tpu.memory_space<vmem>>)
      %dma_wait3A_39 = arith.constant 0 : i32
      %dma_wait3A_40 = arith.constant 0 : i32
      %dma_wait3A_41 = tpu.memref_slice %arg2[%dma_wait3A_39, %dma_wait3A_40] : memref<6656x1024xf32, #tpu.memory_space<hbm>> -> memref<6656x1024xf32, #tpu.memory_space<hbm>>
      tpu.wait_indirect_dma semaphore(%arg11 : memref<!tpu.dma_semaphore, #tpu.memory_space<semaphore_mem>>) src(%dma_wait3A_41 : memref<6656x1024xf32, #tpu.memory_space<hbm>>) dst(%arg8 : memref<16x1024xf32, #tpu.memory_space<vmem>>)
      %dma_wait3A_42 = arith.constant 0 : i32
      %dma_wait3A_43 = arith.constant 0 : i32
      %dma_wait3A_44 = tpu.memref_slice %arg2[%dma_wait3A_42, %dma_wait3A_43] : memref<6656x1024xf32, #tpu.memory_space<hbm>> -> memref<6656x1024xf32, #tpu.memory_space<hbm>>
      tpu.wait_indirect_dma semaphore(%arg12 : memref<!tpu.dma_semaphore, #tpu.memory_space<semaphore_mem>>) src(%dma_wait3A_44 : memref<6656x1024xf32, #tpu.memory_space<hbm>>) dst(%arg9 : memref<16x1024xf32, #tpu.memory_space<vmem>>)
      %scan3A_45 = arith.constant 0 : i32
      %scan3A_46 = arith.constant 0 : i32
      %scan3A_47 = arith.constant 16 : i32
      %scan3A_48 = arith.addi %scan3A_46, %scan3A_47 : i32
      %scan3A_49 = arith.constant 1 : i32
      %scan3A_50 = scf.for %scan3A_53 = %scan3A_46 to %scan3A_48 step %scan3A_49 iter_args(%scan3A_54 = %scan3A_45) -> (i32)  : i32 {
        %get3A_55 = arith.index_cast %scan3A_53 : i32 to index
        %get3A_56 = arith.constant 0 : index
        %get3A_57 = tpu.vector_load %arg7[%get3A_55, %get3A_56] {strides = array<i32>} : memref<16x1024xf32, #tpu.memory_space<vmem>>, vector<1x16xf32>,
        %get3A_58 = vector.shape_cast %get3A_57 : vector<1x16xf32> to vector<16xf32>
        %get3A_59 = arith.index_cast %scan3A_53 : i32 to index
        %get3A_60 = arith.constant 0 : index
        %get3A_61 = tpu.vector_load %arg8[%get3A_59, %get3A_60] {strides = array<i32>} : memref<16x1024xf32, #tpu.memory_space<vmem>>, vector<1x16xf32>,
        %get3A_62 = vector.shape_cast %get3A_61 : vector<1x16xf32> to vector<16xf32>
        %add3A_63 = arith.addf %get3A_58, %get3A_62 : vector<16xf32>
        %get3A_64 = arith.index_cast %scan3A_53 : i32 to index
        %get3A_65 = arith.constant 0 : index
        %get3A_66 = tpu.vector_load %arg9[%get3A_64, %get3A_65] {strides = array<i32>} : memref<16x1024xf32, #tpu.memory_space<vmem>>, vector<1x16xf32>,
        %get3A_67 = vector.shape_cast %get3A_66 : vector<1x16xf32> to vector<16xf32>
        %add3A_68 = arith.addf %add3A_63, %get3A_67 : vector<16xf32>
        %swap3A = arith.index_cast %scan3A_53 : i32 to index
        %swap3A_69 = arith.constant 0 : index
        %swap3A_70 = tpu.vector_load %arg7[%swap3A, %swap3A_69] {strides = array<i32>} : memref<16x1024xf32, #tpu.memory_space<vmem>>, vector<1x16xf32>,
        %swap3A_71 = vector.shape_cast %swap3A_70 : vector<1x16xf32> to vector<16xf32>
        %swap3A_72 = vector.shape_cast %add3A_68 : vector<16xf32> to vector<1x16xf32>
        tpu.vector_store %arg7[%swap3A, %swap3A_69], %swap3A_72 {strides = array<i32>} : memref<16x1024xf32, #tpu.memory_space<vmem>>, vector<1x16xf32>,
        %get3A_73 = arith.index_cast %scan3A_53 : i32 to index
        %get3A_74 = arith.constant 16 : index
        %get3A_75 = tpu.vector_load %arg7[%get3A_73, %get3A_74] {strides = array<i32>} : memref<16x1024xf32, #tpu.memory_space<vmem>>, vector<1x16xf32>,
        %get3A_76 = vector.shape_cast %get3A_75 : vector<1x16xf32> to vector<16xf32>
        %get3A_77 = arith.index_cast %scan3A_53 : i32 to index
        %get3A_78 = arith.constant 16 : index
        %get3A_79 = tpu.vector_load %arg8[%get3A_77, %get3A_78] {strides = array<i32>} : memref<16x1024xf32, #tpu.memory_space<vmem>>, vector<1x16xf32>,
        %get3A_80 = vector.shape_cast %get3A_79 : vector<1x16xf32> to vector<16xf32>
        %add3A_81 = arith.addf %get3A_76, %get3A_80 : vector<16xf32>
        %get3A_82 = arith.index_cast %scan3A_53 : i32 to index
        %get3A_83 = arith.constant 16 : index
        %get3A_84 = tpu.vector_load %arg9[%get3A_82, %get3A_83] {strides = array<i32>} : memref<16x1024xf32, #tpu.memory_space<vmem>>, vector<1x16xf32>,
        %get3A_85 = vector.shape_cast %get3A_84 : vector<1x16xf32> to vector<16xf32>
        %add3A_86 = arith.addf %add3A_81, %get3A_85 : vector<16xf32>
        %swap3A_87 = arith.index_cast %scan3A_53 : i32 to index
        %swap3A_88 = arith.constant 16 : index
        %swap3A_89 = tpu.vector_load %arg7[%swap3A_87, %swap3A_88] {strides = array<i32>} : memref<16x1024xf32, #tpu.memory_space<vmem>>, vector<1x16xf32>,
        %swap3A_90 = vector.shape_cast %swap3A_89 : vector<1x16xf32> to vector<16xf32>
        %swap3A_91 = vector.shape_cast %add3A_86 : vector<16xf32> to vector<1x16xf32>
        tpu.vector_store %arg7[%swap3A_87, %swap3A_88], %swap3A_91 {strides = array<i32>} : memref<16x1024xf32, #tpu.memory_space<vmem>>, vector<1x16xf32>,
        %get3A_92 = arith.index_cast %scan3A_53 : i32 to index
        %get3A_93 = arith.constant 32 : index
        %get3A_94 = tpu.vector_load %arg7[%get3A_92, %get3A_93] {strides = array<i32>} : memref<16x1024xf32, #tpu.memory_space<vmem>>, vector<1x16xf32>,
        %get3A_95 = vector.shape_cast %get3A_94 : vector<1x16xf32> to vector<16xf32>
        %get3A_96 = arith.index_cast %scan3A_53 : i32 to index
        %get3A_97 = arith.constant 32 : index
        %get3A_98 = tpu.vector_load %arg8[%get3A_96, %get3A_97] {strides = array<i32>} : memref<16x1024xf32, #tpu.memory_space<vmem>>, vector<1x16xf32>,
        %get3A_99 = vector.shape_cast %get3A_98 : vector<1x16xf32> to vector<16xf32>
        %add3A_100 = arith.addf %get3A_95, %get3A_99 : vector<16xf32>
        %get3A_101 = arith.index_cast %scan3A_53 : i32 to index
        %get3A_102 = arith.constant 32 : index
        %get3A_103 = tpu.vector_load %arg9[%get3A_101, %get3A_102] {strides = array<i32>} : memref<16x1024xf32, #tpu.memory_space<vmem>>, vector<1x16xf32>,
        %get3A_104 = vector.shape_cast %get3A_103 : vector<1x16xf32> to vector<16xf32>
        %add3A_105 = arith.addf %add3A_100, %get3A_104 : vector<16xf32>
        %swap3A_106 = arith.index_cast %scan3A_53 : i32 to index
        %swap3A_107 = arith.constant 32 : index
        %swap3A_108 = tpu.vector_load %arg7[%swap3A_106, %swap3A_107] {strides = array<i32>} : memref<16x1024xf32, #tpu.memory_space<vmem>>, vector<1x16xf32>,
        %swap3A_109 = vector.shape_cast %swap3A_108 : vector<1x16xf32> to vector<16xf32>
        %swap3A_110 = vector.shape_cast %add3A_105 : vector<16xf32> to vector<1x16xf32>
        tpu.vector_store %arg7[%swap3A_106, %swap3A_107], %swap3A_110 {strides = array<i32>} : memref<16x1024xf32, #tpu.memory_space<vmem>>, vector<1x16xf32>,
        %get3A_111 = arith.index_cast %scan3A_53 : i32 to index
        %get3A_112 = arith.constant 48 : index
        %get3A_113 = tpu.vector_load %arg7[%get3A_111, %get3A_112] {strides = array<i32>} : memref<16x1024xf32, #tpu.memory_space<vmem>>, vector<1x16xf32>,
        %get3A_114 = vector.shape_cast %get3A_113 : vector<1x16xf32> to vector<16xf32>
        %get3A_115 = arith.index_cast %scan3A_53 : i32 to index
        %get3A_116 = arith.constant 48 : index
        %get3A_117 = tpu.vector_load %arg8[%get3A_115, %get3A_116] {strides = array<i32>} : memref<16x1024xf32, #tpu.memory_space<vmem>>, vector<1x16xf32>,
        %get3A_118 = vector.shape_cast %get3A_117 : vector<1x16xf32> to vector<16xf32>
        %add3A_119 = arith.addf %get3A_114, %get3A_118 : vector<16xf32>
        %get3A_120 = arith.index_cast %scan3A_53 : i32 to index
        %get3A_121 = arith.constant 48 : index
        %get3A_122 = tpu.vector_load %arg9[%get3A_120, %get3A_121] {strides = array<i32>} : memref<16x1024xf32, #tpu.memory_space<vmem>>, vector<1x16xf32>,
        %get3A_123 = vector.shape_cast %get3A_122 : vector<1x16xf32> to vector<16xf32>
        %add3A_124 = arith.addf %add3A_119, %get3A_123 : vector<16xf32>
        %swap3A_125 = arith.index_cast %scan3A_53 : i32 to index
        %swap3A_126 = arith.constant 48 : index
        %swap3A_127 = tpu.vector_load %arg7[%swap3A_125, %swap3A_126] {strides = array<i32>} : memref<16x1024xf32, #tpu.memory_space<vmem>>, vector<1x16xf32>,
        %swap3A_128 = vector.shape_cast %swap3A_127 : vector<1x16xf32> to vector<16xf32>
        %swap3A_129 = vector.shape_cast %add3A_124 : vector<16xf32> to vector<1x16xf32>
        tpu.vector_store %arg7[%swap3A_125, %swap3A_126], %swap3A_129 {strides = array<i32>} : memref<16x1024xf32, #tpu.memory_space<vmem>>, vector<1x16xf32>,
        %get3A_130 = arith.index_cast %scan3A_53 : i32 to index
        %get3A_131 = arith.constant 64 : index
        %get3A_132 = tpu.vector_load %arg7[%get3A_130, %get3A_131] {strides = array<i32>} : memref<16x1024xf32, #tpu.memory_space<vmem>>, vector<1x16xf32>,
        %get3A_133 = vector.shape_cast %get3A_132 : vector<1x16xf32> to vector<16xf32>
        %get3A_134 = arith.index_cast %scan3A_53 : i32 to index
        %get3A_135 = arith.constant 64 : index
        %get3A_136 = tpu.vector_load %arg8[%get3A_134, %get3A_135] {strides = array<i32>} : memref<16x1024xf32, #tpu.memory_space<vmem>>, vector<1x16xf32>,
        %get3A_137 = vector.shape_cast %get3A_136 : vector<1x16xf32> to vector<16xf32>
        %add3A_138 = arith.addf %get3A_133, %get3A_137 : vector<16xf32>
        %get3A_139 = arith.index_cast %scan3A_53 : i32 to index
        %get3A_140 = arith.constant 64 : index
        %get3A_141 = tpu.vector_load %arg9[%get3A_139, %get3A_140] {strides = array<i32>} : memref<16x1024xf32, #tpu.memory_space<vmem>>, vector<1x16xf32>,
        %get3A_142 = vector.shape_cast %get3A_141 : vector<1x16xf32> to vector<16xf32>
        %add3A_143 = arith.addf %add3A_138, %get3A_142 : vector<16xf32>
        %swap3A_144 = arith.index_cast %scan3A_53 : i32 to index
        %swap3A_145 = arith.constant 64 : index
        %swap3A_146 = tpu.vector_load %arg7[%swap3A_144, %swap3A_145] {strides = array<i32>} : memref<16x1024xf32, #tpu.memory_space<vmem>>, vector<1x16xf32>,
        %swap3A_147 = vector.shape_cast %swap3A_146 : vector<1x16xf32> to vector<16xf32>
        %swap3A_148 = vector.shape_cast %add3A_143 : vector<16xf32> to vector<1x16xf32>
        tpu.vector_store %arg7[%swap3A_144, %swap3A_145], %swap3A_148 {strides = array<i32>} : memref<16x1024xf32, #tpu.memory_space<vmem>>, vector<1x16xf32>,
        %get3A_149 = arith.index_cast %scan3A_53 : i32 to index
        %get3A_150 = arith.constant 80 : index
        %get3A_151 = tpu.vector_load %arg7[%get3A_149, %get3A_150] {strides = array<i32>} : memref<16x1024xf32, #tpu.memory_space<vmem>>, vector<1x16xf32>,
        %get3A_152 = vector.shape_cast %get3A_151 : vector<1x16xf32> to vector<16xf32>
        %get3A_153 = arith.index_cast %scan3A_53 : i32 to index
        %get3A_154 = arith.constant 80 : index
        %get3A_155 = tpu.vector_load %arg8[%get3A_153, %get3A_154] {strides = array<i32>} : memref<16x1024xf32, #tpu.memory_space<vmem>>, vector<1x16xf32>,
        %get3A_156 = vector.shape_cast %get3A_155 : vector<1x16xf32> to vector<16xf32>
        %add3A_157 = arith.addf %get3A_152, %get3A_156 : vector<16xf32>
        %get3A_158 = arith.index_cast %scan3A_53 : i32 to index
        %get3A_159 = arith.constant 80 : index
        %get3A_160 = tpu.vector_load %arg9[%get3A_158, %get3A_159] {strides = array<i32>} : memref<16x1024xf32, #tpu.memory_space<vmem>>, vector<1x16xf32>,
        %get3A_161 = vector.shape_cast %get3A_160 : vector<1x16xf32> to vector<16xf32>
        %add3A_162 = arith.addf %add3A_157, %get3A_161 : vector<16xf32>
        %swap3A_163 = arith.index_cast %scan3A_53 : i32 to index
        %swap3A_164 = arith.constant 80 : index
        %swap3A_165 = tpu.vector_load %arg7[%swap3A_163, %swap3A_164] {strides = array<i32>} : memref<16x1024xf32, #tpu.memory_space<vmem>>, vector<1x16xf32>,
        %swap3A_166 = vector.shape_cast %swap3A_165 : vector<1x16xf32> to vector<16xf32>
        %swap3A_167 = vector.shape_cast %add3A_162 : vector<16xf32> to vector<1x16xf32>
        tpu.vector_store %arg7[%swap3A_163, %swap3A_164], %swap3A_167 {strides = array<i32>} : memref<16x1024xf32, #tpu.memory_space<vmem>>, vector<1x16xf32>,
        %get3A_168 = arith.index_cast %scan3A_53 : i32 to index
        %get3A_169 = arith.constant 96 : index
        %get3A_170 = tpu.vector_load %arg7[%get3A_168, %get3A_169] {strides = array<i32>} : memref<16x1024xf32, #tpu.memory_space<vmem>>, vector<1x16xf32>,
        %get3A_171 = vector.shape_cast %get3A_170 : vector<1x16xf32> to vector<16xf32>
        %get3A_172 = arith.index_cast %scan3A_53 : i32 to index
        %get3A_173 = arith.constant 96 : index
        %get3A_174 = tpu.vector_load %arg8[%get3A_172, %get3A_173] {strides = array<i32>} : memref<16x1024xf32, #tpu.memory_space<vmem>>, vector<1x16xf32>,
        %get3A_175 = vector.shape_cast %get3A_174 : vector<1x16xf32> to vector<16xf32>
        %add3A_176 = arith.addf %get3A_171, %get3A_175 : vector<16xf32>
        %get3A_177 = arith.index_cast %scan3A_53 : i32 to index
        %get3A_178 = arith.constant 96 : index
        %get3A_179 = tpu.vector_load %arg9[%get3A_177, %get3A_178] {strides = array<i32>} : memref<16x1024xf32, #tpu.memory_space<vmem>>, vector<1x16xf32>,
        %get3A_180 = vector.shape_cast %get3A_179 : vector<1x16xf32> to vector<16xf32>
        %add3A_181 = arith.addf %add3A_176, %get3A_180 : vector<16xf32>
        %swap3A_182 = arith.index_cast %scan3A_53 : i32 to index
        %swap3A_183 = arith.constant 96 : index
        %swap3A_184 = tpu.vector_load %arg7[%swap3A_182, %swap3A_183] {strides = array<i32>} : memref<16x1024xf32, #tpu.memory_space<vmem>>, vector<1x16xf32>,
        %swap3A_185 = vector.shape_cast %swap3A_184 : vector<1x16xf32> to vector<16xf32>
        %swap3A_186 = vector.shape_cast %add3A_181 : vector<16xf32> to vector<1x16xf32>
        tpu.vector_store %arg7[%swap3A_182, %swap3A_183], %swap3A_186 {strides = array<i32>} : memref<16x1024xf32, #tpu.memory_space<vmem>>, vector<1x16xf32>,
        %get3A_187 = arith.index_cast %scan3A_53 : i32 to index
        %get3A_188 = arith.constant 112 : index
        %get3A_189 = tpu.vector_load %arg7[%get3A_187, %get3A_188] {strides = array<i32>} : memref<16x1024xf32, #tpu.memory_space<vmem>>, vector<1x16xf32>,
        %get3A_190 = vector.shape_cast %get3A_189 : vector<1x16xf32> to vector<16xf32>
        %get3A_191 = arith.index_cast %scan3A_53 : i32 to index
        %get3A_192 = arith.constant 112 : index
        %get3A_193 = tpu.vector_load %arg8[%get3A_191, %get3A_192] {strides = array<i32>} : memref<16x1024xf32, #tpu.memory_space<vmem>>, vector<1x16xf32>,
        %get3A_194 = vector.shape_cast %get3A_193 : vector<1x16xf32> to vector<16xf32>
        %add3A_195 = arith.addf %get3A_190, %get3A_194 : vector<16xf32>
        %get3A_196 = arith.index_cast %scan3A_53 : i32 to index
        %get3A_197 = arith.constant 112 : index
        %get3A_198 = tpu.vector_load %arg9[%get3A_196, %get3A_197] {strides = array<i32>} : memref<16x1024xf32, #tpu.memory_space<vmem>>, vector<1x16xf32>,
        %get3A_199 = vector.shape_cast %get3A_198 : vector<1x16xf32> to vector<16xf32>
        %add3A_200 = arith.addf %add3A_195, %get3A_199 : vector<16xf32>
        %swap3A_201 = arith.index_cast %scan3A_53 : i32 to index
        %swap3A_202 = arith.constant 112 : index
        %swap3A_203 = tpu.vector_load %arg7[%swap3A_201, %swap3A_202] {strides = array<i32>} : memref<16x1024xf32, #tpu.memory_space<vmem>>, vector<1x16xf32>,
        %swap3A_204 = vector.shape_cast %swap3A_203 : vector<1x16xf32> to vector<16xf32>
        %swap3A_205 = vector.shape_cast %add3A_200 : vector<16xf32> to vector<1x16xf32>
        tpu.vector_store %arg7[%swap3A_201, %swap3A_202], %swap3A_205 {strides = array<i32>} : memref<16x1024xf32, #tpu.memory_space<vmem>>, vector<1x16xf32>,
        %get3A_206 = arith.index_cast %scan3A_53 : i32 to index
        %get3A_207 = arith.constant 128 : index
        %get3A_208 = tpu.vector_load %arg7[%get3A_206, %get3A_207] {strides = array<i32>} : memref<16x1024xf32, #tpu.memory_space<vmem>>, vector<1x16xf32>,
        %get3A_209 = vector.shape_cast %get3A_208 : vector<1x16xf32> to vector<16xf32>
        %get3A_210 = arith.index_cast %scan3A_53 : i32 to index
        %get3A_211 = arith.constant 128 : index
        %get3A_212 = tpu.vector_load %arg8[%get3A_210, %get3A_211] {strides = array<i32>} : memref<16x1024xf32, #tpu.memory_space<vmem>>, vector<1x16xf32>,
        %get3A_213 = vector.shape_cast %get3A_212 : vector<1x16xf32> to vector<16xf32>
        %add3A_214 = arith.addf %get3A_209, %get3A_213 : vector<16xf32>
        %get3A_215 = arith.index_cast %scan3A_53 : i32 to index
        %get3A_216 = arith.constant 128 : index
        %get3A_217 = tpu.vector_load %arg9[%get3A_215, %get3A_216] {strides = array<i32>} : memref<16x1024xf32, #tpu.memory_space<vmem>>, vector<1x16xf32>,
        %get3A_218 = vector.shape_cast %get3A_217 : vector<1x16xf32> to vector<16xf32>
        %add3A_219 = arith.addf %add3A_214, %get3A_218 : vector<16xf32>
        %swap3A_220 = arith.index_cast %scan3A_53 : i32 to index
        %swap3A_221 = arith.constant 128 : index
        %swap3A_222 = tpu.vector_load %arg7[%swap3A_220, %swap3A_221] {strides = array<i32>} : memref<16x1024xf32, #tpu.memory_space<vmem>>, vector<1x16xf32>,
        %swap3A_223 = vector.shape_cast %swap3A_222 : vector<1x16xf32> to vector<16xf32>
        %swap3A_224 = vector.shape_cast %add3A_219 : vector<16xf32> to vector<1x16xf32>
        tpu.vector_store %arg7[%swap3A_220, %swap3A_221], %swap3A_224 {strides = array<i32>} : memref<16x1024xf32, #tpu.memory_space<vmem>>, vector<1x16xf32>,
        %get3A_225 = arith.index_cast %scan3A_53 : i32 to index
        %get3A_226 = arith.constant 144 : index
        %get3A_227 = tpu.vector_load %arg7[%get3A_225, %get3A_226] {strides = array<i32>} : memref<16x1024xf32, #tpu.memory_space<vmem>>, vector<1x16xf32>,
        %get3A_228 = vector.shape_cast %get3A_227 : vector<1x16xf32> to vector<16xf32>
        %get3A_229 = arith.index_cast %scan3A_53 : i32 to index
        %get3A_230 = arith.constant 144 : index
        %get3A_231 = tpu.vector_load %arg8[%get3A_229, %get3A_230] {strides = array<i32>} : memref<16x1024xf32, #tpu.memory_space<vmem>>, vector<1x16xf32>,
        %get3A_232 = vector.shape_cast %get3A_231 : vector<1x16xf32> to vector<16xf32>
        %add3A_233 = arith.addf %get3A_228, %get3A_232 : vector<16xf32>
        %get3A_234 = arith.index_cast %scan3A_53 : i32 to index
        %get3A_235 = arith.constant 144 : index
        %get3A_236 = tpu.vector_load %arg9[%get3A_234, %get3A_235] {strides = array<i32>} : memref<16x1024xf32, #tpu.memory_space<vmem>>, vector<1x16xf32>,
        %get3A_237 = vector.shape_cast %get3A_236 : vector<1x16xf32> to vector<16xf32>
        %add3A_238 = arith.addf %add3A_233, %get3A_237 : vector<16xf32>
        %swap3A_239 = arith.index_cast %scan3A_53 : i32 to index
        %swap3A_240 = arith.constant 144 : index
        %swap3A_241 = tpu.vector_load %arg7[%swap3A_239, %swap3A_240] {strides = array<i32>} : memref<16x1024xf32, #tpu.memory_space<vmem>>, vector<1x16xf32>,
        %swap3A_242 = vector.shape_cast %swap3A_241 : vector<1x16xf32> to vector<16xf32>
        %swap3A_243 = vector.shape_cast %add3A_238 : vector<16xf32> to vector<1x16xf32>
        tpu.vector_store %arg7[%swap3A_239, %swap3A_240], %swap3A_243 {strides = array<i32>} : memref<16x1024xf32, #tpu.memory_space<vmem>>, vector<1x16xf32>,
        %get3A_244 = arith.index_cast %scan3A_53 : i32 to index
        %get3A_245 = arith.constant 160 : index
        %get3A_246 = tpu.vector_load %arg7[%get3A_244, %get3A_245] {strides = array<i32>} : memref<16x1024xf32, #tpu.memory_space<vmem>>, vector<1x16xf32>,
        %get3A_247 = vector.shape_cast %get3A_246 : vector<1x16xf32> to vector<16xf32>
        %get3A_248 = arith.index_cast %scan3A_53 : i32 to index
        %get3A_249 = arith.constant 160 : index
        %get3A_250 = tpu.vector_load %arg8[%get3A_248, %get3A_249] {strides = array<i32>} : memref<16x1024xf32, #tpu.memory_space<vmem>>, vector<1x16xf32>,
        %get3A_251 = vector.shape_cast %get3A_250 : vector<1x16xf32> to vector<16xf32>
        %add3A_252 = arith.addf %get3A_247, %get3A_251 : vector<16xf32>
        %get3A_253 = arith.index_cast %scan3A_53 : i32 to index
        %get3A_254 = arith.constant 160 : index
        %get3A_255 = tpu.vector_load %arg9[%get3A_253, %get3A_254] {strides = array<i32>} : memref<16x1024xf32, #tpu.memory_space<vmem>>, vector<1x16xf32>,
        %get3A_256 = vector.shape_cast %get3A_255 : vector<1x16xf32> to vector<16xf32>
        %add3A_257 = arith.addf %add3A_252, %get3A_256 : vector<16xf32>
        %swap3A_258 = arith.index_cast %scan3A_53 : i32 to index
        %swap3A_259 = arith.constant 160 : index
        %swap3A_260 = tpu.vector_load %arg7[%swap3A_258, %swap3A_259] {strides = array<i32>} : memref<16x1024xf32, #tpu.memory_space<vmem>>, vector<1x16xf32>,
        %swap3A_261 = vector.shape_cast %swap3A_260 : vector<1x16xf32> to vector<16xf32>
        %swap3A_262 = vector.shape_cast %add3A_257 : vector<16xf32> to vector<1x16xf32>
        tpu.vector_store %arg7[%swap3A_258, %swap3A_259], %swap3A_262 {strides = array<i32>} : memref<16x1024xf32, #tpu.memory_space<vmem>>, vector<1x16xf32>,
        %get3A_263 = arith.index_cast %scan3A_53 : i32 to index
        %get3A_264 = arith.constant 176 : index
        %get3A_265 = tpu.vector_load %arg7[%get3A_263, %get3A_264] {strides = array<i32>} : memref<16x1024xf32, #tpu.memory_space<vmem>>, vector<1x16xf32>,
        %get3A_266 = vector.shape_cast %get3A_265 : vector<1x16xf32> to vector<16xf32>
        %get3A_267 = arith.index_cast %scan3A_53 : i32 to index
        %get3A_268 = arith.constant 176 : index
        %get3A_269 = tpu.vector_load %arg8[%get3A_267, %get3A_268] {strides = array<i32>} : memref<16x1024xf32, #tpu.memory_space<vmem>>, vector<1x16xf32>,
        %get3A_270 = vector.shape_cast %get3A_269 : vector<1x16xf32> to vector<16xf32>
        %add3A_271 = arith.addf %get3A_266, %get3A_270 : vector<16xf32>
        %get3A_272 = arith.index_cast %scan3A_53 : i32 to index
        %get3A_273 = arith.constant 176 : index
        %get3A_274 = tpu.vector_load %arg9[%get3A_272, %get3A_273] {strides = array<i32>} : memref<16x1024xf32, #tpu.memory_space<vmem>>, vector<1x16xf32>,
        %get3A_275 = vector.shape_cast %get3A_274 : vector<1x16xf32> to vector<16xf32>
        %add3A_276 = arith.addf %add3A_271, %get3A_275 : vector<16xf32>
        %swap3A_277 = arith.index_cast %scan3A_53 : i32 to index
        %swap3A_278 = arith.constant 176 : index
        %swap3A_279 = tpu.vector_load %arg7[%swap3A_277, %swap3A_278] {strides = array<i32>} : memref<16x1024xf32, #tpu.memory_space<vmem>>, vector<1x16xf32>,
        %swap3A_280 = vector.shape_cast %swap3A_279 : vector<1x16xf32> to vector<16xf32>
        %swap3A_281 = vector.shape_cast %add3A_276 : vector<16xf32> to vector<1x16xf32>
        tpu.vector_store %arg7[%swap3A_277, %swap3A_278], %swap3A_281 {strides = array<i32>} : memref<16x1024xf32, #tpu.memory_space<vmem>>, vector<1x16xf32>,
        %get3A_282 = arith.index_cast %scan3A_53 : i32 to index
        %get3A_283 = arith.constant 192 : index
        %get3A_284 = tpu.vector_load %arg7[%get3A_282, %get3A_283] {strides = array<i32>} : memref<16x1024xf32, #tpu.memory_space<vmem>>, vector<1x16xf32>,
        %get3A_285 = vector.shape_cast %get3A_284 : vector<1x16xf32> to vector<16xf32>
        %get3A_286 = arith.index_cast %scan3A_53 : i32 to index
        %get3A_287 = arith.constant 192 : index
        %get3A_288 = tpu.vector_load %arg8[%get3A_286, %get3A_287] {strides = array<i32>} : memref<16x1024xf32, #tpu.memory_space<vmem>>, vector<1x16xf32>,
        %get3A_289 = vector.shape_cast %get3A_288 : vector<1x16xf32> to vector<16xf32>
        %add3A_290 = arith.addf %get3A_285, %get3A_289 : vector<16xf32>
        %get3A_291 = arith.index_cast %scan3A_53 : i32 to index
        %get3A_292 = arith.constant 192 : index
        %get3A_293 = tpu.vector_load %arg9[%get3A_291, %get3A_292] {strides = array<i32>} : memref<16x1024xf32, #tpu.memory_space<vmem>>, vector<1x16xf32>,
        %get3A_294 = vector.shape_cast %get3A_293 : vector<1x16xf32> to vector<16xf32>
        %add3A_295 = arith.addf %add3A_290, %get3A_294 : vector<16xf32>
        %swap3A_296 = arith.index_cast %scan3A_53 : i32 to index
        %swap3A_297 = arith.constant 192 : index
        %swap3A_298 = tpu.vector_load %arg7[%swap3A_296, %swap3A_297] {strides = array<i32>} : memref<16x1024xf32, #tpu.memory_space<vmem>>, vector<1x16xf32>,
        %swap3A_299 = vector.shape_cast %swap3A_298 : vector<1x16xf32> to vector<16xf32>
        %swap3A_300 = vector.shape_cast %add3A_295 : vector<16xf32> to vector<1x16xf32>
        tpu.vector_store %arg7[%swap3A_296, %swap3A_297], %swap3A_300 {strides = array<i32>} : memref<16x1024xf32, #tpu.memory_space<vmem>>, vector<1x16xf32>,
        %get3A_301 = arith.index_cast %scan3A_53 : i32 to index
        %get3A_302 = arith.constant 208 : index
        %get3A_303 = tpu.vector_load %arg7[%get3A_301, %get3A_302] {strides = array<i32>} : memref<16x1024xf32, #tpu.memory_space<vmem>>, vector<1x16xf32>,
        %get3A_304 = vector.shape_cast %get3A_303 : vector<1x16xf32> to vector<16xf32>
        %get3A_305 = arith.index_cast %scan3A_53 : i32 to index
        %get3A_306 = arith.constant 208 : index
        %get3A_307 = tpu.vector_load %arg8[%get3A_305, %get3A_306] {strides = array<i32>} : memref<16x1024xf32, #tpu.memory_space<vmem>>, vector<1x16xf32>,
        %get3A_308 = vector.shape_cast %get3A_307 : vector<1x16xf32> to vector<16xf32>
        %add3A_309 = arith.addf %get3A_304, %get3A_308 : vector<16xf32>
        %get3A_310 = arith.index_cast %scan3A_53 : i32 to index
        %get3A_311 = arith.constant 208 : index
        %get3A_312 = tpu.vector_load %arg9[%get3A_310, %get3A_311] {strides = array<i32>} : memref<16x1024xf32, #tpu.memory_space<vmem>>, vector<1x16xf32>,
        %get3A_313 = vector.shape_cast %get3A_312 : vector<1x16xf32> to vector<16xf32>
        %add3A_314 = arith.addf %add3A_309, %get3A_313 : vector<16xf32>
        %swap3A_315 = arith.index_cast %scan3A_53 : i32 to index
        %swap3A_316 = arith.constant 208 : index
        %swap3A_317 = tpu.vector_load %arg7[%swap3A_315, %swap3A_316] {strides = array<i32>} : memref<16x1024xf32, #tpu.memory_space<vmem>>, vector<1x16xf32>,
        %swap3A_318 = vector.shape_cast %swap3A_317 : vector<1x16xf32> to vector<16xf32>
        %swap3A_319 = vector.shape_cast %add3A_314 : vector<16xf32> to vector<1x16xf32>
        tpu.vector_store %arg7[%swap3A_315, %swap3A_316], %swap3A_319 {strides = array<i32>} : memref<16x1024xf32, #tpu.memory_space<vmem>>, vector<1x16xf32>,
        %get3A_320 = arith.index_cast %scan3A_53 : i32 to index
        %get3A_321 = arith.constant 224 : index
        %get3A_322 = tpu.vector_load %arg7[%get3A_320, %get3A_321] {strides = array<i32>} : memref<16x1024xf32, #tpu.memory_space<vmem>>, vector<1x16xf32>,
        %get3A_323 = vector.shape_cast %get3A_322 : vector<1x16xf32> to vector<16xf32>
        %get3A_324 = arith.index_cast %scan3A_53 : i32 to index
        %get3A_325 = arith.constant 224 : index
        %get3A_326 = tpu.vector_load %arg8[%get3A_324, %get3A_325] {strides = array<i32>} : memref<16x1024xf32, #tpu.memory_space<vmem>>, vector<1x16xf32>,
        %get3A_327 = vector.shape_cast %get3A_326 : vector<1x16xf32> to vector<16xf32>
        %add3A_328 = arith.addf %get3A_323, %get3A_327 : vector<16xf32>
        %get3A_329 = arith.index_cast %scan3A_53 : i32 to index
        %get3A_330 = arith.constant 224 : index
        %get3A_331 = tpu.vector_load %arg9[%get3A_329, %get3A_330] {strides = array<i32>} : memref<16x1024xf32, #tpu.memory_space<vmem>>, vector<1x16xf32>,
        %get3A_332 = vector.shape_cast %get3A_331 : vector<1x16xf32> to vector<16xf32>
        %add3A_333 = arith.addf %add3A_328, %get3A_332 : vector<16xf32>
        %swap3A_334 = arith.index_cast %scan3A_53 : i32 to index
        %swap3A_335 = arith.constant 224 : index
        %swap3A_336 = tpu.vector_load %arg7[%swap3A_334, %swap3A_335] {strides = array<i32>} : memref<16x1024xf32, #tpu.memory_space<vmem>>, vector<1x16xf32>,
        %swap3A_337 = vector.shape_cast %swap3A_336 : vector<1x16xf32> to vector<16xf32>
        %swap3A_338 = vector.shape_cast %add3A_333 : vector<16xf32> to vector<1x16xf32>
        tpu.vector_store %arg7[%swap3A_334, %swap3A_335], %swap3A_338 {strides = array<i32>} : memref<16x1024xf32, #tpu.memory_space<vmem>>, vector<1x16xf32>,
        %get3A_339 = arith.index_cast %scan3A_53 : i32 to index
        %get3A_340 = arith.constant 240 : index
        %get3A_341 = tpu.vector_load %arg7[%get3A_339, %get3A_340] {strides = array<i32>} : memref<16x1024xf32, #tpu.memory_space<vmem>>, vector<1x16xf32>,
        %get3A_342 = vector.shape_cast %get3A_341 : vector<1x16xf32> to vector<16xf32>
        %get3A_343 = arith.index_cast %scan3A_53 : i32 to index
        %get3A_344 = arith.constant 240 : index
        %get3A_345 = tpu.vector_load %arg8[%get3A_343, %get3A_344] {strides = array<i32>} : memref<16x1024xf32, #tpu.memory_space<vmem>>, vector<1x16xf32>,
        %get3A_346 = vector.shape_cast %get3A_345 : vector<1x16xf32> to vector<16xf32>
        %add3A_347 = arith.addf %get3A_342, %get3A_346 : vector<16xf32>
        %get3A_348 = arith.index_cast %scan3A_53 : i32 to index
        %get3A_349 = arith.constant 240 : index
        %get3A_350 = tpu.vector_load %arg9[%get3A_348, %get3A_349] {strides = array<i32>} : memref<16x1024xf32, #tpu.memory_space<vmem>>, vector<1x16xf32>,
        %get3A_351 = vector.shape_cast %get3A_350 : vector<1x16xf32> to vector<16xf32>
        %add3A_352 = arith.addf %add3A_347, %get3A_351 : vector<16xf32>
        %swap3A_353 = arith.index_cast %scan3A_53 : i32 to index
        %swap3A_354 = arith.constant 240 : index
        %swap3A_355 = tpu.vector_load %arg7[%swap3A_353, %swap3A_354] {strides = array<i32>} : memref<16x1024xf32, #tpu.memory_space<vmem>>, vector<1x16xf32>,
        %swap3A_356 = vector.shape_cast %swap3A_355 : vector<1x16xf32> to vector<16xf32>
        %swap3A_357 = vector.shape_cast %add3A_352 : vector<16xf32> to vector<1x16xf32>
        tpu.vector_store %arg7[%swap3A_353, %swap3A_354], %swap3A_357 {strides = array<i32>} : memref<16x1024xf32, #tpu.memory_space<vmem>>, vector<1x16xf32>,
        %get3A_358 = arith.index_cast %scan3A_53 : i32 to index
        %get3A_359 = arith.constant 256 : index
        %get3A_360 = tpu.vector_load %arg7[%get3A_358, %get3A_359] {strides = array<i32>} : memref<16x1024xf32, #tpu.memory_space<vmem>>, vector<1x16xf32>,
        %get3A_361 = vector.shape_cast %get3A_360 : vector<1x16xf32> to vector<16xf32>
        %get3A_362 = arith.index_cast %scan3A_53 : i32 to index
        %get3A_363 = arith.constant 256 : index
        %get3A_364 = tpu.vector_load %arg8[%get3A_362, %get3A_363] {strides = array<i32>} : memref<16x1024xf32, #tpu.memory_space<vmem>>, vector<1x16xf32>,
        %get3A_365 = vector.shape_cast %get3A_364 : vector<1x16xf32> to vector<16xf32>
        %add3A_366 = arith.addf %get3A_361, %get3A_365 : vector<16xf32>
        %get3A_367 = arith.index_cast %scan3A_53 : i32 to index
        %get3A_368 = arith.constant 256 : index
        %get3A_369 = tpu.vector_load %arg9[%get3A_367, %get3A_368] {strides = array<i32>} : memref<16x1024xf32, #tpu.memory_space<vmem>>, vector<1x16xf32>,
        %get3A_370 = vector.shape_cast %get3A_369 : vector<1x16xf32> to vector<16xf32>
        %add3A_371 = arith.addf %add3A_366, %get3A_370 : vector<16xf32>
        %swap3A_372 = arith.index_cast %scan3A_53 : i32 to index
        %swap3A_373 = arith.constant 256 : index
        %swap3A_374 = tpu.vector_load %arg7[%swap3A_372, %swap3A_373] {strides = array<i32>} : memref<16x1024xf32, #tpu.memory_space<vmem>>, vector<1x16xf32>,
        %swap3A_375 = vector.shape_cast %swap3A_374 : vector<1x16xf32> to vector<16xf32>
        %swap3A_376 = vector.shape_cast %add3A_371 : vector<16xf32> to vector<1x16xf32>
        tpu.vector_store %arg7[%swap3A_372, %swap3A_373], %swap3A_376 {strides = array<i32>} : memref<16x1024xf32, #tpu.memory_space<vmem>>, vector<1x16xf32>,
        %get3A_377 = arith.index_cast %scan3A_53 : i32 to index
        %get3A_378 = arith.constant 272 : index
        %get3A_379 = tpu.vector_load %arg7[%get3A_377, %get3A_378] {strides = array<i32>} : memref<16x1024xf32, #tpu.memory_space<vmem>>, vector<1x16xf32>,
        %get3A_380 = vector.shape_cast %get3A_379 : vector<1x16xf32> to vector<16xf32>
        %get3A_381 = arith.index_cast %scan3A_53 : i32 to index
        %get3A_382 = arith.constant 272 : index
        %get3A_383 = tpu.vector_load %arg8[%get3A_381, %get3A_382] {strides = array<i32>} : memref<16x1024xf32, #tpu.memory_space<vmem>>, vector<1x16xf32>,
        %get3A_384 = vector.shape_cast %get3A_383 : vector<1x16xf32> to vector<16xf32>
        %add3A_385 = arith.addf %get3A_380, %get3A_384 : vector<16xf32>
        %get3A_386 = arith.index_cast %scan3A_53 : i32 to index
        %get3A_387 = arith.constant 272 : index
        %get3A_388 = tpu.vector_load %arg9[%get3A_386, %get3A_387] {strides = array<i32>} : memref<16x1024xf32, #tpu.memory_space<vmem>>, vector<1x16xf32>,
        %get3A_389 = vector.shape_cast %get3A_388 : vector<1x16xf32> to vector<16xf32>
        %add3A_390 = arith.addf %add3A_385, %get3A_389 : vector<16xf32>
        %swap3A_391 = arith.index_cast %scan3A_53 : i32 to index
        %swap3A_392 = arith.constant 272 : index
        %swap3A_393 = tpu.vector_load %arg7[%swap3A_391, %swap3A_392] {strides = array<i32>} : memref<16x1024xf32, #tpu.memory_space<vmem>>, vector<1x16xf32>,
        %swap3A_394 = vector.shape_cast %swap3A_393 : vector<1x16xf32> to vector<16xf32>
        %swap3A_395 = vector.shape_cast %add3A_390 : vector<16xf32> to vector<1x16xf32>
        tpu.vector_store %arg7[%swap3A_391, %swap3A_392], %swap3A_395 {strides = array<i32>} : memref<16x1024xf32, #tpu.memory_space<vmem>>, vector<1x16xf32>,
        %get3A_396 = arith.index_cast %scan3A_53 : i32 to index
        %get3A_397 = arith.constant 288 : index
        %get3A_398 = tpu.vector_load %arg7[%get3A_396, %get3A_397] {strides = array<i32>} : memref<16x1024xf32, #tpu.memory_space<vmem>>, vector<1x16xf32>,
        %get3A_399 = vector.shape_cast %get3A_398 : vector<1x16xf32> to vector<16xf32>
        %get3A_400 = arith.index_cast %scan3A_53 : i32 to index
        %get3A_401 = arith.constant 288 : index
        %get3A_402 = tpu.vector_load %arg8[%get3A_400, %get3A_401] {strides = array<i32>} : memref<16x1024xf32, #tpu.memory_space<vmem>>, vector<1x16xf32>,
        %get3A_403 = vector.shape_cast %get3A_402 : vector<1x16xf32> to vector<16xf32>
        %add3A_404 = arith.addf %get3A_399, %get3A_403 : vector<16xf32>
        %get3A_405 = arith.index_cast %scan3A_53 : i32 to index
        %get3A_406 = arith.constant 288 : index
        %get3A_407 = tpu.vector_load %arg9[%get3A_405, %get3A_406] {strides = array<i32>} : memref<16x1024xf32, #tpu.memory_space<vmem>>, vector<1x16xf32>,
        %get3A_408 = vector.shape_cast %get3A_407 : vector<1x16xf32> to vector<16xf32>
        %add3A_409 = arith.addf %add3A_404, %get3A_408 : vector<16xf32>
        %swap3A_410 = arith.index_cast %scan3A_53 : i32 to index
        %swap3A_411 = arith.constant 288 : index
        %swap3A_412 = tpu.vector_load %arg7[%swap3A_410, %swap3A_411] {strides = array<i32>} : memref<16x1024xf32, #tpu.memory_space<vmem>>, vector<1x16xf32>,
        %swap3A_413 = vector.shape_cast %swap3A_412 : vector<1x16xf32> to vector<16xf32>
        %swap3A_414 = vector.shape_cast %add3A_409 : vector<16xf32> to vector<1x16xf32>
        tpu.vector_store %arg7[%swap3A_410, %swap3A_411], %swap3A_414 {strides = array<i32>} : memref<16x1024xf32, #tpu.memory_space<vmem>>, vector<1x16xf32>,
        %get3A_415 = arith.index_cast %scan3A_53 : i32 to index
        %get3A_416 = arith.constant 304 : index
        %get3A_417 = tpu.vector_load %arg7[%get3A_415, %get3A_416] {strides = array<i32>} : memref<16x1024xf32, #tpu.memory_space<vmem>>, vector<1x16xf32>,
        %get3A_418 = vector.shape_cast %get3A_417 : vector<1x16xf32> to vector<16xf32>
        %get3A_419 = arith.index_cast %scan3A_53 : i32 to index
        %get3A_420 = arith.constant 304 : index
        %get3A_421 = tpu.vector_load %arg8[%get3A_419, %get3A_420] {strides = array<i32>} : memref<16x1024xf32, #tpu.memory_space<vmem>>, vector<1x16xf32>,
        %get3A_422 = vector.shape_cast %get3A_421 : vector<1x16xf32> to vector<16xf32>
        %add3A_423 = arith.addf %get3A_418, %get3A_422 : vector<16xf32>
        %get3A_424 = arith.index_cast %scan3A_53 : i32 to index
        %get3A_425 = arith.constant 304 : index
        %get3A_426 = tpu.vector_load %arg9[%get3A_424, %get3A_425] {strides = array<i32>} : memref<16x1024xf32, #tpu.memory_space<vmem>>, vector<1x16xf32>,
        %get3A_427 = vector.shape_cast %get3A_426 : vector<1x16xf32> to vector<16xf32>
        %add3A_428 = arith.addf %add3A_423, %get3A_427 : vector<16xf32>
        %swap3A_429 = arith.index_cast %scan3A_53 : i32 to index
        %swap3A_430 = arith.constant 304 : index
        %swap3A_431 = tpu.vector_load %arg7[%swap3A_429, %swap3A_430] {strides = array<i32>} : memref<16x1024xf32, #tpu.memory_space<vmem>>, vector<1x16xf32>,
        %swap3A_432 = vector.shape_cast %swap3A_431 : vector<1x16xf32> to vector<16xf32>
        %swap3A_433 = vector.shape_cast %add3A_428 : vector<16xf32> to vector<1x16xf32>
        tpu.vector_store %arg7[%swap3A_429, %swap3A_430], %swap3A_433 {strides = array<i32>} : memref<16x1024xf32, #tpu.memory_space<vmem>>, vector<1x16xf32>,
        %get3A_434 = arith.index_cast %scan3A_53 : i32 to index
        %get3A_435 = arith.constant 320 : index
        %get3A_436 = tpu.vector_load %arg7[%get3A_434, %get3A_435] {strides = array<i32>} : memref<16x1024xf32, #tpu.memory_space<vmem>>, vector<1x16xf32>,
        %get3A_437 = vector.shape_cast %get3A_436 : vector<1x16xf32> to vector<16xf32>
        %get3A_438 = arith.index_cast %scan3A_53 : i32 to index
        %get3A_439 = arith.constant 320 : index
        %get3A_440 = tpu.vector_load %arg8[%get3A_438, %get3A_439] {strides = array<i32>} : memref<16x1024xf32, #tpu.memory_space<vmem>>, vector<1x16xf32>,
        %get3A_441 = vector.shape_cast %get3A_440 : vector<1x16xf32> to vector<16xf32>
        %add3A_442 = arith.addf %get3A_437, %get3A_441 : vector<16xf32>
        %get3A_443 = arith.index_cast %scan3A_53 : i32 to index
        %get3A_444 = arith.constant 320 : index
        %get3A_445 = tpu.vector_load %arg9[%get3A_443, %get3A_444] {strides = array<i32>} : memref<16x1024xf32, #tpu.memory_space<vmem>>, vector<1x16xf32>,
        %get3A_446 = vector.shape_cast %get3A_445 : vector<1x16xf32> to vector<16xf32>
        %add3A_447 = arith.addf %add3A_442, %get3A_446 : vector<16xf32>
        %swap3A_448 = arith.index_cast %scan3A_53 : i32 to index
        %swap3A_449 = arith.constant 320 : index
        %swap3A_450 = tpu.vector_load %arg7[%swap3A_448, %swap3A_449] {strides = array<i32>} : memref<16x1024xf32, #tpu.memory_space<vmem>>, vector<1x16xf32>,
        %swap3A_451 = vector.shape_cast %swap3A_450 : vector<1x16xf32> to vector<16xf32>
        %swap3A_452 = vector.shape_cast %add3A_447 : vector<16xf32> to vector<1x16xf32>
        tpu.vector_store %arg7[%swap3A_448, %swap3A_449], %swap3A_452 {strides = array<i32>} : memref<16x1024xf32, #tpu.memory_space<vmem>>, vector<1x16xf32>,
        %get3A_453 = arith.index_cast %scan3A_53 : i32 to index
        %get3A_454 = arith.constant 336 : index
        %get3A_455 = tpu.vector_load %arg7[%get3A_453, %get3A_454] {strides = array<i32>} : memref<16x1024xf32, #tpu.memory_space<vmem>>, vector<1x16xf32>,
        %get3A_456 = vector.shape_cast %get3A_455 : vector<1x16xf32> to vector<16xf32>
        %get3A_457 = arith.index_cast %scan3A_53 : i32 to index
        %get3A_458 = arith.constant 336 : index
        %get3A_459 = tpu.vector_load %arg8[%get3A_457, %get3A_458] {strides = array<i32>} : memref<16x1024xf32, #tpu.memory_space<vmem>>, vector<1x16xf32>,
        %get3A_460 = vector.shape_cast %get3A_459 : vector<1x16xf32> to vector<16xf32>
        %add3A_461 = arith.addf %get3A_456, %get3A_460 : vector<16xf32>
        %get3A_462 = arith.index_cast %scan3A_53 : i32 to index
        %get3A_463 = arith.constant 336 : index
        %get3A_464 = tpu.vector_load %arg9[%get3A_462, %get3A_463] {strides = array<i32>} : memref<16x1024xf32, #tpu.memory_space<vmem>>, vector<1x16xf32>,
        %get3A_465 = vector.shape_cast %get3A_464 : vector<1x16xf32> to vector<16xf32>
        %add3A_466 = arith.addf %add3A_461, %get3A_465 : vector<16xf32>
        %swap3A_467 = arith.index_cast %scan3A_53 : i32 to index
        %swap3A_468 = arith.constant 336 : index
        %swap3A_469 = tpu.vector_load %arg7[%swap3A_467, %swap3A_468] {strides = array<i32>} : memref<16x1024xf32, #tpu.memory_space<vmem>>, vector<1x16xf32>,
        %swap3A_470 = vector.shape_cast %swap3A_469 : vector<1x16xf32> to vector<16xf32>
        %swap3A_471 = vector.shape_cast %add3A_466 : vector<16xf32> to vector<1x16xf32>
        tpu.vector_store %arg7[%swap3A_467, %swap3A_468], %swap3A_471 {strides = array<i32>} : memref<16x1024xf32, #tpu.memory_space<vmem>>, vector<1x16xf32>,
        %get3A_472 = arith.index_cast %scan3A_53 : i32 to index
        %get3A_473 = arith.constant 352 : index
        %get3A_474 = tpu.vector_load %arg7[%get3A_472, %get3A_473] {strides = array<i32>} : memref<16x1024xf32, #tpu.memory_space<vmem>>, vector<1x16xf32>,
        %get3A_475 = vector.shape_cast %get3A_474 : vector<1x16xf32> to vector<16xf32>
        %get3A_476 = arith.index_cast %scan3A_53 : i32 to index
        %get3A_477 = arith.constant 352 : index
        %get3A_478 = tpu.vector_load %arg8[%get3A_476, %get3A_477] {strides = array<i32>} : memref<16x1024xf32, #tpu.memory_space<vmem>>, vector<1x16xf32>,
        %get3A_479 = vector.shape_cast %get3A_478 : vector<1x16xf32> to vector<16xf32>
        %add3A_480 = arith.addf %get3A_475, %get3A_479 : vector<16xf32>
        %get3A_481 = arith.index_cast %scan3A_53 : i32 to index
        %get3A_482 = arith.constant 352 : index
        %get3A_483 = tpu.vector_load %arg9[%get3A_481, %get3A_482] {strides = array<i32>} : memref<16x1024xf32, #tpu.memory_space<vmem>>, vector<1x16xf32>,
        %get3A_484 = vector.shape_cast %get3A_483 : vector<1x16xf32> to vector<16xf32>
        %add3A_485 = arith.addf %add3A_480, %get3A_484 : vector<16xf32>
        %swap3A_486 = arith.index_cast %scan3A_53 : i32 to index
        %swap3A_487 = arith.constant 352 : index
        %swap3A_488 = tpu.vector_load %arg7[%swap3A_486, %swap3A_487] {strides = array<i32>} : memref<16x1024xf32, #tpu.memory_space<vmem>>, vector<1x16xf32>,
        %swap3A_489 = vector.shape_cast %swap3A_488 : vector<1x16xf32> to vector<16xf32>
        %swap3A_490 = vector.shape_cast %add3A_485 : vector<16xf32> to vector<1x16xf32>
        tpu.vector_store %arg7[%swap3A_486, %swap3A_487], %swap3A_490 {strides = array<i32>} : memref<16x1024xf32, #tpu.memory_space<vmem>>, vector<1x16xf32>,
        %get3A_491 = arith.index_cast %scan3A_53 : i32 to index
        %get3A_492 = arith.constant 368 : index
        %get3A_493 = tpu.vector_load %arg7[%get3A_491, %get3A_492] {strides = array<i32>} : memref<16x1024xf32, #tpu.memory_space<vmem>>, vector<1x16xf32>,
        %get3A_494 = vector.shape_cast %get3A_493 : vector<1x16xf32> to vector<16xf32>
        %get3A_495 = arith.index_cast %scan3A_53 : i32 to index
        %get3A_496 = arith.constant 368 : index
        %get3A_497 = tpu.vector_load %arg8[%get3A_495, %get3A_496] {strides = array<i32>} : memref<16x1024xf32, #tpu.memory_space<vmem>>, vector<1x16xf32>,
        %get3A_498 = vector.shape_cast %get3A_497 : vector<1x16xf32> to vector<16xf32>
        %add3A_499 = arith.addf %get3A_494, %get3A_498 : vector<16xf32>
        %get3A_500 = arith.index_cast %scan3A_53 : i32 to index
        %get3A_501 = arith.constant 368 : index
        %get3A_502 = tpu.vector_load %arg9[%get3A_500, %get3A_501] {strides = array<i32>} : memref<16x1024xf32, #tpu.memory_space<vmem>>, vector<1x16xf32>,
        %get3A_503 = vector.shape_cast %get3A_502 : vector<1x16xf32> to vector<16xf32>
        %add3A_504 = arith.addf %add3A_499, %get3A_503 : vector<16xf32>
        %swap3A_505 = arith.index_cast %scan3A_53 : i32 to index
        %swap3A_506 = arith.constant 368 : index
        %swap3A_507 = tpu.vector_load %arg7[%swap3A_505, %swap3A_506] {strides = array<i32>} : memref<16x1024xf32, #tpu.memory_space<vmem>>, vector<1x16xf32>,
        %swap3A_508 = vector.shape_cast %swap3A_507 : vector<1x16xf32> to vector<16xf32>
        %swap3A_509 = vector.shape_cast %add3A_504 : vector<16xf32> to vector<1x16xf32>
        tpu.vector_store %arg7[%swap3A_505, %swap3A_506], %swap3A_509 {strides = array<i32>} : memref<16x1024xf32, #tpu.memory_space<vmem>>, vector<1x16xf32>,
        %get3A_510 = arith.index_cast %scan3A_53 : i32 to index
        %get3A_511 = arith.constant 384 : index
        %get3A_512 = tpu.vector_load %arg7[%get3A_510, %get3A_511] {strides = array<i32>} : memref<16x1024xf32, #tpu.memory_space<vmem>>, vector<1x16xf32>,
        %get3A_513 = vector.shape_cast %get3A_512 : vector<1x16xf32> to vector<16xf32>
        %get3A_514 = arith.index_cast %scan3A_53 : i32 to index
        %get3A_515 = arith.constant 384 : index
        %get3A_516 = tpu.vector_load %arg8[%get3A_514, %get3A_515] {strides = array<i32>} : memref<16x1024xf32, #tpu.memory_space<vmem>>, vector<1x16xf32>,
        %get3A_517 = vector.shape_cast %get3A_516 : vector<1x16xf32> to vector<16xf32>
        %add3A_518 = arith.addf %get3A_513, %get3A_517 : vector<16xf32>
        %get3A_519 = arith.index_cast %scan3A_53 : i32 to index
        %get3A_520 = arith.constant 384 : index
        %get3A_521 = tpu.vector_load %arg9[%get3A_519, %get3A_520] {strides = array<i32>} : memref<16x1024xf32, #tpu.memory_space<vmem>>, vector<1x16xf32>,
        %get3A_522 = vector.shape_cast %get3A_521 : vector<1x16xf32> to vector<16xf32>
        %add3A_523 = arith.addf %add3A_518, %get3A_522 : vector<16xf32>
        %swap3A_524 = arith.index_cast %scan3A_53 : i32 to index
        %swap3A_525 = arith.constant 384 : index
        %swap3A_526 = tpu.vector_load %arg7[%swap3A_524, %swap3A_525] {strides = array<i32>} : memref<16x1024xf32, #tpu.memory_space<vmem>>, vector<1x16xf32>,
        %swap3A_527 = vector.shape_cast %swap3A_526 : vector<1x16xf32> to vector<16xf32>
        %swap3A_528 = vector.shape_cast %add3A_523 : vector<16xf32> to vector<1x16xf32>
        tpu.vector_store %arg7[%swap3A_524, %swap3A_525], %swap3A_528 {strides = array<i32>} : memref<16x1024xf32, #tpu.memory_space<vmem>>, vector<1x16xf32>,
        %get3A_529 = arith.index_cast %scan3A_53 : i32 to index
        %get3A_530 = arith.constant 400 : index
        %get3A_531 = tpu.vector_load %arg7[%get3A_529, %get3A_530] {strides = array<i32>} : memref<16x1024xf32, #tpu.memory_space<vmem>>, vector<1x16xf32>,
        %get3A_532 = vector.shape_cast %get3A_531 : vector<1x16xf32> to vector<16xf32>
        %get3A_533 = arith.index_cast %scan3A_53 : i32 to index
        %get3A_534 = arith.constant 400 : index
        %get3A_535 = tpu.vector_load %arg8[%get3A_533, %get3A_534] {strides = array<i32>} : memref<16x1024xf32, #tpu.memory_space<vmem>>, vector<1x16xf32>,
        %get3A_536 = vector.shape_cast %get3A_535 : vector<1x16xf32> to vector<16xf32>
        %add3A_537 = arith.addf %get3A_532, %get3A_536 : vector<16xf32>
        %get3A_538 = arith.index_cast %scan3A_53 : i32 to index
        %get3A_539 = arith.constant 400 : index
        %get3A_540 = tpu.vector_load %arg9[%get3A_538, %get3A_539] {strides = array<i32>} : memref<16x1024xf32, #tpu.memory_space<vmem>>, vector<1x16xf32>,
        %get3A_541 = vector.shape_cast %get3A_540 : vector<1x16xf32> to vector<16xf32>
        %add3A_542 = arith.addf %add3A_537, %get3A_541 : vector<16xf32>
        %swap3A_543 = arith.index_cast %scan3A_53 : i32 to index
        %swap3A_544 = arith.constant 400 : index
        %swap3A_545 = tpu.vector_load %arg7[%swap3A_543, %swap3A_544] {strides = array<i32>} : memref<16x1024xf32, #tpu.memory_space<vmem>>, vector<1x16xf32>,
        %swap3A_546 = vector.shape_cast %swap3A_545 : vector<1x16xf32> to vector<16xf32>
        %swap3A_547 = vector.shape_cast %add3A_542 : vector<16xf32> to vector<1x16xf32>
        tpu.vector_store %arg7[%swap3A_543, %swap3A_544], %swap3A_547 {strides = array<i32>} : memref<16x1024xf32, #tpu.memory_space<vmem>>, vector<1x16xf32>,
        %get3A_548 = arith.index_cast %scan3A_53 : i32 to index
        %get3A_549 = arith.constant 416 : index
        %get3A_550 = tpu.vector_load %arg7[%get3A_548, %get3A_549] {strides = array<i32>} : memref<16x1024xf32, #tpu.memory_space<vmem>>, vector<1x16xf32>,
        %get3A_551 = vector.shape_cast %get3A_550 : vector<1x16xf32> to vector<16xf32>
        %get3A_552 = arith.index_cast %scan3A_53 : i32 to index
        %get3A_553 = arith.constant 416 : index
        %get3A_554 = tpu.vector_load %arg8[%get3A_552, %get3A_553] {strides = array<i32>} : memref<16x1024xf32, #tpu.memory_space<vmem>>, vector<1x16xf32>,
        %get3A_555 = vector.shape_cast %get3A_554 : vector<1x16xf32> to vector<16xf32>
        %add3A_556 = arith.addf %get3A_551, %get3A_555 : vector<16xf32>
        %get3A_557 = arith.index_cast %scan3A_53 : i32 to index
        %get3A_558 = arith.constant 416 : index
        %get3A_559 = tpu.vector_load %arg9[%get3A_557, %get3A_558] {strides = array<i32>} : memref<16x1024xf32, #tpu.memory_space<vmem>>, vector<1x16xf32>,
        %get3A_560 = vector.shape_cast %get3A_559 : vector<1x16xf32> to vector<16xf32>
        %add3A_561 = arith.addf %add3A_556, %get3A_560 : vector<16xf32>
        %swap3A_562 = arith.index_cast %scan3A_53 : i32 to index
        %swap3A_563 = arith.constant 416 : index
        %swap3A_564 = tpu.vector_load %arg7[%swap3A_562, %swap3A_563] {strides = array<i32>} : memref<16x1024xf32, #tpu.memory_space<vmem>>, vector<1x16xf32>,
        %swap3A_565 = vector.shape_cast %swap3A_564 : vector<1x16xf32> to vector<16xf32>
        %swap3A_566 = vector.shape_cast %add3A_561 : vector<16xf32> to vector<1x16xf32>
        tpu.vector_store %arg7[%swap3A_562, %swap3A_563], %swap3A_566 {strides = array<i32>} : memref<16x1024xf32, #tpu.memory_space<vmem>>, vector<1x16xf32>,
        %get3A_567 = arith.index_cast %scan3A_53 : i32 to index
        %get3A_568 = arith.constant 432 : index
        %get3A_569 = tpu.vector_load %arg7[%get3A_567, %get3A_568] {strides = array<i32>} : memref<16x1024xf32, #tpu.memory_space<vmem>>, vector<1x16xf32>,
        %get3A_570 = vector.shape_cast %get3A_569 : vector<1x16xf32> to vector<16xf32>
        %get3A_571 = arith.index_cast %scan3A_53 : i32 to index
        %get3A_572 = arith.constant 432 : index
        %get3A_573 = tpu.vector_load %arg8[%get3A_571, %get3A_572] {strides = array<i32>} : memref<16x1024xf32, #tpu.memory_space<vmem>>, vector<1x16xf32>,
        %get3A_574 = vector.shape_cast %get3A_573 : vector<1x16xf32> to vector<16xf32>
        %add3A_575 = arith.addf %get3A_570, %get3A_574 : vector<16xf32>
        %get3A_576 = arith.index_cast %scan3A_53 : i32 to index
        %get3A_577 = arith.constant 432 : index
        %get3A_578 = tpu.vector_load %arg9[%get3A_576, %get3A_577] {strides = array<i32>} : memref<16x1024xf32, #tpu.memory_space<vmem>>, vector<1x16xf32>,
        %get3A_579 = vector.shape_cast %get3A_578 : vector<1x16xf32> to vector<16xf32>
        %add3A_580 = arith.addf %add3A_575, %get3A_579 : vector<16xf32>
        %swap3A_581 = arith.index_cast %scan3A_53 : i32 to index
        %swap3A_582 = arith.constant 432 : index
        %swap3A_583 = tpu.vector_load %arg7[%swap3A_581, %swap3A_582] {strides = array<i32>} : memref<16x1024xf32, #tpu.memory_space<vmem>>, vector<1x16xf32>,
        %swap3A_584 = vector.shape_cast %swap3A_583 : vector<1x16xf32> to vector<16xf32>
        %swap3A_585 = vector.shape_cast %add3A_580 : vector<16xf32> to vector<1x16xf32>
        tpu.vector_store %arg7[%swap3A_581, %swap3A_582], %swap3A_585 {strides = array<i32>} : memref<16x1024xf32, #tpu.memory_space<vmem>>, vector<1x16xf32>,
        %get3A_586 = arith.index_cast %scan3A_53 : i32 to index
        %get3A_587 = arith.constant 448 : index
        %get3A_588 = tpu.vector_load %arg7[%get3A_586, %get3A_587] {strides = array<i32>} : memref<16x1024xf32, #tpu.memory_space<vmem>>, vector<1x16xf32>,
        %get3A_589 = vector.shape_cast %get3A_588 : vector<1x16xf32> to vector<16xf32>
        %get3A_590 = arith.index_cast %scan3A_53 : i32 to index
        %get3A_591 = arith.constant 448 : index
        %get3A_592 = tpu.vector_load %arg8[%get3A_590, %get3A_591] {strides = array<i32>} : memref<16x1024xf32, #tpu.memory_space<vmem>>, vector<1x16xf32>,
        %get3A_593 = vector.shape_cast %get3A_592 : vector<1x16xf32> to vector<16xf32>
        %add3A_594 = arith.addf %get3A_589, %get3A_593 : vector<16xf32>
        %get3A_595 = arith.index_cast %scan3A_53 : i32 to index
        %get3A_596 = arith.constant 448 : index
        %get3A_597 = tpu.vector_load %arg9[%get3A_595, %get3A_596] {strides = array<i32>} : memref<16x1024xf32, #tpu.memory_space<vmem>>, vector<1x16xf32>,
        %get3A_598 = vector.shape_cast %get3A_597 : vector<1x16xf32> to vector<16xf32>
        %add3A_599 = arith.addf %add3A_594, %get3A_598 : vector<16xf32>
        %swap3A_600 = arith.index_cast %scan3A_53 : i32 to index
        %swap3A_601 = arith.constant 448 : index
        %swap3A_602 = tpu.vector_load %arg7[%swap3A_600, %swap3A_601] {strides = array<i32>} : memref<16x1024xf32, #tpu.memory_space<vmem>>, vector<1x16xf32>,
        %swap3A_603 = vector.shape_cast %swap3A_602 : vector<1x16xf32> to vector<16xf32>
        %swap3A_604 = vector.shape_cast %add3A_599 : vector<16xf32> to vector<1x16xf32>
        tpu.vector_store %arg7[%swap3A_600, %swap3A_601], %swap3A_604 {strides = array<i32>} : memref<16x1024xf32, #tpu.memory_space<vmem>>, vector<1x16xf32>,
        %get3A_605 = arith.index_cast %scan3A_53 : i32 to index
        %get3A_606 = arith.constant 464 : index
        %get3A_607 = tpu.vector_load %arg7[%get3A_605, %get3A_606] {strides = array<i32>} : memref<16x1024xf32, #tpu.memory_space<vmem>>, vector<1x16xf32>,
        %get3A_608 = vector.shape_cast %get3A_607 : vector<1x16xf32> to vector<16xf32>
        %get3A_609 = arith.index_cast %scan3A_53 : i32 to index
        %get3A_610 = arith.constant 464 : index
        %get3A_611 = tpu.vector_load %arg8[%get3A_609, %get3A_610] {strides = array<i32>} : memref<16x1024xf32, #tpu.memory_space<vmem>>, vector<1x16xf32>,
        %get3A_612 = vector.shape_cast %get3A_611 : vector<1x16xf32> to vector<16xf32>
        %add3A_613 = arith.addf %get3A_608, %get3A_612 : vector<16xf32>
        %get3A_614 = arith.index_cast %scan3A_53 : i32 to index
        %get3A_615 = arith.constant 464 : index
        %get3A_616 = tpu.vector_load %arg9[%get3A_614, %get3A_615] {strides = array<i32>} : memref<16x1024xf32, #tpu.memory_space<vmem>>, vector<1x16xf32>,
        %get3A_617 = vector.shape_cast %get3A_616 : vector<1x16xf32> to vector<16xf32>
        %add3A_618 = arith.addf %add3A_613, %get3A_617 : vector<16xf32>
        %swap3A_619 = arith.index_cast %scan3A_53 : i32 to index
        %swap3A_620 = arith.constant 464 : index
        %swap3A_621 = tpu.vector_load %arg7[%swap3A_619, %swap3A_620] {strides = array<i32>} : memref<16x1024xf32, #tpu.memory_space<vmem>>, vector<1x16xf32>,
        %swap3A_622 = vector.shape_cast %swap3A_621 : vector<1x16xf32> to vector<16xf32>
        %swap3A_623 = vector.shape_cast %add3A_618 : vector<16xf32> to vector<1x16xf32>
        tpu.vector_store %arg7[%swap3A_619, %swap3A_620], %swap3A_623 {strides = array<i32>} : memref<16x1024xf32, #tpu.memory_space<vmem>>, vector<1x16xf32>,
        %get3A_624 = arith.index_cast %scan3A_53 : i32 to index
        %get3A_625 = arith.constant 480 : index
        %get3A_626 = tpu.vector_load %arg7[%get3A_624, %get3A_625] {strides = array<i32>} : memref<16x1024xf32, #tpu.memory_space<vmem>>, vector<1x16xf32>,
        %get3A_627 = vector.shape_cast %get3A_626 : vector<1x16xf32> to vector<16xf32>
        %get3A_628 = arith.index_cast %scan3A_53 : i32 to index
        %get3A_629 = arith.constant 480 : index
        %get3A_630 = tpu.vector_load %arg8[%get3A_628, %get3A_629] {strides = array<i32>} : memref<16x1024xf32, #tpu.memory_space<vmem>>, vector<1x16xf32>,
        %get3A_631 = vector.shape_cast %get3A_630 : vector<1x16xf32> to vector<16xf32>
        %add3A_632 = arith.addf %get3A_627, %get3A_631 : vector<16xf32>
        %get3A_633 = arith.index_cast %scan3A_53 : i32 to index
        %get3A_634 = arith.constant 480 : index
        %get3A_635 = tpu.vector_load %arg9[%get3A_633, %get3A_634] {strides = array<i32>} : memref<16x1024xf32, #tpu.memory_space<vmem>>, vector<1x16xf32>,
        %get3A_636 = vector.shape_cast %get3A_635 : vector<1x16xf32> to vector<16xf32>
        %add3A_637 = arith.addf %add3A_632, %get3A_636 : vector<16xf32>
        %swap3A_638 = arith.index_cast %scan3A_53 : i32 to index
        %swap3A_639 = arith.constant 480 : index
        %swap3A_640 = tpu.vector_load %arg7[%swap3A_638, %swap3A_639] {strides = array<i32>} : memref<16x1024xf32, #tpu.memory_space<vmem>>, vector<1x16xf32>,
        %swap3A_641 = vector.shape_cast %swap3A_640 : vector<1x16xf32> to vector<16xf32>
        %swap3A_642 = vector.shape_cast %add3A_637 : vector<16xf32> to vector<1x16xf32>
        tpu.vector_store %arg7[%swap3A_638, %swap3A_639], %swap3A_642 {strides = array<i32>} : memref<16x1024xf32, #tpu.memory_space<vmem>>, vector<1x16xf32>,
        %get3A_643 = arith.index_cast %scan3A_53 : i32 to index
        %get3A_644 = arith.constant 496 : index
        %get3A_645 = tpu.vector_load %arg7[%get3A_643, %get3A_644] {strides = array<i32>} : memref<16x1024xf32, #tpu.memory_space<vmem>>, vector<1x16xf32>,
        %get3A_646 = vector.shape_cast %get3A_645 : vector<1x16xf32> to vector<16xf32>
        %get3A_647 = arith.index_cast %scan3A_53 : i32 to index
        %get3A_648 = arith.constant 496 : index
        %get3A_649 = tpu.vector_load %arg8[%get3A_647, %get3A_648] {strides = array<i32>} : memref<16x1024xf32, #tpu.memory_space<vmem>>, vector<1x16xf32>,
        %get3A_650 = vector.shape_cast %get3A_649 : vector<1x16xf32> to vector<16xf32>
        %add3A_651 = arith.addf %get3A_646, %get3A_650 : vector<16xf32>
        %get3A_652 = arith.index_cast %scan3A_53 : i32 to index
        %get3A_653 = arith.constant 496 : index
        %get3A_654 = tpu.vector_load %arg9[%get3A_652, %get3A_653] {strides = array<i32>} : memref<16x1024xf32, #tpu.memory_space<vmem>>, vector<1x16xf32>,
        %get3A_655 = vector.shape_cast %get3A_654 : vector<1x16xf32> to vector<16xf32>
        %add3A_656 = arith.addf %add3A_651, %get3A_655 : vector<16xf32>
        %swap3A_657 = arith.index_cast %scan3A_53 : i32 to index
        %swap3A_658 = arith.constant 496 : index
        %swap3A_659 = tpu.vector_load %arg7[%swap3A_657, %swap3A_658] {strides = array<i32>} : memref<16x1024xf32, #tpu.memory_space<vmem>>, vector<1x16xf32>,
        %swap3A_660 = vector.shape_cast %swap3A_659 : vector<1x16xf32> to vector<16xf32>
        %swap3A_661 = vector.shape_cast %add3A_656 : vector<16xf32> to vector<1x16xf32>
        tpu.vector_store %arg7[%swap3A_657, %swap3A_658], %swap3A_661 {strides = array<i32>} : memref<16x1024xf32, #tpu.memory_space<vmem>>, vector<1x16xf32>,
        %get3A_662 = arith.index_cast %scan3A_53 : i32 to index
        %get3A_663 = arith.constant 512 : index
        %get3A_664 = tpu.vector_load %arg7[%get3A_662, %get3A_663] {strides = array<i32>} : memref<16x1024xf32, #tpu.memory_space<vmem>>, vector<1x16xf32>,
        %get3A_665 = vector.shape_cast %get3A_664 : vector<1x16xf32> to vector<16xf32>
        %get3A_666 = arith.index_cast %scan3A_53 : i32 to index
        %get3A_667 = arith.constant 512 : index
        %get3A_668 = tpu.vector_load %arg8[%get3A_666, %get3A_667] {strides = array<i32>} : memref<16x1024xf32, #tpu.memory_space<vmem>>, vector<1x16xf32>,
        %get3A_669 = vector.shape_cast %get3A_668 : vector<1x16xf32> to vector<16xf32>
        %add3A_670 = arith.addf %get3A_665, %get3A_669 : vector<16xf32>
        %get3A_671 = arith.index_cast %scan3A_53 : i32 to index
        %get3A_672 = arith.constant 512 : index
        %get3A_673 = tpu.vector_load %arg9[%get3A_671, %get3A_672] {strides = array<i32>} : memref<16x1024xf32, #tpu.memory_space<vmem>>, vector<1x16xf32>,
        %get3A_674 = vector.shape_cast %get3A_673 : vector<1x16xf32> to vector<16xf32>
        %add3A_675 = arith.addf %add3A_670, %get3A_674 : vector<16xf32>
        %swap3A_676 = arith.index_cast %scan3A_53 : i32 to index
        %swap3A_677 = arith.constant 512 : index
        %swap3A_678 = tpu.vector_load %arg7[%swap3A_676, %swap3A_677] {strides = array<i32>} : memref<16x1024xf32, #tpu.memory_space<vmem>>, vector<1x16xf32>,
        %swap3A_679 = vector.shape_cast %swap3A_678 : vector<1x16xf32> to vector<16xf32>
        %swap3A_680 = vector.shape_cast %add3A_675 : vector<16xf32> to vector<1x16xf32>
        tpu.vector_store %arg7[%swap3A_676, %swap3A_677], %swap3A_680 {strides = array<i32>} : memref<16x1024xf32, #tpu.memory_space<vmem>>, vector<1x16xf32>,
        %get3A_681 = arith.index_cast %scan3A_53 : i32 to index
        %get3A_682 = arith.constant 528 : index
        %get3A_683 = tpu.vector_load %arg7[%get3A_681, %get3A_682] {strides = array<i32>} : memref<16x1024xf32, #tpu.memory_space<vmem>>, vector<1x16xf32>,
        %get3A_684 = vector.shape_cast %get3A_683 : vector<1x16xf32> to vector<16xf32>
        %get3A_685 = arith.index_cast %scan3A_53 : i32 to index
        %get3A_686 = arith.constant 528 : index
        %get3A_687 = tpu.vector_load %arg8[%get3A_685, %get3A_686] {strides = array<i32>} : memref<16x1024xf32, #tpu.memory_space<vmem>>, vector<1x16xf32>,
        %get3A_688 = vector.shape_cast %get3A_687 : vector<1x16xf32> to vector<16xf32>
        %add3A_689 = arith.addf %get3A_684, %get3A_688 : vector<16xf32>
        %get3A_690 = arith.index_cast %scan3A_53 : i32 to index
        %get3A_691 = arith.constant 528 : index
        %get3A_692 = tpu.vector_load %arg9[%get3A_690, %get3A_691] {strides = array<i32>} : memref<16x1024xf32, #tpu.memory_space<vmem>>, vector<1x16xf32>,
        %get3A_693 = vector.shape_cast %get3A_692 : vector<1x16xf32> to vector<16xf32>
        %add3A_694 = arith.addf %add3A_689, %get3A_693 : vector<16xf32>
        %swap3A_695 = arith.index_cast %scan3A_53 : i32 to index
        %swap3A_696 = arith.constant 528 : index
        %swap3A_697 = tpu.vector_load %arg7[%swap3A_695, %swap3A_696] {strides = array<i32>} : memref<16x1024xf32, #tpu.memory_space<vmem>>, vector<1x16xf32>,
        %swap3A_698 = vector.shape_cast %swap3A_697 : vector<1x16xf32> to vector<16xf32>
        %swap3A_699 = vector.shape_cast %add3A_694 : vector<16xf32> to vector<1x16xf32>
        tpu.vector_store %arg7[%swap3A_695, %swap3A_696], %swap3A_699 {strides = array<i32>} : memref<16x1024xf32, #tpu.memory_space<vmem>>, vector<1x16xf32>,
        %get3A_700 = arith.index_cast %scan3A_53 : i32 to index
        %get3A_701 = arith.constant 544 : index
        %get3A_702 = tpu.vector_load %arg7[%get3A_700, %get3A_701] {strides = array<i32>} : memref<16x1024xf32, #tpu.memory_space<vmem>>, vector<1x16xf32>,
        %get3A_703 = vector.shape_cast %get3A_702 : vector<1x16xf32> to vector<16xf32>
        %get3A_704 = arith.index_cast %scan3A_53 : i32 to index
        %get3A_705 = arith.constant 544 : index
        %get3A_706 = tpu.vector_load %arg8[%get3A_704, %get3A_705] {strides = array<i32>} : memref<16x1024xf32, #tpu.memory_space<vmem>>, vector<1x16xf32>,
        %get3A_707 = vector.shape_cast %get3A_706 : vector<1x16xf32> to vector<16xf32>
        %add3A_708 = arith.addf %get3A_703, %get3A_707 : vector<16xf32>
        %get3A_709 = arith.index_cast %scan3A_53 : i32 to index
        %get3A_710 = arith.constant 544 : index
        %get3A_711 = tpu.vector_load %arg9[%get3A_709, %get3A_710] {strides = array<i32>} : memref<16x1024xf32, #tpu.memory_space<vmem>>, vector<1x16xf32>,
        %get3A_712 = vector.shape_cast %get3A_711 : vector<1x16xf32> to vector<16xf32>
        %add3A_713 = arith.addf %add3A_708, %get3A_712 : vector<16xf32>
        %swap3A_714 = arith.index_cast %scan3A_53 : i32 to index
        %swap3A_715 = arith.constant 544 : index
        %swap3A_716 = tpu.vector_load %arg7[%swap3A_714, %swap3A_715] {strides = array<i32>} : memref<16x1024xf32, #tpu.memory_space<vmem>>, vector<1x16xf32>,
        %swap3A_717 = vector.shape_cast %swap3A_716 : vector<1x16xf32> to vector<16xf32>
        %swap3A_718 = vector.shape_cast %add3A_713 : vector<16xf32> to vector<1x16xf32>
        tpu.vector_store %arg7[%swap3A_714, %swap3A_715], %swap3A_718 {strides = array<i32>} : memref<16x1024xf32, #tpu.memory_space<vmem>>, vector<1x16xf32>,
        %get3A_719 = arith.index_cast %scan3A_53 : i32 to index
        %get3A_720 = arith.constant 560 : index
        %get3A_721 = tpu.vector_load %arg7[%get3A_719, %get3A_720] {strides = array<i32>} : memref<16x1024xf32, #tpu.memory_space<vmem>>, vector<1x16xf32>,
        %get3A_722 = vector.shape_cast %get3A_721 : vector<1x16xf32> to vector<16xf32>
        %get3A_723 = arith.index_cast %scan3A_53 : i32 to index
        %get3A_724 = arith.constant 560 : index
        %get3A_725 = tpu.vector_load %arg8[%get3A_723, %get3A_724] {strides = array<i32>} : memref<16x1024xf32, #tpu.memory_space<vmem>>, vector<1x16xf32>,
        %get3A_726 = vector.shape_cast %get3A_725 : vector<1x16xf32> to vector<16xf32>
        %add3A_727 = arith.addf %get3A_722, %get3A_726 : vector<16xf32>
        %get3A_728 = arith.index_cast %scan3A_53 : i32 to index
        %get3A_729 = arith.constant 560 : index
        %get3A_730 = tpu.vector_load %arg9[%get3A_728, %get3A_729] {strides = array<i32>} : memref<16x1024xf32, #tpu.memory_space<vmem>>, vector<1x16xf32>,
        %get3A_731 = vector.shape_cast %get3A_730 : vector<1x16xf32> to vector<16xf32>
        %add3A_732 = arith.addf %add3A_727, %get3A_731 : vector<16xf32>
        %swap3A_733 = arith.index_cast %scan3A_53 : i32 to index
        %swap3A_734 = arith.constant 560 : index
        %swap3A_735 = tpu.vector_load %arg7[%swap3A_733, %swap3A_734] {strides = array<i32>} : memref<16x1024xf32, #tpu.memory_space<vmem>>, vector<1x16xf32>,
        %swap3A_736 = vector.shape_cast %swap3A_735 : vector<1x16xf32> to vector<16xf32>
        %swap3A_737 = vector.shape_cast %add3A_732 : vector<16xf32> to vector<1x16xf32>
        tpu.vector_store %arg7[%swap3A_733, %swap3A_734], %swap3A_737 {strides = array<i32>} : memref<16x1024xf32, #tpu.memory_space<vmem>>, vector<1x16xf32>,
        %get3A_738 = arith.index_cast %scan3A_53 : i32 to index
        %get3A_739 = arith.constant 576 : index
        %get3A_740 = tpu.vector_load %arg7[%get3A_738, %get3A_739] {strides = array<i32>} : memref<16x1024xf32, #tpu.memory_space<vmem>>, vector<1x16xf32>,
        %get3A_741 = vector.shape_cast %get3A_740 : vector<1x16xf32> to vector<16xf32>
        %get3A_742 = arith.index_cast %scan3A_53 : i32 to index
        %get3A_743 = arith.constant 576 : index
        %get3A_744 = tpu.vector_load %arg8[%get3A_742, %get3A_743] {strides = array<i32>} : memref<16x1024xf32, #tpu.memory_space<vmem>>, vector<1x16xf32>,
        %get3A_745 = vector.shape_cast %get3A_744 : vector<1x16xf32> to vector<16xf32>
        %add3A_746 = arith.addf %get3A_741, %get3A_745 : vector<16xf32>
        %get3A_747 = arith.index_cast %scan3A_53 : i32 to index
        %get3A_748 = arith.constant 576 : index
        %get3A_749 = tpu.vector_load %arg9[%get3A_747, %get3A_748] {strides = array<i32>} : memref<16x1024xf32, #tpu.memory_space<vmem>>, vector<1x16xf32>,
        %get3A_750 = vector.shape_cast %get3A_749 : vector<1x16xf32> to vector<16xf32>
        %add3A_751 = arith.addf %add3A_746, %get3A_750 : vector<16xf32>
        %swap3A_752 = arith.index_cast %scan3A_53 : i32 to index
        %swap3A_753 = arith.constant 576 : index
        %swap3A_754 = tpu.vector_load %arg7[%swap3A_752, %swap3A_753] {strides = array<i32>} : memref<16x1024xf32, #tpu.memory_space<vmem>>, vector<1x16xf32>,
        %swap3A_755 = vector.shape_cast %swap3A_754 : vector<1x16xf32> to vector<16xf32>
        %swap3A_756 = vector.shape_cast %add3A_751 : vector<16xf32> to vector<1x16xf32>
        tpu.vector_store %arg7[%swap3A_752, %swap3A_753], %swap3A_756 {strides = array<i32>} : memref<16x1024xf32, #tpu.memory_space<vmem>>, vector<1x16xf32>,
        %get3A_757 = arith.index_cast %scan3A_53 : i32 to index
        %get3A_758 = arith.constant 592 : index
        %get3A_759 = tpu.vector_load %arg7[%get3A_757, %get3A_758] {strides = array<i32>} : memref<16x1024xf32, #tpu.memory_space<vmem>>, vector<1x16xf32>,
        %get3A_760 = vector.shape_cast %get3A_759 : vector<1x16xf32> to vector<16xf32>
        %get3A_761 = arith.index_cast %scan3A_53 : i32 to index
        %get3A_762 = arith.constant 592 : index
        %get3A_763 = tpu.vector_load %arg8[%get3A_761, %get3A_762] {strides = array<i32>} : memref<16x1024xf32, #tpu.memory_space<vmem>>, vector<1x16xf32>,
        %get3A_764 = vector.shape_cast %get3A_763 : vector<1x16xf32> to vector<16xf32>
        %add3A_765 = arith.addf %get3A_760, %get3A_764 : vector<16xf32>
        %get3A_766 = arith.index_cast %scan3A_53 : i32 to index
        %get3A_767 = arith.constant 592 : index
        %get3A_768 = tpu.vector_load %arg9[%get3A_766, %get3A_767] {strides = array<i32>} : memref<16x1024xf32, #tpu.memory_space<vmem>>, vector<1x16xf32>,
        %get3A_769 = vector.shape_cast %get3A_768 : vector<1x16xf32> to vector<16xf32>
        %add3A_770 = arith.addf %add3A_765, %get3A_769 : vector<16xf32>
        %swap3A_771 = arith.index_cast %scan3A_53 : i32 to index
        %swap3A_772 = arith.constant 592 : index
        %swap3A_773 = tpu.vector_load %arg7[%swap3A_771, %swap3A_772] {strides = array<i32>} : memref<16x1024xf32, #tpu.memory_space<vmem>>, vector<1x16xf32>,
        %swap3A_774 = vector.shape_cast %swap3A_773 : vector<1x16xf32> to vector<16xf32>
        %swap3A_775 = vector.shape_cast %add3A_770 : vector<16xf32> to vector<1x16xf32>
        tpu.vector_store %arg7[%swap3A_771, %swap3A_772], %swap3A_775 {strides = array<i32>} : memref<16x1024xf32, #tpu.memory_space<vmem>>, vector<1x16xf32>,
        %get3A_776 = arith.index_cast %scan3A_53 : i32 to index
        %get3A_777 = arith.constant 608 : index
        %get3A_778 = tpu.vector_load %arg7[%get3A_776, %get3A_777] {strides = array<i32>} : memref<16x1024xf32, #tpu.memory_space<vmem>>, vector<1x16xf32>,
        %get3A_779 = vector.shape_cast %get3A_778 : vector<1x16xf32> to vector<16xf32>
        %get3A_780 = arith.index_cast %scan3A_53 : i32 to index
        %get3A_781 = arith.constant 608 : index
        %get3A_782 = tpu.vector_load %arg8[%get3A_780, %get3A_781] {strides = array<i32>} : memref<16x1024xf32, #tpu.memory_space<vmem>>, vector<1x16xf32>,
        %get3A_783 = vector.shape_cast %get3A_782 : vector<1x16xf32> to vector<16xf32>
        %add3A_784 = arith.addf %get3A_779, %get3A_783 : vector<16xf32>
        %get3A_785 = arith.index_cast %scan3A_53 : i32 to index
        %get3A_786 = arith.constant 608 : index
        %get3A_787 = tpu.vector_load %arg9[%get3A_785, %get3A_786] {strides = array<i32>} : memref<16x1024xf32, #tpu.memory_space<vmem>>, vector<1x16xf32>,
        %get3A_788 = vector.shape_cast %get3A_787 : vector<1x16xf32> to vector<16xf32>
        %add3A_789 = arith.addf %add3A_784, %get3A_788 : vector<16xf32>
        %swap3A_790 = arith.index_cast %scan3A_53 : i32 to index
        %swap3A_791 = arith.constant 608 : index
        %swap3A_792 = tpu.vector_load %arg7[%swap3A_790, %swap3A_791] {strides = array<i32>} : memref<16x1024xf32, #tpu.memory_space<vmem>>, vector<1x16xf32>,
        %swap3A_793 = vector.shape_cast %swap3A_792 : vector<1x16xf32> to vector<16xf32>
        %swap3A_794 = vector.shape_cast %add3A_789 : vector<16xf32> to vector<1x16xf32>
        tpu.vector_store %arg7[%swap3A_790, %swap3A_791], %swap3A_794 {strides = array<i32>} : memref<16x1024xf32, #tpu.memory_space<vmem>>, vector<1x16xf32>,
        %get3A_795 = arith.index_cast %scan3A_53 : i32 to index
        %get3A_796 = arith.constant 624 : index
        %get3A_797 = tpu.vector_load %arg7[%get3A_795, %get3A_796] {strides = array<i32>} : memref<16x1024xf32, #tpu.memory_space<vmem>>, vector<1x16xf32>,
        %get3A_798 = vector.shape_cast %get3A_797 : vector<1x16xf32> to vector<16xf32>
        %get3A_799 = arith.index_cast %scan3A_53 : i32 to index
        %get3A_800 = arith.constant 624 : index
        %get3A_801 = tpu.vector_load %arg8[%get3A_799, %get3A_800] {strides = array<i32>} : memref<16x1024xf32, #tpu.memory_space<vmem>>, vector<1x16xf32>,
        %get3A_802 = vector.shape_cast %get3A_801 : vector<1x16xf32> to vector<16xf32>
        %add3A_803 = arith.addf %get3A_798, %get3A_802 : vector<16xf32>
        %get3A_804 = arith.index_cast %scan3A_53 : i32 to index
        %get3A_805 = arith.constant 624 : index
        %get3A_806 = tpu.vector_load %arg9[%get3A_804, %get3A_805] {strides = array<i32>} : memref<16x1024xf32, #tpu.memory_space<vmem>>, vector<1x16xf32>,
        %get3A_807 = vector.shape_cast %get3A_806 : vector<1x16xf32> to vector<16xf32>
        %add3A_808 = arith.addf %add3A_803, %get3A_807 : vector<16xf32>
        %swap3A_809 = arith.index_cast %scan3A_53 : i32 to index
        %swap3A_810 = arith.constant 624 : index
        %swap3A_811 = tpu.vector_load %arg7[%swap3A_809, %swap3A_810] {strides = array<i32>} : memref<16x1024xf32, #tpu.memory_space<vmem>>, vector<1x16xf32>,
        %swap3A_812 = vector.shape_cast %swap3A_811 : vector<1x16xf32> to vector<16xf32>
        %swap3A_813 = vector.shape_cast %add3A_808 : vector<16xf32> to vector<1x16xf32>
        tpu.vector_store %arg7[%swap3A_809, %swap3A_810], %swap3A_813 {strides = array<i32>} : memref<16x1024xf32, #tpu.memory_space<vmem>>, vector<1x16xf32>,
        %get3A_814 = arith.index_cast %scan3A_53 : i32 to index
        %get3A_815 = arith.constant 640 : index
        %get3A_816 = tpu.vector_load %arg7[%get3A_814, %get3A_815] {strides = array<i32>} : memref<16x1024xf32, #tpu.memory_space<vmem>>, vector<1x16xf32>,
        %get3A_817 = vector.shape_cast %get3A_816 : vector<1x16xf32> to vector<16xf32>
        %get3A_818 = arith.index_cast %scan3A_53 : i32 to index
        %get3A_819 = arith.constant 640 : index
        %get3A_820 = tpu.vector_load %arg8[%get3A_818, %get3A_819] {strides = array<i32>} : memref<16x1024xf32, #tpu.memory_space<vmem>>, vector<1x16xf32>,
        %get3A_821 = vector.shape_cast %get3A_820 : vector<1x16xf32> to vector<16xf32>
        %add3A_822 = arith.addf %get3A_817, %get3A_821 : vector<16xf32>
        %get3A_823 = arith.index_cast %scan3A_53 : i32 to index
        %get3A_824 = arith.constant 640 : index
        %get3A_825 = tpu.vector_load %arg9[%get3A_823, %get3A_824] {strides = array<i32>} : memref<16x1024xf32, #tpu.memory_space<vmem>>, vector<1x16xf32>,
        %get3A_826 = vector.shape_cast %get3A_825 : vector<1x16xf32> to vector<16xf32>
        %add3A_827 = arith.addf %add3A_822, %get3A_826 : vector<16xf32>
        %swap3A_828 = arith.index_cast %scan3A_53 : i32 to index
        %swap3A_829 = arith.constant 640 : index
        %swap3A_830 = tpu.vector_load %arg7[%swap3A_828, %swap3A_829] {strides = array<i32>} : memref<16x1024xf32, #tpu.memory_space<vmem>>, vector<1x16xf32>,
        %swap3A_831 = vector.shape_cast %swap3A_830 : vector<1x16xf32> to vector<16xf32>
        %swap3A_832 = vector.shape_cast %add3A_827 : vector<16xf32> to vector<1x16xf32>
        tpu.vector_store %arg7[%swap3A_828, %swap3A_829], %swap3A_832 {strides = array<i32>} : memref<16x1024xf32, #tpu.memory_space<vmem>>, vector<1x16xf32>,
        %get3A_833 = arith.index_cast %scan3A_53 : i32 to index
        %get3A_834 = arith.constant 656 : index
        %get3A_835 = tpu.vector_load %arg7[%get3A_833, %get3A_834] {strides = array<i32>} : memref<16x1024xf32, #tpu.memory_space<vmem>>, vector<1x16xf32>,
        %get3A_836 = vector.shape_cast %get3A_835 : vector<1x16xf32> to vector<16xf32>
        %get3A_837 = arith.index_cast %scan3A_53 : i32 to index
        %get3A_838 = arith.constant 656 : index
        %get3A_839 = tpu.vector_load %arg8[%get3A_837, %get3A_838] {strides = array<i32>} : memref<16x1024xf32, #tpu.memory_space<vmem>>, vector<1x16xf32>,
        %get3A_840 = vector.shape_cast %get3A_839 : vector<1x16xf32> to vector<16xf32>
        %add3A_841 = arith.addf %get3A_836, %get3A_840 : vector<16xf32>
        %get3A_842 = arith.index_cast %scan3A_53 : i32 to index
        %get3A_843 = arith.constant 656 : index
        %get3A_844 = tpu.vector_load %arg9[%get3A_842, %get3A_843] {strides = array<i32>} : memref<16x1024xf32, #tpu.memory_space<vmem>>, vector<1x16xf32>,
        %get3A_845 = vector.shape_cast %get3A_844 : vector<1x16xf32> to vector<16xf32>
        %add3A_846 = arith.addf %add3A_841, %get3A_845 : vector<16xf32>
        %swap3A_847 = arith.index_cast %scan3A_53 : i32 to index
        %swap3A_848 = arith.constant 656 : index
        %swap3A_849 = tpu.vector_load %arg7[%swap3A_847, %swap3A_848] {strides = array<i32>} : memref<16x1024xf32, #tpu.memory_space<vmem>>, vector<1x16xf32>,
        %swap3A_850 = vector.shape_cast %swap3A_849 : vector<1x16xf32> to vector<16xf32>
        %swap3A_851 = vector.shape_cast %add3A_846 : vector<16xf32> to vector<1x16xf32>
        tpu.vector_store %arg7[%swap3A_847, %swap3A_848], %swap3A_851 {strides = array<i32>} : memref<16x1024xf32, #tpu.memory_space<vmem>>, vector<1x16xf32>,
        %get3A_852 = arith.index_cast %scan3A_53 : i32 to index
        %get3A_853 = arith.constant 672 : index
        %get3A_854 = tpu.vector_load %arg7[%get3A_852, %get3A_853] {strides = array<i32>} : memref<16x1024xf32, #tpu.memory_space<vmem>>, vector<1x16xf32>,
        %get3A_855 = vector.shape_cast %get3A_854 : vector<1x16xf32> to vector<16xf32>
        %get3A_856 = arith.index_cast %scan3A_53 : i32 to index
        %get3A_857 = arith.constant 672 : index
        %get3A_858 = tpu.vector_load %arg8[%get3A_856, %get3A_857] {strides = array<i32>} : memref<16x1024xf32, #tpu.memory_space<vmem>>, vector<1x16xf32>,
        %get3A_859 = vector.shape_cast %get3A_858 : vector<1x16xf32> to vector<16xf32>
        %add3A_860 = arith.addf %get3A_855, %get3A_859 : vector<16xf32>
        %get3A_861 = arith.index_cast %scan3A_53 : i32 to index
        %get3A_862 = arith.constant 672 : index
        %get3A_863 = tpu.vector_load %arg9[%get3A_861, %get3A_862] {strides = array<i32>} : memref<16x1024xf32, #tpu.memory_space<vmem>>, vector<1x16xf32>,
        %get3A_864 = vector.shape_cast %get3A_863 : vector<1x16xf32> to vector<16xf32>
        %add3A_865 = arith.addf %add3A_860, %get3A_864 : vector<16xf32>
        %swap3A_866 = arith.index_cast %scan3A_53 : i32 to index
        %swap3A_867 = arith.constant 672 : index
        %swap3A_868 = tpu.vector_load %arg7[%swap3A_866, %swap3A_867] {strides = array<i32>} : memref<16x1024xf32, #tpu.memory_space<vmem>>, vector<1x16xf32>,
        %swap3A_869 = vector.shape_cast %swap3A_868 : vector<1x16xf32> to vector<16xf32>
        %swap3A_870 = vector.shape_cast %add3A_865 : vector<16xf32> to vector<1x16xf32>
        tpu.vector_store %arg7[%swap3A_866, %swap3A_867], %swap3A_870 {strides = array<i32>} : memref<16x1024xf32, #tpu.memory_space<vmem>>, vector<1x16xf32>,
        %get3A_871 = arith.index_cast %scan3A_53 : i32 to index
        %get3A_872 = arith.constant 688 : index
        %get3A_873 = tpu.vector_load %arg7[%get3A_871, %get3A_872] {strides = array<i32>} : memref<16x1024xf32, #tpu.memory_space<vmem>>, vector<1x16xf32>,
        %get3A_874 = vector.shape_cast %get3A_873 : vector<1x16xf32> to vector<16xf32>
        %get3A_875 = arith.index_cast %scan3A_53 : i32 to index
        %get3A_876 = arith.constant 688 : index
        %get3A_877 = tpu.vector_load %arg8[%get3A_875, %get3A_876] {strides = array<i32>} : memref<16x1024xf32, #tpu.memory_space<vmem>>, vector<1x16xf32>,
        %get3A_878 = vector.shape_cast %get3A_877 : vector<1x16xf32> to vector<16xf32>
        %add3A_879 = arith.addf %get3A_874, %get3A_878 : vector<16xf32>
        %get3A_880 = arith.index_cast %scan3A_53 : i32 to index
        %get3A_881 = arith.constant 688 : index
        %get3A_882 = tpu.vector_load %arg9[%get3A_880, %get3A_881] {strides = array<i32>} : memref<16x1024xf32, #tpu.memory_space<vmem>>, vector<1x16xf32>,
        %get3A_883 = vector.shape_cast %get3A_882 : vector<1x16xf32> to vector<16xf32>
        %add3A_884 = arith.addf %add3A_879, %get3A_883 : vector<16xf32>
        %swap3A_885 = arith.index_cast %scan3A_53 : i32 to index
        %swap3A_886 = arith.constant 688 : index
        %swap3A_887 = tpu.vector_load %arg7[%swap3A_885, %swap3A_886] {strides = array<i32>} : memref<16x1024xf32, #tpu.memory_space<vmem>>, vector<1x16xf32>,
        %swap3A_888 = vector.shape_cast %swap3A_887 : vector<1x16xf32> to vector<16xf32>
        %swap3A_889 = vector.shape_cast %add3A_884 : vector<16xf32> to vector<1x16xf32>
        tpu.vector_store %arg7[%swap3A_885, %swap3A_886], %swap3A_889 {strides = array<i32>} : memref<16x1024xf32, #tpu.memory_space<vmem>>, vector<1x16xf32>,
        %get3A_890 = arith.index_cast %scan3A_53 : i32 to index
        %get3A_891 = arith.constant 704 : index
        %get3A_892 = tpu.vector_load %arg7[%get3A_890, %get3A_891] {strides = array<i32>} : memref<16x1024xf32, #tpu.memory_space<vmem>>, vector<1x16xf32>,
        %get3A_893 = vector.shape_cast %get3A_892 : vector<1x16xf32> to vector<16xf32>
        %get3A_894 = arith.index_cast %scan3A_53 : i32 to index
        %get3A_895 = arith.constant 704 : index
        %get3A_896 = tpu.vector_load %arg8[%get3A_894, %get3A_895] {strides = array<i32>} : memref<16x1024xf32, #tpu.memory_space<vmem>>, vector<1x16xf32>,
        %get3A_897 = vector.shape_cast %get3A_896 : vector<1x16xf32> to vector<16xf32>
        %add3A_898 = arith.addf %get3A_893, %get3A_897 : vector<16xf32>
        %get3A_899 = arith.index_cast %scan3A_53 : i32 to index
        %get3A_900 = arith.constant 704 : index
        %get3A_901 = tpu.vector_load %arg9[%get3A_899, %get3A_900] {strides = array<i32>} : memref<16x1024xf32, #tpu.memory_space<vmem>>, vector<1x16xf32>,
        %get3A_902 = vector.shape_cast %get3A_901 : vector<1x16xf32> to vector<16xf32>
        %add3A_903 = arith.addf %add3A_898, %get3A_902 : vector<16xf32>
        %swap3A_904 = arith.index_cast %scan3A_53 : i32 to index
        %swap3A_905 = arith.constant 704 : index
        %swap3A_906 = tpu.vector_load %arg7[%swap3A_904, %swap3A_905] {strides = array<i32>} : memref<16x1024xf32, #tpu.memory_space<vmem>>, vector<1x16xf32>,
        %swap3A_907 = vector.shape_cast %swap3A_906 : vector<1x16xf32> to vector<16xf32>
        %swap3A_908 = vector.shape_cast %add3A_903 : vector<16xf32> to vector<1x16xf32>
        tpu.vector_store %arg7[%swap3A_904, %swap3A_905], %swap3A_908 {strides = array<i32>} : memref<16x1024xf32, #tpu.memory_space<vmem>>, vector<1x16xf32>,
        %get3A_909 = arith.index_cast %scan3A_53 : i32 to index
        %get3A_910 = arith.constant 720 : index
        %get3A_911 = tpu.vector_load %arg7[%get3A_909, %get3A_910] {strides = array<i32>} : memref<16x1024xf32, #tpu.memory_space<vmem>>, vector<1x16xf32>,
        %get3A_912 = vector.shape_cast %get3A_911 : vector<1x16xf32> to vector<16xf32>
        %get3A_913 = arith.index_cast %scan3A_53 : i32 to index
        %get3A_914 = arith.constant 720 : index
        %get3A_915 = tpu.vector_load %arg8[%get3A_913, %get3A_914] {strides = array<i32>} : memref<16x1024xf32, #tpu.memory_space<vmem>>, vector<1x16xf32>,
        %get3A_916 = vector.shape_cast %get3A_915 : vector<1x16xf32> to vector<16xf32>
        %add3A_917 = arith.addf %get3A_912, %get3A_916 : vector<16xf32>
        %get3A_918 = arith.index_cast %scan3A_53 : i32 to index
        %get3A_919 = arith.constant 720 : index
        %get3A_920 = tpu.vector_load %arg9[%get3A_918, %get3A_919] {strides = array<i32>} : memref<16x1024xf32, #tpu.memory_space<vmem>>, vector<1x16xf32>,
        %get3A_921 = vector.shape_cast %get3A_920 : vector<1x16xf32> to vector<16xf32>
        %add3A_922 = arith.addf %add3A_917, %get3A_921 : vector<16xf32>
        %swap3A_923 = arith.index_cast %scan3A_53 : i32 to index
        %swap3A_924 = arith.constant 720 : index
        %swap3A_925 = tpu.vector_load %arg7[%swap3A_923, %swap3A_924] {strides = array<i32>} : memref<16x1024xf32, #tpu.memory_space<vmem>>, vector<1x16xf32>,
        %swap3A_926 = vector.shape_cast %swap3A_925 : vector<1x16xf32> to vector<16xf32>
        %swap3A_927 = vector.shape_cast %add3A_922 : vector<16xf32> to vector<1x16xf32>
        tpu.vector_store %arg7[%swap3A_923, %swap3A_924], %swap3A_927 {strides = array<i32>} : memref<16x1024xf32, #tpu.memory_space<vmem>>, vector<1x16xf32>,
        %get3A_928 = arith.index_cast %scan3A_53 : i32 to index
        %get3A_929 = arith.constant 736 : index
        %get3A_930 = tpu.vector_load %arg7[%get3A_928, %get3A_929] {strides = array<i32>} : memref<16x1024xf32, #tpu.memory_space<vmem>>, vector<1x16xf32>,
        %get3A_931 = vector.shape_cast %get3A_930 : vector<1x16xf32> to vector<16xf32>
        %get3A_932 = arith.index_cast %scan3A_53 : i32 to index
        %get3A_933 = arith.constant 736 : index
        %get3A_934 = tpu.vector_load %arg8[%get3A_932, %get3A_933] {strides = array<i32>} : memref<16x1024xf32, #tpu.memory_space<vmem>>, vector<1x16xf32>,
        %get3A_935 = vector.shape_cast %get3A_934 : vector<1x16xf32> to vector<16xf32>
        %add3A_936 = arith.addf %get3A_931, %get3A_935 : vector<16xf32>
        %get3A_937 = arith.index_cast %scan3A_53 : i32 to index
        %get3A_938 = arith.constant 736 : index
        %get3A_939 = tpu.vector_load %arg9[%get3A_937, %get3A_938] {strides = array<i32>} : memref<16x1024xf32, #tpu.memory_space<vmem>>, vector<1x16xf32>,
        %get3A_940 = vector.shape_cast %get3A_939 : vector<1x16xf32> to vector<16xf32>
        %add3A_941 = arith.addf %add3A_936, %get3A_940 : vector<16xf32>
        %swap3A_942 = arith.index_cast %scan3A_53 : i32 to index
        %swap3A_943 = arith.constant 736 : index
        %swap3A_944 = tpu.vector_load %arg7[%swap3A_942, %swap3A_943] {strides = array<i32>} : memref<16x1024xf32, #tpu.memory_space<vmem>>, vector<1x16xf32>,
        %swap3A_945 = vector.shape_cast %swap3A_944 : vector<1x16xf32> to vector<16xf32>
        %swap3A_946 = vector.shape_cast %add3A_941 : vector<16xf32> to vector<1x16xf32>
        tpu.vector_store %arg7[%swap3A_942, %swap3A_943], %swap3A_946 {strides = array<i32>} : memref<16x1024xf32, #tpu.memory_space<vmem>>, vector<1x16xf32>,
        %get3A_947 = arith.index_cast %scan3A_53 : i32 to index
        %get3A_948 = arith.constant 752 : index
        %get3A_949 = tpu.vector_load %arg7[%get3A_947, %get3A_948] {strides = array<i32>} : memref<16x1024xf32, #tpu.memory_space<vmem>>, vector<1x16xf32>,
        %get3A_950 = vector.shape_cast %get3A_949 : vector<1x16xf32> to vector<16xf32>
        %get3A_951 = arith.index_cast %scan3A_53 : i32 to index
        %get3A_952 = arith.constant 752 : index
        %get3A_953 = tpu.vector_load %arg8[%get3A_951, %get3A_952] {strides = array<i32>} : memref<16x1024xf32, #tpu.memory_space<vmem>>, vector<1x16xf32>,
        %get3A_954 = vector.shape_cast %get3A_953 : vector<1x16xf32> to vector<16xf32>
        %add3A_955 = arith.addf %get3A_950, %get3A_954 : vector<16xf32>
        %get3A_956 = arith.index_cast %scan3A_53 : i32 to index
        %get3A_957 = arith.constant 752 : index
        %get3A_958 = tpu.vector_load %arg9[%get3A_956, %get3A_957] {strides = array<i32>} : memref<16x1024xf32, #tpu.memory_space<vmem>>, vector<1x16xf32>,
        %get3A_959 = vector.shape_cast %get3A_958 : vector<1x16xf32> to vector<16xf32>
        %add3A_960 = arith.addf %add3A_955, %get3A_959 : vector<16xf32>
        %swap3A_961 = arith.index_cast %scan3A_53 : i32 to index
        %swap3A_962 = arith.constant 752 : index
        %swap3A_963 = tpu.vector_load %arg7[%swap3A_961, %swap3A_962] {strides = array<i32>} : memref<16x1024xf32, #tpu.memory_space<vmem>>, vector<1x16xf32>,
        %swap3A_964 = vector.shape_cast %swap3A_963 : vector<1x16xf32> to vector<16xf32>
        %swap3A_965 = vector.shape_cast %add3A_960 : vector<16xf32> to vector<1x16xf32>
        tpu.vector_store %arg7[%swap3A_961, %swap3A_962], %swap3A_965 {strides = array<i32>} : memref<16x1024xf32, #tpu.memory_space<vmem>>, vector<1x16xf32>,
        %get3A_966 = arith.index_cast %scan3A_53 : i32 to index
        %get3A_967 = arith.constant 768 : index
        %get3A_968 = tpu.vector_load %arg7[%get3A_966, %get3A_967] {strides = array<i32>} : memref<16x1024xf32, #tpu.memory_space<vmem>>, vector<1x16xf32>,
        %get3A_969 = vector.shape_cast %get3A_968 : vector<1x16xf32> to vector<16xf32>
        %get3A_970 = arith.index_cast %scan3A_53 : i32 to index
        %get3A_971 = arith.constant 768 : index
        %get3A_972 = tpu.vector_load %arg8[%get3A_970, %get3A_971] {strides = array<i32>} : memref<16x1024xf32, #tpu.memory_space<vmem>>, vector<1x16xf32>,
        %get3A_973 = vector.shape_cast %get3A_972 : vector<1x16xf32> to vector<16xf32>
        %add3A_974 = arith.addf %get3A_969, %get3A_973 : vector<16xf32>
        %get3A_975 = arith.index_cast %scan3A_53 : i32 to index
        %get3A_976 = arith.constant 768 : index
        %get3A_977 = tpu.vector_load %arg9[%get3A_975, %get3A_976] {strides = array<i32>} : memref<16x1024xf32, #tpu.memory_space<vmem>>, vector<1x16xf32>,
        %get3A_978 = vector.shape_cast %get3A_977 : vector<1x16xf32> to vector<16xf32>
        %add3A_979 = arith.addf %add3A_974, %get3A_978 : vector<16xf32>
        %swap3A_980 = arith.index_cast %scan3A_53 : i32 to index
        %swap3A_981 = arith.constant 768 : index
        %swap3A_982 = tpu.vector_load %arg7[%swap3A_980, %swap3A_981] {strides = array<i32>} : memref<16x1024xf32, #tpu.memory_space<vmem>>, vector<1x16xf32>,
        %swap3A_983 = vector.shape_cast %swap3A_982 : vector<1x16xf32> to vector<16xf32>
        %swap3A_984 = vector.shape_cast %add3A_979 : vector<16xf32> to vector<1x16xf32>
        tpu.vector_store %arg7[%swap3A_980, %swap3A_981], %swap3A_984 {strides = array<i32>} : memref<16x1024xf32, #tpu.memory_space<vmem>>, vector<1x16xf32>,
        %get3A_985 = arith.index_cast %scan3A_53 : i32 to index
        %get3A_986 = arith.constant 784 : index
        %get3A_987 = tpu.vector_load %arg7[%get3A_985, %get3A_986] {strides = array<i32>} : memref<16x1024xf32, #tpu.memory_space<vmem>>, vector<1x16xf32>,
        %get3A_988 = vector.shape_cast %get3A_987 : vector<1x16xf32> to vector<16xf32>
        %get3A_989 = arith.index_cast %scan3A_53 : i32 to index
        %get3A_990 = arith.constant 784 : index
        %get3A_991 = tpu.vector_load %arg8[%get3A_989, %get3A_990] {strides = array<i32>} : memref<16x1024xf32, #tpu.memory_space<vmem>>, vector<1x16xf32>,
        %get3A_992 = vector.shape_cast %get3A_991 : vector<1x16xf32> to vector<16xf32>
        %add3A_993 = arith.addf %get3A_988, %get3A_992 : vector<16xf32>
        %get3A_994 = arith.index_cast %scan3A_53 : i32 to index
        %get3A_995 = arith.constant 784 : index
        %get3A_996 = tpu.vector_load %arg9[%get3A_994, %get3A_995] {strides = array<i32>} : memref<16x1024xf32, #tpu.memory_space<vmem>>, vector<1x16xf32>,
        %get3A_997 = vector.shape_cast %get3A_996 : vector<1x16xf32> to vector<16xf32>
        %add3A_998 = arith.addf %add3A_993, %get3A_997 : vector<16xf32>
        %swap3A_999 = arith.index_cast %scan3A_53 : i32 to index
        %swap3A_1000 = arith.constant 784 : index
        %swap3A_1001 = tpu.vector_load %arg7[%swap3A_999, %swap3A_1000] {strides = array<i32>} : memref<16x1024xf32, #tpu.memory_space<vmem>>, vector<1x16xf32>,
        %swap3A_1002 = vector.shape_cast %swap3A_1001 : vector<1x16xf32> to vector<16xf32>
        %swap3A_1003 = vector.shape_cast %add3A_998 : vector<16xf32> to vector<1x16xf32>
        tpu.vector_store %arg7[%swap3A_999, %swap3A_1000], %swap3A_1003 {strides = array<i32>} : memref<16x1024xf32, #tpu.memory_space<vmem>>, vector<1x16xf32>,
        %get3A_1004 = arith.index_cast %scan3A_53 : i32 to index
        %get3A_1005 = arith.constant 800 : index
        %get3A_1006 = tpu.vector_load %arg7[%get3A_1004, %get3A_1005] {strides = array<i32>} : memref<16x1024xf32, #tpu.memory_space<vmem>>, vector<1x16xf32>,
        %get3A_1007 = vector.shape_cast %get3A_1006 : vector<1x16xf32> to vector<16xf32>
        %get3A_1008 = arith.index_cast %scan3A_53 : i32 to index
        %get3A_1009 = arith.constant 800 : index
        %get3A_1010 = tpu.vector_load %arg8[%get3A_1008, %get3A_1009] {strides = array<i32>} : memref<16x1024xf32, #tpu.memory_space<vmem>>, vector<1x16xf32>,
        %get3A_1011 = vector.shape_cast %get3A_1010 : vector<1x16xf32> to vector<16xf32>
        %add3A_1012 = arith.addf %get3A_1007, %get3A_1011 : vector<16xf32>
        %get3A_1013 = arith.index_cast %scan3A_53 : i32 to index
        %get3A_1014 = arith.constant 800 : index
        %get3A_1015 = tpu.vector_load %arg9[%get3A_1013, %get3A_1014] {strides = array<i32>} : memref<16x1024xf32, #tpu.memory_space<vmem>>, vector<1x16xf32>,
        %get3A_1016 = vector.shape_cast %get3A_1015 : vector<1x16xf32> to vector<16xf32>
        %add3A_1017 = arith.addf %add3A_1012, %get3A_1016 : vector<16xf32>
        %swap3A_1018 = arith.index_cast %scan3A_53 : i32 to index
        %swap3A_1019 = arith.constant 800 : index
        %swap3A_1020 = tpu.vector_load %arg7[%swap3A_1018, %swap3A_1019] {strides = array<i32>} : memref<16x1024xf32, #tpu.memory_space<vmem>>, vector<1x16xf32>,
        %swap3A_1021 = vector.shape_cast %swap3A_1020 : vector<1x16xf32> to vector<16xf32>
        %swap3A_1022 = vector.shape_cast %add3A_1017 : vector<16xf32> to vector<1x16xf32>
        tpu.vector_store %arg7[%swap3A_1018, %swap3A_1019], %swap3A_1022 {strides = array<i32>} : memref<16x1024xf32, #tpu.memory_space<vmem>>, vector<1x16xf32>,
        %get3A_1023 = arith.index_cast %scan3A_53 : i32 to index
        %get3A_1024 = arith.constant 816 : index
        %get3A_1025 = tpu.vector_load %arg7[%get3A_1023, %get3A_1024] {strides = array<i32>} : memref<16x1024xf32, #tpu.memory_space<vmem>>, vector<1x16xf32>,
        %get3A_1026 = vector.shape_cast %get3A_1025 : vector<1x16xf32> to vector<16xf32>
        %get3A_1027 = arith.index_cast %scan3A_53 : i32 to index
        %get3A_1028 = arith.constant 816 : index
        %get3A_1029 = tpu.vector_load %arg8[%get3A_1027, %get3A_1028] {strides = array<i32>} : memref<16x1024xf32, #tpu.memory_space<vmem>>, vector<1x16xf32>,
        %get3A_1030 = vector.shape_cast %get3A_1029 : vector<1x16xf32> to vector<16xf32>
        %add3A_1031 = arith.addf %get3A_1026, %get3A_1030 : vector<16xf32>
        %get3A_1032 = arith.index_cast %scan3A_53 : i32 to index
        %get3A_1033 = arith.constant 816 : index
        %get3A_1034 = tpu.vector_load %arg9[%get3A_1032, %get3A_1033] {strides = array<i32>} : memref<16x1024xf32, #tpu.memory_space<vmem>>, vector<1x16xf32>,
        %get3A_1035 = vector.shape_cast %get3A_1034 : vector<1x16xf32> to vector<16xf32>
        %add3A_1036 = arith.addf %add3A_1031, %get3A_1035 : vector<16xf32>
        %swap3A_1037 = arith.index_cast %scan3A_53 : i32 to index
        %swap3A_1038 = arith.constant 816 : index
        %swap3A_1039 = tpu.vector_load %arg7[%swap3A_1037, %swap3A_1038] {strides = array<i32>} : memref<16x1024xf32, #tpu.memory_space<vmem>>, vector<1x16xf32>,
        %swap3A_1040 = vector.shape_cast %swap3A_1039 : vector<1x16xf32> to vector<16xf32>
        %swap3A_1041 = vector.shape_cast %add3A_1036 : vector<16xf32> to vector<1x16xf32>
        tpu.vector_store %arg7[%swap3A_1037, %swap3A_1038], %swap3A_1041 {strides = array<i32>} : memref<16x1024xf32, #tpu.memory_space<vmem>>, vector<1x16xf32>,
        %get3A_1042 = arith.index_cast %scan3A_53 : i32 to index
        %get3A_1043 = arith.constant 832 : index
        %get3A_1044 = tpu.vector_load %arg7[%get3A_1042, %get3A_1043] {strides = array<i32>} : memref<16x1024xf32, #tpu.memory_space<vmem>>, vector<1x16xf32>,
        %get3A_1045 = vector.shape_cast %get3A_1044 : vector<1x16xf32> to vector<16xf32>
        %get3A_1046 = arith.index_cast %scan3A_53 : i32 to index
        %get3A_1047 = arith.constant 832 : index
        %get3A_1048 = tpu.vector_load %arg8[%get3A_1046, %get3A_1047] {strides = array<i32>} : memref<16x1024xf32, #tpu.memory_space<vmem>>, vector<1x16xf32>,
        %get3A_1049 = vector.shape_cast %get3A_1048 : vector<1x16xf32> to vector<16xf32>
        %add3A_1050 = arith.addf %get3A_1045, %get3A_1049 : vector<16xf32>
        %get3A_1051 = arith.index_cast %scan3A_53 : i32 to index
        %get3A_1052 = arith.constant 832 : index
        %get3A_1053 = tpu.vector_load %arg9[%get3A_1051, %get3A_1052] {strides = array<i32>} : memref<16x1024xf32, #tpu.memory_space<vmem>>, vector<1x16xf32>,
        %get3A_1054 = vector.shape_cast %get3A_1053 : vector<1x16xf32> to vector<16xf32>
        %add3A_1055 = arith.addf %add3A_1050, %get3A_1054 : vector<16xf32>
        %swap3A_1056 = arith.index_cast %scan3A_53 : i32 to index
        %swap3A_1057 = arith.constant 832 : index
        %swap3A_1058 = tpu.vector_load %arg7[%swap3A_1056, %swap3A_1057] {strides = array<i32>} : memref<16x1024xf32, #tpu.memory_space<vmem>>, vector<1x16xf32>,
        %swap3A_1059 = vector.shape_cast %swap3A_1058 : vector<1x16xf32> to vector<16xf32>
        %swap3A_1060 = vector.shape_cast %add3A_1055 : vector<16xf32> to vector<1x16xf32>
        tpu.vector_store %arg7[%swap3A_1056, %swap3A_1057], %swap3A_1060 {strides = array<i32>} : memref<16x1024xf32, #tpu.memory_space<vmem>>, vector<1x16xf32>,
        %get3A_1061 = arith.index_cast %scan3A_53 : i32 to index
        %get3A_1062 = arith.constant 848 : index
        %get3A_1063 = tpu.vector_load %arg7[%get3A_1061, %get3A_1062] {strides = array<i32>} : memref<16x1024xf32, #tpu.memory_space<vmem>>, vector<1x16xf32>,
        %get3A_1064 = vector.shape_cast %get3A_1063 : vector<1x16xf32> to vector<16xf32>
        %get3A_1065 = arith.index_cast %scan3A_53 : i32 to index
        %get3A_1066 = arith.constant 848 : index
        %get3A_1067 = tpu.vector_load %arg8[%get3A_1065, %get3A_1066] {strides = array<i32>} : memref<16x1024xf32, #tpu.memory_space<vmem>>, vector<1x16xf32>,
        %get3A_1068 = vector.shape_cast %get3A_1067 : vector<1x16xf32> to vector<16xf32>
        %add3A_1069 = arith.addf %get3A_1064, %get3A_1068 : vector<16xf32>
        %get3A_1070 = arith.index_cast %scan3A_53 : i32 to index
        %get3A_1071 = arith.constant 848 : index
        %get3A_1072 = tpu.vector_load %arg9[%get3A_1070, %get3A_1071] {strides = array<i32>} : memref<16x1024xf32, #tpu.memory_space<vmem>>, vector<1x16xf32>,
        %get3A_1073 = vector.shape_cast %get3A_1072 : vector<1x16xf32> to vector<16xf32>
        %add3A_1074 = arith.addf %add3A_1069, %get3A_1073 : vector<16xf32>
        %swap3A_1075 = arith.index_cast %scan3A_53 : i32 to index
        %swap3A_1076 = arith.constant 848 : index
        %swap3A_1077 = tpu.vector_load %arg7[%swap3A_1075, %swap3A_1076] {strides = array<i32>} : memref<16x1024xf32, #tpu.memory_space<vmem>>, vector<1x16xf32>,
        %swap3A_1078 = vector.shape_cast %swap3A_1077 : vector<1x16xf32> to vector<16xf32>
        %swap3A_1079 = vector.shape_cast %add3A_1074 : vector<16xf32> to vector<1x16xf32>
        tpu.vector_store %arg7[%swap3A_1075, %swap3A_1076], %swap3A_1079 {strides = array<i32>} : memref<16x1024xf32, #tpu.memory_space<vmem>>, vector<1x16xf32>,
        %get3A_1080 = arith.index_cast %scan3A_53 : i32 to index
        %get3A_1081 = arith.constant 864 : index
        %get3A_1082 = tpu.vector_load %arg7[%get3A_1080, %get3A_1081] {strides = array<i32>} : memref<16x1024xf32, #tpu.memory_space<vmem>>, vector<1x16xf32>,
        %get3A_1083 = vector.shape_cast %get3A_1082 : vector<1x16xf32> to vector<16xf32>
        %get3A_1084 = arith.index_cast %scan3A_53 : i32 to index
        %get3A_1085 = arith.constant 864 : index
        %get3A_1086 = tpu.vector_load %arg8[%get3A_1084, %get3A_1085] {strides = array<i32>} : memref<16x1024xf32, #tpu.memory_space<vmem>>, vector<1x16xf32>,
        %get3A_1087 = vector.shape_cast %get3A_1086 : vector<1x16xf32> to vector<16xf32>
        %add3A_1088 = arith.addf %get3A_1083, %get3A_1087 : vector<16xf32>
        %get3A_1089 = arith.index_cast %scan3A_53 : i32 to index
        %get3A_1090 = arith.constant 864 : index
        %get3A_1091 = tpu.vector_load %arg9[%get3A_1089, %get3A_1090] {strides = array<i32>} : memref<16x1024xf32, #tpu.memory_space<vmem>>, vector<1x16xf32>,
        %get3A_1092 = vector.shape_cast %get3A_1091 : vector<1x16xf32> to vector<16xf32>
        %add3A_1093 = arith.addf %add3A_1088, %get3A_1092 : vector<16xf32>
        %swap3A_1094 = arith.index_cast %scan3A_53 : i32 to index
        %swap3A_1095 = arith.constant 864 : index
        %swap3A_1096 = tpu.vector_load %arg7[%swap3A_1094, %swap3A_1095] {strides = array<i32>} : memref<16x1024xf32, #tpu.memory_space<vmem>>, vector<1x16xf32>,
        %swap3A_1097 = vector.shape_cast %swap3A_1096 : vector<1x16xf32> to vector<16xf32>
        %swap3A_1098 = vector.shape_cast %add3A_1093 : vector<16xf32> to vector<1x16xf32>
        tpu.vector_store %arg7[%swap3A_1094, %swap3A_1095], %swap3A_1098 {strides = array<i32>} : memref<16x1024xf32, #tpu.memory_space<vmem>>, vector<1x16xf32>,
        %get3A_1099 = arith.index_cast %scan3A_53 : i32 to index
        %get3A_1100 = arith.constant 880 : index
        %get3A_1101 = tpu.vector_load %arg7[%get3A_1099, %get3A_1100] {strides = array<i32>} : memref<16x1024xf32, #tpu.memory_space<vmem>>, vector<1x16xf32>,
        %get3A_1102 = vector.shape_cast %get3A_1101 : vector<1x16xf32> to vector<16xf32>
        %get3A_1103 = arith.index_cast %scan3A_53 : i32 to index
        %get3A_1104 = arith.constant 880 : index
        %get3A_1105 = tpu.vector_load %arg8[%get3A_1103, %get3A_1104] {strides = array<i32>} : memref<16x1024xf32, #tpu.memory_space<vmem>>, vector<1x16xf32>,
        %get3A_1106 = vector.shape_cast %get3A_1105 : vector<1x16xf32> to vector<16xf32>
        %add3A_1107 = arith.addf %get3A_1102, %get3A_1106 : vector<16xf32>
        %get3A_1108 = arith.index_cast %scan3A_53 : i32 to index
        %get3A_1109 = arith.constant 880 : index
        %get3A_1110 = tpu.vector_load %arg9[%get3A_1108, %get3A_1109] {strides = array<i32>} : memref<16x1024xf32, #tpu.memory_space<vmem>>, vector<1x16xf32>,
        %get3A_1111 = vector.shape_cast %get3A_1110 : vector<1x16xf32> to vector<16xf32>
        %add3A_1112 = arith.addf %add3A_1107, %get3A_1111 : vector<16xf32>
        %swap3A_1113 = arith.index_cast %scan3A_53 : i32 to index
        %swap3A_1114 = arith.constant 880 : index
        %swap3A_1115 = tpu.vector_load %arg7[%swap3A_1113, %swap3A_1114] {strides = array<i32>} : memref<16x1024xf32, #tpu.memory_space<vmem>>, vector<1x16xf32>,
        %swap3A_1116 = vector.shape_cast %swap3A_1115 : vector<1x16xf32> to vector<16xf32>
        %swap3A_1117 = vector.shape_cast %add3A_1112 : vector<16xf32> to vector<1x16xf32>
        tpu.vector_store %arg7[%swap3A_1113, %swap3A_1114], %swap3A_1117 {strides = array<i32>} : memref<16x1024xf32, #tpu.memory_space<vmem>>, vector<1x16xf32>,
        %get3A_1118 = arith.index_cast %scan3A_53 : i32 to index
        %get3A_1119 = arith.constant 896 : index
        %get3A_1120 = tpu.vector_load %arg7[%get3A_1118, %get3A_1119] {strides = array<i32>} : memref<16x1024xf32, #tpu.memory_space<vmem>>, vector<1x16xf32>,
        %get3A_1121 = vector.shape_cast %get3A_1120 : vector<1x16xf32> to vector<16xf32>
        %get3A_1122 = arith.index_cast %scan3A_53 : i32 to index
        %get3A_1123 = arith.constant 896 : index
        %get3A_1124 = tpu.vector_load %arg8[%get3A_1122, %get3A_1123] {strides = array<i32>} : memref<16x1024xf32, #tpu.memory_space<vmem>>, vector<1x16xf32>,
        %get3A_1125 = vector.shape_cast %get3A_1124 : vector<1x16xf32> to vector<16xf32>
        %add3A_1126 = arith.addf %get3A_1121, %get3A_1125 : vector<16xf32>
        %get3A_1127 = arith.index_cast %scan3A_53 : i32 to index
        %get3A_1128 = arith.constant 896 : index
        %get3A_1129 = tpu.vector_load %arg9[%get3A_1127, %get3A_1128] {strides = array<i32>} : memref<16x1024xf32, #tpu.memory_space<vmem>>, vector<1x16xf32>,
        %get3A_1130 = vector.shape_cast %get3A_1129 : vector<1x16xf32> to vector<16xf32>
        %add3A_1131 = arith.addf %add3A_1126, %get3A_1130 : vector<16xf32>
        %swap3A_1132 = arith.index_cast %scan3A_53 : i32 to index
        %swap3A_1133 = arith.constant 896 : index
        %swap3A_1134 = tpu.vector_load %arg7[%swap3A_1132, %swap3A_1133] {strides = array<i32>} : memref<16x1024xf32, #tpu.memory_space<vmem>>, vector<1x16xf32>,
        %swap3A_1135 = vector.shape_cast %swap3A_1134 : vector<1x16xf32> to vector<16xf32>
        %swap3A_1136 = vector.shape_cast %add3A_1131 : vector<16xf32> to vector<1x16xf32>
        tpu.vector_store %arg7[%swap3A_1132, %swap3A_1133], %swap3A_1136 {strides = array<i32>} : memref<16x1024xf32, #tpu.memory_space<vmem>>, vector<1x16xf32>,
        %get3A_1137 = arith.index_cast %scan3A_53 : i32 to index
        %get3A_1138 = arith.constant 912 : index
        %get3A_1139 = tpu.vector_load %arg7[%get3A_1137, %get3A_1138] {strides = array<i32>} : memref<16x1024xf32, #tpu.memory_space<vmem>>, vector<1x16xf32>,
        %get3A_1140 = vector.shape_cast %get3A_1139 : vector<1x16xf32> to vector<16xf32>
        %get3A_1141 = arith.index_cast %scan3A_53 : i32 to index
        %get3A_1142 = arith.constant 912 : index
        %get3A_1143 = tpu.vector_load %arg8[%get3A_1141, %get3A_1142] {strides = array<i32>} : memref<16x1024xf32, #tpu.memory_space<vmem>>, vector<1x16xf32>,
        %get3A_1144 = vector.shape_cast %get3A_1143 : vector<1x16xf32> to vector<16xf32>
        %add3A_1145 = arith.addf %get3A_1140, %get3A_1144 : vector<16xf32>
        %get3A_1146 = arith.index_cast %scan3A_53 : i32 to index
        %get3A_1147 = arith.constant 912 : index
        %get3A_1148 = tpu.vector_load %arg9[%get3A_1146, %get3A_1147] {strides = array<i32>} : memref<16x1024xf32, #tpu.memory_space<vmem>>, vector<1x16xf32>,
        %get3A_1149 = vector.shape_cast %get3A_1148 : vector<1x16xf32> to vector<16xf32>
        %add3A_1150 = arith.addf %add3A_1145, %get3A_1149 : vector<16xf32>
        %swap3A_1151 = arith.index_cast %scan3A_53 : i32 to index
        %swap3A_1152 = arith.constant 912 : index
        %swap3A_1153 = tpu.vector_load %arg7[%swap3A_1151, %swap3A_1152] {strides = array<i32>} : memref<16x1024xf32, #tpu.memory_space<vmem>>, vector<1x16xf32>,
        %swap3A_1154 = vector.shape_cast %swap3A_1153 : vector<1x16xf32> to vector<16xf32>
        %swap3A_1155 = vector.shape_cast %add3A_1150 : vector<16xf32> to vector<1x16xf32>
        tpu.vector_store %arg7[%swap3A_1151, %swap3A_1152], %swap3A_1155 {strides = array<i32>} : memref<16x1024xf32, #tpu.memory_space<vmem>>, vector<1x16xf32>,
        %get3A_1156 = arith.index_cast %scan3A_53 : i32 to index
        %get3A_1157 = arith.constant 928 : index
        %get3A_1158 = tpu.vector_load %arg7[%get3A_1156, %get3A_1157] {strides = array<i32>} : memref<16x1024xf32, #tpu.memory_space<vmem>>, vector<1x16xf32>,
        %get3A_1159 = vector.shape_cast %get3A_1158 : vector<1x16xf32> to vector<16xf32>
        %get3A_1160 = arith.index_cast %scan3A_53 : i32 to index
        %get3A_1161 = arith.constant 928 : index
        %get3A_1162 = tpu.vector_load %arg8[%get3A_1160, %get3A_1161] {strides = array<i32>} : memref<16x1024xf32, #tpu.memory_space<vmem>>, vector<1x16xf32>,
        %get3A_1163 = vector.shape_cast %get3A_1162 : vector<1x16xf32> to vector<16xf32>
        %add3A_1164 = arith.addf %get3A_1159, %get3A_1163 : vector<16xf32>
        %get3A_1165 = arith.index_cast %scan3A_53 : i32 to index
        %get3A_1166 = arith.constant 928 : index
        %get3A_1167 = tpu.vector_load %arg9[%get3A_1165, %get3A_1166] {strides = array<i32>} : memref<16x1024xf32, #tpu.memory_space<vmem>>, vector<1x16xf32>,
        %get3A_1168 = vector.shape_cast %get3A_1167 : vector<1x16xf32> to vector<16xf32>
        %add3A_1169 = arith.addf %add3A_1164, %get3A_1168 : vector<16xf32>
        %swap3A_1170 = arith.index_cast %scan3A_53 : i32 to index
        %swap3A_1171 = arith.constant 928 : index
        %swap3A_1172 = tpu.vector_load %arg7[%swap3A_1170, %swap3A_1171] {strides = array<i32>} : memref<16x1024xf32, #tpu.memory_space<vmem>>, vector<1x16xf32>,
        %swap3A_1173 = vector.shape_cast %swap3A_1172 : vector<1x16xf32> to vector<16xf32>
        %swap3A_1174 = vector.shape_cast %add3A_1169 : vector<16xf32> to vector<1x16xf32>
        tpu.vector_store %arg7[%swap3A_1170, %swap3A_1171], %swap3A_1174 {strides = array<i32>} : memref<16x1024xf32, #tpu.memory_space<vmem>>, vector<1x16xf32>,
        %get3A_1175 = arith.index_cast %scan3A_53 : i32 to index
        %get3A_1176 = arith.constant 944 : index
        %get3A_1177 = tpu.vector_load %arg7[%get3A_1175, %get3A_1176] {strides = array<i32>} : memref<16x1024xf32, #tpu.memory_space<vmem>>, vector<1x16xf32>,
        %get3A_1178 = vector.shape_cast %get3A_1177 : vector<1x16xf32> to vector<16xf32>
        %get3A_1179 = arith.index_cast %scan3A_53 : i32 to index
        %get3A_1180 = arith.constant 944 : index
        %get3A_1181 = tpu.vector_load %arg8[%get3A_1179, %get3A_1180] {strides = array<i32>} : memref<16x1024xf32, #tpu.memory_space<vmem>>, vector<1x16xf32>,
        %get3A_1182 = vector.shape_cast %get3A_1181 : vector<1x16xf32> to vector<16xf32>
        %add3A_1183 = arith.addf %get3A_1178, %get3A_1182 : vector<16xf32>
        %get3A_1184 = arith.index_cast %scan3A_53 : i32 to index
        %get3A_1185 = arith.constant 944 : index
        %get3A_1186 = tpu.vector_load %arg9[%get3A_1184, %get3A_1185] {strides = array<i32>} : memref<16x1024xf32, #tpu.memory_space<vmem>>, vector<1x16xf32>,
        %get3A_1187 = vector.shape_cast %get3A_1186 : vector<1x16xf32> to vector<16xf32>
        %add3A_1188 = arith.addf %add3A_1183, %get3A_1187 : vector<16xf32>
        %swap3A_1189 = arith.index_cast %scan3A_53 : i32 to index
        %swap3A_1190 = arith.constant 944 : index
        %swap3A_1191 = tpu.vector_load %arg7[%swap3A_1189, %swap3A_1190] {strides = array<i32>} : memref<16x1024xf32, #tpu.memory_space<vmem>>, vector<1x16xf32>,
        %swap3A_1192 = vector.shape_cast %swap3A_1191 : vector<1x16xf32> to vector<16xf32>
        %swap3A_1193 = vector.shape_cast %add3A_1188 : vector<16xf32> to vector<1x16xf32>
        tpu.vector_store %arg7[%swap3A_1189, %swap3A_1190], %swap3A_1193 {strides = array<i32>} : memref<16x1024xf32, #tpu.memory_space<vmem>>, vector<1x16xf32>,
        %get3A_1194 = arith.index_cast %scan3A_53 : i32 to index
        %get3A_1195 = arith.constant 960 : index
        %get3A_1196 = tpu.vector_load %arg7[%get3A_1194, %get3A_1195] {strides = array<i32>} : memref<16x1024xf32, #tpu.memory_space<vmem>>, vector<1x16xf32>,
        %get3A_1197 = vector.shape_cast %get3A_1196 : vector<1x16xf32> to vector<16xf32>
        %get3A_1198 = arith.index_cast %scan3A_53 : i32 to index
        %get3A_1199 = arith.constant 960 : index
        %get3A_1200 = tpu.vector_load %arg8[%get3A_1198, %get3A_1199] {strides = array<i32>} : memref<16x1024xf32, #tpu.memory_space<vmem>>, vector<1x16xf32>,
        %get3A_1201 = vector.shape_cast %get3A_1200 : vector<1x16xf32> to vector<16xf32>
        %add3A_1202 = arith.addf %get3A_1197, %get3A_1201 : vector<16xf32>
        %get3A_1203 = arith.index_cast %scan3A_53 : i32 to index
        %get3A_1204 = arith.constant 960 : index
        %get3A_1205 = tpu.vector_load %arg9[%get3A_1203, %get3A_1204] {strides = array<i32>} : memref<16x1024xf32, #tpu.memory_space<vmem>>, vector<1x16xf32>,
        %get3A_1206 = vector.shape_cast %get3A_1205 : vector<1x16xf32> to vector<16xf32>
        %add3A_1207 = arith.addf %add3A_1202, %get3A_1206 : vector<16xf32>
        %swap3A_1208 = arith.index_cast %scan3A_53 : i32 to index
        %swap3A_1209 = arith.constant 960 : index
        %swap3A_1210 = tpu.vector_load %arg7[%swap3A_1208, %swap3A_1209] {strides = array<i32>} : memref<16x1024xf32, #tpu.memory_space<vmem>>, vector<1x16xf32>,
        %swap3A_1211 = vector.shape_cast %swap3A_1210 : vector<1x16xf32> to vector<16xf32>
        %swap3A_1212 = vector.shape_cast %add3A_1207 : vector<16xf32> to vector<1x16xf32>
        tpu.vector_store %arg7[%swap3A_1208, %swap3A_1209], %swap3A_1212 {strides = array<i32>} : memref<16x1024xf32, #tpu.memory_space<vmem>>, vector<1x16xf32>,
        %get3A_1213 = arith.index_cast %scan3A_53 : i32 to index
        %get3A_1214 = arith.constant 976 : index
        %get3A_1215 = tpu.vector_load %arg7[%get3A_1213, %get3A_1214] {strides = array<i32>} : memref<16x1024xf32, #tpu.memory_space<vmem>>, vector<1x16xf32>,
        %get3A_1216 = vector.shape_cast %get3A_1215 : vector<1x16xf32> to vector<16xf32>
        %get3A_1217 = arith.index_cast %scan3A_53 : i32 to index
        %get3A_1218 = arith.constant 976 : index
        %get3A_1219 = tpu.vector_load %arg8[%get3A_1217, %get3A_1218] {strides = array<i32>} : memref<16x1024xf32, #tpu.memory_space<vmem>>, vector<1x16xf32>,
        %get3A_1220 = vector.shape_cast %get3A_1219 : vector<1x16xf32> to vector<16xf32>
        %add3A_1221 = arith.addf %get3A_1216, %get3A_1220 : vector<16xf32>
        %get3A_1222 = arith.index_cast %scan3A_53 : i32 to index
        %get3A_1223 = arith.constant 976 : index
        %get3A_1224 = tpu.vector_load %arg9[%get3A_1222, %get3A_1223] {strides = array<i32>} : memref<16x1024xf32, #tpu.memory_space<vmem>>, vector<1x16xf32>,
        %get3A_1225 = vector.shape_cast %get3A_1224 : vector<1x16xf32> to vector<16xf32>
        %add3A_1226 = arith.addf %add3A_1221, %get3A_1225 : vector<16xf32>
        %swap3A_1227 = arith.index_cast %scan3A_53 : i32 to index
        %swap3A_1228 = arith.constant 976 : index
        %swap3A_1229 = tpu.vector_load %arg7[%swap3A_1227, %swap3A_1228] {strides = array<i32>} : memref<16x1024xf32, #tpu.memory_space<vmem>>, vector<1x16xf32>,
        %swap3A_1230 = vector.shape_cast %swap3A_1229 : vector<1x16xf32> to vector<16xf32>
        %swap3A_1231 = vector.shape_cast %add3A_1226 : vector<16xf32> to vector<1x16xf32>
        tpu.vector_store %arg7[%swap3A_1227, %swap3A_1228], %swap3A_1231 {strides = array<i32>} : memref<16x1024xf32, #tpu.memory_space<vmem>>, vector<1x16xf32>,
        %get3A_1232 = arith.index_cast %scan3A_53 : i32 to index
        %get3A_1233 = arith.constant 992 : index
        %get3A_1234 = tpu.vector_load %arg7[%get3A_1232, %get3A_1233] {strides = array<i32>} : memref<16x1024xf32, #tpu.memory_space<vmem>>, vector<1x16xf32>,
        %get3A_1235 = vector.shape_cast %get3A_1234 : vector<1x16xf32> to vector<16xf32>
        %get3A_1236 = arith.index_cast %scan3A_53 : i32 to index
        %get3A_1237 = arith.constant 992 : index
        %get3A_1238 = tpu.vector_load %arg8[%get3A_1236, %get3A_1237] {strides = array<i32>} : memref<16x1024xf32, #tpu.memory_space<vmem>>, vector<1x16xf32>,
        %get3A_1239 = vector.shape_cast %get3A_1238 : vector<1x16xf32> to vector<16xf32>
        %add3A_1240 = arith.addf %get3A_1235, %get3A_1239 : vector<16xf32>
        %get3A_1241 = arith.index_cast %scan3A_53 : i32 to index
        %get3A_1242 = arith.constant 992 : index
        %get3A_1243 = tpu.vector_load %arg9[%get3A_1241, %get3A_1242] {strides = array<i32>} : memref<16x1024xf32, #tpu.memory_space<vmem>>, vector<1x16xf32>,
        %get3A_1244 = vector.shape_cast %get3A_1243 : vector<1x16xf32> to vector<16xf32>
        %add3A_1245 = arith.addf %add3A_1240, %get3A_1244 : vector<16xf32>
        %swap3A_1246 = arith.index_cast %scan3A_53 : i32 to index
        %swap3A_1247 = arith.constant 992 : index
        %swap3A_1248 = tpu.vector_load %arg7[%swap3A_1246, %swap3A_1247] {strides = array<i32>} : memref<16x1024xf32, #tpu.memory_space<vmem>>, vector<1x16xf32>,
        %swap3A_1249 = vector.shape_cast %swap3A_1248 : vector<1x16xf32> to vector<16xf32>
        %swap3A_1250 = vector.shape_cast %add3A_1245 : vector<16xf32> to vector<1x16xf32>
        tpu.vector_store %arg7[%swap3A_1246, %swap3A_1247], %swap3A_1250 {strides = array<i32>} : memref<16x1024xf32, #tpu.memory_space<vmem>>, vector<1x16xf32>,
        %get3A_1251 = arith.index_cast %scan3A_53 : i32 to index
        %get3A_1252 = arith.constant 1008 : index
        %get3A_1253 = tpu.vector_load %arg7[%get3A_1251, %get3A_1252] {strides = array<i32>} : memref<16x1024xf32, #tpu.memory_space<vmem>>, vector<1x16xf32>,
        %get3A_1254 = vector.shape_cast %get3A_1253 : vector<1x16xf32> to vector<16xf32>
        %get3A_1255 = arith.index_cast %scan3A_53 : i32 to index
        %get3A_1256 = arith.constant 1008 : index
        %get3A_1257 = tpu.vector_load %arg8[%get3A_1255, %get3A_1256] {strides = array<i32>} : memref<16x1024xf32, #tpu.memory_space<vmem>>, vector<1x16xf32>,
        %get3A_1258 = vector.shape_cast %get3A_1257 : vector<1x16xf32> to vector<16xf32>
        %add3A_1259 = arith.addf %get3A_1254, %get3A_1258 : vector<16xf32>
        %get3A_1260 = arith.index_cast %scan3A_53 : i32 to index
        %get3A_1261 = arith.constant 1008 : index
        %get3A_1262 = tpu.vector_load %arg9[%get3A_1260, %get3A_1261] {strides = array<i32>} : memref<16x1024xf32, #tpu.memory_space<vmem>>, vector<1x16xf32>,
        %get3A_1263 = vector.shape_cast %get3A_1262 : vector<1x16xf32> to vector<16xf32>
        %add3A_1264 = arith.addf %add3A_1259, %get3A_1263 : vector<16xf32>
        %swap3A_1265 = arith.index_cast %scan3A_53 : i32 to index
        %swap3A_1266 = arith.constant 1008 : index
        %swap3A_1267 = tpu.vector_load %arg7[%swap3A_1265, %swap3A_1266] {strides = array<i32>} : memref<16x1024xf32, #tpu.memory_space<vmem>>, vector<1x16xf32>,
        %swap3A_1268 = vector.shape_cast %swap3A_1267 : vector<1x16xf32> to vector<16xf32>
        %swap3A_1269 = vector.shape_cast %add3A_1264 : vector<16xf32> to vector<1x16xf32>
        tpu.vector_store %arg7[%swap3A_1265, %swap3A_1266], %swap3A_1269 {strides = array<i32>} : memref<16x1024xf32, #tpu.memory_space<vmem>>, vector<1x16xf32>,
        %scan3A_1270 = arith.constant 0 : i32
        scf.yield %scan3A_1270 : i32
      }
      %scan3A_51 = arith.constant 16 : i32
      "tpu.region"() ({
        %run_scoped3A = tpu.sem_alloc : memref<!tpu.dma_semaphore, #tpu.memory_space<semaphore_mem>>
        %dma_start3A_53 = arith.constant 0 : i32
        %dma_start3A_54 = tpu.memref_slice %arg4[%add3A_15, %dma_start3A_53] : memref<2048x1024xf32, #tpu.memory_space<hbm>> -> memref<16x1024xf32, #tpu.memory_space<hbm>>
        %dma_start3A_55 = arith.constant 0 : i32
        %dma_start3A_56 = tpu.memref_slice %arg4[%add3A_15, %dma_start3A_55] : memref<2048x1024xf32, #tpu.memory_space<hbm>> -> memref<16x1024xf32, #tpu.memory_space<hbm>>
        tpu.enqueue_dma source(%arg7 : memref<16x1024xf32, #tpu.memory_space<vmem>>) target(%dma_start3A_56 : memref<16x1024xf32, #tpu.memory_space<hbm>>) target_semaphore(%run_scoped3A : memref<!tpu.dma_semaphore, #tpu.memory_space<semaphore_mem>>)
        %dma_wait3A_57 = arith.constant 0 : i32
        %dma_wait3A_58 = tpu.memref_slice %arg4[%add3A_15, %dma_wait3A_57] : memref<2048x1024xf32, #tpu.memory_space<hbm>> -> memref<16x1024xf32, #tpu.memory_space<hbm>>
        %dma_wait3A_59 = arith.constant 0 : i32
        %dma_wait3A_60 = tpu.memref_slice %arg4[%add3A_15, %dma_wait3A_59] : memref<2048x1024xf32, #tpu.memory_space<hbm>> -> memref<16x1024xf32, #tpu.memory_space<hbm>>
        tpu.wait_dma2 semaphore(%run_scoped3A : memref<!tpu.dma_semaphore, #tpu.memory_space<semaphore_mem>>) src(%arg7 : memref<16x1024xf32, #tpu.memory_space<vmem>>) dst(%dma_wait3A_60 : memref<16x1024xf32, #tpu.memory_space<hbm>>)
        tpu.yield
      }) : () -> ()
      %scan3A_52 = arith.constant 0 : i32
      scf.yield %scan3A_52 : i32
    }
    %scan3A_10 = arith.constant 4 : i32
    return
  }
}

module attributes {stable_mosaic.version = 14 : i64} {
  func.func @_gate_body(%arg0: memref<2048x1024xf32, #tpu.memory_space<vmem>>, %arg1: memref<128x1024xf32, #tpu.memory_space<vmem>>, %arg2: memref<2048x2xi32, #tpu.memory_space<vmem>>, %arg3: memref<2048x2xf32, #tpu.memory_space<vmem>>, %arg4: memref<8x16xi32, #tpu.memory_space<vmem>>) attributes {dimension_semantics = [], scalar_prefetch = 0 : i64, scratch_operands = 0 : i64, tpu.core_type = #tpu.core_type<tc>} {
    %get3A = arith.constant 0 : index
    %get3A_0 = arith.constant 0 : index
    %get3A_1 = vector.load %arg0[%get3A, %get3A_0] : memref<2048x1024xf32, #tpu.memory_space<vmem>>, vector<2048x1024xf32>
    %get3A_2 = arith.constant 0 : index
    %get3A_3 = arith.constant 0 : index
    %get3A_4 = vector.load %arg1[%get3A_2, %get3A_3] : memref<128x1024xf32, #tpu.memory_space<vmem>>, vector<128x1024xf32>
    %dot_general3A = arith.constant dense<0.000000e+00> : vector<2048x128xf32>
    %dot_general3A_5 = tpu.matmul %get3A_1, %get3A_4, %dot_general3A {dimension_numbers = #tpu.dot_dimension_numbers<[1], [1], [0], [0], [0, 0, 1, 0], [], []>, transpose_lhs_hint = false} : vector<2048x1024xf32>, vector<128x1024xf32>, vector<2048x128xf32> -> vector<2048x128xf32>
    %iota3A = tpu.iota {dimensions = array<i32: 1>} : vector<2048x128xi32>
    %lt3A = arith.constant 16 : i32
    %lt3A_6 = vector.broadcast %lt3A : i32 to vector<2048x128xi32>
    %lt3A_7 = arith.cmpi slt, %iota3A, %lt3A_6 : vector<2048x128xi32>
    %jit3A = arith.constant -1.000000e+30 : f32
    %broadcast_in_dim3A = vector.broadcast %jit3A : f32 to vector<2048x128xf32>
    %select_n3A = arith.select %lt3A_7, %dot_general3A_5, %broadcast_in_dim3A : vector<2048x128xi1>, vector<2048x128xf32>
    %reduce_max3A = arith.constant dense<0xFF800000> : vector<2048xf32>
    %reduce_max3A_8 = vector.multi_reduction <maximumf>, %select_n3A, %reduce_max3A [1] : vector<2048x128xf32> to vector<2048xf32>
    %broadcast_in_dim3A_9 = vector.shape_cast %reduce_max3A_8 : vector<2048xf32> to vector<2048x1xf32>
    %sub3A = vector.broadcast %broadcast_in_dim3A_9 : vector<2048x1xf32> to vector<2048x128xf32>
    %sub3A_10 = arith.subf %select_n3A, %sub3A : vector<2048x128xf32>
    %exp3A = math.exp %sub3A_10 : vector<2048x128xf32>
    %reduce_sum3A = arith.constant dense<0.000000e+00> : vector<2048xf32>
    %reduce_sum3A_11 = vector.multi_reduction <add>, %exp3A, %reduce_sum3A [1] : vector<2048x128xf32> to vector<2048xf32>
    %broadcast_in_dim3A_12 = vector.shape_cast %reduce_sum3A_11 : vector<2048xf32> to vector<2048x1xf32>
    %eq3A = vector.broadcast %broadcast_in_dim3A_9 : vector<2048x1xf32> to vector<2048x128xf32>
    %eq3A_13 = arith.cmpf oeq, %select_n3A, %eq3A : vector<2048x128xf32>
    %jit3A_14 = arith.constant 2147483647 : i32
    %broadcast_in_dim3A_15 = vector.broadcast %jit3A_14 : i32 to vector<2048x128xi32>
    %select_n3A_16 = arith.select %eq3A_13, %iota3A, %broadcast_in_dim3A_15 : vector<2048x128xi1>, vector<2048x128xi32>
    %reduce_min3A = arith.constant dense<2147483647> : vector<2048xi32>
    %reduce_min3A_17 = vector.multi_reduction <minsi>, %select_n3A_16, %reduce_min3A [1] : vector<2048x128xi32> to vector<2048xi32>
    %broadcast_in_dim3A_18 = vector.shape_cast %reduce_min3A_17 : vector<2048xi32> to vector<2048x1xi32>
    %eq3A_19 = vector.broadcast %broadcast_in_dim3A_18 : vector<2048x1xi32> to vector<2048x128xi32>
    %eq3A_20 = arith.cmpi eq, %iota3A, %eq3A_19 : vector<2048x128xi32>
    %jit3A_21 = arith.constant -1.000000e+30 : f32
    %broadcast_in_dim3A_22 = vector.broadcast %jit3A_21 : f32 to vector<2048x128xf32>
    %select_n3A_23 = arith.select %eq3A_20, %broadcast_in_dim3A_22, %select_n3A : vector<2048x128xi1>, vector<2048x128xf32>
    %reduce_max3A_24 = arith.constant dense<0xFF800000> : vector<2048xf32>
    %reduce_max3A_25 = vector.multi_reduction <maximumf>, %select_n3A_23, %reduce_max3A_24 [1] : vector<2048x128xf32> to vector<2048xf32>
    %broadcast_in_dim3A_26 = vector.shape_cast %reduce_max3A_25 : vector<2048xf32> to vector<2048x1xf32>
    %eq3A_27 = vector.broadcast %broadcast_in_dim3A_26 : vector<2048x1xf32> to vector<2048x128xf32>
    %eq3A_28 = arith.cmpf oeq, %select_n3A_23, %eq3A_27 : vector<2048x128xf32>
    %jit3A_29 = arith.constant 2147483647 : i32
    %broadcast_in_dim3A_30 = vector.broadcast %jit3A_29 : i32 to vector<2048x128xi32>
    %select_n3A_31 = arith.select %eq3A_28, %iota3A, %broadcast_in_dim3A_30 : vector<2048x128xi1>, vector<2048x128xi32>
    %reduce_min3A_32 = arith.constant dense<2147483647> : vector<2048xi32>
    %reduce_min3A_33 = vector.multi_reduction <minsi>, %select_n3A_31, %reduce_min3A_32 [1] : vector<2048x128xi32> to vector<2048xi32>
    %broadcast_in_dim3A_34 = vector.shape_cast %reduce_min3A_33 : vector<2048xi32> to vector<2048x1xi32>
    %div3A = arith.constant 1.000000e+00 : f32
    %div3A_35 = vector.broadcast %div3A : f32 to vector<2048x1xf32>
    %div3A_36 = arith.divf %div3A_35, %broadcast_in_dim3A_12 : vector<2048x1xf32>
    %sub3A_37 = arith.subf %broadcast_in_dim3A_26, %broadcast_in_dim3A_9 : vector<2048x1xf32>
    %exp3A_38 = math.exp %sub3A_37 : vector<2048x1xf32>
    %div3A_39 = arith.divf %exp3A_38, %broadcast_in_dim3A_12 : vector<2048x1xf32>
    %add3A = arith.addf %div3A_36, %div3A_39 : vector<2048x1xf32>
    %add3A_40 = arith.constant 9.99999968E-21 : f32
    %add3A_41 = vector.broadcast %add3A_40 : f32 to vector<2048x1xf32>
    %add3A_42 = arith.addf %add3A, %add3A_41 : vector<2048x1xf32>
    %div3A_43 = arith.divf %div3A_36, %add3A_42 : vector<2048x1xf32>
    %div3A_44 = arith.divf %div3A_39, %add3A_42 : vector<2048x1xf32>
    %concatenate3A = tpu.concatenate %div3A_43, %div3A_44 in 1 : vector<2048x1xf32>, vector<2048x1xf32> -> vector<2048x2xf32>
    %swap3A = arith.constant 0 : index
    %swap3A_45 = arith.constant 0 : index
    %swap3A_46 = vector.load %arg3[%swap3A, %swap3A_45] : memref<2048x2xf32, #tpu.memory_space<vmem>>, vector<2048x2xf32>
    tpu.vector_store %arg3[%swap3A, %swap3A_45], %concatenate3A {strides = array<i32>} : memref<2048x2xf32, #tpu.memory_space<vmem>>, vector<2048x2xf32>,
    %iota3A_47 = tpu.iota {dimensions = array<i32: 1>} : vector<2048x16xi32>
    %eq3A_48 = vector.broadcast %broadcast_in_dim3A_18 : vector<2048x1xi32> to vector<2048x16xi32>
    %eq3A_49 = arith.cmpi eq, %eq3A_48, %iota3A_47 : vector<2048x16xi32>
    %convert_element_type3A = arith.extui %eq3A_49 : vector<2048x16xi1> to vector<2048x16xi32>
    %convert_element_type3A_50 = arith.sitofp %convert_element_type3A : vector<2048x16xi32> to vector<2048x16xf32>
    %eq3A_51 = vector.broadcast %broadcast_in_dim3A_34 : vector<2048x1xi32> to vector<2048x16xi32>
    %eq3A_52 = arith.cmpi eq, %eq3A_51, %iota3A_47 : vector<2048x16xi32>
    %convert_element_type3A_53 = arith.extui %eq3A_52 : vector<2048x16xi1> to vector<2048x16xi32>
    %convert_element_type3A_54 = arith.sitofp %convert_element_type3A_53 : vector<2048x16xi32> to vector<2048x16xf32>
    %iota3A_55 = tpu.iota {dimensions = array<i32: 0>} : vector<2048x2048xi32>
    %iota3A_56 = tpu.iota {dimensions = array<i32: 1>} : vector<2048x2048xi32>
    %lt3A_57 = arith.cmpi slt, %iota3A_56, %iota3A_55 : vector<2048x2048xi32>
    %convert_element_type3A_58 = arith.extui %lt3A_57 : vector<2048x2048xi1> to vector<2048x2048xi32>
    %convert_element_type3A_59 = arith.sitofp %convert_element_type3A_58 : vector<2048x2048xi32> to vector<2048x2048xf32>
    %dot_general3A_60 = arith.constant dense<0.000000e+00> : vector<2048x16xf32>
    %dot_general3A_61 = tpu.matmul %convert_element_type3A_59, %convert_element_type3A_50, %dot_general3A_60 {dimension_numbers = #tpu.dot_dimension_numbers<[1], [0], [0], [1], [0, 0, 1, 1], [], []>, transpose_lhs_hint = false} : vector<2048x2048xf32>, vector<2048x16xf32>, vector<2048x16xf32> -> vector<2048x16xf32>
    %dot_general3A_62 = arith.constant dense<0.000000e+00> : vector<2048x16xf32>
    %dot_general3A_63 = tpu.matmul %convert_element_type3A_59, %convert_element_type3A_54, %dot_general3A_62 {dimension_numbers = #tpu.dot_dimension_numbers<[1], [0], [0], [1], [0, 0, 1, 1], [], []>, transpose_lhs_hint = false} : vector<2048x2048xf32>, vector<2048x16xf32>, vector<2048x16xf32> -> vector<2048x16xf32>
    %reduce_sum3A_64 = arith.constant dense<0.000000e+00> : vector<16xf32>
    %reduce_sum3A_65 = vector.multi_reduction <add>, %convert_element_type3A_50, %reduce_sum3A_64 [0] : vector<2048x16xf32> to vector<16xf32>
    %broadcast_in_dim3A_66 = vector.shape_cast %reduce_sum3A_65 : vector<16xf32> to vector<1x16xf32>
    %reduce_sum3A_67 = arith.constant dense<0.000000e+00> : vector<16xf32>
    %reduce_sum3A_68 = vector.multi_reduction <add>, %convert_element_type3A_54, %reduce_sum3A_67 [0] : vector<2048x16xf32> to vector<16xf32>
    %broadcast_in_dim3A_69 = vector.shape_cast %reduce_sum3A_68 : vector<16xf32> to vector<1x16xf32>
    %add3A_70 = arith.addf %broadcast_in_dim3A_66, %broadcast_in_dim3A_69 : vector<1x16xf32>
    %div3A_71 = arith.constant 1.600000e+01 : f32
    %div3A_72 = vector.broadcast %div3A_71 : f32 to vector<1x16xf32>
    %div3A_73 = arith.divf %add3A_70, %div3A_72 : vector<1x16xf32>
    %ceil3A = math.ceil %div3A_73 : vector<1x16xf32>
    %mul3A = arith.constant 1.600000e+01 : f32
    %mul3A_74 = vector.broadcast %mul3A : f32 to vector<1x16xf32>
    %mul3A_75 = arith.mulf %mul3A_74, %ceil3A : vector<1x16xf32>
    %iota3A_76 = tpu.iota {dimensions = array<i32: 0>} : vector<16x16xi32>
    %iota3A_77 = tpu.iota {dimensions = array<i32: 1>} : vector<16x16xi32>
    %lt3A_78 = arith.cmpi slt, %iota3A_76, %iota3A_77 : vector<16x16xi32>
    %convert_element_type3A_79 = arith.extui %lt3A_78 : vector<16x16xi1> to vector<16x16xi32>
    %convert_element_type3A_80 = arith.sitofp %convert_element_type3A_79 : vector<16x16xi32> to vector<16x16xf32>
    %dot_general3A_81 = arith.constant dense<0.000000e+00> : vector<1x16xf32>
    %dot_general3A_82 = tpu.matmul %mul3A_75, %convert_element_type3A_80, %dot_general3A_81 {dimension_numbers = #tpu.dot_dimension_numbers<[1], [0], [0], [1], [0, 0, 1, 1], [], []>, transpose_lhs_hint = false} : vector<1x16xf32>, vector<16x16xf32>, vector<1x16xf32> -> vector<1x16xf32>
    %mul3A_83 = arith.mulf %convert_element_type3A_50, %dot_general3A_61 : vector<2048x16xf32>
    %reduce_sum3A_84 = arith.constant dense<0.000000e+00> : vector<2048xf32>
    %reduce_sum3A_85 = vector.multi_reduction <add>, %mul3A_83, %reduce_sum3A_84 [1] : vector<2048x16xf32> to vector<2048xf32>
    %broadcast_in_dim3A_86 = vector.shape_cast %reduce_sum3A_85 : vector<2048xf32> to vector<2048x1xf32>
    %mul3A_87 = arith.mulf %convert_element_type3A_54, %dot_general3A_63 : vector<2048x16xf32>
    %reduce_sum3A_88 = arith.constant dense<0.000000e+00> : vector<2048xf32>
    %reduce_sum3A_89 = vector.multi_reduction <add>, %mul3A_87, %reduce_sum3A_88 [1] : vector<2048x16xf32> to vector<2048xf32>
    %broadcast_in_dim3A_90 = vector.shape_cast %reduce_sum3A_89 : vector<2048xf32> to vector<2048x1xf32>
    %mul3A_91 = vector.broadcast %dot_general3A_82 : vector<1x16xf32> to vector<2048x16xf32>
    %mul3A_92 = arith.mulf %convert_element_type3A_50, %mul3A_91 : vector<2048x16xf32>
    %reduce_sum3A_93 = arith.constant dense<0.000000e+00> : vector<2048xf32>
    %reduce_sum3A_94 = vector.multi_reduction <add>, %mul3A_92, %reduce_sum3A_93 [1] : vector<2048x16xf32> to vector<2048xf32>
    %broadcast_in_dim3A_95 = vector.shape_cast %reduce_sum3A_94 : vector<2048xf32> to vector<2048x1xf32>
    %add3A_96 = arith.addf %dot_general3A_82, %broadcast_in_dim3A_66 : vector<1x16xf32>
    %mul3A_97 = vector.broadcast %add3A_96 : vector<1x16xf32> to vector<2048x16xf32>
    %mul3A_98 = arith.mulf %convert_element_type3A_54, %mul3A_97 : vector<2048x16xf32>
    %reduce_sum3A_99 = arith.constant dense<0.000000e+00> : vector<2048xf32>
    %reduce_sum3A_100 = vector.multi_reduction <add>, %mul3A_98, %reduce_sum3A_99 [1] : vector<2048x16xf32> to vector<2048xf32>
    %broadcast_in_dim3A_101 = vector.shape_cast %reduce_sum3A_100 : vector<2048xf32> to vector<2048x1xf32>
    %add3A_102 = arith.addf %broadcast_in_dim3A_95, %broadcast_in_dim3A_86 : vector<2048x1xf32>
    %convert_element_type3A_103 = arith.fptosi %add3A_102 : vector<2048x1xf32> to vector<2048x1xi32>
    %add3A_104 = arith.addf %broadcast_in_dim3A_101, %broadcast_in_dim3A_90 : vector<2048x1xf32>
    %convert_element_type3A_105 = arith.fptosi %add3A_104 : vector<2048x1xf32> to vector<2048x1xi32>
    %concatenate3A_106 = tpu.concatenate %convert_element_type3A_103, %convert_element_type3A_105 in 1 : vector<2048x1xi32>, vector<2048x1xi32> -> vector<2048x2xi32>
    %swap3A_107 = arith.constant 0 : index
    %swap3A_108 = arith.constant 0 : index
    %swap3A_109 = vector.load %arg2[%swap3A_107, %swap3A_108] : memref<2048x2xi32, #tpu.memory_space<vmem>>, vector<2048x2xi32>
    tpu.vector_store %arg2[%swap3A_107, %swap3A_108], %concatenate3A_106 {strides = array<i32>} : memref<2048x2xi32, #tpu.memory_space<vmem>>, vector<2048x2xi32>,
    %broadcast_in_dim3A_110 = vector.shape_cast %dot_general3A_82 : vector<1x16xf32> to vector<1x16xf32>
    %broadcast_in_dim3A_111 = vector.broadcast %broadcast_in_dim3A_110 : vector<1x16xf32> to vector<8x16xf32>
    %convert_element_type3A_112 = arith.fptosi %broadcast_in_dim3A_111 : vector<8x16xf32> to vector<8x16xi32>
    %swap3A_113 = arith.constant 0 : index
    %swap3A_114 = arith.constant 0 : index
    %swap3A_115 = vector.load %arg4[%swap3A_113, %swap3A_114] : memref<8x16xi32, #tpu.memory_space<vmem>>, vector<8x16xi32>
    tpu.vector_store %arg4[%swap3A_113, %swap3A_114], %convert_element_type3A_112 {strides = array<i32>} : memref<8x16xi32, #tpu.memory_space<vmem>>, vector<8x16xi32>,
    return
  }
}

module attributes {stable_mosaic.version = 14 : i64} {
  func.func @_experts_body(%arg0: i32, %arg1: memref<18xi32, #tpu.memory_space<smem>>, %arg2: memref<6656x1024xf32, #tpu.memory_space<any>>, %arg3: memref<6656x1xf32, #tpu.memory_space<vmem>>, %arg4: memref<1x512x1024xbf16, #tpu.memory_space<vmem>>, %arg5: memref<1x512x1024xbf16, #tpu.memory_space<vmem>>, %arg6: memref<1x1024x512xbf16, #tpu.memory_space<vmem>>, %arg7: memref<6656x1024xf32, #tpu.memory_space<any>>, %arg8: memref<2x256x1024xf32, #tpu.memory_space<vmem>>, %arg9: memref<2x256x1024xf32, #tpu.memory_space<vmem>>, %arg10: memref<2x!tpu.dma_semaphore, #tpu.memory_space<semaphore_mem>>, %arg11: memref<2x!tpu.dma_semaphore, #tpu.memory_space<semaphore_mem>>) attributes {dimension_semantics = [#tpu.dimension_semantics<arbitrary>], iteration_bounds = array<i64: 17>, scalar_prefetch = 0 : i64, scratch_operands = 4 : i64, tpu.core_type = #tpu.core_type<tc>, window_params = [{transform_indices = @transform_0, window_bounds = array<i64: 18>}, {}, {pipeline_mode = #tpu.pipeline_mode<synchronous>, transform_indices = @transform_2, window_bounds = array<i64: 6656, 1>}, {transform_indices = @transform_3, window_bounds = array<i64: 1, 512, 1024>}, {transform_indices = @transform_4, window_bounds = array<i64: 1, 512, 1024>}, {transform_indices = @transform_5, window_bounds = array<i64: 1, 1024, 512>}, {}]} {
    %get3A = arith.index_cast %arg0 : i32 to index
    %get3A_0 = memref.load %arg1[%get3A] : memref<18xi32, #tpu.memory_space<smem>>
    %multiple_of3A = tpu.assume_multiple %get3A_0, 16 : i32
    %add3A = arith.constant 1 : i32
    %add3A_1 = arith.addi %arg0, %add3A : i32
    %get3A_2 = arith.index_cast %add3A_1 : i32 to index
    %get3A_3 = memref.load %arg1[%get3A_2] : memref<18xi32, #tpu.memory_space<smem>>
    %sub3A = arith.subi %get3A_3, %multiple_of3A : i32
    %add3A_4 = arith.constant 256 : i32
    %add3A_5 = arith.addi %sub3A, %add3A_4 : i32
    %sub3A_6 = arith.constant 1 : i32
    %sub3A_7 = arith.subi %add3A_5, %sub3A_6 : i32
    %jit3A = arith.constant 256 : i32
    %div3A = arith.divsi %sub3A_7, %jit3A : i32
    %sign3A = arith.constant 0 : i32
    %sign3A_8 = arith.cmpi sgt, %sub3A_7, %sign3A : i32
    %sign3A_9 = arith.extui %sign3A_8 : i1 to i32
    %sign3A_10 = arith.constant 0 : i32
    %sign3A_11 = arith.cmpi slt, %sub3A_7, %sign3A_10 : i32
    %sign3A_12 = arith.extui %sign3A_11 : i1 to i32
    %sign3A_13 = arith.subi %sign3A_9, %sign3A_12 : i32
    %sign3A_14 = arith.constant 0 : i32
    %sign3A_15 = arith.cmpi sgt, %jit3A, %sign3A_14 : i32
    %sign3A_16 = arith.extui %sign3A_15 : i1 to i32
    %sign3A_17 = arith.constant 0 : i32
    %sign3A_18 = arith.cmpi slt, %jit3A, %sign3A_17 : i32
    %sign3A_19 = arith.extui %sign3A_18 : i1 to i32
    %sign3A_20 = arith.subi %sign3A_16, %sign3A_19 : i32
    %ne3A = arith.cmpi ne, %sign3A_13, %sign3A_20 : i32
    %rem3A = arith.remsi %sub3A_7, %jit3A : i32
    %ne3A_21 = arith.constant 0 : i32
    %ne3A_22 = arith.cmpi ne, %rem3A, %ne3A_21 : i32
    %and3A = arith.andi %ne3A, %ne3A_22 : i1
    %sub3A_23 = arith.constant 1 : i32
    %sub3A_24 = arith.subi %div3A, %sub3A_23 : i32
    %select_n3A = arith.select %and3A, %sub3A_24, %div3A : i32
    %gt3A = arith.constant 0 : i32
    %gt3A_25 = arith.cmpi sgt, %select_n3A, %gt3A : i32
    %convert_element_type3A = arith.extui %gt3A_25 : i1 to i32
    %cond3A = arith.constant 0 : i32
    %cond3A_26 = arith.cmpi ne, %convert_element_type3A, %cond3A : i32
    scf.if %cond3A_26 {
      %add3A_47 = arith.constant 0 : i32
      %add3A_48 = arith.addi %multiple_of3A, %add3A_47 : i32
      %multiple_of3A_49 = tpu.assume_multiple %add3A_48, 16 : i32
      %dma_start3A = arith.constant 0 : i32
      %dma_start3A_50 = arith.constant 0 : i32
      %dma_start3A_51 = tpu.memref_slice %arg10[%dma_start3A_50] : memref<2x!tpu.dma_semaphore, #tpu.memory_space<semaphore_mem>> -> memref<1x!tpu.dma_semaphore, #tpu.memory_space<semaphore_mem>>
      %dma_start3A_52 = tpu.memref_squeeze %dma_start3A_51 : memref<1x!tpu.dma_semaphore, #tpu.memory_space<semaphore_mem>> -> memref<!tpu.dma_semaphore, #tpu.memory_space<semaphore_mem>>
      %dma_start3A_53 = arith.constant 0 : i32
      %dma_start3A_54 = arith.constant 0 : i32
      %dma_start3A_55 = tpu.memref_slice %arg8[%dma_start3A, %dma_start3A_53, %dma_start3A_54] : memref<2x256x1024xf32, #tpu.memory_space<vmem>> -> memref<1x256x1024xf32, #tpu.memory_space<vmem>>
      %dma_start3A_56 = tpu.memref_squeeze %dma_start3A_55 : memref<1x256x1024xf32, #tpu.memory_space<vmem>> -> memref<256x1024xf32, #tpu.memory_space<vmem>>
      %dma_start3A_57 = arith.constant 0 : i32
      %dma_start3A_58 = tpu.memref_slice %arg2[%multiple_of3A_49, %dma_start3A_57] : memref<6656x1024xf32, #tpu.memory_space<any>> -> memref<256x1024xf32, #tpu.memory_space<any>>
      tpu.enqueue_dma source(%dma_start3A_58 : memref<256x1024xf32, #tpu.memory_space<any>>) target(%dma_start3A_56 : memref<256x1024xf32, #tpu.memory_space<vmem>>) target_semaphore(%dma_start3A_52 : memref<!tpu.dma_semaphore, #tpu.memory_space<semaphore_mem>>)
    } else {
    }
    %while3A = arith.constant 0 : i32
    %while3A_27 = arith.constant 0 : i32
    %while3A_28 = arith.subi %select_n3A, %while3A : i32
    %while3A_29 = arith.addi %while3A, %while3A_28 : i32
    %while3A_30 = arith.constant 1 : i32
    %while3A_31 = arith.divsi %while3A_28, %while3A_30 : i32
    %while3A_32 = arith.muli %while3A_31, %while3A_30 : i32
    %while3A_33 = arith.addi %while3A, %while3A_32 : i32
    %while3A_34 = arith.constant 1 : i32
    %while3A_35 = scf.for %while3A_47 = %while3A to %while3A_33 step %while3A_34 iter_args(%while3A_48 = %while3A_27) -> (i32)  : i32 {
      %rem3A_49 = arith.constant 2 : i32
      %rem3A_50 = arith.remsi %while3A_47, %rem3A_49 : i32
      %mul3A = arith.constant 256 : i32
      %mul3A_51 = arith.muli %while3A_47, %mul3A : i32
      %add3A_52 = arith.addi %multiple_of3A, %mul3A_51 : i32
      %multiple_of3A_53 = tpu.assume_multiple %add3A_52, 16 : i32
      %dma_wait3A = tpu.memref_slice %arg10[%rem3A_50] : memref<2x!tpu.dma_semaphore, #tpu.memory_space<semaphore_mem>> -> memref<1x!tpu.dma_semaphore, #tpu.memory_space<semaphore_mem>>
      %dma_wait3A_54 = tpu.memref_squeeze %dma_wait3A : memref<1x!tpu.dma_semaphore, #tpu.memory_space<semaphore_mem>> -> memref<!tpu.dma_semaphore, #tpu.memory_space<semaphore_mem>>
      %dma_wait3A_55 = arith.constant 0 : i32
      %dma_wait3A_56 = arith.constant 0 : i32
      %dma_wait3A_57 = tpu.memref_slice %arg8[%rem3A_50, %dma_wait3A_55, %dma_wait3A_56] : memref<2x256x1024xf32, #tpu.memory_space<vmem>> -> memref<1x256x1024xf32, #tpu.memory_space<vmem>>
      %dma_wait3A_58 = tpu.memref_squeeze %dma_wait3A_57 : memref<1x256x1024xf32, #tpu.memory_space<vmem>> -> memref<256x1024xf32, #tpu.memory_space<vmem>>
      %dma_wait3A_59 = arith.constant 0 : i32
      %dma_wait3A_60 = tpu.memref_slice %arg2[%multiple_of3A_53, %dma_wait3A_59] : memref<6656x1024xf32, #tpu.memory_space<any>> -> memref<256x1024xf32, #tpu.memory_space<any>>
      tpu.wait_dma2 semaphore(%dma_wait3A_54 : memref<!tpu.dma_semaphore, #tpu.memory_space<semaphore_mem>>) src(%dma_wait3A_60 : memref<256x1024xf32, #tpu.memory_space<any>>) dst(%dma_wait3A_58 : memref<256x1024xf32, #tpu.memory_space<vmem>>)
      %add3A_61 = arith.constant 1 : i32
      %add3A_62 = arith.addi %while3A_47, %add3A_61 : i32
      %lt3A = arith.cmpi slt, %add3A_62, %select_n3A : i32
      %convert_element_type3A_63 = arith.extui %lt3A : i1 to i32
      %cond3A_64 = arith.constant 0 : i32
      %cond3A_65 = arith.cmpi ne, %convert_element_type3A_63, %cond3A_64 : i32
      scf.if %cond3A_65 {
        %add3A_135 = arith.constant 1 : i32
        %add3A_136 = arith.addi %while3A_47, %add3A_135 : i32
        %sub3A_137 = arith.constant 1 : i32
        %sub3A_138 = arith.subi %sub3A_137, %rem3A_50 : i32
        %mul3A_139 = arith.constant 256 : i32
        %mul3A_140 = arith.muli %add3A_136, %mul3A_139 : i32
        %add3A_141 = arith.addi %multiple_of3A, %mul3A_140 : i32
        %multiple_of3A_142 = tpu.assume_multiple %add3A_141, 16 : i32
        %dma_start3A_143 = tpu.memref_slice %arg10[%sub3A_138] : memref<2x!tpu.dma_semaphore, #tpu.memory_space<semaphore_mem>> -> memref<1x!tpu.dma_semaphore, #tpu.memory_space<semaphore_mem>>
        %dma_start3A_144 = tpu.memref_squeeze %dma_start3A_143 : memref<1x!tpu.dma_semaphore, #tpu.memory_space<semaphore_mem>> -> memref<!tpu.dma_semaphore, #tpu.memory_space<semaphore_mem>>
        %dma_start3A_145 = arith.constant 0 : i32
        %dma_start3A_146 = arith.constant 0 : i32
        %dma_start3A_147 = tpu.memref_slice %arg8[%sub3A_138, %dma_start3A_145, %dma_start3A_146] : memref<2x256x1024xf32, #tpu.memory_space<vmem>> -> memref<1x256x1024xf32, #tpu.memory_space<vmem>>
        %dma_start3A_148 = tpu.memref_squeeze %dma_start3A_147 : memref<1x256x1024xf32, #tpu.memory_space<vmem>> -> memref<256x1024xf32, #tpu.memory_space<vmem>>
        %dma_start3A_149 = arith.constant 0 : i32
        %dma_start3A_150 = tpu.memref_slice %arg2[%multiple_of3A_142, %dma_start3A_149] : memref<6656x1024xf32, #tpu.memory_space<any>> -> memref<256x1024xf32, #tpu.memory_space<any>>
        tpu.enqueue_dma source(%dma_start3A_150 : memref<256x1024xf32, #tpu.memory_space<any>>) target(%dma_start3A_148 : memref<256x1024xf32, #tpu.memory_space<vmem>>) target_semaphore(%dma_start3A_144 : memref<!tpu.dma_semaphore, #tpu.memory_space<semaphore_mem>>)
      } else {
      }
      %get3A_66 = arith.index_cast %rem3A_50 : i32 to index
      %get3A_67 = arith.constant 0 : index
      %get3A_68 = arith.constant 0 : index
      %get3A_69 = vector.load %arg8[%get3A_66, %get3A_67, %get3A_68] : memref<2x256x1024xf32, #tpu.memory_space<vmem>>, vector<1x256x1024xf32>
      %get3A_70 = vector.shape_cast %get3A_69 : vector<1x256x1024xf32> to vector<256x1024xf32>
      %convert_element_type3A_71 = arith.truncf %get3A_70 : vector<256x1024xf32> to vector<256x1024xbf16>
      %get3A_72 = arith.constant 0 : index
      %get3A_73 = arith.constant 0 : index
      %get3A_74 = arith.constant 0 : index
      %get3A_75 = vector.load %arg4[%get3A_72, %get3A_73, %get3A_74] : memref<1x512x1024xbf16, #tpu.memory_space<vmem>>, vector<1x512x1024xbf16>
      %get3A_76 = vector.shape_cast %get3A_75 : vector<1x512x1024xbf16> to vector<512x1024xbf16>
      %get3A_77 = arith.constant 0 : index
      %get3A_78 = arith.constant 0 : index
      %get3A_79 = arith.constant 0 : index
      %get3A_80 = vector.load %arg5[%get3A_77, %get3A_78, %get3A_79] : memref<1x512x1024xbf16, #tpu.memory_space<vmem>>, vector<1x512x1024xbf16>
      %get3A_81 = vector.shape_cast %get3A_80 : vector<1x512x1024xbf16> to vector<512x1024xbf16>
      %get3A_82 = arith.constant 0 : index
      %get3A_83 = arith.constant 0 : index
      %get3A_84 = arith.constant 0 : index
      %get3A_85 = vector.load %arg6[%get3A_82, %get3A_83, %get3A_84] : memref<1x1024x512xbf16, #tpu.memory_space<vmem>>, vector<1x1024x512xbf16>
      %get3A_86 = vector.shape_cast %get3A_85 : vector<1x1024x512xbf16> to vector<1024x512xbf16>
      %dot_general3A = arith.constant dense<0.000000e+00> : vector<256x512xf32>
      %dot_general3A_87 = tpu.matmul %convert_element_type3A_71, %get3A_76, %dot_general3A {dimension_numbers = #tpu.dot_dimension_numbers<[1], [1], [0], [0], [0, 0, 1, 0], [], []>, transpose_lhs_hint = false} : vector<256x1024xbf16>, vector<512x1024xbf16>, vector<256x512xf32> -> vector<256x512xf32>
      %dot_general3A_88 = arith.constant dense<0.000000e+00> : vector<256x512xf32>
      %dot_general3A_89 = tpu.matmul %convert_element_type3A_71, %get3A_81, %dot_general3A_88 {dimension_numbers = #tpu.dot_dimension_numbers<[1], [1], [0], [0], [0, 0, 1, 0], [], []>, transpose_lhs_hint = false} : vector<256x1024xbf16>, vector<512x1024xbf16>, vector<256x512xf32> -> vector<256x512xf32>
      %mul3A_90 = arith.constant 5.000000e-01 : f32
      %mul3A_91 = vector.broadcast %mul3A_90 : f32 to vector<256x512xf32>
      %mul3A_92 = arith.mulf %mul3A_91, %dot_general3A_87 : vector<256x512xf32>
      %mul3A_93 = arith.constant 0.707106769 : f32
      %mul3A_94 = vector.broadcast %mul3A_93 : f32 to vector<256x512xf32>
      %mul3A_95 = arith.mulf %dot_general3A_87, %mul3A_94 : vector<256x512xf32>
      %erf3A = math.erf %mul3A_95 : vector<256x512xf32>
      %add3A_96 = arith.constant 1.000000e+00 : f32
      %add3A_97 = vector.broadcast %add3A_96 : f32 to vector<256x512xf32>
      %add3A_98 = arith.addf %add3A_97, %erf3A : vector<256x512xf32>
      %mul3A_99 = arith.mulf %mul3A_92, %add3A_98 : vector<256x512xf32>
      %mul3A_100 = arith.mulf %mul3A_99, %dot_general3A_89 : vector<256x512xf32>
      %convert_element_type3A_101 = arith.truncf %mul3A_100 : vector<256x512xf32> to vector<256x512xbf16>
      %dot_general3A_102 = arith.constant dense<0.000000e+00> : vector<256x1024xf32>
      %dot_general3A_103 = tpu.matmul %convert_element_type3A_101, %get3A_86, %dot_general3A_102 {dimension_numbers = #tpu.dot_dimension_numbers<[1], [1], [0], [0], [0, 0, 1, 0], [], []>, transpose_lhs_hint = false} : vector<256x512xbf16>, vector<1024x512xbf16>, vector<256x1024xf32> -> vector<256x1024xf32>
      %mul3A_104 = arith.constant 256 : i32
      %mul3A_105 = arith.muli %while3A_47, %mul3A_104 : i32
      %add3A_106 = arith.addi %multiple_of3A, %mul3A_105 : i32
      %multiple_of3A_107 = tpu.assume_multiple %add3A_106, 16 : i32
      %get3A_108 = arith.index_cast %multiple_of3A_107 : i32 to index
      %get3A_109 = arith.constant 0 : index
      %get3A_110 = vector.load %arg3[%get3A_108, %get3A_109] : memref<6656x1xf32, #tpu.memory_space<vmem>>, vector<256x1xf32>
      %mul3A_111 = vector.broadcast %get3A_110 : vector<256x1xf32> to vector<256x1024xf32>
      %mul3A_112 = arith.mulf %dot_general3A_103, %mul3A_111 : vector<256x1024xf32>
      %ge3A_113 = arith.constant 2 : i32
      %ge3A_114 = arith.cmpi sge, %while3A_47, %ge3A_113 : i32
      %convert_element_type3A_115 = arith.extui %ge3A_114 : i1 to i32
      %cond3A_116 = arith.constant 0 : i32
      %cond3A_117 = arith.cmpi ne, %convert_element_type3A_115, %cond3A_116 : i32
      scf.if %cond3A_117 {
        %sub3A_135 = arith.constant 2 : i32
        %sub3A_136 = arith.subi %while3A_47, %sub3A_135 : i32
        %mul3A_137 = arith.constant 256 : i32
        %mul3A_138 = arith.muli %sub3A_136, %mul3A_137 : i32
        %add3A_139 = arith.addi %multiple_of3A, %mul3A_138 : i32
        %multiple_of3A_140 = tpu.assume_multiple %add3A_139, 16 : i32
        %dma_wait3A_141 = tpu.memref_slice %arg11[%rem3A_50] : memref<2x!tpu.dma_semaphore, #tpu.memory_space<semaphore_mem>> -> memref<1x!tpu.dma_semaphore, #tpu.memory_space<semaphore_mem>>
        %dma_wait3A_142 = tpu.memref_squeeze %dma_wait3A_141 : memref<1x!tpu.dma_semaphore, #tpu.memory_space<semaphore_mem>> -> memref<!tpu.dma_semaphore, #tpu.memory_space<semaphore_mem>>
        %dma_wait3A_143 = arith.constant 0 : i32
        %dma_wait3A_144 = tpu.memref_slice %arg7[%multiple_of3A_140, %dma_wait3A_143] : memref<6656x1024xf32, #tpu.memory_space<any>> -> memref<256x1024xf32, #tpu.memory_space<any>>
        %dma_wait3A_145 = arith.constant 0 : i32
        %dma_wait3A_146 = arith.constant 0 : i32
        %dma_wait3A_147 = tpu.memref_slice %arg9[%rem3A_50, %dma_wait3A_145, %dma_wait3A_146] : memref<2x256x1024xf32, #tpu.memory_space<vmem>> -> memref<1x256x1024xf32, #tpu.memory_space<vmem>>
        %dma_wait3A_148 = tpu.memref_squeeze %dma_wait3A_147 : memref<1x256x1024xf32, #tpu.memory_space<vmem>> -> memref<256x1024xf32, #tpu.memory_space<vmem>>
        tpu.wait_dma2 semaphore(%dma_wait3A_142 : memref<!tpu.dma_semaphore, #tpu.memory_space<semaphore_mem>>) src(%dma_wait3A_148 : memref<256x1024xf32, #tpu.memory_space<vmem>>) dst(%dma_wait3A_144 : memref<256x1024xf32, #tpu.memory_space<any>>)
      } else {
      }
      %swap3A = arith.index_cast %rem3A_50 : i32 to index
      %swap3A_118 = arith.constant 0 : index
      %swap3A_119 = arith.constant 0 : index
      %swap3A_120 = vector.load %arg9[%swap3A, %swap3A_118, %swap3A_119] : memref<2x256x1024xf32, #tpu.memory_space<vmem>>, vector<1x256x1024xf32>
      %swap3A_121 = vector.shape_cast %swap3A_120 : vector<1x256x1024xf32> to vector<256x1024xf32>
      %swap3A_122 = vector.shape_cast %mul3A_112 : vector<256x1024xf32> to vector<1x256x1024xf32>
      tpu.vector_store %arg9[%swap3A, %swap3A_118, %swap3A_119], %swap3A_122 {strides = array<i32>} : memref<2x256x1024xf32, #tpu.memory_space<vmem>>, vector<1x256x1024xf32>,
      %mul3A_123 = arith.constant 256 : i32
      %mul3A_124 = arith.muli %while3A_47, %mul3A_123 : i32
      %add3A_125 = arith.addi %multiple_of3A, %mul3A_124 : i32
      %multiple_of3A_126 = tpu.assume_multiple %add3A_125, 16 : i32
      %dma_start3A = tpu.memref_slice %arg11[%rem3A_50] : memref<2x!tpu.dma_semaphore, #tpu.memory_space<semaphore_mem>> -> memref<1x!tpu.dma_semaphore, #tpu.memory_space<semaphore_mem>>
      %dma_start3A_127 = tpu.memref_squeeze %dma_start3A : memref<1x!tpu.dma_semaphore, #tpu.memory_space<semaphore_mem>> -> memref<!tpu.dma_semaphore, #tpu.memory_space<semaphore_mem>>
      %dma_start3A_128 = arith.constant 0 : i32
      %dma_start3A_129 = tpu.memref_slice %arg7[%multiple_of3A_126, %dma_start3A_128] : memref<6656x1024xf32, #tpu.memory_space<any>> -> memref<256x1024xf32, #tpu.memory_space<any>>
      %dma_start3A_130 = arith.constant 0 : i32
      %dma_start3A_131 = arith.constant 0 : i32
      %dma_start3A_132 = tpu.memref_slice %arg9[%rem3A_50, %dma_start3A_130, %dma_start3A_131] : memref<2x256x1024xf32, #tpu.memory_space<vmem>> -> memref<1x256x1024xf32, #tpu.memory_space<vmem>>
      %dma_start3A_133 = tpu.memref_squeeze %dma_start3A_132 : memref<1x256x1024xf32, #tpu.memory_space<vmem>> -> memref<256x1024xf32, #tpu.memory_space<vmem>>
      tpu.enqueue_dma source(%dma_start3A_133 : memref<256x1024xf32, #tpu.memory_space<vmem>>) target(%dma_start3A_129 : memref<256x1024xf32, #tpu.memory_space<any>>) target_semaphore(%dma_start3A_127 : memref<!tpu.dma_semaphore, #tpu.memory_space<semaphore_mem>>)
      %while3A_134 = arith.constant 0 : i32
      scf.yield %while3A_134 : i32
    }
    %while3A_36 = arith.constant 1 : i32
    %while3A_37 = scf.for %while3A_47 = %while3A_33 to %while3A_29 step %while3A_36 iter_args(%while3A_48 = %while3A_35) -> (i32)  : i32 {
      %rem3A_49 = arith.constant 2 : i32
      %rem3A_50 = arith.remsi %while3A_47, %rem3A_49 : i32
      %mul3A = arith.constant 256 : i32
      %mul3A_51 = arith.muli %while3A_47, %mul3A : i32
      %add3A_52 = arith.addi %multiple_of3A, %mul3A_51 : i32
      %multiple_of3A_53 = tpu.assume_multiple %add3A_52, 16 : i32
      %dma_wait3A = tpu.memref_slice %arg10[%rem3A_50] : memref<2x!tpu.dma_semaphore, #tpu.memory_space<semaphore_mem>> -> memref<1x!tpu.dma_semaphore, #tpu.memory_space<semaphore_mem>>
      %dma_wait3A_54 = tpu.memref_squeeze %dma_wait3A : memref<1x!tpu.dma_semaphore, #tpu.memory_space<semaphore_mem>> -> memref<!tpu.dma_semaphore, #tpu.memory_space<semaphore_mem>>
      %dma_wait3A_55 = arith.constant 0 : i32
      %dma_wait3A_56 = arith.constant 0 : i32
      %dma_wait3A_57 = tpu.memref_slice %arg8[%rem3A_50, %dma_wait3A_55, %dma_wait3A_56] : memref<2x256x1024xf32, #tpu.memory_space<vmem>> -> memref<1x256x1024xf32, #tpu.memory_space<vmem>>
      %dma_wait3A_58 = tpu.memref_squeeze %dma_wait3A_57 : memref<1x256x1024xf32, #tpu.memory_space<vmem>> -> memref<256x1024xf32, #tpu.memory_space<vmem>>
      %dma_wait3A_59 = arith.constant 0 : i32
      %dma_wait3A_60 = tpu.memref_slice %arg2[%multiple_of3A_53, %dma_wait3A_59] : memref<6656x1024xf32, #tpu.memory_space<any>> -> memref<256x1024xf32, #tpu.memory_space<any>>
      tpu.wait_dma2 semaphore(%dma_wait3A_54 : memref<!tpu.dma_semaphore, #tpu.memory_space<semaphore_mem>>) src(%dma_wait3A_60 : memref<256x1024xf32, #tpu.memory_space<any>>) dst(%dma_wait3A_58 : memref<256x1024xf32, #tpu.memory_space<vmem>>)
      %add3A_61 = arith.constant 1 : i32
      %add3A_62 = arith.addi %while3A_47, %add3A_61 : i32
      %lt3A = arith.cmpi slt, %add3A_62, %select_n3A : i32
      %convert_element_type3A_63 = arith.extui %lt3A : i1 to i32
      %cond3A_64 = arith.constant 0 : i32
      %cond3A_65 = arith.cmpi ne, %convert_element_type3A_63, %cond3A_64 : i32
      scf.if %cond3A_65 {
        %add3A_135 = arith.constant 1 : i32
        %add3A_136 = arith.addi %while3A_47, %add3A_135 : i32
        %sub3A_137 = arith.constant 1 : i32
        %sub3A_138 = arith.subi %sub3A_137, %rem3A_50 : i32
        %mul3A_139 = arith.constant 256 : i32
        %mul3A_140 = arith.muli %add3A_136, %mul3A_139 : i32
        %add3A_141 = arith.addi %multiple_of3A, %mul3A_140 : i32
        %multiple_of3A_142 = tpu.assume_multiple %add3A_141, 16 : i32
        %dma_start3A_143 = tpu.memref_slice %arg10[%sub3A_138] : memref<2x!tpu.dma_semaphore, #tpu.memory_space<semaphore_mem>> -> memref<1x!tpu.dma_semaphore, #tpu.memory_space<semaphore_mem>>
        %dma_start3A_144 = tpu.memref_squeeze %dma_start3A_143 : memref<1x!tpu.dma_semaphore, #tpu.memory_space<semaphore_mem>> -> memref<!tpu.dma_semaphore, #tpu.memory_space<semaphore_mem>>
        %dma_start3A_145 = arith.constant 0 : i32
        %dma_start3A_146 = arith.constant 0 : i32
        %dma_start3A_147 = tpu.memref_slice %arg8[%sub3A_138, %dma_start3A_145, %dma_start3A_146] : memref<2x256x1024xf32, #tpu.memory_space<vmem>> -> memref<1x256x1024xf32, #tpu.memory_space<vmem>>
        %dma_start3A_148 = tpu.memref_squeeze %dma_start3A_147 : memref<1x256x1024xf32, #tpu.memory_space<vmem>> -> memref<256x1024xf32, #tpu.memory_space<vmem>>
        %dma_start3A_149 = arith.constant 0 : i32
        %dma_start3A_150 = tpu.memref_slice %arg2[%multiple_of3A_142, %dma_start3A_149] : memref<6656x1024xf32, #tpu.memory_space<any>> -> memref<256x1024xf32, #tpu.memory_space<any>>
        tpu.enqueue_dma source(%dma_start3A_150 : memref<256x1024xf32, #tpu.memory_space<any>>) target(%dma_start3A_148 : memref<256x1024xf32, #tpu.memory_space<vmem>>) target_semaphore(%dma_start3A_144 : memref<!tpu.dma_semaphore, #tpu.memory_space<semaphore_mem>>)
      } else {
      }
      %get3A_66 = arith.index_cast %rem3A_50 : i32 to index
      %get3A_67 = arith.constant 0 : index
      %get3A_68 = arith.constant 0 : index
      %get3A_69 = vector.load %arg8[%get3A_66, %get3A_67, %get3A_68] : memref<2x256x1024xf32, #tpu.memory_space<vmem>>, vector<1x256x1024xf32>
      %get3A_70 = vector.shape_cast %get3A_69 : vector<1x256x1024xf32> to vector<256x1024xf32>
      %convert_element_type3A_71 = arith.truncf %get3A_70 : vector<256x1024xf32> to vector<256x1024xbf16>
      %get3A_72 = arith.constant 0 : index
      %get3A_73 = arith.constant 0 : index
      %get3A_74 = arith.constant 0 : index
      %get3A_75 = vector.load %arg4[%get3A_72, %get3A_73, %get3A_74] : memref<1x512x1024xbf16, #tpu.memory_space<vmem>>, vector<1x512x1024xbf16>
      %get3A_76 = vector.shape_cast %get3A_75 : vector<1x512x1024xbf16> to vector<512x1024xbf16>
      %get3A_77 = arith.constant 0 : index
      %get3A_78 = arith.constant 0 : index
      %get3A_79 = arith.constant 0 : index
      %get3A_80 = vector.load %arg5[%get3A_77, %get3A_78, %get3A_79] : memref<1x512x1024xbf16, #tpu.memory_space<vmem>>, vector<1x512x1024xbf16>
      %get3A_81 = vector.shape_cast %get3A_80 : vector<1x512x1024xbf16> to vector<512x1024xbf16>
      %get3A_82 = arith.constant 0 : index
      %get3A_83 = arith.constant 0 : index
      %get3A_84 = arith.constant 0 : index
      %get3A_85 = vector.load %arg6[%get3A_82, %get3A_83, %get3A_84] : memref<1x1024x512xbf16, #tpu.memory_space<vmem>>, vector<1x1024x512xbf16>
      %get3A_86 = vector.shape_cast %get3A_85 : vector<1x1024x512xbf16> to vector<1024x512xbf16>
      %dot_general3A = arith.constant dense<0.000000e+00> : vector<256x512xf32>
      %dot_general3A_87 = tpu.matmul %convert_element_type3A_71, %get3A_76, %dot_general3A {dimension_numbers = #tpu.dot_dimension_numbers<[1], [1], [0], [0], [0, 0, 1, 0], [], []>, transpose_lhs_hint = false} : vector<256x1024xbf16>, vector<512x1024xbf16>, vector<256x512xf32> -> vector<256x512xf32>
      %dot_general3A_88 = arith.constant dense<0.000000e+00> : vector<256x512xf32>
      %dot_general3A_89 = tpu.matmul %convert_element_type3A_71, %get3A_81, %dot_general3A_88 {dimension_numbers = #tpu.dot_dimension_numbers<[1], [1], [0], [0], [0, 0, 1, 0], [], []>, transpose_lhs_hint = false} : vector<256x1024xbf16>, vector<512x1024xbf16>, vector<256x512xf32> -> vector<256x512xf32>
      %mul3A_90 = arith.constant 5.000000e-01 : f32
      %mul3A_91 = vector.broadcast %mul3A_90 : f32 to vector<256x512xf32>
      %mul3A_92 = arith.mulf %mul3A_91, %dot_general3A_87 : vector<256x512xf32>
      %mul3A_93 = arith.constant 0.707106769 : f32
      %mul3A_94 = vector.broadcast %mul3A_93 : f32 to vector<256x512xf32>
      %mul3A_95 = arith.mulf %dot_general3A_87, %mul3A_94 : vector<256x512xf32>
      %erf3A = math.erf %mul3A_95 : vector<256x512xf32>
      %add3A_96 = arith.constant 1.000000e+00 : f32
      %add3A_97 = vector.broadcast %add3A_96 : f32 to vector<256x512xf32>
      %add3A_98 = arith.addf %add3A_97, %erf3A : vector<256x512xf32>
      %mul3A_99 = arith.mulf %mul3A_92, %add3A_98 : vector<256x512xf32>
      %mul3A_100 = arith.mulf %mul3A_99, %dot_general3A_89 : vector<256x512xf32>
      %convert_element_type3A_101 = arith.truncf %mul3A_100 : vector<256x512xf32> to vector<256x512xbf16>
      %dot_general3A_102 = arith.constant dense<0.000000e+00> : vector<256x1024xf32>
      %dot_general3A_103 = tpu.matmul %convert_element_type3A_101, %get3A_86, %dot_general3A_102 {dimension_numbers = #tpu.dot_dimension_numbers<[1], [1], [0], [0], [0, 0, 1, 0], [], []>, transpose_lhs_hint = false} : vector<256x512xbf16>, vector<1024x512xbf16>, vector<256x1024xf32> -> vector<256x1024xf32>
      %mul3A_104 = arith.constant 256 : i32
      %mul3A_105 = arith.muli %while3A_47, %mul3A_104 : i32
      %add3A_106 = arith.addi %multiple_of3A, %mul3A_105 : i32
      %multiple_of3A_107 = tpu.assume_multiple %add3A_106, 16 : i32
      %get3A_108 = arith.index_cast %multiple_of3A_107 : i32 to index
      %get3A_109 = arith.constant 0 : index
      %get3A_110 = vector.load %arg3[%get3A_108, %get3A_109] : memref<6656x1xf32, #tpu.memory_space<vmem>>, vector<256x1xf32>
      %mul3A_111 = vector.broadcast %get3A_110 : vector<256x1xf32> to vector<256x1024xf32>
      %mul3A_112 = arith.mulf %dot_general3A_103, %mul3A_111 : vector<256x1024xf32>
      %ge3A_113 = arith.constant 2 : i32
      %ge3A_114 = arith.cmpi sge, %while3A_47, %ge3A_113 : i32
      %convert_element_type3A_115 = arith.extui %ge3A_114 : i1 to i32
      %cond3A_116 = arith.constant 0 : i32
      %cond3A_117 = arith.cmpi ne, %convert_element_type3A_115, %cond3A_116 : i32
      scf.if %cond3A_117 {
        %sub3A_135 = arith.constant 2 : i32
        %sub3A_136 = arith.subi %while3A_47, %sub3A_135 : i32
        %mul3A_137 = arith.constant 256 : i32
        %mul3A_138 = arith.muli %sub3A_136, %mul3A_137 : i32
        %add3A_139 = arith.addi %multiple_of3A, %mul3A_138 : i32
        %multiple_of3A_140 = tpu.assume_multiple %add3A_139, 16 : i32
        %dma_wait3A_141 = tpu.memref_slice %arg11[%rem3A_50] : memref<2x!tpu.dma_semaphore, #tpu.memory_space<semaphore_mem>> -> memref<1x!tpu.dma_semaphore, #tpu.memory_space<semaphore_mem>>
        %dma_wait3A_142 = tpu.memref_squeeze %dma_wait3A_141 : memref<1x!tpu.dma_semaphore, #tpu.memory_space<semaphore_mem>> -> memref<!tpu.dma_semaphore, #tpu.memory_space<semaphore_mem>>
        %dma_wait3A_143 = arith.constant 0 : i32
        %dma_wait3A_144 = tpu.memref_slice %arg7[%multiple_of3A_140, %dma_wait3A_143] : memref<6656x1024xf32, #tpu.memory_space<any>> -> memref<256x1024xf32, #tpu.memory_space<any>>
        %dma_wait3A_145 = arith.constant 0 : i32
        %dma_wait3A_146 = arith.constant 0 : i32
        %dma_wait3A_147 = tpu.memref_slice %arg9[%rem3A_50, %dma_wait3A_145, %dma_wait3A_146] : memref<2x256x1024xf32, #tpu.memory_space<vmem>> -> memref<1x256x1024xf32, #tpu.memory_space<vmem>>
        %dma_wait3A_148 = tpu.memref_squeeze %dma_wait3A_147 : memref<1x256x1024xf32, #tpu.memory_space<vmem>> -> memref<256x1024xf32, #tpu.memory_space<vmem>>
        tpu.wait_dma2 semaphore(%dma_wait3A_142 : memref<!tpu.dma_semaphore, #tpu.memory_space<semaphore_mem>>) src(%dma_wait3A_148 : memref<256x1024xf32, #tpu.memory_space<vmem>>) dst(%dma_wait3A_144 : memref<256x1024xf32, #tpu.memory_space<any>>)
      } else {
      }
      %swap3A = arith.index_cast %rem3A_50 : i32 to index
      %swap3A_118 = arith.constant 0 : index
      %swap3A_119 = arith.constant 0 : index
      %swap3A_120 = vector.load %arg9[%swap3A, %swap3A_118, %swap3A_119] : memref<2x256x1024xf32, #tpu.memory_space<vmem>>, vector<1x256x1024xf32>
      %swap3A_121 = vector.shape_cast %swap3A_120 : vector<1x256x1024xf32> to vector<256x1024xf32>
      %swap3A_122 = vector.shape_cast %mul3A_112 : vector<256x1024xf32> to vector<1x256x1024xf32>
      tpu.vector_store %arg9[%swap3A, %swap3A_118, %swap3A_119], %swap3A_122 {strides = array<i32>} : memref<2x256x1024xf32, #tpu.memory_space<vmem>>, vector<1x256x1024xf32>,
      %mul3A_123 = arith.constant 256 : i32
      %mul3A_124 = arith.muli %while3A_47, %mul3A_123 : i32
      %add3A_125 = arith.addi %multiple_of3A, %mul3A_124 : i32
      %multiple_of3A_126 = tpu.assume_multiple %add3A_125, 16 : i32
      %dma_start3A = tpu.memref_slice %arg11[%rem3A_50] : memref<2x!tpu.dma_semaphore, #tpu.memory_space<semaphore_mem>> -> memref<1x!tpu.dma_semaphore, #tpu.memory_space<semaphore_mem>>
      %dma_start3A_127 = tpu.memref_squeeze %dma_start3A : memref<1x!tpu.dma_semaphore, #tpu.memory_space<semaphore_mem>> -> memref<!tpu.dma_semaphore, #tpu.memory_space<semaphore_mem>>
      %dma_start3A_128 = arith.constant 0 : i32
      %dma_start3A_129 = tpu.memref_slice %arg7[%multiple_of3A_126, %dma_start3A_128] : memref<6656x1024xf32, #tpu.memory_space<any>> -> memref<256x1024xf32, #tpu.memory_space<any>>
      %dma_start3A_130 = arith.constant 0 : i32
      %dma_start3A_131 = arith.constant 0 : i32
      %dma_start3A_132 = tpu.memref_slice %arg9[%rem3A_50, %dma_start3A_130, %dma_start3A_131] : memref<2x256x1024xf32, #tpu.memory_space<vmem>> -> memref<1x256x1024xf32, #tpu.memory_space<vmem>>
      %dma_start3A_133 = tpu.memref_squeeze %dma_start3A_132 : memref<1x256x1024xf32, #tpu.memory_space<vmem>> -> memref<256x1024xf32, #tpu.memory_space<vmem>>
      tpu.enqueue_dma source(%dma_start3A_133 : memref<256x1024xf32, #tpu.memory_space<vmem>>) target(%dma_start3A_129 : memref<256x1024xf32, #tpu.memory_space<any>>) target_semaphore(%dma_start3A_127 : memref<!tpu.dma_semaphore, #tpu.memory_space<semaphore_mem>>)
      %while3A_134 = arith.constant 0 : i32
      scf.yield %while3A_134 : i32
    }
    %ge3A = arith.constant 1 : i32
    %ge3A_38 = arith.cmpi sge, %select_n3A, %ge3A : i32
    %convert_element_type3A_39 = arith.extui %ge3A_38 : i1 to i32
    %cond3A_40 = arith.constant 0 : i32
    %cond3A_41 = arith.cmpi ne, %convert_element_type3A_39, %cond3A_40 : i32
    scf.if %cond3A_41 {
      %sub3A_47 = arith.constant 1 : i32
      %sub3A_48 = arith.subi %select_n3A, %sub3A_47 : i32
      %sub3A_49 = arith.constant 1 : i32
      %sub3A_50 = arith.subi %select_n3A, %sub3A_49 : i32
      %rem3A_51 = arith.constant 2 : i32
      %rem3A_52 = arith.remsi %sub3A_50, %rem3A_51 : i32
      %mul3A = arith.constant 256 : i32
      %mul3A_53 = arith.muli %sub3A_48, %mul3A : i32
      %add3A_54 = arith.addi %multiple_of3A, %mul3A_53 : i32
      %multiple_of3A_55 = tpu.assume_multiple %add3A_54, 16 : i32
      %dma_wait3A = tpu.memref_slice %arg11[%rem3A_52] : memref<2x!tpu.dma_semaphore, #tpu.memory_space<semaphore_mem>> -> memref<1x!tpu.dma_semaphore, #tpu.memory_space<semaphore_mem>>
      %dma_wait3A_56 = tpu.memref_squeeze %dma_wait3A : memref<1x!tpu.dma_semaphore, #tpu.memory_space<semaphore_mem>> -> memref<!tpu.dma_semaphore, #tpu.memory_space<semaphore_mem>>
      %dma_wait3A_57 = arith.constant 0 : i32
      %dma_wait3A_58 = tpu.memref_slice %arg7[%multiple_of3A_55, %dma_wait3A_57] : memref<6656x1024xf32, #tpu.memory_space<any>> -> memref<256x1024xf32, #tpu.memory_space<any>>
      %dma_wait3A_59 = arith.constant 0 : i32
      %dma_wait3A_60 = arith.constant 0 : i32
      %dma_wait3A_61 = tpu.memref_slice %arg9[%rem3A_52, %dma_wait3A_59, %dma_wait3A_60] : memref<2x256x1024xf32, #tpu.memory_space<vmem>> -> memref<1x256x1024xf32, #tpu.memory_space<vmem>>
      %dma_wait3A_62 = tpu.memref_squeeze %dma_wait3A_61 : memref<1x256x1024xf32, #tpu.memory_space<vmem>> -> memref<256x1024xf32, #tpu.memory_space<vmem>>
      tpu.wait_dma2 semaphore(%dma_wait3A_56 : memref<!tpu.dma_semaphore, #tpu.memory_space<semaphore_mem>>) src(%dma_wait3A_62 : memref<256x1024xf32, #tpu.memory_space<vmem>>) dst(%dma_wait3A_58 : memref<256x1024xf32, #tpu.memory_space<any>>)
    } else {
    }
    %ge3A_42 = arith.constant 2 : i32
    %ge3A_43 = arith.cmpi sge, %select_n3A, %ge3A_42 : i32
    %convert_element_type3A_44 = arith.extui %ge3A_43 : i1 to i32
    %cond3A_45 = arith.constant 0 : i32
    %cond3A_46 = arith.cmpi ne, %convert_element_type3A_44, %cond3A_45 : i32
    scf.if %cond3A_46 {
      %sub3A_47 = arith.constant 2 : i32
      %sub3A_48 = arith.subi %select_n3A, %sub3A_47 : i32
      %sub3A_49 = arith.constant 2 : i32
      %sub3A_50 = arith.subi %select_n3A, %sub3A_49 : i32
      %rem3A_51 = arith.constant 2 : i32
      %rem3A_52 = arith.remsi %sub3A_50, %rem3A_51 : i32
      %mul3A = arith.constant 256 : i32
      %mul3A_53 = arith.muli %sub3A_48, %mul3A : i32
      %add3A_54 = arith.addi %multiple_of3A, %mul3A_53 : i32
      %multiple_of3A_55 = tpu.assume_multiple %add3A_54, 16 : i32
      %dma_wait3A = tpu.memref_slice %arg11[%rem3A_52] : memref<2x!tpu.dma_semaphore, #tpu.memory_space<semaphore_mem>> -> memref<1x!tpu.dma_semaphore, #tpu.memory_space<semaphore_mem>>
      %dma_wait3A_56 = tpu.memref_squeeze %dma_wait3A : memref<1x!tpu.dma_semaphore, #tpu.memory_space<semaphore_mem>> -> memref<!tpu.dma_semaphore, #tpu.memory_space<semaphore_mem>>
      %dma_wait3A_57 = arith.constant 0 : i32
      %dma_wait3A_58 = tpu.memref_slice %arg7[%multiple_of3A_55, %dma_wait3A_57] : memref<6656x1024xf32, #tpu.memory_space<any>> -> memref<256x1024xf32, #tpu.memory_space<any>>
      %dma_wait3A_59 = arith.constant 0 : i32
      %dma_wait3A_60 = arith.constant 0 : i32
      %dma_wait3A_61 = tpu.memref_slice %arg9[%rem3A_52, %dma_wait3A_59, %dma_wait3A_60] : memref<2x256x1024xf32, #tpu.memory_space<vmem>> -> memref<1x256x1024xf32, #tpu.memory_space<vmem>>
      %dma_wait3A_62 = tpu.memref_squeeze %dma_wait3A_61 : memref<1x256x1024xf32, #tpu.memory_space<vmem>> -> memref<256x1024xf32, #tpu.memory_space<vmem>>
      tpu.wait_dma2 semaphore(%dma_wait3A_56 : memref<!tpu.dma_semaphore, #tpu.memory_space<semaphore_mem>>) src(%dma_wait3A_62 : memref<256x1024xf32, #tpu.memory_space<vmem>>) dst(%dma_wait3A_58 : memref<256x1024xf32, #tpu.memory_space<any>>)
    } else {
    }
    return
  }
  func.func @transform_0(%arg0: i32) -> i32 {
    %c0_i32 = arith.constant 0 : i32
    %c0_i32_0 = arith.constant 0 : i32
    return %c0_i32 : i32
  }
  func.func @transform_2(%arg0: i32) -> (i32, i32) {
    %c0_i32 = arith.constant 0 : i32
    %c0_i32_0 = arith.constant 0 : i32
    %c0_i32_1 = arith.constant 0 : i32
    return %c0_i32, %c0_i32_0 : i32, i32
  }
  func.func @transform_3(%arg0: i32) -> (i32, i32, i32) {
    %c0_i32 = arith.constant 0 : i32
    %c0_i32_0 = arith.constant 0 : i32
    %c0_i32_1 = arith.constant 0 : i32
    return %arg0, %c0_i32, %c0_i32_0 : i32, i32, i32
  }
  func.func @transform_4(%arg0: i32) -> (i32, i32, i32) {
    %c0_i32 = arith.constant 0 : i32
    %c0_i32_0 = arith.constant 0 : i32
    %c0_i32_1 = arith.constant 0 : i32
    return %arg0, %c0_i32, %c0_i32_0 : i32, i32, i32
  }
  func.func @transform_5(%arg0: i32) -> (i32, i32, i32) {
    %c0_i32 = arith.constant 0 : i32
    %c0_i32_0 = arith.constant 0 : i32
    %c0_i32_1 = arith.constant 0 : i32
    return %arg0, %c0_i32, %c0_i32_0 : i32, i32, i32
  }
}

</mosaic_0001>

<sc_bundles>
// kernel: kernel.6.cloned.1.call-start
scs
__scs_entry_jumppad:
0x0: {  	(pc) =	sbr.rel $0x88, $3  }
0x1: {  	(tag) =	ssettag $0x0;
	lr =	simm.s32 $0x1  }
0x2: {  	[smem:$0x3F99] =	sst lr;
	_ =	strace $0xD0000000  }
0x3: {  	_ = 	snop  }
0x4: {  	_ = 	snop  }
0x5: {  	_ = 	snop  }
0x6: {  	_ = 	snop  }
0x7: {  	_ = 	snop  }
__scs_overlays_trampoline_lowered:
0x8: {  	[smem:$0x3FA8] =	sst s0  }
0x9: {  	[smem:$0x3FA9] =	sst s1  }
0xa: {  	[smem:$0x3FAA] =	sst s2  }
0xb: {  	[smem:$0x3FAB] =	sst s3  }
0xc: {  	[smem:$0x3FAC] =	sst s4  }
0xd: {  	[smem:$0x3FAD] =	sst s5  }
0xe: {  	[smem:$0x3FAE] =	sst s6  }
0xf: {  	[smem:$0x3FAF] =	sst s7  }
0x10: {  	[smem:$0x3FB0] =	sst s8  }
0x11: {  	[smem:$0x3FB1] =	sst s9;
	s0 =	simm.s32 @!p0 $0x0  }
0x12: {  	s1 =	sld [smem:$0x3F97];
	s0 =	simm.s32 @p0 $0x1  }
0x13: {  	[smem:$0x3FB2] =	sst s0;
	s0 =	simm.s32 @!p1 $0x0  }
0x14: {  	s2 =	sld [smem:$0x3F96];
	s0 =	simm.s32 @p1 $0x1  }
0x15: {  	[smem:$0x3FB3] =	sst s0;
	s0 =	simm.s32 @!p2 $0x0  }
0x16: {  	s3 =	sld [smem:$0x3FDB];
	s0 =	simm.s32 @p2 $0x1  }
0x17: {  	s4 =	simm.s32 $0x1BF5;
	[smem:$0x3FB5] =	sst s0  }
0x18: {  	s0 =	sld [smem:$0x3F98];
	_ =	swait.ge [sflag:s4], $0x0  }
0x19: {  	s7 =	sld [smem:$0x3F99]  }
0x1a: {  	s8 =	sadd.s32 $0xFFFFE003, lr  }
0x1b: {  	s9 =	sadd.s32 $0xFFFFFEF7, lr;
	s5 =	simm.s32 $0xFFFFFFFF;
	p2 =	slt.u32 s8, $0xFFFFF086  }
0x1c: {  	p1 =	slt.u32 s9, $0xF7A;
	s5 =	simm.s32 @!p2 $0x0  }
0x1d: {  	s5 =	simm.s32 @p1 $0x1;
	p0 =	seq.s32 s7, s2  }
0x1e: {  	s7 =	smul.u32 @!p0 $0xF7A, s2;
	p2 =	seq.s32 @!p0 s5, $0x0  }
0x1f: {  	s9 =	smul.u32 $0xF7A, s1;
	s8 =	simm.s32 @!p0 $0x1BF5;
	p2 =	por !p2, p0  }
0x20: {  	[sflag:s8] =	ssyncset.s32 @!p0 $0xFFFFF086;
	s6 =	sadd.s32 @!p0 s3, s7;
	s7 =	simm.s32 @!p0 $0x108  }
0x21: {  	s3 =	sadd.s32 s3, s9;
	s6 =	sadd.s32 @!p0 $0x88, s6;
	s7 =	simm.s32 @p2 $0x1082  }
0x22: {  	[simem:s7], [sflag:s8] =	dma.local @!p0 [hbm:s6], $0xF7A  }
0x23: {  	s9 =	sor.u32 $0xD0000000, s2;
	s6 =	simm.s32 $0x108;
	_ =	swait.ge @!p0 [sflag:s8], $0x0  }
0x24: {  	s3 =	sadd.s32 $0x88, s3;
	s6 =	simm.s32 @!p1 $0x1082;
	[sflag:s4] =	ssyncset.s32 $0xFFFFF086  }
0x25: {  	[simem:s6], [sflag:s4] =	dma.local [hbm:s3], $0xF7A  }
0x26: {  	[smem:$0x3F99] =	sst s1;
	(tag) =	ssettag s2;
	_ =	strace s9  }
0x27: {  	s1 =	sld [smem:$0x3FA9]  }
0x28: {  	s2 =	sld [smem:$0x3FAA]  }
0x29: {  	s4 =	sld [smem:$0x3FAC]  }
0x2a: {  	p0 =	seq.s32 s5, $0x0;
	s5 =	sld [smem:$0x3FAD]  }
0x2b: {  	s6 =	sld [smem:$0x3FAE]  }
0x2c: {  	s7 =	sld [smem:$0x3FAF]  }
0x2d: {  	s3 =	simm.s32 $0x108;
	s8 =	sld [smem:$0x3FB0]  }
0x2e: {  	s3 =	simm.s32 @!p0 $0x1082;
	s9 =	sld [smem:$0x3FB1]  }
0x2f: {  	lr =	sadd.s32 s0, s3;
	s0 =	sld [smem:$0x3FA8]  }
0x30: {  	s3 =	sld [smem:$0x3FAB]  }
0x31: {  	[smem:$0x3FB4] =	sst s10  }
0x32: {  	s10 =	sld [smem:$0x3FB2];
	_ =	sdelay $0x3  }
0x33: {  	p0 =	seq.s32 s10, $0x1;
	s10 =	sld [smem:$0x3FB4];
	_ =	sdelay $0x3  }
0x34: {  	[smem:$0x3FB4] =	sst s10  }
0x35: {  	s10 =	sld [smem:$0x3FB3];
	_ =	sdelay $0x3  }
0x36: {  	p1 =	seq.s32 s10, $0x1;
	s10 =	sld [smem:$0x3FB4];
	_ =	sdelay $0x3  }
0x37: {  	[smem:$0x3FB4] =	sst s10  }
0x38: {  	s10 =	sld [smem:$0x3FB5]  }
0x39: {  	_ = 	snop;
	(pc) =	sbr.ind lr, $3  }
0x3a: {  	_ = 	snop  }
0x3b: {  	_ = 	snop  }
0x3c: {  	p2 =	seq.s32 s10, $0x1;
	s10 =	sld [smem:$0x3FB4]  }
0x3d: {  	_ =	shalt  }
0x3e: {  	_ =	shalt  }
0x3f: {  	_ =	shalt  }
0x40: {  	_ =	shalt  }
0x41: {  	_ =	shalt  }
0x42: {  	_ =	shalt  }
0x43: {  	_ =	shalt  }
0x44: {  	_ =	shalt  }
0x45: {  	_ =	shalt  }
0x46: {  	_ =	shalt  }
0x47: {  	_ =	shalt  }
0x48: {  	_ =	shalt  }
0x49: {  	_ =	shalt  }
0x4a: {  	_ =	shalt  }
0x4b: {  	_ =	shalt  }
0x4c: {  	_ =	shalt  }
0x4d: {  	_ =	shalt  }
0x4e: {  	_ =	shalt  }
0x4f: {  	_ =	shalt  }
0x50: {  	_ =	shalt  }
0x51: {  	_ =	shalt  }
0x52: {  	_ =	shalt  }
0x53: {  	_ =	shalt  }
0x54: {  	_ =	shalt  }
0x55: {  	_ =	shalt  }
0x56: {  	_ =	shalt  }
0x57: {  	_ =	shalt  }
0x58: {  	_ =	shalt  }
0x59: {  	_ =	shalt  }
0x5a: {  	_ =	shalt  }
0x5b: {  	_ =	shalt  }
0x5c: {  	_ =	shalt  }
0x5d: {  	_ =	shalt  }
0x5e: {  	_ =	shalt  }
0x5f: {  	_ =	shalt  }
0x60: {  	_ =	shalt  }
0x61: {  	_ =	shalt  }
0x62: {  	_ =	shalt  }
0x63: {  	_ =	shalt  }
0x64: {  	_ =	shalt  }
0x65: {  	_ =	shalt  }
0x66: {  	_ =	shalt  }
0x67: {  	_ =	shalt  }
0x68: {  	_ =	shalt  }
0x69: {  	_ =	shalt  }
0x6a: {  	_ =	shalt  }
0x6b: {  	_ =	shalt  }
0x6c: {  	_ =	shalt  }
0x6d: {  	_ =	shalt  }
0x6e: {  	_ =	shalt  }
0x6f: {  	_ =	shalt  }
0x70: {  	_ =	shalt  }
0x71: {  	_ =	shalt  }
0x72: {  	_ =	shalt  }
0x73: {  	_ =	shalt  }
0x74: {  	_ =	shalt  }
0x75: {  	_ =	shalt  }
0x76: {  	_ =	shalt  }
0x77: {  	_ =	shalt  }
0x78: {  	_ =	shalt  }
0x79: {  	_ =	shalt  }
0x7a: {  	_ =	shalt  }
0x7b: {  	_ =	shalt  }
0x7c: {  	_ =	shalt  }
0x7d: {  	_ =	shalt  }
0x7e: {  	_ =	shalt  }
0x7f: {  	_ =	shalt  }
0x80: {  	_ =	shalt  }
0x81: {  	_ =	shalt  }
0x82: {  	_ =	shalt  }
0x83: {  	_ =	shalt  }
0x84: {  	_ =	shalt  }
0x85: {  	_ =	shalt  }
0x86: {  	_ =	shalt  }
0x87: {  	_ =	shalt  }
.Lfunc_end0:
.L_simem_size_0:
called_computation_lowered:
.L_overlay_start_0:
0x88: {  	s2 =	sld [smem:$0x3FD9]  }
0x89: {  	s3 =	sld [smem:$0x3FFE];
	_ =	sdelay $0x1  }
0x8a: {  	s1 =	srdreg.scid  }
0x8b: {  	s0 =	sand.u32 $0x1, s1  }
0x8c: {  	s17 =	sshll.u32 s0, $0xA;
	s2 =	sadd.s32 s3, s2  }
0x8d: {  	s2 =	sadd.s32 s2, s17  }
0x8e: {  	[smem:$0x3FC0] =	sst s2  }
0x8f: {  	_ = 	snop  }
0x90: {  	s2 =	sld [smem:$0x3FC9]  }
0x91: {  	s18 =	sld [smem:$0x3FD0];
	(tm) =	ssettm $0x1  }
0x92: {  	s4 =	sld [smem:$0x3FFB];
	_ =	sdelay $0x3  }
0x93: {  	_ =	strace s4  }
0x94: {  	s4 =	sld [smem:$0x3FFC];
	_ =	sdelay $0x3  }
0x95: {  	_ =	strace s4  }
0x96: {  	s4 =	sld [smem:$0x3FFD];
	_ =	sdelay $0x3  }
0x97: {  	_ =	strace s4  }
0x98: {  	_ =	strace $0x8FFFFFFF  }
0x99: {  	s19 =	sld [smem:$0x3FDB];
	_ =	sdelay $0x1  }
0x9a: {  	s5 =	simm.s32 $_scs_section_size  }
0x9b: {  	s6 =	simm.s32 $_size__tile_overlayer_lowered;
	s7 =	simm.s32 $_tile_overlayer_lowered  }
0x9c: {  	s22 =	simm.s32 $0x1BFF;
	s21 =	sshll.u32 s7, $0x1;
	s4 =	sadd.s32 s5, s19  }
0x9d: {  	s8 =	simm.s32 $0x0;
	s20 =	sshll.u32 s6, $0x1;
	s6 =	sadd.s32 s21, s4  }
0x9e: {  	[timem:s8], [sflag:s22] =	dma.local [hbm:s6], s20  }
0x9f: {  	_ =	swait.ge [sflag:s22], s20  }
0xa0: {  	s5 =	ssub.s32 $0x0, s20;
	[sflag:s22] =	ssyncset.done $0x0  }
0xa1: {  	[sflag:s22] =	ssyncadd.s32 s5;
	_ =	sdelay $0x1  }
0xa2: {  	s23 =	simm.s32 $0x1B8B  }
0xa3: {  	_ =	swait.ge [sflag:s23], $0x1  }
0xa4: {  	[sflag:s23] =	ssyncset.done $0x0  }
0xa5: {  	s25 =	simm.s32 $0x1B8E;
	s24 =	sld [smem:$0x3FFE];
	[sflag:s23] =	ssyncadd.s32 $0xFFFFFFFF  }
0xa6: {  	s26 =	simm.s32 $execute0_lowered;
	[smem:$0x3FD2] =	sst s25  }
0xa7: {  	s6 =	sshll.u32 s26, $0x1;
	_ =	strace $0x80000046;
	[dreg:$0x1] =	wrdreg $0xFFFFFFFF  }
0xa8: {  	s28 =	simm.s32 $_size_execute0_lowered;
	s4 =	sadd.s32 s4, s6;
	[dreg:$0x0] =	wrdreg $0x0  }
0xa9: {  	s6 =	sshll.u32 s28, $0x1;
	[dreg:$0x2] =	wrdreg s4  }
0xaa: {  	[dreg:$0x3] =	wrdreg s6  }
0xab: {  	[dreg:$0x4] =	wrdreg $0xC0  }
0xac: {  	_ =	task [dreg:s8], $0x5FFFF  }
0xad: {  	[dreg:$0x1] =	wrdreg $0xFFFFFFFF  }
0xae: {  	[dreg:$0x0] =	wrdreg $0x60  }
0xaf: {  	[dreg:$0x2] =	wrdreg s24  }
0xb0: {  	[dreg:$0x3] =	wrdreg s2  }
0xb1: {  	[dreg:$0x4] =	wrdreg s18  }
0xb2: {  	[dreg:$0x5] =	wrdreg $0x9  }
0xb3: {  	_ =	task.clear_ibuf [dreg:s8], $0x6FFFF;
	_ =	strace $0x90000046  }
0xb4: {  	s29 =	simm.s32 $0x9;
	_ =	strace $0x80000048  }
0xb5: {  	_ =	swait.ge [sflag:s29], $0x1  }
0xb6: {  	[sflag:s29] =	ssyncadd.s32 $0xFFFFFFFF  }
0xb7: {  	_ =	strace $0x90000048  }
0xb8: {  	_ =	sfence  }
0xb9: {  	s30 =	sld [smem:$0x0];
	_ =	sdelay $0x2  }
0xba: {  	s31 =	sshll.u32 s1, $0xD;
	s1 =	sshrl.u32 s1, $0x2  }
0xbb: {  	s3 =	sand.u32 $0x4000, s31;
	s1 =	sadd.s32 s1, s30  }
0xbc: {  	s0 =	sor.u32 s3, s0;
	s1 =	sshll.u32 s1, $0x11  }
0xbd: {  	s0 =	sor.u32 s1, s0  }
0xbe: {  	s0 =	sadd.s32 $0x8F2B, s0  }
0xbf: {  	[sflag:s0] =	ssyncadd.remote.s32 $0x1  }
0xc0: {  	_ =	sfence.sel $0xFFFF  }
0xc1: {  	[dreg:$0x0] =	wrdreg $0xFFFFFFFF;
	(pc) =	sbr.abs _section_cstart, $3  }
0xc2: {  	[dreg:$0x1] =	wrdreg $0xFFFFFFFF  }
0xc3: {  	_ =	task.clear_ibuf [dreg:s8], $0x2FFFF;
	_ =	strace $0x9FFFFFFF  }
0xc4: {  	(tm) =	ssettm $0x7FFFFFFF  }
0xc5: {  	_ =	shalt  }
tec
execute0_lowered:
.L_overlay_start_1:
0x0: {  	(tag) =	ssettag $0x1  }
0x1: {  	s0 =	rddreg [dreg:$0x0]  }
0x2: {  	s5 =	rddreg [dreg:$0x1]  }
0x3: {  	s2 =	rddreg [dreg:$0x2]  }
0x4: {  	s1 =	srdreg.scid;
	s12 =	stileid.u32  }
0x5: {  	s3 =	simm.s32 $0x0;
	s29 =	simm.s32 $0x180;
	s30 =	simm.s32 $0x6980  }
0x6: {  	s31 =	simm.s32 $0x7180;
	s1 =	sand.u32 $0x1, s1;
	s6 =	sshll.u32 s12, $0x4  }
0x7: {  	[smem:$0x7FF] =	sst s3;
	s8 =	sshll.u32 s12, $0x7;
	s12 =	sshll.u32 s12, $0xE  }
0x8: {  	s4 =	sshll.u32 s1, $0x8;
	_ =	strace $0x80000047;
	s18 =	ssub.s32 $0x2, s1  }
0x9: {  	s10 =	sadd.s32 $0x1100, s8;
	s12 =	sadd.s32 s5, s12;
	s23 =	sadd.s32 $0x1120, s8  }
0xa: {  	s13 =	sadd.s32 $0x1140, s8;
	p0 =	seq.s32 s1, $0x0;
	s4 =	sor.u32 s6, s4  }
0xb: {  	s11 =	sshrl.u32 s18, $0x1;
	s20 =	sshll.u32 s10, $0x7;
	s10 =	sshrl.u32 s10, $0x3  }
0xc: {  	s24 =	sadd.s32 $0x1000, s12;
	s25 =	sshll.u32 s23, $0x7;
	s14 =	sadd.s32 $0x2000, s12  }
0xd: {  	s15 =	sshll.u32 s13, $0x7;
	s17 =	sshrl.u32 s13, $0x3;
	[dreg:$0x17] =	wrdreg s12  }
0xe: {  	s6 =	sadd.s32 $0x1F00, s0;
	s7 =	sadd.s32 s4, s0;
	[dreg:$0x9] =	wrdreg s24  }
0xf: {  	s4 =	sadd.s32 $0x1E00, s0;
	s21 =	sadd.s32 s2, s10;
	[dreg:$0xd] =	wrdreg s14  }
0x10: {  	s28 =	ssub.s32 s18, s11;
	s18 =	sadd.s32 s2, s17;
	[dreg:$0x7] =	wrdreg s21  }
0x11: {  	s17 =	simm.s32 $0x2980;
	s9 =	sadd.s32 $0x1C00, s7;
	[dreg:$0xf] =	wrdreg s18  }
0x12: {  	s19 =	sadd.s32 $0x1A00, s7;
	s22 =	sadd.s32 $0x1A04, s7;
	[dreg:$0x4] =	wrdreg s9  }
0x13: {  	s26 =	sadd.s32 s4, s25;
	s11 =	sadd.s32 $0x1A08, s7;
	[dreg:$0x5] =	wrdreg s19  }
0x14: {  	s16 =	sadd.s32 s4, s15;
	s21 =	sadd.s32 $0x3000, s12;
	[dreg:$0x8] =	wrdreg s22  }
0x15: {  	s25 =	simm.s32 $0x120;
	s18 =	simm.s32 $0x3180;
	[dreg:$0xa] =	wrdreg s26  }
0x16: {  	s15 =	simm.s32 $0x20;
	s9 =	sadd.s32 s4, s20;
	[dreg:$0xc] =	wrdreg s11  }
0x17: {  	[dreg:$0xe] =	wrdreg s16;
	s19 =	sadd.s32 $0x1A0C, s7;
	s20 =	sadd.s32 $0x1160, s8  }
0x18: {  	[dreg:$0x11] =	wrdreg s21;
	s7 =	sadd.s32 $0x2000, s0;
	s11 =	simm.s32 $0x3  }
0x19: {  	[dreg:$0x14] =	wrdreg s25;
	s26 =	simm.s32 $0x140;
	s25 =	simm.s32 $0x2  }
0x1a: {  	s16 =	simm.s32 $0x2180;
	s21 =	simm.s32 $0x4980;
	[dreg:$0x6] =	wrdreg s9  }
0x1b: {  	s9 =	sshrl.u32 s23, $0x3;
	[dreg:$0x10] =	wrdreg s19;
	s8 =	sshll.u32 s20, $0x7  }
0x1c: {  	s23 =	sshrl.u32 s20, $0x3;
	[dreg:$0x15] =	wrdreg s26;
	s19 =	simm.s32 $0x3980  }
0x1d: {  	s20 =	simm.s32 $0x4180;
	s9 =	sadd.s32 s2, s9;
	s22 =	sadd.s32 s4, s8  }
0x1e: {  	s24 =	sadd.s32 s2, s23;
	s8 =	sadd.s32 $0x2100, s0;
	[dreg:$0xb] =	wrdreg s9  }
0x1f: {  	v3 =	vlaneseq.u32;
	s23 =	simm.s32 $0x5980;
	s2 =	simm.s32 $0x80;
	[dreg:$0x12] =	wrdreg s22  }
0x20: {  	v0 =	vimm.f32 $1.000000000e+00;
	vm0 =	vmmov $0xffff;
	v2 =	vshrl.u32 v3, $0x3;
	[dreg:$0x13] =	wrdreg s24;
	s9 =	smax.u32 s28, $0x1;
	s28 =	simm.s32 $0x160  }
0x21: {  	v1 =	vand.u32 $0x7, v3;
	v3 =	vor.u32 $0x8, v3;
	v2 =	vmul.u32 $0x8, v2;
	s24 =	simm.s32 $0x1;
	s22 =	simm.s32 $0x5180;
	[dreg:$0x16] =	wrdreg s28  }
.LBB2_1:
0x22: {  	s0 =	rddreg [dreg:$0x4];
	s1 =	simm.s32 $0x100  }
0x23: {  	[tilespmem:s1], [sflag:$0x3] =	stream.linear.gather [hbm4b:s0+s3], $0x80, $0x38;
	[tilespmem:$0x10200] =	vst v63  }
0x24: {  	_ =	swait.ge [sflag:s11], $0x80  }
0x25: {  	[sflag:s11] =	ssyncset.done $0x0  }
0x26: {  	[sflag:s11] =	ssyncadd.s32 $0xFFFFFF80  }
0x27: {  	[tilespmem:$0x10180] =	vst v0  }
0x28: {  	[tilespmem:$0x10190] =	vst v0  }
0x29: {  	[tilespmem:$0x101A0] =	vst v0  }
0x2a: {  	[tilespmem:$0x101B0] =	vst v0  }
0x2b: {  	[tilespmem:$0x101C0] =	vst v0  }
0x2c: {  	[tilespmem:$0x101D0] =	vst v0  }
0x2d: {  	[tilespmem:$0x101E0] =	vst v0  }
0x2e: {  	s5 =	rddreg [dreg:$0x5];
	[tilespmem:$0x101F0] =	vst v0  }
0x2f: {  	[tilespmem:s3], [sflag:$0x3] =	stream.linear.gather [hbm4b:s5+s3], $0x20, $0x38;
	[tilespmem:$0x10200] =	vst v63  }
0x30: {  	_ =	swait.ge [sflag:s11], $0x20  }
0x31: {  	[sflag:s11] =	ssyncset.done $0x0  }
0x32: {  	s10 =	rddreg [dreg:$0x17];
	[sflag:s11] =	ssyncadd.s32 $0xFFFFFFE0  }
0x33: {  	[tilespmem:s29], [sflag:$0x3] =	stream.linear.gather [hbm4b:s10+s3], $0x8000, $0x38;
	[tilespmem:$0x10200] =	vst v63  }
0x34: {  	_ =	swait.ge [sflag:s11], $0x8000  }
0x35: {  	[sflag:s11] =	ssyncset.done $0x0  }
0x36: {  	[sflag:s11] =	ssyncadd.s32 $0xFFFF8000  }
0x37: {  	v4 =	vld [tilespmem:$0x0];
	_ =	sdelay $0x4  }
0x38: {  	v5 =	vshll.u32 v4, $0x3  }
0x39: {  	v4 =	vand.u32 $0x7, v4;
	v5 =	vand.u32 $0xFFFFFFC0, v5  }
0x3a: {  	v4 =	vor.u32 v4, v5  }
0x3b: {  	v5 =	vperm.xlane v4, v1;
	_ =	sdelay $0x1  }
0x3c: {  	v5 =	vadd.s32 v2, v5;
	_ =	sdelay $0x4  }
0x3d: {  	[hbm4b:s4+s3] =	stream.indirect_vreg.scatter [tilespmem:s29], [sflag:$0x1], $0x80, v5, vm0, $0xb8;
	[tilespmem:$0x10200] =	vst v63  }
0x3e: {  	s13 =	simm.s32 $0x980;
	v4 =	vperm.xlane v4, v3  }
0x3f: {  	[hbm4b:s6+s3] =	stream.indirect_vreg.scatter [tilespmem:s13], [sflag:$0x1], $0x80, v5, vm0, $0xb8;
	[tilespmem:$0x10200] =	vst v63  }
0x40: {  	s12 =	simm.s32 $0x1180;
	v4 =	vadd.s32 v2, v4  }
0x41: {  	[hbm4b:s7+s3] =	stream.indirect_vreg.scatter [tilespmem:s12], [sflag:$0x1], $0x80, v5, vm0, $0xb8;
	[tilespmem:$0x10200] =	vst v63  }
0x42: {  	s14 =	simm.s32 $0x1980  }
0x43: {  	[hbm4b:s8+s3] =	stream.indirect_vreg.scatter [tilespmem:s14], [sflag:$0x1], $0x80, v5, vm0, $0xb8;
	[tilespmem:$0x10200] =	vst v63  }
0x44: {  	_ = 	snop  }
0x45: {  	[hbm4b:s4+s3] =	stream.indirect_vreg.scatter [tilespmem:s16], [sflag:$0x1], $0x80, v4, vm0, $0xb8;
	[tilespmem:$0x10200] =	vst v63  }
0x46: {  	_ = 	snop  }
0x47: {  	[hbm4b:s6+s3] =	stream.indirect_vreg.scatter [tilespmem:s17], [sflag:$0x1], $0x80, v4, vm0, $0xb8;
	[tilespmem:$0x10200] =	vst v63  }
0x48: {  	_ = 	snop  }
0x49: {  	[hbm4b:s7+s3] =	stream.indirect_vreg.scatter [tilespmem:s18], [sflag:$0x1], $0x80, v4, vm0, $0xb8;
	[tilespmem:$0x10200] =	vst v63  }
0x4a: {  	_ = 	snop  }
0x4b: {  	[hbm4b:s8+s3] =	stream.indirect_vreg.scatter [tilespmem:s19], [sflag:$0x1], $0x80, v4, vm0, $0xb8;
	[tilespmem:$0x10200] =	vst v63  }
0x4c: {  	v4 =	vld [tilespmem:$0x10];
	_ =	sdelay $0x4  }
0x4d: {  	v5 =	vshll.u32 v4, $0x3  }
0x4e: {  	v4 =	vand.u32 $0x7, v4;
	v5 =	vand.u32 $0xFFFFFFC0, v5  }
0x4f: {  	v4 =	vor.u32 v4, v5  }
0x50: {  	v5 =	vperm.xlane v4, v1;
	_ =	sdelay $0x1  }
0x51: {  	v5 =	vadd.s32 v2, v5;
	_ =	sdelay $0x4  }
0x52: {  	[hbm4b:s4+s3] =	stream.indirect_vreg.scatter [tilespmem:s20], [sflag:$0x1], $0x80, v5, vm0, $0xb8;
	[tilespmem:$0x10200] =	vst v63  }
0x53: {  	v4 =	vperm.xlane v4, v3  }
0x54: {  	[hbm4b:s6+s3] =	stream.indirect_vreg.scatter [tilespmem:s21], [sflag:$0x1], $0x80, v5, vm0, $0xb8;
	[tilespmem:$0x10200] =	vst v63  }
0x55: {  	v4 =	vadd.s32 v2, v4  }
0x56: {  	[hbm4b:s7+s3] =	stream.indirect_vreg.scatter [tilespmem:s22], [sflag:$0x1], $0x80, v5, vm0, $0xb8;
	[tilespmem:$0x10200] =	vst v63  }
0x57: {  	_ = 	snop  }
0x58: {  	[hbm4b:s8+s3] =	stream.indirect_vreg.scatter [tilespmem:s23], [sflag:$0x1], $0x80, v5, vm0, $0xb8;
	[tilespmem:$0x10200] =	vst v63  }
0x59: {  	s26 =	simm.s32 $0x6180  }
0x5a: {  	[hbm4b:s4+s3] =	stream.indirect_vreg.scatter [tilespmem:s26], [sflag:$0x1], $0x80, v4, vm0, $0xb8;
	[tilespmem:$0x10200] =	vst v63  }
0x5b: {  	_ = 	snop  }
0x5c: {  	[hbm4b:s6+s3] =	stream.indirect_vreg.scatter [tilespmem:s30], [sflag:$0x1], $0x80, v4, vm0, $0xb8;
	[tilespmem:$0x10200] =	vst v63  }
0x5d: {  	_ = 	snop  }
0x5e: {  	[hbm4b:s7+s3] =	stream.indirect_vreg.scatter [tilespmem:s31], [sflag:$0x1], $0x80, v4, vm0, $0xb8;
	[tilespmem:$0x10200] =	vst v63  }
0x5f: {  	s28 =	simm.s32 $0x7980  }
0x60: {  	[hbm4b:s8+s3] =	stream.indirect_vreg.scatter [tilespmem:s28], [sflag:$0x1], $0x80, v4, vm0, $0xb8;
	[tilespmem:$0x10200] =	vst v63  }
0x61: {  	s5 =	simm.s32 @!p0 $0x180;
	s14 =	rddreg [dreg:$0x2]  }
0x62: {  	[hbm4b:s14+s15] =	stream.indirect.scatter [tilespmem:s1], [sflag:$0x1], $0x1, s3, s15, $0xb8;
	[tilespmem:$0x10200] =	vst v63  }
0x63: {  	s0 =	rddreg [dreg:$0x6];
	s26 =	simm.s32 @!p0 $0x0;
	s28 =	simm.s32 @!p0 $0x3  }
0x64: {  	[hbm4b:s0+s26] =	stream.linear.scatter @!p0 [tilespmem:s5], [sflag:$0x3], $0x8000, $0x38;
	[tilespmem:$0x10200] =	vst v63  }
0x65: {  	_ =	swait.ge @!p0 [sflag:s28], $0x8000  }
0x66: {  	[sflag:s28] =	ssyncset.done @!p0 $0x0  }
0x67: {  	s12 =	simm.s32 @!p0 $0x10180;
	s1 =	rddreg [dreg:$0x7];
	[sflag:s28] =	ssyncadd.s32 @!p0 $0xFFFF8000  }
0x68: {  	[hbm4b:s1+s26] =	stream.linear.scatter @!p0 [tilespmem:s12], [sflag:$0x3], $0x20, $0x38;
	[tilespmem:$0x10200] =	vst v63  }
0x69: {  	_ =	swait.ge @!p0 [sflag:s28], $0x20  }
0x6a: {  	[sflag:s28] =	ssyncset.done @!p0 $0x0  }
0x6b: {  	s0 =	rddreg [dreg:$0x8];
	[sflag:s28] =	ssyncadd.s32 @!p0 $0xFFFFFFE0  }
0x6c: {  	[tilespmem:s2], [sflag:$0x3] =	stream.linear.gather [hbm4b:s0+s3], $0x20, $0x38;
	[tilespmem:$0x10200] =	vst v63  }
0x6d: {  	_ =	swait.ge [sflag:s11], $0x20  }
0x6e: {  	[sflag:s11] =	ssyncset.done $0x0  }
0x6f: {  	s0 =	simm.s32 $0x8180;
	s10 =	rddreg [dreg:$0x9];
	[sflag:s11] =	ssyncadd.s32 $0xFFFFFFE0  }
0x70: {  	[tilespmem:s0], [sflag:$0x3] =	stream.linear.gather [hbm4b:s10+s3], $0x8000, $0x38;
	[tilespmem:$0x10200] =	vst v63  }
0x71: {  	_ =	swait.ge [sflag:s11], $0x8000  }
0x72: {  	[sflag:s11] =	ssyncset.done $0x0  }
0x73: {  	[sflag:s11] =	ssyncadd.s32 $0xFFFF8000  }
0x74: {  	v4 =	vld [tilespmem:$0x80];
	_ =	sdelay $0x4  }
0x75: {  	v5 =	vshll.u32 v4, $0x3  }
0x76: {  	v4 =	vand.u32 $0x7, v4;
	v5 =	vand.u32 $0xFFFFFFC0, v5  }
0x77: {  	v4 =	vor.u32 v4, v5  }
0x78: {  	v5 =	vperm.xlane v4, v1;
	_ =	sdelay $0x1  }
0x79: {  	v5 =	vadd.s32 v2, v5;
	_ =	sdelay $0x4  }
0x7a: {  	[hbm4b:s4+s3] =	stream.indirect_vreg.scatter [tilespmem:s0], [sflag:$0x2], $0x80, v5, vm0, $0xb8;
	[tilespmem:$0x10200] =	vst v63  }
0x7b: {  	s10 =	simm.s32 $0x8980;
	v4 =	vperm.xlane v4, v3  }
0x7c: {  	[hbm4b:s6+s3] =	stream.indirect_vreg.scatter [tilespmem:s10], [sflag:$0x2], $0x80, v5, vm0, $0xb8;
	[tilespmem:$0x10200] =	vst v63  }
0x7d: {  	v4 =	vadd.s32 v2, v4;
	s10 =	simm.s32 $0x9180  }
0x7e: {  	[hbm4b:s7+s3] =	stream.indirect_vreg.scatter [tilespmem:s10], [sflag:$0x2], $0x80, v5, vm0, $0xb8;
	[tilespmem:$0x10200] =	vst v63  }
0x7f: {  	s10 =	simm.s32 $0x9980  }
0x80: {  	[hbm4b:s8+s3] =	stream.indirect_vreg.scatter [tilespmem:s10], [sflag:$0x2], $0x80, v5, vm0, $0xb8;
	[tilespmem:$0x10200] =	vst v63  }
0x81: {  	s10 =	simm.s32 $0xA180  }
0x82: {  	[hbm4b:s4+s3] =	stream.indirect_vreg.scatter [tilespmem:s10], [sflag:$0x2], $0x80, v4, vm0, $0xb8;
	[tilespmem:$0x10200] =	vst v63  }
0x83: {  	s10 =	simm.s32 $0xA980  }
0x84: {  	[hbm4b:s6+s3] =	stream.indirect_vreg.scatter [tilespmem:s10], [sflag:$0x2], $0x80, v4, vm0, $0xb8;
	[tilespmem:$0x10200] =	vst v63  }
0x85: {  	s10 =	simm.s32 $0xB180  }
0x86: {  	[hbm4b:s7+s3] =	stream.indirect_vreg.scatter [tilespmem:s10], [sflag:$0x2], $0x80, v4, vm0, $0xb8;
	[tilespmem:$0x10200] =	vst v63  }
0x87: {  	s10 =	simm.s32 $0xB980  }
0x88: {  	[hbm4b:s8+s3] =	stream.indirect_vreg.scatter [tilespmem:s10], [sflag:$0x2], $0x80, v4, vm0, $0xb8;
	[tilespmem:$0x10200] =	vst v63  }
0x89: {  	v4 =	vld [tilespmem:$0x90];
	_ =	sdelay $0x4  }
0x8a: {  	v5 =	vshll.u32 v4, $0x3  }
0x8b: {  	v4 =	vand.u32 $0x7, v4;
	v5 =	vand.u32 $0xFFFFFFC0, v5  }
0x8c: {  	v4 =	vor.u32 v4, v5  }
0x8d: {  	v5 =	vperm.xlane v4, v1;
	_ =	sdelay $0x1  }
0x8e: {  	v5 =	vadd.s32 v2, v5;
	_ =	sdelay $0x3  }
0x8f: {  	s10 =	simm.s32 $0xC180  }
0x90: {  	[hbm4b:s4+s3] =	stream.indirect_vreg.scatter [tilespmem:s10], [sflag:$0x2], $0x80, v5, vm0, $0xb8;
	[tilespmem:$0x10200] =	vst v63  }
0x91: {  	v4 =	vperm.xlane v4, v3;
	s10 =	simm.s32 $0xC980  }
0x92: {  	[hbm4b:s6+s3] =	stream.indirect_vreg.scatter [tilespmem:s10], [sflag:$0x2], $0x80, v5, vm0, $0xb8;
	[tilespmem:$0x10200] =	vst v63  }
0x93: {  	v4 =	vadd.s32 v2, v4;
	s10 =	simm.s32 $0xD180  }
0x94: {  	[hbm4b:s7+s3] =	stream.indirect_vreg.scatter [tilespmem:s10], [sflag:$0x2], $0x80, v5, vm0, $0xb8;
	[tilespmem:$0x10200] =	vst v63  }
0x95: {  	s10 =	simm.s32 $0xD980  }
0x96: {  	[hbm4b:s8+s3] =	stream.indirect_vreg.scatter [tilespmem:s10], [sflag:$0x2], $0x80, v5, vm0, $0xb8;
	[tilespmem:$0x10200] =	vst v63  }
0x97: {  	s10 =	simm.s32 $0xE180  }
0x98: {  	[hbm4b:s4+s3] =	stream.indirect_vreg.scatter [tilespmem:s10], [sflag:$0x2], $0x80, v4, vm0, $0xb8;
	[tilespmem:$0x10200] =	vst v63  }
0x99: {  	s10 =	simm.s32 $0xE980  }
0x9a: {  	[hbm4b:s6+s3] =	stream.indirect_vreg.scatter [tilespmem:s10], [sflag:$0x2], $0x80, v4, vm0, $0xb8;
	[tilespmem:$0x10200] =	vst v63  }
0x9b: {  	s10 =	simm.s32 $0xF180  }
0x9c: {  	[hbm4b:s7+s3] =	stream.indirect_vreg.scatter [tilespmem:s10], [sflag:$0x2], $0x80, v4, vm0, $0xb8;
	[tilespmem:$0x10200] =	vst v63  }
0x9d: {  	s10 =	simm.s32 $0xF980  }
0x9e: {  	[hbm4b:s8+s3] =	stream.indirect_vreg.scatter [tilespmem:s10], [sflag:$0x2], $0x80, v4, vm0, $0xb8;
	[tilespmem:$0x10200] =	vst v63  }
0x9f: {  	s1 =	rddreg [dreg:$0x14]  }
0xa0: {  	[hbm4b:s14+s15] =	stream.indirect.scatter [tilespmem:s1], [sflag:$0x2], $0x1, s2, s15, $0xb8;
	[tilespmem:$0x10200] =	vst v63  }
0xa1: {  	s10 =	rddreg [dreg:$0xa];
	s1 =	simm.s32 @!p0 $0x8180  }
0xa2: {  	[hbm4b:s10+s26] =	stream.linear.scatter @!p0 [tilespmem:s1], [sflag:$0x3], $0x8000, $0x38;
	[tilespmem:$0x10200] =	vst v63  }
0xa3: {  	_ =	swait.ge @!p0 [sflag:s28], $0x8000  }
0xa4: {  	[sflag:s28] =	ssyncset.done @!p0 $0x0  }
0xa5: {  	s10 =	rddreg [dreg:$0xb];
	[sflag:s28] =	ssyncadd.s32 @!p0 $0xFFFF8000  }
0xa6: {  	[hbm4b:s10+s26] =	stream.linear.scatter @!p0 [tilespmem:s12], [sflag:$0x3], $0x20, $0x38;
	[tilespmem:$0x10200] =	vst v63  }
0xa7: {  	_ =	swait.ge @!p0 [sflag:s28], $0x20  }
0xa8: {  	[sflag:s28] =	ssyncset.done @!p0 $0x0  }
0xa9: {  	[sflag:s28] =	ssyncadd.s32 @!p0 $0xFFFFFFE0  }
0xaa: {  	_ =	swait.ge [sflag:s24], $0x8000  }
0xab: {  	[sflag:s24] =	ssyncset.done $0x0  }
0xac: {  	[sflag:s24] =	ssyncadd.s32 $0xFFFF8000  }
0xad: {  	_ =	swait.ge [sflag:s24], $0x20  }
0xae: {  	[sflag:s24] =	ssyncset.done $0x0  }
0xaf: {  	s10 =	rddreg [dreg:$0xc];
	[sflag:s24] =	ssyncadd.s32 $0xFFFFFFE0  }
0xb0: {  	[tilespmem:s3], [sflag:$0x3] =	stream.linear.gather [hbm4b:s10+s3], $0x20, $0x38;
	[tilespmem:$0x10200] =	vst v63  }
0xb1: {  	_ =	swait.ge [sflag:s11], $0x20  }
0xb2: {  	[sflag:s11] =	ssyncset.done $0x0  }
0xb3: {  	s10 =	rddreg [dreg:$0xd];
	[sflag:s11] =	ssyncadd.s32 $0xFFFFFFE0  }
0xb4: {  	[tilespmem:s29], [sflag:$0x3] =	stream.linear.gather [hbm4b:s10+s3], $0x8000, $0x38;
	[tilespmem:$0x10200] =	vst v63  }
0xb5: {  	_ =	swait.ge [sflag:s11], $0x8000  }
0xb6: {  	[sflag:s11] =	ssyncset.done $0x0  }
0xb7: {  	[sflag:s11] =	ssyncadd.s32 $0xFFFF8000  }
0xb8: {  	v4 =	vld [tilespmem:$0x0];
	_ =	sdelay $0x4  }
0xb9: {  	v5 =	vshll.u32 v4, $0x3  }
0xba: {  	v4 =	vand.u32 $0x7, v4;
	v5 =	vand.u32 $0xFFFFFFC0, v5  }
0xbb: {  	v4 =	vor.u32 v4, v5  }
0xbc: {  	v5 =	vperm.xlane v4, v1;
	_ =	sdelay $0x1  }
0xbd: {  	v5 =	vadd.s32 v2, v5;
	_ =	sdelay $0x4  }
0xbe: {  	[hbm4b:s4+s3] =	stream.indirect_vreg.scatter [tilespmem:s29], [sflag:$0x1], $0x80, v5, vm0, $0xb8;
	[tilespmem:$0x10200] =	vst v63  }
0xbf: {  	v4 =	vperm.xlane v4, v3  }
0xc0: {  	[hbm4b:s6+s3] =	stream.indirect_vreg.scatter [tilespmem:s13], [sflag:$0x1], $0x80, v5, vm0, $0xb8;
	[tilespmem:$0x10200] =	vst v63  }
0xc1: {  	v4 =	vadd.s32 v2, v4;
	s13 =	simm.s32 $0x1180  }
0xc2: {  	[hbm4b:s7+s3] =	stream.indirect_vreg.scatter [tilespmem:s13], [sflag:$0x1], $0x80, v5, vm0, $0xb8;
	[tilespmem:$0x10200] =	vst v63  }
0xc3: {  	s13 =	simm.s32 $0x1980  }
0xc4: {  	[hbm4b:s8+s3] =	stream.indirect_vreg.scatter [tilespmem:s13], [sflag:$0x1], $0x80, v5, vm0, $0xb8;
	[tilespmem:$0x10200] =	vst v63  }
0xc5: {  	_ = 	snop  }
0xc6: {  	[hbm4b:s4+s3] =	stream.indirect_vreg.scatter [tilespmem:s16], [sflag:$0x1], $0x80, v4, vm0, $0xb8;
	[tilespmem:$0x10200] =	vst v63  }
0xc7: {  	_ = 	snop  }
0xc8: {  	[hbm4b:s6+s3] =	stream.indirect_vreg.scatter [tilespmem:s17], [sflag:$0x1], $0x80, v4, vm0, $0xb8;
	[tilespmem:$0x10200] =	vst v63  }
0xc9: {  	_ = 	snop  }
0xca: {  	[hbm4b:s7+s3] =	stream.indirect_vreg.scatter [tilespmem:s18], [sflag:$0x1], $0x80, v4, vm0, $0xb8;
	[tilespmem:$0x10200] =	vst v63  }
0xcb: {  	_ = 	snop  }
0xcc: {  	[hbm4b:s8+s3] =	stream.indirect_vreg.scatter [tilespmem:s19], [sflag:$0x1], $0x80, v4, vm0, $0xb8;
	[tilespmem:$0x10200] =	vst v63  }
0xcd: {  	v4 =	vld [tilespmem:$0x10];
	_ =	sdelay $0x4  }
0xce: {  	v5 =	vshll.u32 v4, $0x3  }
0xcf: {  	v4 =	vand.u32 $0x7, v4;
	v5 =	vand.u32 $0xFFFFFFC0, v5  }
0xd0: {  	v4 =	vor.u32 v4, v5  }
0xd1: {  	v5 =	vperm.xlane v4, v1;
	_ =	sdelay $0x1  }
0xd2: {  	v5 =	vadd.s32 v2, v5;
	_ =	sdelay $0x4  }
0xd3: {  	[hbm4b:s4+s3] =	stream.indirect_vreg.scatter [tilespmem:s20], [sflag:$0x1], $0x80, v5, vm0, $0xb8;
	[tilespmem:$0x10200] =	vst v63  }
0xd4: {  	v4 =	vperm.xlane v4, v3  }
0xd5: {  	[hbm4b:s6+s3] =	stream.indirect_vreg.scatter [tilespmem:s21], [sflag:$0x1], $0x80, v5, vm0, $0xb8;
	[tilespmem:$0x10200] =	vst v63  }
0xd6: {  	v4 =	vadd.s32 v2, v4  }
0xd7: {  	[hbm4b:s7+s3] =	stream.indirect_vreg.scatter [tilespmem:s22], [sflag:$0x1], $0x80, v5, vm0, $0xb8;
	[tilespmem:$0x10200] =	vst v63  }
0xd8: {  	_ = 	snop  }
0xd9: {  	[hbm4b:s8+s3] =	stream.indirect_vreg.scatter [tilespmem:s23], [sflag:$0x1], $0x80, v5, vm0, $0xb8;
	[tilespmem:$0x10200] =	vst v63  }
0xda: {  	s13 =	simm.s32 $0x6180  }
0xdb: {  	[hbm4b:s4+s3] =	stream.indirect_vreg.scatter [tilespmem:s13], [sflag:$0x1], $0x80, v4, vm0, $0xb8;
	[tilespmem:$0x10200] =	vst v63  }
0xdc: {  	_ = 	snop  }
0xdd: {  	[hbm4b:s6+s3] =	stream.indirect_vreg.scatter [tilespmem:s30], [sflag:$0x1], $0x80, v4, vm0, $0xb8;
	[tilespmem:$0x10200] =	vst v63  }
0xde: {  	_ = 	snop  }
0xdf: {  	[hbm4b:s7+s3] =	stream.indirect_vreg.scatter [tilespmem:s31], [sflag:$0x1], $0x80, v4, vm0, $0xb8;
	[tilespmem:$0x10200] =	vst v63  }
0xe0: {  	s13 =	simm.s32 $0x7980  }
0xe1: {  	[hbm4b:s8+s3] =	stream.indirect_vreg.scatter [tilespmem:s13], [sflag:$0x1], $0x80, v4, vm0, $0xb8;
	[tilespmem:$0x10200] =	vst v63  }
0xe2: {  	s10 =	rddreg [dreg:$0x15]  }
0xe3: {  	[hbm4b:s14+s15] =	stream.indirect.scatter [tilespmem:s10], [sflag:$0x1], $0x1, s3, s15, $0xb8;
	[tilespmem:$0x10200] =	vst v63  }
0xe4: {  	s13 =	rddreg [dreg:$0xe]  }
0xe5: {  	[hbm4b:s13+s26] =	stream.linear.scatter @!p0 [tilespmem:s5], [sflag:$0x3], $0x8000, $0x38;
	[tilespmem:$0x10200] =	vst v63  }
0xe6: {  	_ =	swait.ge @!p0 [sflag:s28], $0x8000  }
0xe7: {  	[sflag:s28] =	ssyncset.done @!p0 $0x0  }
0xe8: {  	s5 =	rddreg [dreg:$0xf];
	[sflag:s28] =	ssyncadd.s32 @!p0 $0xFFFF8000  }
0xe9: {  	[hbm4b:s5+s26] =	stream.linear.scatter @!p0 [tilespmem:s12], [sflag:$0x3], $0x20, $0x38;
	[tilespmem:$0x10200] =	vst v63  }
0xea: {  	_ =	swait.ge @!p0 [sflag:s28], $0x20  }
0xeb: {  	[sflag:s28] =	ssyncset.done @!p0 $0x0  }
0xec: {  	[sflag:s28] =	ssyncadd.s32 @!p0 $0xFFFFFFE0  }
0xed: {  	_ =	swait.ge [sflag:s25], $0x8000  }
0xee: {  	[sflag:s25] =	ssyncset.done $0x0  }
0xef: {  	[sflag:s25] =	ssyncadd.s32 $0xFFFF8000  }
0xf0: {  	_ =	swait.ge [sflag:s25], $0x20  }
0xf1: {  	[sflag:s25] =	ssyncset.done $0x0  }
0xf2: {  	s10 =	rddreg [dreg:$0x10];
	[sflag:s25] =	ssyncadd.s32 $0xFFFFFFE0  }
0xf3: {  	[tilespmem:s2], [sflag:$0x3] =	stream.linear.gather [hbm4b:s10+s3], $0x20, $0x38;
	[tilespmem:$0x10200] =	vst v63  }
0xf4: {  	_ =	swait.ge [sflag:s11], $0x20  }
0xf5: {  	[sflag:s11] =	ssyncset.done $0x0  }
0xf6: {  	s13 =	rddreg [dreg:$0x11];
	[sflag:s11] =	ssyncadd.s32 $0xFFFFFFE0  }
0xf7: {  	[tilespmem:s0], [sflag:$0x3] =	stream.linear.gather [hbm4b:s13+s3], $0x8000, $0x38;
	[tilespmem:$0x10200] =	vst v63  }
0xf8: {  	_ =	swait.ge [sflag:s11], $0x8000  }
0xf9: {  	[sflag:s11] =	ssyncset.done $0x0  }
0xfa: {  	[sflag:s11] =	ssyncadd.s32 $0xFFFF8000  }
0xfb: {  	v4 =	vld [tilespmem:$0x80];
	_ =	sdelay $0x4  }
0xfc: {  	v5 =	vshll.u32 v4, $0x3  }
0xfd: {  	v4 =	vand.u32 $0x7, v4;
	v5 =	vand.u32 $0xFFFFFFC0, v5  }
0xfe: {  	v4 =	vor.u32 v4, v5  }
0xff: {  	v5 =	vperm.xlane v4, v1;
	_ =	sdelay $0x1  }
0x100: {  	v5 =	vadd.s32 v2, v5;
	_ =	sdelay $0x4  }
0x101: {  	[hbm4b:s4+s3] =	stream.indirect_vreg.scatter [tilespmem:s0], [sflag:$0x2], $0x80, v5, vm0, $0xb8;
	[tilespmem:$0x10200] =	vst v63  }
0x102: {  	s5 =	simm.s32 $0x8980;
	v4 =	vperm.xlane v4, v3  }
0x103: {  	[hbm4b:s6+s3] =	stream.indirect_vreg.scatter [tilespmem:s5], [sflag:$0x2], $0x80, v5, vm0, $0xb8;
	[tilespmem:$0x10200] =	vst v63  }
0x104: {  	s10 =	simm.s32 $0x9180;
	v4 =	vadd.s32 v2, v4  }
0x105: {  	[hbm4b:s7+s3] =	stream.indirect_vreg.scatter [tilespmem:s10], [sflag:$0x2], $0x80, v5, vm0, $0xb8;
	[tilespmem:$0x10200] =	vst v63  }
0x106: {  	s13 =	simm.s32 $0x9980  }
0x107: {  	[hbm4b:s8+s3] =	stream.indirect_vreg.scatter [tilespmem:s13], [sflag:$0x2], $0x80, v5, vm0, $0xb8;
	[tilespmem:$0x10200] =	vst v63  }
0x108: {  	s5 =	simm.s32 $0xA180  }
0x109: {  	[hbm4b:s4+s3] =	stream.indirect_vreg.scatter [tilespmem:s5], [sflag:$0x2], $0x80, v4, vm0, $0xb8;
	[tilespmem:$0x10200] =	vst v63  }
0x10a: {  	s10 =	simm.s32 $0xA980  }
0x10b: {  	[hbm4b:s6+s3] =	stream.indirect_vreg.scatter [tilespmem:s10], [sflag:$0x2], $0x80, v4, vm0, $0xb8;
	[tilespmem:$0x10200] =	vst v63  }
0x10c: {  	s13 =	simm.s32 $0xB180  }
0x10d: {  	[hbm4b:s7+s3] =	stream.indirect_vreg.scatter [tilespmem:s13], [sflag:$0x2], $0x80, v4, vm0, $0xb8;
	[tilespmem:$0x10200] =	vst v63  }
0x10e: {  	s5 =	simm.s32 $0xB980  }
0x10f: {  	[hbm4b:s8+s3] =	stream.indirect_vreg.scatter [tilespmem:s5], [sflag:$0x2], $0x80, v4, vm0, $0xb8;
	[tilespmem:$0x10200] =	vst v63  }
0x110: {  	v4 =	vld [tilespmem:$0x90];
	_ =	sdelay $0x4  }
0x111: {  	v5 =	vshll.u32 v4, $0x3  }
0x112: {  	v4 =	vand.u32 $0x7, v4;
	v5 =	vand.u32 $0xFFFFFFC0, v5  }
0x113: {  	v4 =	vor.u32 v4, v5  }
0x114: {  	v5 =	vperm.xlane v4, v1;
	_ =	sdelay $0x1  }
0x115: {  	v5 =	vadd.s32 v2, v5;
	_ =	sdelay $0x3  }
0x116: {  	s10 =	simm.s32 $0xC180  }
0x117: {  	[hbm4b:s4+s3] =	stream.indirect_vreg.scatter [tilespmem:s10], [sflag:$0x2], $0x80, v5, vm0, $0xb8;
	[tilespmem:$0x10200] =	vst v63  }
0x118: {  	s13 =	simm.s32 $0xC980;
	v4 =	vperm.xlane v4, v3  }
0x119: {  	[hbm4b:s6+s3] =	stream.indirect_vreg.scatter [tilespmem:s13], [sflag:$0x2], $0x80, v5, vm0, $0xb8;
	[tilespmem:$0x10200] =	vst v63  }
0x11a: {  	s5 =	simm.s32 $0xD180;
	v4 =	vadd.s32 v2, v4  }
0x11b: {  	[hbm4b:s7+s3] =	stream.indirect_vreg.scatter [tilespmem:s5], [sflag:$0x2], $0x80, v5, vm0, $0xb8;
	[tilespmem:$0x10200] =	vst v63  }
0x11c: {  	s10 =	simm.s32 $0xD980  }
0x11d: {  	[hbm4b:s8+s3] =	stream.indirect_vreg.scatter [tilespmem:s10], [sflag:$0x2], $0x80, v5, vm0, $0xb8;
	[tilespmem:$0x10200] =	vst v63  }
0x11e: {  	s13 =	simm.s32 $0xE180  }
0x11f: {  	[hbm4b:s4+s3] =	stream.indirect_vreg.scatter [tilespmem:s13], [sflag:$0x2], $0x80, v4, vm0, $0xb8;
	[tilespmem:$0x10200] =	vst v63  }
0x120: {  	s5 =	simm.s32 $0xE980  }
0x121: {  	[hbm4b:s6+s3] =	stream.indirect_vreg.scatter [tilespmem:s5], [sflag:$0x2], $0x80, v4, vm0, $0xb8;
	[tilespmem:$0x10200] =	vst v63  }
0x122: {  	s10 =	simm.s32 $0xF180  }
0x123: {  	[hbm4b:s7+s3] =	stream.indirect_vreg.scatter [tilespmem:s10], [sflag:$0x2], $0x80, v4, vm0, $0xb8;
	[tilespmem:$0x10200] =	vst v63  }
0x124: {  	s13 =	simm.s32 $0xF980  }
0x125: {  	[hbm4b:s8+s3] =	stream.indirect_vreg.scatter [tilespmem:s13], [sflag:$0x2], $0x80, v4, vm0, $0xb8;
	[tilespmem:$0x10200] =	vst v63  }
0x126: {  	s5 =	rddreg [dreg:$0x16]  }
0x127: {  	[hbm4b:s14+s15] =	stream.indirect.scatter [tilespmem:s5], [sflag:$0x2], $0x1, s2, s15, $0xb8;
	[tilespmem:$0x10200] =	vst v63  }
0x128: {  	s10 =	rddreg [dreg:$0x12]  }
0x129: {  	[hbm4b:s10+s26] =	stream.linear.scatter @!p0 [tilespmem:s1], [sflag:$0x3], $0x8000, $0x38;
	[tilespmem:$0x10200] =	vst v63  }
0x12a: {  	_ =	swait.ge @!p0 [sflag:s28], $0x8000  }
0x12b: {  	[sflag:s28] =	ssyncset.done @!p0 $0x0  }
0x12c: {  	s1 =	rddreg [dreg:$0x13];
	[sflag:s28] =	ssyncadd.s32 @!p0 $0xFFFF8000  }
0x12d: {  	[hbm4b:s1+s26] =	stream.linear.scatter @!p0 [tilespmem:s12], [sflag:$0x3], $0x20, $0x38;
	[tilespmem:$0x10200] =	vst v63  }
0x12e: {  	_ =	swait.ge @!p0 [sflag:s28], $0x20  }
0x12f: {  	[sflag:s28] =	ssyncset.done @!p0 $0x0  }
0x130: {  	[sflag:s28] =	ssyncadd.s32 @!p0 $0xFFFFFFE0  }
0x131: {  	_ =	swait.ge [sflag:s24], $0x8000  }
0x132: {  	[sflag:s24] =	ssyncset.done $0x0  }
0x133: {  	[sflag:s24] =	ssyncadd.s32 $0xFFFF8000  }
0x134: {  	_ =	swait.ge [sflag:s24], $0x20  }
0x135: {  	[sflag:s24] =	ssyncset.done $0x0  }
0x136: {  	s9 =	sadd.s32 $0xFFFFFFFF, s9;
	[sflag:s24] =	ssyncadd.s32 $0xFFFFFFE0  }
0x137: {  	p1 =	sne.s32 s9, $0x0;
	_ =	swait.ge [sflag:s25], $0x8000  }
.Ltmp0:
0x138: {  	[sflag:s25] =	ssyncset.done $0x0;
	(pc) =	sbr.rel @p1 .LBB2_1-.Ltmp0, $4  }
0x139: {  	[sflag:s25] =	ssyncadd.s32 $0xFFFF8000  }
0x13a: {  	_ =	swait.ge [sflag:s25], $0x20  }
0x13b: {  	[sflag:s25] =	ssyncset.done $0x0  }
0x13c: {  	[sflag:s25] =	ssyncadd.s32 $0xFFFFFFE0  }
0x13d: {  	_ =	sfence.sel $0x180000  }
0x13e: {  	[bflag:$0x0] =	sbarrier.arrive $0xFFFF  }
0x13f: {  	_ =	strace $0x90000047  }
0x140: {  	s0 =	stileid.u32;
	[bflag:$0x2] =	sbarrier.arrive $0xFFFF  }
0x141: {  	p0 =	sne.s32 s0, $0x0;
	s0 =	rddreg [dreg:$0x3]  }
0x142: {  	s0 =	sadd.s32 @!p0 $0x100000, s0  }
0x143: {  	[sflag:s0] =	ssyncadd.tile.s32 @!p0 $0x1;
	_ =	shalt  }
.Lfunc_end2:
_tile_overlayer_lowered:
.L_overlay_start_2:
0x144: {  	(tag) =	ssettag $0x2  }
0x145: {  	s0 =	rddreg [dreg:$0x0];
	s2 =	stileid.u32  }
0x146: {  	s1 =	rddreg [dreg:$0x1];
	p0 =	sne.s32 s2, $0x0  }
0x147: {  	s3 =	rddreg [dreg:$0x2];
	[bflag:$0x3] =	sbarrier.arrive $0xFFFF;
	s2 =	simm.s32 @!p0 $0x1C03  }
0x148: {  	[timem:s3], [sflag:s2] =	dma.local @!p0 [hbm:s0], s1  }
0x149: {  	s0 =	simm.s32 @!p0 $0x3  }
0x14a: {  	_ =	swait.ge @!p0 [sflag:s0], s1  }
0x14b: {  	s1 =	ssub.s32 @!p0 $0x0, s1;
	[sflag:s0] =	ssyncset.done @!p0 $0x0  }
0x14c: {  	[sflag:s0] =	ssyncadd.s32 @!p0 s1  }
0x14d: {  	[bflag:$0x3] =	sbarrier.arrive $0xFFFF  }
0x14e: {  	_ =	shalt  }

// kernel: kernel.9.cloned.1.call-start
scs
__scs_entry_jumppad:
0x0: {  	(pc) =	sbr.rel $0x88, $3  }
0x1: {  	(tag) =	ssettag $0x0;
	lr =	simm.s32 $0x1  }
0x2: {  	[smem:$0x3F99] =	sst lr;
	_ =	strace $0xD0000000  }
0x3: {  	_ = 	snop  }
0x4: {  	_ = 	snop  }
0x5: {  	_ = 	snop  }
0x6: {  	_ = 	snop  }
0x7: {  	_ = 	snop  }
__scs_overlays_trampoline_lowered:
0x8: {  	[smem:$0x3FA8] =	sst s0  }
0x9: {  	[smem:$0x3FA9] =	sst s1  }
0xa: {  	[smem:$0x3FAA] =	sst s2  }
0xb: {  	[smem:$0x3FAB] =	sst s3  }
0xc: {  	[smem:$0x3FAC] =	sst s4  }
0xd: {  	[smem:$0x3FAD] =	sst s5  }
0xe: {  	[smem:$0x3FAE] =	sst s6  }
0xf: {  	[smem:$0x3FAF] =	sst s7  }
0x10: {  	[smem:$0x3FB0] =	sst s8  }
0x11: {  	[smem:$0x3FB1] =	sst s9;
	s0 =	simm.s32 @!p0 $0x0  }
0x12: {  	s1 =	sld [smem:$0x3F97];
	s0 =	simm.s32 @p0 $0x1  }
0x13: {  	[smem:$0x3FB2] =	sst s0;
	s0 =	simm.s32 @!p1 $0x0  }
0x14: {  	s2 =	sld [smem:$0x3F96];
	s0 =	simm.s32 @p1 $0x1  }
0x15: {  	[smem:$0x3FB3] =	sst s0;
	s0 =	simm.s32 @!p2 $0x0  }
0x16: {  	s3 =	sld [smem:$0x3FDB];
	s0 =	simm.s32 @p2 $0x1  }
0x17: {  	s4 =	simm.s32 $0x1BF5;
	[smem:$0x3FB5] =	sst s0  }
0x18: {  	s0 =	sld [smem:$0x3F98];
	_ =	swait.ge [sflag:s4], $0x0  }
0x19: {  	s7 =	sld [smem:$0x3F99]  }
0x1a: {  	s8 =	sadd.s32 $0xFFFFE003, lr  }
0x1b: {  	s9 =	sadd.s32 $0xFFFFFEF7, lr;
	s5 =	simm.s32 $0xFFFFFFFF;
	p2 =	slt.u32 s8, $0xFFFFF086  }
0x1c: {  	p1 =	slt.u32 s9, $0xF7A;
	s5 =	simm.s32 @!p2 $0x0  }
0x1d: {  	s5 =	simm.s32 @p1 $0x1;
	p0 =	seq.s32 s7, s2  }
0x1e: {  	s7 =	smul.u32 @!p0 $0xF7A, s2;
	p2 =	seq.s32 @!p0 s5, $0x0  }
0x1f: {  	s9 =	smul.u32 $0xF7A, s1;
	s8 =	simm.s32 @!p0 $0x1BF5;
	p2 =	por !p2, p0  }
0x20: {  	[sflag:s8] =	ssyncset.s32 @!p0 $0xFFFFF086;
	s6 =	sadd.s32 @!p0 s3, s7;
	s7 =	simm.s32 @!p0 $0x108  }
0x21: {  	s3 =	sadd.s32 s3, s9;
	s6 =	sadd.s32 @!p0 $0x88, s6;
	s7 =	simm.s32 @p2 $0x1082  }
0x22: {  	[simem:s7], [sflag:s8] =	dma.local @!p0 [hbm:s6], $0xF7A  }
0x23: {  	s9 =	sor.u32 $0xD0000000, s2;
	s6 =	simm.s32 $0x108;
	_ =	swait.ge @!p0 [sflag:s8], $0x0  }
0x24: {  	s3 =	sadd.s32 $0x88, s3;
	s6 =	simm.s32 @!p1 $0x1082;
	[sflag:s4] =	ssyncset.s32 $0xFFFFF086  }
0x25: {  	[simem:s6], [sflag:s4] =	dma.local [hbm:s3], $0xF7A  }
0x26: {  	[smem:$0x3F99] =	sst s1;
	(tag) =	ssettag s2;
	_ =	strace s9  }
0x27: {  	s1 =	sld [smem:$0x3FA9]  }
0x28: {  	s2 =	sld [smem:$0x3FAA]  }
0x29: {  	s4 =	sld [smem:$0x3FAC]  }
0x2a: {  	p0 =	seq.s32 s5, $0x0;
	s5 =	sld [smem:$0x3FAD]  }
0x2b: {  	s6 =	sld [smem:$0x3FAE]  }
0x2c: {  	s7 =	sld [smem:$0x3FAF]  }
0x2d: {  	s3 =	simm.s32 $0x108;
	s8 =	sld [smem:$0x3FB0]  }
0x2e: {  	s3 =	simm.s32 @!p0 $0x1082;
	s9 =	sld [smem:$0x3FB1]  }
0x2f: {  	lr =	sadd.s32 s0, s3;
	s0 =	sld [smem:$0x3FA8]  }
0x30: {  	s3 =	sld [smem:$0x3FAB]  }
0x31: {  	[smem:$0x3FB4] =	sst s10  }
0x32: {  	s10 =	sld [smem:$0x3FB2];
	_ =	sdelay $0x3  }
0x33: {  	p0 =	seq.s32 s10, $0x1;
	s10 =	sld [smem:$0x3FB4];
	_ =	sdelay $0x3  }
0x34: {  	[smem:$0x3FB4] =	sst s10  }
0x35: {  	s10 =	sld [smem:$0x3FB3];
	_ =	sdelay $0x3  }
0x36: {  	p1 =	seq.s32 s10, $0x1;
	s10 =	sld [smem:$0x3FB4];
	_ =	sdelay $0x3  }
0x37: {  	[smem:$0x3FB4] =	sst s10  }
0x38: {  	s10 =	sld [smem:$0x3FB5]  }
0x39: {  	_ = 	snop;
	(pc) =	sbr.ind lr, $3  }
0x3a: {  	_ = 	snop  }
0x3b: {  	_ = 	snop  }
0x3c: {  	p2 =	seq.s32 s10, $0x1;
	s10 =	sld [smem:$0x3FB4]  }
0x3d: {  	_ =	shalt  }
0x3e: {  	_ =	shalt  }
0x3f: {  	_ =	shalt  }
0x40: {  	_ =	shalt  }
0x41: {  	_ =	shalt  }
0x42: {  	_ =	shalt  }
0x43: {  	_ =	shalt  }
0x44: {  	_ =	shalt  }
0x45: {  	_ =	shalt  }
0x46: {  	_ =	shalt  }
0x47: {  	_ =	shalt  }
0x48: {  	_ =	shalt  }
0x49: {  	_ =	shalt  }
0x4a: {  	_ =	shalt  }
0x4b: {  	_ =	shalt  }
0x4c: {  	_ =	shalt  }
0x4d: {  	_ =	shalt  }
0x4e: {  	_ =	shalt  }
0x4f: {  	_ =	shalt  }
0x50: {  	_ =	shalt  }
0x51: {  	_ =	shalt  }
0x52: {  	_ =	shalt  }
0x53: {  	_ =	shalt  }
0x54: {  	_ =	shalt  }
0x55: {  	_ =	shalt  }
0x56: {  	_ =	shalt  }
0x57: {  	_ =	shalt  }
0x58: {  	_ =	shalt  }
0x59: {  	_ =	shalt  }
0x5a: {  	_ =	shalt  }
0x5b: {  	_ =	shalt  }
0x5c: {  	_ =	shalt  }
0x5d: {  	_ =	shalt  }
0x5e: {  	_ =	shalt  }
0x5f: {  	_ =	shalt  }
0x60: {  	_ =	shalt  }
0x61: {  	_ =	shalt  }
0x62: {  	_ =	shalt  }
0x63: {  	_ =	shalt  }
0x64: {  	_ =	shalt  }
0x65: {  	_ =	shalt  }
0x66: {  	_ =	shalt  }
0x67: {  	_ =	shalt  }
0x68: {  	_ =	shalt  }
0x69: {  	_ =	shalt  }
0x6a: {  	_ =	shalt  }
0x6b: {  	_ =	shalt  }
0x6c: {  	_ =	shalt  }
0x6d: {  	_ =	shalt  }
0x6e: {  	_ =	shalt  }
0x6f: {  	_ =	shalt  }
0x70: {  	_ =	shalt  }
0x71: {  	_ =	shalt  }
0x72: {  	_ =	shalt  }
0x73: {  	_ =	shalt  }
0x74: {  	_ =	shalt  }
0x75: {  	_ =	shalt  }
0x76: {  	_ =	shalt  }
0x77: {  	_ =	shalt  }
0x78: {  	_ =	shalt  }
0x79: {  	_ =	shalt  }
0x7a: {  	_ =	shalt  }
0x7b: {  	_ =	shalt  }
0x7c: {  	_ =	shalt  }
0x7d: {  	_ =	shalt  }
0x7e: {  	_ =	shalt  }
0x7f: {  	_ =	shalt  }
0x80: {  	_ =	shalt  }
0x81: {  	_ =	shalt  }
0x82: {  	_ =	shalt  }
0x83: {  	_ =	shalt  }
0x84: {  	_ =	shalt  }
0x85: {  	_ =	shalt  }
0x86: {  	_ =	shalt  }
0x87: {  	_ =	shalt  }
.Lfunc_end0:
.L_simem_size_0:
called_computation.1_lowered:
.L_overlay_start_0:
0x88: {  	s2 =	sld [smem:$0x3FD9]  }
0x89: {  	s3 =	sld [smem:$0x3FFE];
	_ =	sdelay $0x1  }
0x8a: {  	s1 =	srdreg.scid  }
0x8b: {  	s0 =	sand.u32 $0x1, s1  }
0x8c: {  	s17 =	sshll.u32 s0, $0xA;
	s2 =	sadd.s32 s3, s2  }
0x8d: {  	s2 =	sadd.s32 s2, s17  }
0x8e: {  	[smem:$0x3FC0] =	sst s2  }
0x8f: {  	_ = 	snop  }
0x90: {  	s2 =	sld [smem:$0x3FD0];
	(tm) =	ssettm $0x1  }
0x91: {  	s18 =	sld [smem:$0x3FFB];
	_ =	sdelay $0x3  }
0x92: {  	_ =	strace s18  }
0x93: {  	s3 =	sld [smem:$0x3FFC];
	_ =	sdelay $0x3  }
0x94: {  	_ =	strace s3  }
0x95: {  	s3 =	sld [smem:$0x3FFD];
	_ =	sdelay $0x3  }
0x96: {  	_ =	strace s3  }
0x97: {  	_ =	strace $0x8FFFFFFF  }
0x98: {  	s19 =	sld [smem:$0x3FDB];
	_ =	sdelay $0x1  }
0x99: {  	s4 =	simm.s32 $_scs_section_size  }
0x9a: {  	s5 =	simm.s32 $_size__tile_overlayer_lowered;
	s6 =	simm.s32 $_tile_overlayer_lowered  }
0x9b: {  	s22 =	simm.s32 $0x1BFF;
	s21 =	sshll.u32 s6, $0x1;
	s3 =	sadd.s32 s4, s19  }
0x9c: {  	s7 =	simm.s32 $0x0;
	s20 =	sshll.u32 s5, $0x1;
	s5 =	sadd.s32 s21, s3  }
0x9d: {  	[timem:s7], [sflag:s22] =	dma.local [hbm:s5], s20  }
0x9e: {  	_ =	swait.ge [sflag:s22], s20  }
0x9f: {  	s4 =	ssub.s32 $0x0, s20;
	[sflag:s22] =	ssyncset.done $0x0  }
0xa0: {  	[sflag:s22] =	ssyncadd.s32 s4;
	_ =	sdelay $0x1  }
0xa1: {  	s23 =	simm.s32 $0x1B8B  }
0xa2: {  	_ =	swait.ge [sflag:s23], $0x1  }
0xa3: {  	[sflag:s23] =	ssyncset.done $0x0  }
0xa4: {  	s25 =	simm.s32 $0x1B8E;
	s24 =	sld [smem:$0x3FFE];
	[sflag:s23] =	ssyncadd.s32 $0xFFFFFFFF  }
0xa5: {  	s26 =	simm.s32 $execute0_lowered;
	[smem:$0x3FD2] =	sst s25  }
0xa6: {  	s5 =	sshll.u32 s26, $0x1;
	_ =	strace $0x80000049;
	[dreg:$0x1] =	wrdreg $0xFFFFFFFF  }
0xa7: {  	s28 =	simm.s32 $_size_execute0_lowered;
	s3 =	sadd.s32 s3, s5;
	[dreg:$0x0] =	wrdreg $0x0  }
0xa8: {  	s5 =	sshll.u32 s28, $0x1;
	[dreg:$0x2] =	wrdreg s3  }
0xa9: {  	[dreg:$0x3] =	wrdreg s5  }
0xaa: {  	[dreg:$0x4] =	wrdreg $0xC0  }
0xab: {  	_ =	task [dreg:s7], $0x5FFFF  }
0xac: {  	[dreg:$0x1] =	wrdreg $0xFFFFFFFF  }
0xad: {  	[dreg:$0x0] =	wrdreg $0x60  }
0xae: {  	[dreg:$0x2] =	wrdreg s24  }
0xaf: {  	[dreg:$0x3] =	wrdreg s2  }
0xb0: {  	[dreg:$0x4] =	wrdreg $0x9  }
0xb1: {  	_ =	task.clear_ibuf [dreg:s7], $0x5FFFF;
	_ =	strace $0x90000049  }
0xb2: {  	s29 =	simm.s32 $0x9;
	_ =	strace $0x8000004B  }
0xb3: {  	_ =	swait.ge [sflag:s29], $0x1  }
0xb4: {  	[sflag:s29] =	ssyncadd.s32 $0xFFFFFFFF  }
0xb5: {  	_ =	strace $0x9000004B  }
0xb6: {  	_ =	sfence  }
0xb7: {  	s30 =	sld [smem:$0x0];
	_ =	sdelay $0x2  }
0xb8: {  	s31 =	sshll.u32 s1, $0xD;
	s1 =	sshrl.u32 s1, $0x2  }
0xb9: {  	s3 =	sand.u32 $0x4000, s31;
	s1 =	sadd.s32 s1, s30  }
0xba: {  	s0 =	sor.u32 s3, s0;
	s1 =	sshll.u32 s1, $0x11  }
0xbb: {  	s0 =	sor.u32 s1, s0  }
0xbc: {  	s0 =	sadd.s32 $0x8F2B, s0  }
0xbd: {  	[sflag:s0] =	ssyncadd.remote.s32 $0x1  }
0xbe: {  	_ =	sfence.sel $0xFFFF  }
0xbf: {  	[dreg:$0x0] =	wrdreg $0xFFFFFFFF;
	(pc) =	sbr.abs _section_cstart, $3  }
0xc0: {  	[dreg:$0x1] =	wrdreg $0xFFFFFFFF  }
0xc1: {  	_ =	task.clear_ibuf [dreg:s7], $0x2FFFF;
	_ =	strace $0x9FFFFFFF  }
0xc2: {  	(tm) =	ssettm $0x7FFFFFFF  }
0xc3: {  	_ =	shalt  }
tec
execute0_lowered:
.L_overlay_start_1:
0x0: {  	(tag) =	ssettag $0x1  }
0x1: {  	s0 =	rddreg [dreg:$0x0]  }
0x2: {  	s1 =	srdreg.scid;
	s4 =	stileid.u32  }
0x3: {  	s3 =	simm.s32 $0x0;
	s13 =	simm.s32 $0x4;
	s15 =	simm.s32 $0x100  }
0x4: {  	s22 =	simm.s32 $0x7100;
	s23 =	simm.s32 $0x7900;
	s24 =	simm.s32 $0x8100  }
0x5: {  	s28 =	simm.s32 $0x9900;
	s29 =	simm.s32 $0xA100;
	s30 =	simm.s32 $0xA900  }
0x6: {  	s31 =	simm.s32 $0xB100;
	s14 =	simm.s32 $0x2;
	s7 =	simm.s32 $0x0  }
0x7: {  	s1 =	sand.u32 $0x1, s1;
	s4 =	sshll.u32 s4, $0x6;
	[smem:$0x7FF] =	sst s3  }
0x8: {  	s5 =	sadd.s32 $0xD1E00, s0;
	s8 =	sadd.s32 $0x159E00, s0;
	s9 =	sadd.s32 $0xD1F00, s0  }
0x9: {  	s10 =	sadd.s32 $0xD2000, s0;
	s2 =	sshll.u32 s1, $0xA;
	s1 =	ssub.s32 $0x2, s1  }
0xa: {  	s11 =	sadd.s32 $0xD2100, s0;
	s4 =	sor.u32 s4, s2;
	s6 =	sshrl.u32 s1, $0x1  }
0xb: {  	v0 =	vlaneseq.u32;
	_ =	strace $0x8000004A;
	s2 =	sshrl.u32 s4, $0x3;
	s1 =	ssub.s32 s1, s6  }
0xc: {  	v1 =	vand.u32 $0x7, v0;
	v63 =	vshrl.u32 v0, $0x3;
	s6 =	simm.s32 $0x3;
	s2 =	sadd.s32 s2, s0;
	s26 =	smax.u32 s1, $0x1  }
0xd: {  	v0 =	vor.u32 $0x8, v0;
	[tilespmem:$0x1FFD0] =	vst v1;
	v1 =	vmul.u32 $0x8, v63;
	s0 =	simm.s32 $0xB900;
	s25 =	sadd.s32 $0x1A00, s2;
	[dreg:$0x5] =	wrdreg s26  }
0xe: {  	[tilespmem:$0x1FFF0] =	vst v0;
	s1 =	simm.s32 $0x1;
	s2 =	sadd.s32 $0x1B00, s2;
	[dreg:$0x3] =	wrdreg s25  }
0xf: {  	vm0 =	vmmov $0xffff;
	[tilespmem:$0x1FFE0] =	vst v1;
	s26 =	simm.s32 $0x9100;
	[dreg:$0x4] =	wrdreg s2;
	s25 =	simm.s32 $0x8900  }
.LBB2_1:
0x10: {  	[dreg:$0x6] =	wrdreg s7  }
0x11: {  	s2 =	rddreg [dreg:$0x3]  }
0x12: {  	[tilespmem:s3], [sflag:$0x4] =	stream.linear.gather [hbm4b:s2+s3], $0x40, $0x38;
	[tilespmem:$0xC100] =	vst v63  }
0x13: {  	_ =	swait.ge [sflag:s13], $0x40  }
0x14: {  	[sflag:s13] =	ssyncset.done $0x0  }
0x15: {  	s21 =	simm.s32 $0x80;
	s20 =	rddreg [dreg:$0x4];
	[sflag:s13] =	ssyncadd.s32 $0xFFFFFFC0  }
0x16: {  	[tilespmem:s21], [sflag:$0x4] =	stream.linear.gather [hbm4b:s20+s3], $0x40, $0x38;
	[tilespmem:$0xC100] =	vst v63  }
0x17: {  	_ =	swait.ge [sflag:s13], $0x40  }
0x18: {  	[sflag:s13] =	ssyncset.done $0x0  }
0x19: {  	s12 =	simm.s32 $0x0;
	[sflag:s13] =	ssyncadd.s32 $0xFFFFFFC0  }
.LBB2_2:
0x1a: {  	s2 =	sshll.u32 s12, $0x4  }
0x1b: {  	v0 =	vld [tilespmem:s2+$0x0];
	_ =	sdelay $0x2  }
0x1c: {  	v3 =	vld [tilespmem:$0x1FFD0];
	_ =	sdelay $0x1  }
0x1d: {  	v4 =	vld [tilespmem:$0x1FFE0];
	v1 =	vshll.u32 v0, $0x3  }
0x1e: {  	v0 =	vand.u32 $0x7, v0;
	v1 =	vand.u32 $0xFFFFFFC0, v1  }
0x1f: {  	v0 =	vor.u32 v0, v1  }
0x20: {  	v1 =	vperm.xlane v0, v3;
	_ =	sdelay $0x1  }
0x21: {  	s7 =	sor.u32 s4, s2;
	v1 =	vadd.s32 v4, v1  }
0x22: {  	v5 =	vld [tilespmem:$0x1FFF0];
	s7 =	sshll.u32 s7, $0x7  }
0x23: {  	v2 =	vld [tilespmem:s2+$0x80];
	s2 =	simm.s32 $0x0;
	s16 =	sadd.s32 s7, s8  }
0x24: {  	[tilespmem:s15], [sflag:$0x1] =	stream.linear.gather [hbm4b:s16+s2], $0x4000, $0x38;
	[tilespmem:$0xC100] =	vst v63  }
0x25: {  	s21 =	simm.s32 $0x4100  }
0x26: {  	[tilespmem:s21], [sflag:$0x2] =	stream.indirect_vreg.gather [hbm4b:s5+s2], $0x80, v1, vm0, $0xb8;
	[tilespmem:$0xC100] =	vst v63  }
0x27: {  	s17 =	simm.s32 $0x4900;
	v0 =	vperm.xlane v0, v5  }
0x28: {  	[tilespmem:s17], [sflag:$0x2] =	stream.indirect_vreg.gather [hbm4b:s9+s2], $0x80, v1, vm0, $0xb8;
	[tilespmem:$0xC100] =	vst v63  }
0x29: {  	s18 =	simm.s32 $0x5100;
	v0 =	vadd.s32 v4, v0  }
0x2a: {  	[tilespmem:s18], [sflag:$0x2] =	stream.indirect_vreg.gather [hbm4b:s10+s2], $0x80, v1, vm0, $0xb8;
	[tilespmem:$0xC100] =	vst v63  }
0x2b: {  	s19 =	simm.s32 $0x5900  }
0x2c: {  	v62 =	vshll.u32 v2, $0x3;
	[tilespmem:s19], [sflag:$0x2] =	stream.indirect_vreg.gather [hbm4b:s11+s2], $0x80, v1, vm0, $0xb8;
	[tilespmem:$0xC100] =	vst v63  }
0x2d: {  	s20 =	simm.s32 $0x6100;
	v2 =	vand.u32 $0x7, v2;
	v1 =	vand.u32 $0xFFFFFFC0, v62  }
0x2e: {  	v1 =	vor.u32 v2, v1;
	[tilespmem:s20], [sflag:$0x2] =	stream.indirect_vreg.gather [hbm4b:s5+s2], $0x80, v0, vm0, $0xb8;
	[tilespmem:$0xC100] =	vst v63  }
0x2f: {  	s21 =	simm.s32 $0x6900;
	v2 =	vperm.xlane v1, v3  }
0x30: {  	[tilespmem:s21], [sflag:$0x2] =	stream.indirect_vreg.gather [hbm4b:s9+s2], $0x80, v0, vm0, $0xb8;
	[tilespmem:$0xC100] =	vst v63  }
0x31: {  	v2 =	vadd.s32 v4, v2  }
0x32: {  	[tilespmem:s22], [sflag:$0x2] =	stream.indirect_vreg.gather [hbm4b:s10+s2], $0x80, v0, vm0, $0xb8;
	[tilespmem:$0xC100] =	vst v63  }
0x33: {  	_ = 	snop  }
0x34: {  	[tilespmem:s23], [sflag:$0x2] =	stream.indirect_vreg.gather [hbm4b:s11+s2], $0x80, v0, vm0, $0xb8;
	[tilespmem:$0xC100] =	vst v63  }
0x35: {  	_ = 	snop  }
0x36: {  	[tilespmem:s24], [sflag:$0x3] =	stream.indirect_vreg.gather [hbm4b:s5+s2], $0x80, v2, vm0, $0xb8;
	[tilespmem:$0xC100] =	vst v63  }
0x37: {  	v63 =	vperm.xlane v1, v5  }
0x38: {  	[tilespmem:s25], [sflag:$0x3] =	stream.indirect_vreg.gather [hbm4b:s9+s2], $0x80, v2, vm0, $0xb8;
	[tilespmem:$0xC100] =	vst v63  }
0x39: {  	v0 =	vadd.s32 v4, v63  }
0x3a: {  	[tilespmem:s26], [sflag:$0x3] =	stream.indirect_vreg.gather [hbm4b:s10+s2], $0x80, v2, vm0, $0xb8;
	[tilespmem:$0xC100] =	vst v63  }
0x3b: {  	_ = 	snop  }
0x3c: {  	[tilespmem:s28], [sflag:$0x3] =	stream.indirect_vreg.gather [hbm4b:s11+s2], $0x80, v2, vm0, $0xb8;
	[tilespmem:$0xC100] =	vst v63  }
0x3d: {  	_ = 	snop  }
0x3e: {  	[tilespmem:s29], [sflag:$0x3] =	stream.indirect_vreg.gather [hbm4b:s5+s2], $0x80, v0, vm0, $0xb8;
	[tilespmem:$0xC100] =	vst v63  }
0x3f: {  	_ = 	snop  }
0x40: {  	[tilespmem:s30], [sflag:$0x3] =	stream.indirect_vreg.gather [hbm4b:s9+s2], $0x80, v0, vm0, $0xb8;
	[tilespmem:$0xC100] =	vst v63  }
0x41: {  	_ = 	snop  }
0x42: {  	[tilespmem:s31], [sflag:$0x3] =	stream.indirect_vreg.gather [hbm4b:s10+s2], $0x80, v0, vm0, $0xb8;
	[tilespmem:$0xC100] =	vst v63  }
0x43: {  	_ = 	snop  }
0x44: {  	[tilespmem:s0], [sflag:$0x3] =	stream.indirect_vreg.gather [hbm4b:s11+s2], $0x80, v0, vm0, $0xb8;
	[tilespmem:$0xC100] =	vst v63  }
0x45: {  	_ =	swait.ge [sflag:s1], $0x4000  }
0x46: {  	[sflag:s1] =	ssyncset.done $0x0  }
0x47: {  	[sflag:s1] =	ssyncadd.s32 $0xFFFFC000  }
0x48: {  	_ =	swait.ge [sflag:s14], $0x4000  }
0x49: {  	[sflag:s14] =	ssyncset.done $0x0  }
0x4a: {  	[sflag:s14] =	ssyncadd.s32 $0xFFFFC000  }
0x4b: {  	_ =	swait.ge [sflag:s6], $0x4000  }
0x4c: {  	s16 =	simm.s32 $0xFFFFC000;
	[sflag:s6] =	ssyncset.done $0x0  }
0x4d: {  	s17 =	simm.s32 $0x0;
	s18 =	simm.s32 $0x0;
	[sflag:s6] =	ssyncadd.s32 $0xFFFFC000  }
.LBB2_3:
0x4e: {  	s19 =	sadd.s32 $0x4000, s16  }
0x4f: {  	s20 =	sand.u32 $0x380, s18;
	s19 =	sand.u32 $0x2000, s19  }
0x50: {  	s19 =	sor.u32 s20, s19  }
0x51: {  	v62 =	vld [tilespmem:s19+$0x8960];
	_ =	sdelay $0x4  }
0x52: {  	[tilespmem:$0x1FCF0] =	vst v62;
	v62 =	vld [tilespmem:s19+$0x970];
	_ =	sdelay $0x4  }
0x53: {  	[tilespmem:$0x1FCE0] =	vst v62;
	v62 =	vld [tilespmem:s19+$0x8970];
	_ =	sdelay $0x4  }
0x54: {  	[tilespmem:$0x1FD20] =	vst v62;
	v62 =	vld [tilespmem:s19+$0xD00];
	_ =	sdelay $0x4  }
0x55: {  	[tilespmem:$0x1FD00] =	vst v62;
	v62 =	vld [tilespmem:s19+$0x4D00];
	_ =	sdelay $0x4  }
0x56: {  	[tilespmem:$0x1FD10] =	vst v62;
	v62 =	vld [tilespmem:s19+$0x8D00];
	_ =	sdelay $0x4  }
0x57: {  	[tilespmem:$0x1FD50] =	vst v62;
	v62 =	vld [tilespmem:s19+$0xD10];
	_ =	sdelay $0x4  }
0x58: {  	[tilespmem:$0x1FD30] =	vst v62;
	v62 =	vld [tilespmem:s19+$0x4D10];
	_ =	sdelay $0x1  }
0x59: {  	v3 =	vld [tilespmem:s19+$0x100]  }
0x5a: {  	v7 =	vld [tilespmem:s19+$0x4100]  }
0x5b: {  	v19 =	vld [tilespmem:s19+$0x8100]  }
0x5c: {  	[tilespmem:$0x1FD40] =	vst v62;
	v62 =	vld [tilespmem:s19+$0x8D10]  }
0x5d: {  	v20 =	vld [tilespmem:s19+$0x110]  }
0x5e: {  	v30 =	vld [tilespmem:s19+$0x4110]  }
0x5f: {  	v43 =	vld [tilespmem:s19+$0x8110]  }
0x60: {  	v47 =	vld [tilespmem:s19+$0x120]  }
0x61: {  	[tilespmem:$0x1FD80] =	vst v62;
	v62 =	vld [tilespmem:s19+$0xD20]  }
0x62: {  	v57 =	vld [tilespmem:s19+$0x4120]  }
0x63: {  	v12 =	vld [tilespmem:s19+$0x8120]  }
0x64: {  	v1 =	vld [tilespmem:s19+$0x130]  }
0x65: {  	v0 =	vld [tilespmem:s19+$0x4130]  }
0x66: {  	[tilespmem:$0x1FD60] =	vst v62;
	v62 =	vld [tilespmem:s19+$0x4D20]  }
0x67: {  	v15 =	vld [tilespmem:s19+$0x8130]  }
0x68: {  	v4 =	vld [tilespmem:s19+$0x140]  }
0x69: {  	v2 =	vld [tilespmem:s19+$0x4140]  }
0x6a: {  	v18 =	vld [tilespmem:s19+$0x8140]  }
0x6b: {  	[tilespmem:$0x1FD70] =	vst v62;
	v62 =	vld [tilespmem:s19+$0x8D20]  }
0x6c: {  	v6 =	vld [tilespmem:s19+$0x150]  }
0x6d: {  	v5 =	vld [tilespmem:s19+$0x4150]  }
0x6e: {  	v23 =	vld [tilespmem:s19+$0x8150]  }
0x6f: {  	v9 =	vld [tilespmem:s19+$0x160]  }
0x70: {  	[tilespmem:$0x1FDB0] =	vst v62;
	v62 =	vld [tilespmem:s19+$0xD30]  }
0x71: {  	v8 =	vld [tilespmem:s19+$0x4160]  }
0x72: {  	v26 =	vld [tilespmem:s19+$0x8160]  }
0x73: {  	v11 =	vld [tilespmem:s19+$0x170]  }
0x74: {  	v10 =	vld [tilespmem:s19+$0x4170]  }
0x75: {  	[tilespmem:$0x1FD90] =	vst v62;
	v62 =	vld [tilespmem:s19+$0x4D30]  }
0x76: {  	v29 =	vld [tilespmem:s19+$0x8170]  }
0x77: {  	v14 =	vld [tilespmem:s19+$0x500]  }
0x78: {  	v13 =	vld [tilespmem:s19+$0x4500]  }
0x79: {  	v33 =	vld [tilespmem:s19+$0x8500]  }
0x7a: {  	[tilespmem:$0x1FDA0] =	vst v62;
	v62 =	vld [tilespmem:s19+$0x8D30]  }
0x7b: {  	v17 =	vld [tilespmem:s19+$0x510]  }
0x7c: {  	v16 =	vld [tilespmem:s19+$0x4510]  }
0x7d: {  	v36 =	vld [tilespmem:s19+$0x8510]  }
0x7e: {  	v22 =	vld [tilespmem:s19+$0x520]  }
0x7f: {  	[tilespmem:$0x1FDE0] =	vst v62;
	v62 =	vld [tilespmem:s19+$0xD40]  }
0x80: {  	v21 =	vld [tilespmem:s19+$0x4520]  }
0x81: {  	v39 =	vld [tilespmem:s19+$0x8520]  }
0x82: {  	v25 =	vld [tilespmem:s19+$0x530]  }
0x83: {  	v24 =	vld [tilespmem:s19+$0x4530]  }
0x84: {  	[tilespmem:$0x1FDC0] =	vst v62;
	v62 =	vld [tilespmem:s19+$0x4D40]  }
0x85: {  	v42 =	vld [tilespmem:s19+$0x8530]  }
0x86: {  	v28 =	vld [tilespmem:s19+$0x540]  }
0x87: {  	v27 =	vld [tilespmem:s19+$0x4540]  }
0x88: {  	v46 =	vld [tilespmem:s19+$0x8540]  }
0x89: {  	[tilespmem:$0x1FDD0] =	vst v62;
	v62 =	vld [tilespmem:s19+$0x8D40]  }
0x8a: {  	v32 =	vld [tilespmem:s19+$0x550]  }
0x8b: {  	v31 =	vld [tilespmem:s19+$0x4550]  }
0x8c: {  	v49 =	vld [tilespmem:s19+$0x8550]  }
0x8d: {  	v35 =	vld [tilespmem:s19+$0x560]  }
0x8e: {  	[tilespmem:$0x1FE10] =	vst v62;
	v62 =	vld [tilespmem:s19+$0xD50]  }
0x8f: {  	v34 =	vld [tilespmem:s19+$0x4560]  }
0x90: {  	v52 =	vld [tilespmem:s19+$0x8560]  }
0x91: {  	v38 =	vld [tilespmem:s19+$0x570]  }
0x92: {  	v37 =	vld [tilespmem:s19+$0x4570]  }
0x93: {  	[tilespmem:$0x1FDF0] =	vst v62;
	v62 =	vld [tilespmem:s19+$0x4D50]  }
0x94: {  	v55 =	vld [tilespmem:s19+$0x8570]  }
0x95: {  	v41 =	vld [tilespmem:s19+$0x900]  }
0x96: {  	v40 =	vld [tilespmem:s19+$0x4900]  }
0x97: {  	v60 =	vld [tilespmem:s19+$0x8900]  }
0x98: {  	[tilespmem:$0x1FE00] =	vst v62;
	v62 =	vld [tilespmem:s19+$0x8D50]  }
0x99: {  	v45 =	vld [tilespmem:s19+$0x910]  }
0x9a: {  	v44 =	vld [tilespmem:s19+$0x4910]  }
0x9b: {  	v48 =	vld [tilespmem:s19+$0x8910]  }
0x9c: {  	v50 =	vld [tilespmem:s19+$0x920]  }
0x9d: {  	[tilespmem:$0x1FE40] =	vst v62;
	v62 =	vld [tilespmem:s19+$0xD60]  }
0x9e: {  	v51 =	vld [tilespmem:s19+$0x8920]  }
0x9f: {  	v53 =	vld [tilespmem:s19+$0x930]  }
0xa0: {  	v54 =	vld [tilespmem:s19+$0x8930]  }
0xa1: {  	v56 =	vld [tilespmem:s19+$0x940]  }
0xa2: {  	[tilespmem:$0x1FE20] =	vst v62;
	v62 =	vld [tilespmem:s19+$0x4D60]  }
0xa3: {  	v58 =	vld [tilespmem:s19+$0x8940]  }
0xa4: {  	v59 =	vld [tilespmem:s19+$0x950]  }
0xa5: {  	v61 =	vld [tilespmem:s19+$0x8950]  }
0xa6: {  	v63 =	vld [tilespmem:s19+$0x4970]  }
0xa7: {  	[tilespmem:$0x1FE30] =	vst v62;
	v62 =	vld [tilespmem:s19+$0x8D60]  }
0xa8: {  	[tilespmem:$0x1FC80] =	vst v48;
	v48 =	vld [tilespmem:s19+$0x4920]  }
0xa9: {  	[tilespmem:$0x1FC90] =	vst v51;
	v51 =	vld [tilespmem:s19+$0x4930]  }
0xaa: {  	[tilespmem:$0x1FCA0] =	vst v54;
	v54 =	vld [tilespmem:s19+$0x4940]  }
0xab: {  	[tilespmem:$0x1FCB0] =	vst v58;
	v58 =	vld [tilespmem:s19+$0x4950]  }
0xac: {  	[tilespmem:$0x1FE70] =	vst v62;
	v62 =	vld [tilespmem:s19+$0xD70]  }
0xad: {  	[tilespmem:$0x1FCD0] =	vst v61;
	v61 =	vld [tilespmem:s19+$0x960]  }
0xae: {  	v3 =	vadd.f32 v7, v3;
	v30 =	vadd.f32 v30, v20;
	v20 =	vld [tilespmem:s19+$0x9170]  }
0xaf: {  	v6 =	vadd.f32 v5, v6;
	v5 =	vld [tilespmem:s19+$0x5510]  }
0xb0: {  	v3 =	vadd.f32 v19, v3;
	v19 =	vld [tilespmem:s19+$0x1170]  }
0xb1: {  	[tilespmem:$0x1FE50] =	vst v62;
	v62 =	vld [tilespmem:s19+$0x4D70]  }
0xb2: {  	v47 =	vadd.f32 v57, v47;
	v7 =	vadd.f32 v43, v30;
	v30 =	vld [tilespmem:s19+$0x5170]  }
0xb3: {  	v43 =	vld [tilespmem:s19+$0x1500]  }
0xb4: {  	v8 =	vadd.f32 v8, v9;
	v57 =	vadd.f32 v12, v47;
	v47 =	vld [tilespmem:s19+$0x9500]  }
0xb5: {  	v10 =	vadd.f32 v10, v11;
	v9 =	vadd.f32 v23, v6;
	v6 =	vld [tilespmem:s19+$0x1520]  }
0xb6: {  	v11 =	vadd.f32 v26, v8;
	[tilespmem:$0x1FE60] =	vst v62;
	v62 =	vld [tilespmem:s19+$0x8D70]  }
0xb7: {  	v12 =	vadd.f32 v13, v14;
	v13 =	vadd.f32 v29, v10;
	v8 =	vld [tilespmem:s19+$0x5520]  }
0xb8: {  	v14 =	vadd.f32 v16, v17;
	v16 =	vadd.f32 v21, v22;
	v10 =	vld [tilespmem:s19+$0x1530]  }
0xb9: {  	v22 =	vadd.f32 v27, v28;
	v28 =	vadd.f32 v37, v38;
	v38 =	vld [tilespmem:$0x1FC90]  }
0xba: {  	[tilespmem:s19+$0x120] =	vst v57;
	v57 =	vld [tilespmem:s19+$0x5500]  }
0xbb: {  	[tilespmem:$0x1FEA0] =	vst v62;
	v62 =	vld [tilespmem:s19+$0x1100]  }
0xbc: {  	[tilespmem:s19+$0x100] =	vst v3;
	v3 =	vld [tilespmem:s19+$0x9510]  }
0xbd: {  	v0 =	vadd.f32 v0, v1;
	[tilespmem:s19+$0x150] =	vst v9;
	v9 =	vld [tilespmem:s19+$0x9520]  }
0xbe: {  	[tilespmem:s19+$0x160] =	vst v11;
	v11 =	vld [tilespmem:s19+$0x5530]  }
0xbf: {  	v0 =	vadd.f32 v15, v0;
	v15 =	vadd.f32 v33, v12;
	v12 =	vld [tilespmem:s19+$0x9530]  }
0xc0: {  	[tilespmem:$0x1FE80] =	vst v62;
	v62 =	vld [tilespmem:s19+$0x5100]  }
0xc1: {  	[tilespmem:s19+$0x170] =	vst v13;
	v13 =	vld [tilespmem:s19+$0x1540]  }
0xc2: {  	v17 =	vadd.f32 v36, v14;
	v14 =	vld [tilespmem:s19+$0x5540]  }
0xc3: {  	v2 =	vadd.f32 v2, v4;
	v36 =	vld [tilespmem:$0x1FC80]  }
0xc4: {  	[tilespmem:s19+$0x110] =	vst v7;
	v21 =	vadd.f32 v39, v16;
	v16 =	vld [tilespmem:s19+$0x1550]  }
0xc5: {  	v7 =	vadd.f32 v18, v2;
	v18 =	vadd.f32 v24, v25;
	[tilespmem:$0x1FE90] =	vst v62;
	v62 =	vld [tilespmem:s19+$0x9100]  }
0xc6: {  	v24 =	vadd.f32 v31, v32;
	v31 =	vadd.f32 v40, v41;
	v40 =	vld [tilespmem:$0x1FCA0]  }
0xc7: {  	v26 =	vadd.f32 v34, v35;
	v33 =	vadd.f32 v44, v45;
	v45 =	vld [tilespmem:$0x1FCD0]  }
0xc8: {  	v25 =	vadd.f32 v46, v22;
	v22 =	vld [tilespmem:s19+$0x5560]  }
0xc9: {  	v29 =	vadd.f32 v52, v26;
	v26 =	vld [tilespmem:s19+$0x9570]  }
0xca: {  	[tilespmem:$0x1FED0] =	vst v62;
	v62 =	vld [tilespmem:s19+$0x1110]  }
0xcb: {  	[tilespmem:$0x1FCC0] =	vst v61;
	v61 =	vld [tilespmem:s19+$0x4960]  }
0xcc: {  	v35 =	vadd.f32 v48, v50;
	v48 =	vld [tilespmem:$0x1FCF0]  }
0xcd: {  	[tilespmem:s19+$0x140] =	vst v7;
	v7 =	vld [tilespmem:s19+$0x1510]  }
0xce: {  	[tilespmem:s19+$0x500] =	vst v15;
	v15 =	vld [tilespmem:s19+$0x9540]  }
0xcf: {  	[tilespmem:$0x1FEB0] =	vst v62;
	v62 =	vld [tilespmem:s19+$0x5110]  }
0xd0: {  	[tilespmem:s19+$0x510] =	vst v17;
	v17 =	vld [tilespmem:s19+$0x5550]  }
0xd1: {  	v23 =	vadd.f32 v42, v18;
	v42 =	vld [tilespmem:$0x1FCB0]  }
0xd2: {  	v44 =	vld [tilespmem:$0x1FCC0]  }
0xd3: {  	v18 =	vld [tilespmem:s19+$0x9550]  }
0xd4: {  	[tilespmem:$0x1FEC0] =	vst v62;
	v62 =	vld [tilespmem:s19+$0x9110]  }
0xd5: {  	v46 =	vld [tilespmem:$0x1FCE0]  }
0xd6: {  	[tilespmem:s19+$0x520] =	vst v21;
	v21 =	vld [tilespmem:s19+$0x1560]  }
0xd7: {  	v27 =	vadd.f32 v49, v24;
	v24 =	vld [tilespmem:s19+$0x1570]  }
0xd8: {  	[tilespmem:s19+$0x540] =	vst v25;
	v25 =	vld [tilespmem:s19+$0x5570]  }
0xd9: {  	[tilespmem:$0x1FF00] =	vst v62;
	v62 =	vld [tilespmem:s19+$0x1120]  }
0xda: {  	[tilespmem:s19+$0x530] =	vst v23;
	v23 =	vld [tilespmem:s19+$0x9560]  }
0xdb: {  	[tilespmem:s19+$0x550] =	vst v27;
	v27 =	vld [tilespmem:s19+$0x1900]  }
0xdc: {  	v37 =	vadd.f32 v51, v53;
	v51 =	vld [tilespmem:$0x1FD20]  }
0xdd: {  	v49 =	vld [tilespmem:$0x1FD00]  }
0xde: {  	[tilespmem:$0x1FEE0] =	vst v62;
	v62 =	vld [tilespmem:s19+$0x5120]  }
0xdf: {  	v50 =	vld [tilespmem:$0x1FD10]  }
0xe0: {  	v39 =	vadd.f32 v54, v56;
	v54 =	vld [tilespmem:$0x1FD50]  }
0xe1: {  	v52 =	vld [tilespmem:$0x1FD30]  }
0xe2: {  	[tilespmem:s19+$0x130] =	vst v0;
	v53 =	vld [tilespmem:$0x1FD40]  }
0xe3: {  	v0 =	vadd.f32 v36, v33;
	[tilespmem:$0x1FEF0] =	vst v62;
	v62 =	vld [tilespmem:s19+$0x9120]  }
0xe4: {  	v41 =	vadd.f32 v58, v59;
	v58 =	vld [tilespmem:$0x1FD80]  }
0xe5: {  	v32 =	vadd.f32 v55, v28;
	[tilespmem:s19+$0x910] =	vst v0;
	v0 =	vadd.f32 v40, v37;
	v55 =	vld [tilespmem:$0x1FD60]  }
0xe6: {  	v59 =	vld [tilespmem:$0x1FD90]  }
0xe7: {  	v34 =	vadd.f32 v60, v31;
	[tilespmem:s19+$0x930] =	vst v0;
	v60 =	vld [tilespmem:$0x1FDA0]  }
0xe8: {  	v4 =	vadd.f32 v63, v46;
	v0 =	vadd.f32 v45, v41;
	[tilespmem:$0x1FF30] =	vst v62;
	v62 =	vld [tilespmem:s19+$0x1130]  }
0xe9: {  	[tilespmem:s19+$0x560] =	vst v29;
	v1 =	vadd.f32 v38, v35;
	v56 =	vld [tilespmem:$0x1FD70]  }
0xea: {  	[tilespmem:s19+$0x950] =	vst v0;
	v0 =	vadd.f32 v51, v4;
	v29 =	vld [tilespmem:$0x1FDE0]  }
0xeb: {  	[tilespmem:s19+$0x920] =	vst v1;
	v2 =	vadd.f32 v61, v44;
	v4 =	vadd.f32 v53, v52;
	v61 =	vld [tilespmem:$0x1FDB0]  }
0xec: {  	v1 =	vadd.f32 v42, v39;
	[tilespmem:s19+$0x970] =	vst v0;
	v63 =	vld [tilespmem:$0x1FDC0]  }
0xed: {  	v0 =	vadd.f32 v58, v4;
	v4 =	vadd.f32 v60, v59;
	[tilespmem:$0x1FF10] =	vst v62;
	v62 =	vld [tilespmem:s19+$0x5130]  }
0xee: {  	[tilespmem:s19+$0x940] =	vst v1;
	v1 =	vadd.f32 v48, v2;
	v28 =	vld [tilespmem:$0x1FDD0]  }
0xef: {  	v2 =	vadd.f32 v50, v49;
	[tilespmem:s19+$0xD10] =	vst v0;
	v0 =	vadd.f32 v29, v4;
	v29 =	vld [tilespmem:s19+$0x9900]  }
0xf0: {  	[tilespmem:s19+$0x570] =	vst v32;
	v33 =	vld [tilespmem:$0x1FE10]  }
0xf1: {  	[tilespmem:s19+$0x960] =	vst v1;
	v1 =	vadd.f32 v54, v2;
	v2 =	vadd.f32 v56, v55;
	v31 =	vld [tilespmem:$0x1FDF0]  }
0xf2: {  	[tilespmem:$0x1FF20] =	vst v62;
	v62 =	vld [tilespmem:s19+$0x9130]  }
0xf3: {  	[tilespmem:s19+$0xD00] =	vst v1;
	v1 =	vadd.f32 v61, v2;
	v2 =	vadd.f32 v28, v63;
	v32 =	vld [tilespmem:$0x1FE00]  }
0xf4: {  	v28 =	vld [tilespmem:s19+$0x5900]  }
0xf5: {  	[tilespmem:s19+$0xD20] =	vst v1;
	v1 =	vadd.f32 v33, v2;
	v33 =	vld [tilespmem:s19+$0x9910]  }
0xf6: {  	v36 =	vld [tilespmem:$0x1FE40]  }
0xf7: {  	[tilespmem:$0x1FF60] =	vst v62;
	v62 =	vld [tilespmem:s19+$0x1140]  }
0xf8: {  	v4 =	vadd.f32 v32, v31;
	v31 =	vld [tilespmem:s19+$0x1910]  }
0xf9: {  	[tilespmem:s19+$0x900] =	vst v34;
	v34 =	vld [tilespmem:$0x1FE20]  }
0xfa: {  	v35 =	vld [tilespmem:$0x1FE30]  }
0xfb: {  	v32 =	vld [tilespmem:s19+$0x5910]  }
0xfc: {  	[tilespmem:$0x1FF40] =	vst v62;
	v62 =	vld [tilespmem:s19+$0x5140]  }
0xfd: {  	[tilespmem:s19+$0xD30] =	vst v0;
	v0 =	vadd.f32 v36, v4;
	v36 =	vld [tilespmem:s19+$0x9920]  }
0xfe: {  	v39 =	vld [tilespmem:$0x1FE70]  }
0xff: {  	v2 =	vadd.f32 v35, v34;
	v34 =	vld [tilespmem:s19+$0x1920]  }
0x100: {  	v35 =	vld [tilespmem:s19+$0x5920]  }
0x101: {  	[tilespmem:$0x1FF50] =	vst v62;
	v62 =	vld [tilespmem:s19+$0x9140]  }
0x102: {  	v37 =	vld [tilespmem:$0x1FE50]  }
0x103: {  	v38 =	vld [tilespmem:$0x1FE60]  }
0x104: {  	v40 =	vld [tilespmem:$0x1FE80]  }
0x105: {  	v41 =	vld [tilespmem:$0x1FE90]  }
0x106: {  	[tilespmem:$0x1FF90] =	vst v62;
	v62 =	vld [tilespmem:s19+$0x1150]  }
0x107: {  	v42 =	vld [tilespmem:$0x1FEA0]  }
0x108: {  	v46 =	vld [tilespmem:$0x1FED0]  }
0x109: {  	v44 =	vld [tilespmem:$0x1FEB0]  }
0x10a: {  	[tilespmem:s19+$0xD40] =	vst v1;
	v45 =	vld [tilespmem:$0x1FEC0]  }
0x10b: {  	v1 =	vadd.f32 v39, v2;
	v2 =	vadd.f32 v41, v40;
	[tilespmem:$0x1FF70] =	vst v62;
	v62 =	vld [tilespmem:s19+$0x5150]  }
0x10c: {  	v4 =	vadd.f32 v38, v37;
	v40 =	vld [tilespmem:s19+$0x1930]  }
0x10d: {  	[tilespmem:s19+$0xD60] =	vst v1;
	v1 =	vadd.f32 v46, v2;
	v46 =	vadd.f32 v57, v43;
	v57 =	vld [tilespmem:s19+$0x1950]  }
0x10e: {  	v50 =	vld [tilespmem:$0x1FF00]  }
0x10f: {  	[tilespmem:s19+$0xD50] =	vst v0;
	v0 =	vadd.f32 v42, v4;
	v4 =	vadd.f32 v45, v44;
	v44 =	vld [tilespmem:s19+$0x5930]  }
0x110: {  	[tilespmem:$0x1FF80] =	vst v62;
	v62 =	vld [tilespmem:s19+$0x9150]  }
0x111: {  	v48 =	vld [tilespmem:$0x1FEE0]  }
0x112: {  	v49 =	vld [tilespmem:$0x1FEF0]  }
0x113: {  	v53 =	vld [tilespmem:$0x1FF30]  }
0x114: {  	v51 =	vld [tilespmem:$0x1FF10]  }
0x115: {  	[tilespmem:$0x1FFC0] =	vst v62;
	v62 =	vld [tilespmem:s19+$0x1160]  }
0x116: {  	v52 =	vld [tilespmem:$0x1FF20]  }
0x117: {  	v56 =	vld [tilespmem:$0x1FF60]  }
0x118: {  	v54 =	vld [tilespmem:$0x1FF40]  }
0x119: {  	v55 =	vld [tilespmem:$0x1FF50]  }
0x11a: {  	v42 =	vadd.f32 v30, v19;
	[tilespmem:$0x1FFA0] =	vst v62;
	v62 =	vld [tilespmem:s19+$0x5160]  }
0x11b: {  	[tilespmem:s19+$0xD70] =	vst v0;
	v0 =	vadd.f32 v50, v4;
	v60 =	vld [tilespmem:$0x1FF90]  }
0x11c: {  	[tilespmem:s19+$0x1100] =	vst v1;
	v2 =	vadd.f32 v49, v48;
	v49 =	vadd.f32 v20, v42;
	v58 =	vld [tilespmem:$0x1FF70]  }
0x11d: {  	v50 =	vadd.f32 v5, v7;
	[tilespmem:s19+$0x1110] =	vst v0;
	v59 =	vld [tilespmem:$0x1FF80]  }
0x11e: {  	[tilespmem:s19+$0x1170] =	vst v49;
	v1 =	vadd.f32 v53, v2;
	v4 =	vadd.f32 v52, v51;
	v41 =	vld [tilespmem:$0x1FFC0]  }
0x11f: {  	v52 =	vadd.f32 v47, v46;
	v2 =	vadd.f32 v55, v54;
	v61 =	vld [tilespmem:$0x1FFA0];
	[tilespmem:$0x1FFB0] =	vst v62  }
0x120: {  	v53 =	vadd.f32 v8, v6;
	[tilespmem:s19+$0x1120] =	vst v1;
	v0 =	vadd.f32 v56, v4;
	v63 =	vld [tilespmem:$0x1FFB0]  }
0x121: {  	v48 =	vld [tilespmem:s19+$0x9930];
	[tilespmem:s19+$0x1500] =	vst v52;
	v55 =	vadd.f32 v3, v50;
	v1 =	vadd.f32 v60, v2  }
0x122: {  	[tilespmem:s19+$0x1130] =	vst v0;
	v4 =	vadd.f32 v59, v58;
	v59 =	vadd.f32 v14, v13;
	v62 =	vld [tilespmem:s19+$0x9160]  }
0x123: {  	v37 =	vadd.f32 v44, v40;
	v51 =	vld [tilespmem:s19+$0x1940];
	[tilespmem:s19+$0x1510] =	vst v55;
	v58 =	vadd.f32 v9, v53  }
0x124: {  	v56 =	vadd.f32 v11, v10;
	v54 =	vld [tilespmem:s19+$0x5940];
	[tilespmem:s19+$0x1140] =	vst v1;
	v15 =	vadd.f32 v15, v59  }
0x125: {  	v60 =	vld [tilespmem:s19+$0x5950];
	[tilespmem:s19+$0x1520] =	vst v58;
	v0 =	vadd.f32 v41, v4;
	v2 =	vadd.f32 v63, v61  }
0x126: {  	v42 =	vadd.f32 v48, v37;
	[tilespmem:s19+$0x1540] =	vst v15;
	v61 =	vadd.f32 v12, v56;
	v63 =	vld [tilespmem:s19+$0x9950]  }
0x127: {  	[tilespmem:s19+$0x1150] =	vst v0;
	v45 =	vadd.f32 v62, v2;
	v62 =	vadd.f32 v17, v16;
	v17 =	vld [tilespmem:s19+$0x1960]  }
0x128: {  	[tilespmem:s19+$0x1930] =	vst v42;
	v16 =	vadd.f32 v22, v21;
	v21 =	vadd.f32 v25, v24;
	v22 =	vld [tilespmem:s19+$0x5960]  }
0x129: {  	[tilespmem:s19+$0x1530] =	vst v61;
	v24 =	vadd.f32 v28, v27;
	v25 =	vld [tilespmem:s19+$0x1970];
	v20 =	vadd.f32 v18, v62  }
0x12a: {  	v27 =	vadd.f32 v32, v31;
	v28 =	vld [tilespmem:s19+$0x5970];
	[tilespmem:s19+$0x1160] =	vst v45;
	v23 =	vadd.f32 v23, v16  }
0x12b: {  	v32 =	vadd.f32 v35, v34;
	v34 =	vld [tilespmem:s19+$0x9960];
	v26 =	vadd.f32 v26, v21;
	[tilespmem:s19+$0x1550] =	vst v20  }
0x12c: {  	v38 =	vld [tilespmem:s19+$0x9970];
	v31 =	vadd.f32 v29, v24;
	[tilespmem:s19+$0x1560] =	vst v23  }
0x12d: {  	v40 =	vadd.f32 v60, v57;
	v41 =	vld [tilespmem:s19+$0x9940];
	v35 =	vadd.f32 v33, v27;
	[tilespmem:s19+$0x1570] =	vst v26  }
0x12e: {  	v39 =	vadd.f32 v36, v32;
	[tilespmem:s19+$0x1900] =	vst v31;
	v43 =	vadd.f32 v22, v17  }
0x12f: {  	v44 =	vadd.f32 v63, v40;
	[tilespmem:s19+$0x1910] =	vst v35;
	v45 =	vadd.f32 v28, v25  }
0x130: {  	s21 =	sand.u32 $0x7, s2;
	v46 =	vadd.f32 v54, v51;
	[tilespmem:s19+$0x1920] =	vst v39;
	v3 =	vadd.f32 v34, v43  }
0x131: {  	s20 =	sshll.u32 s21, $0x7;
	[tilespmem:s19+$0x1950] =	vst v44;
	v47 =	vadd.f32 v38, v45  }
0x132: {  	s20 =	sadd.s32 s20, s17;
	v0 =	vadd.f32 v41, v46;
	[tilespmem:s19+$0x1960] =	vst v3  }
0x133: {  	s21 =	sor.u32 $0x1C00, s20;
	[tilespmem:s19+$0x1970] =	vst v47  }
0x134: {  	[tilespmem:s19+$0x1940] =	vst v0;
	v48 =	vld [tilespmem:s21+$0x100]  }
0x135: {  	v1 =	vld [tilespmem:s21+$0x4100];
	_ =	sdelay $0x1  }
0x136: {  	v49 =	vld [tilespmem:s21+$0x8100];
	_ =	sdelay $0x2  }
0x137: {  	v0 =	vadd.f32 v1, v48;
	_ =	sdelay $0x1  }
0x138: {  	v0 =	vadd.f32 v49, v0;
	_ =	sdelay $0x1  }
0x139: {  	[tilespmem:s21+$0x100] =	vst v0;
	s21 =	sor.u32 $0x1C10, s20  }
0x13a: {  	v0 =	vld [tilespmem:s21+$0x100]  }
0x13b: {  	v50 =	vld [tilespmem:s21+$0x4100];
	_ =	sdelay $0x1  }
0x13c: {  	v51 =	vld [tilespmem:s21+$0x8100];
	_ =	sdelay $0x2  }
0x13d: {  	v0 =	vadd.f32 v50, v0;
	_ =	sdelay $0x1  }
0x13e: {  	v0 =	vadd.f32 v51, v0;
	_ =	sdelay $0x1  }
0x13f: {  	[tilespmem:s21+$0x100] =	vst v0;
	s21 =	sor.u32 $0x1C20, s20  }
0x140: {  	v0 =	vld [tilespmem:s21+$0x100]  }
0x141: {  	v52 =	vld [tilespmem:s21+$0x4100];
	_ =	sdelay $0x1  }
0x142: {  	v53 =	vld [tilespmem:s21+$0x8100];
	_ =	sdelay $0x2  }
0x143: {  	v0 =	vadd.f32 v52, v0;
	_ =	sdelay $0x1  }
0x144: {  	v0 =	vadd.f32 v53, v0;
	_ =	sdelay $0x1  }
0x145: {  	[tilespmem:s21+$0x100] =	vst v0;
	s21 =	sor.u32 $0x1C30, s20  }
0x146: {  	v0 =	vld [tilespmem:s21+$0x100]  }
0x147: {  	v54 =	vld [tilespmem:s21+$0x4100];
	_ =	sdelay $0x1  }
0x148: {  	v55 =	vld [tilespmem:s21+$0x8100];
	_ =	sdelay $0x2  }
0x149: {  	v0 =	vadd.f32 v54, v0;
	_ =	sdelay $0x1  }
0x14a: {  	v0 =	vadd.f32 v55, v0;
	_ =	sdelay $0x1  }
0x14b: {  	[tilespmem:s21+$0x100] =	vst v0;
	s21 =	sor.u32 $0x1C40, s20  }
0x14c: {  	v0 =	vld [tilespmem:s21+$0x100]  }
0x14d: {  	v56 =	vld [tilespmem:s21+$0x4100];
	_ =	sdelay $0x1  }
0x14e: {  	v57 =	vld [tilespmem:s21+$0x8100];
	_ =	sdelay $0x2  }
0x14f: {  	v0 =	vadd.f32 v56, v0;
	_ =	sdelay $0x1  }
0x150: {  	v0 =	vadd.f32 v57, v0;
	_ =	sdelay $0x1  }
0x151: {  	[tilespmem:s21+$0x100] =	vst v0;
	s21 =	sor.u32 $0x1C50, s20  }
0x152: {  	v0 =	vld [tilespmem:s21+$0x100]  }
0x153: {  	v58 =	vld [tilespmem:s21+$0x4100];
	_ =	sdelay $0x1  }
0x154: {  	v59 =	vld [tilespmem:s21+$0x8100];
	_ =	sdelay $0x2  }
0x155: {  	v0 =	vadd.f32 v58, v0;
	_ =	sdelay $0x1  }
0x156: {  	v0 =	vadd.f32 v59, v0;
	_ =	sdelay $0x1  }
0x157: {  	[tilespmem:s21+$0x100] =	vst v0;
	s21 =	sor.u32 $0x1C60, s20  }
0x158: {  	v0 =	vld [tilespmem:s21+$0x100]  }
0x159: {  	v60 =	vld [tilespmem:s21+$0x4100];
	_ =	sdelay $0x1  }
0x15a: {  	v61 =	vld [tilespmem:s21+$0x8100];
	_ =	sdelay $0x2  }
0x15b: {  	v0 =	vadd.f32 v60, v0;
	_ =	sdelay $0x1  }
0x15c: {  	v0 =	vadd.f32 v61, v0;
	_ =	sdelay $0x1  }
0x15d: {  	[tilespmem:s21+$0x100] =	vst v0;
	s21 =	sor.u32 $0x1C70, s20  }
0x15e: {  	v0 =	vld [tilespmem:s21+$0x100]  }
0x15f: {  	v62 =	vld [tilespmem:s21+$0x4100];
	_ =	sdelay $0x1  }
0x160: {  	v63 =	vld [tilespmem:s21+$0x8100];
	_ =	sdelay $0x1  }
0x161: {  	p0 =	sne.s32 s18, $0x780  }
.Ltmp0:
0x162: {  	v0 =	vadd.f32 v62, v0;
	(pc) =	sbr.rel @p0 .LBB2_3-.Ltmp0, $4  }
0x163: {  	_ = 	snop  }
0x164: {  	v0 =	vadd.f32 v63, v0  }
0x165: {  	s2 =	sadd.s32 $0x1, s2  }
0x166: {  	s16 =	sadd.s32 $0x400, s16;
	s18 =	sadd.s32 $0x80, s18;
	s17 =	sadd.s32 $0x400, s17;
	[tilespmem:s21+$0x100] =	vst v0  }
0x167: {  	s12 =	sadd.s32 $0x1, s12  }
0x168: {  	s2 =	rddreg [dreg:$0x1];
	p0 =	sne.s32 s12, $0x4  }
.Ltmp1:
0x169: {  	s2 =	sadd.s32 s2, s7;
	(pc) =	sbr.rel @p0 .LBB2_2-.Ltmp1, $4  }
0x16a: {  	[hbm4b:s2+s3] =	stream.linear.scatter [tilespmem:s15], [sflag:$0x4], $0x4000, $0x38;
	[tilespmem:$0xC100] =	vst v63  }
0x16b: {  	_ =	swait.ge [sflag:s13], $0x4000  }
0x16c: {  	[sflag:s13] =	ssyncset.done $0x0  }
0x16d: {  	[sflag:s13] =	ssyncadd.s32 $0xFFFFC000  }
0x16e: {  	s7 =	rddreg [dreg:$0x6]  }
0x16f: {  	s2 =	rddreg [dreg:$0x5];
	s7 =	sadd.s32 $0x1, s7  }
0x170: {  	p0 =	sne.s32 s7, s2  }
.Ltmp2:
0x171: {  	_ = 	snop;
	(pc) =	sbr.rel @p0 .LBB2_1-.Ltmp2, $1  }
0x172: {  	_ =	sdelay $0x3  }
0x173: {  	_ =	sfence.sel $0x180000  }
0x174: {  	[bflag:$0x0] =	sbarrier.arrive $0xFFFF  }
0x175: {  	_ =	strace $0x9000004A  }
0x176: {  	s0 =	stileid.u32;
	[bflag:$0x2] =	sbarrier.arrive $0xFFFF  }
0x177: {  	p0 =	sne.s32 s0, $0x0;
	s0 =	rddreg [dreg:$0x2]  }
0x178: {  	s0 =	sadd.s32 @!p0 $0x100000, s0  }
0x179: {  	[sflag:s0] =	ssyncadd.tile.s32 @!p0 $0x1;
	_ =	shalt  }
.Lfunc_end2:
_tile_overlayer_lowered:
.L_overlay_start_2:
0x17a: {  	(tag) =	ssettag $0x2  }
0x17b: {  	s0 =	rddreg [dreg:$0x0];
	s2 =	stileid.u32  }
0x17c: {  	s1 =	rddreg [dreg:$0x1];
	p0 =	sne.s32 s2, $0x0  }
0x17d: {  	s3 =	rddreg [dreg:$0x2];
	[bflag:$0x3] =	sbarrier.arrive $0xFFFF;
	s2 =	simm.s32 @!p0 $0x1C04  }
0x17e: {  	[timem:s3], [sflag:s2] =	dma.local @!p0 [hbm:s0], s1  }
0x17f: {  	s0 =	simm.s32 @!p0 $0x4  }
0x180: {  	_ =	swait.ge @!p0 [sflag:s0], s1  }
0x181: {  	s1 =	ssub.s32 @!p0 $0x0, s1;
	[sflag:s0] =	ssyncset.done @!p0 $0x0  }
0x182: {  	[sflag:s0] =	ssyncadd.s32 @!p0 s1  }
0x183: {  	[bflag:$0x3] =	sbarrier.arrive $0xFFFF  }
0x184: {  	_ =	shalt  }

</sc_bundles>
